<compile_context>
chip_gen: v7x
topology: tpu7x:2x2x1
jax: 0.10.2.dev20260603
libtpu: 0.0.44.dev20260713+nightly
codegen_flags: <defaults>
</compile_context>

<pallas_src>
import jax
import jax.numpy as jnp
from jax import lax
from jax.experimental import pallas as pl
from jax.experimental.pallas import tpu as pltpu
from jax.experimental.pallas import tpu_sc as plsc

NSEG = 100000
E_TOTAL = 6400000
NC, NS, L = 2, 16, 16
NW = NC * NS
B = 128
K = 16
T = K * B
UNITS = E_TOTAL // B
BASE_UNITS = UNITS // NW
EXTRA = UNITS - BASE_UNITS * NW
FULL_TILES = BASE_UNITS // K
SEG_PAD = 100352
STRIPE4 = SEG_PAD * 4 // NS
SEG_W = 3136
SEG_LAST = NSEG - 31 * SEG_W


def _accum_body(coor_hbm, edges_hbm, wvec_hbm, zeros_hbm, part_hbm,
                acc0, acc1, acc2, acc3,
                cbuf0, ibuf0, vbuf0, wibuf0,
                cbuf1, ibuf1, vbuf1, wibuf1,
                tibuf, wbuf, sem, sem0, sem1, semi0, semi1):
    c = lax.axis_index("c")
    s = lax.axis_index("s")
    w = s * NC + c
    accs = (acc0, acc1, acc2, acc3)

    stripe = SEG_PAD // NS
    for a in accs:
        pltpu.sync_copy(zeros_hbm.at[pl.ds(s * stripe, stripe)],
                        a.at[pl.ds(s * stripe, stripe)])
    pltpu.sync_copy(wvec_hbm, wbuf)
    plsc.subcore_barrier()

    w00 = wbuf[0, :]
    w01 = wbuf[1, :]
    w02 = wbuf[2, :]
    w10 = wbuf[3, :]
    w11 = wbuf[4, :]
    w12 = wbuf[5, :]
    w20 = wbuf[6, :]
    w21 = wbuf[7, :]
    w22 = wbuf[8, :]
    wb0 = wbuf[9, :]
    wb1 = wbuf[10, :]
    wb2 = wbuf[11, :]
    fones = w00 * 0.0 + 1.0

    def _ones(r, carry):
        vbuf0[pl.ds(3 * T + r * L, L)] = fones
        vbuf1[pl.ds(3 * T + r * L, L)] = fones
        return carry

    lax.fori_loop(0, T // L, _ones, 0)

    unit0 = w * BASE_UNITS + jnp.minimum(w, EXTRA)
    n_units = BASE_UNITS + (w < EXTRA).astype(jnp.int32)

    def load_descs(start_unit, k, cbuf, ibuf, insem):
        row0 = start_unit * B
        return [
            pltpu.make_async_copy(coor_hbm.at[pl.ds(row0, k * B)],
                                  cbuf.at[pl.ds(0, k * B)], insem),
            pltpu.make_async_copy(coor_hbm.at[pl.ds(E_TOTAL + row0, k * B)],
                                  cbuf.at[pl.ds(T, k * B)], insem),
            pltpu.make_async_copy(
                coor_hbm.at[pl.ds(2 * E_TOTAL + row0, k * B)],
                cbuf.at[pl.ds(2 * T, k * B)], insem),
            pltpu.make_async_copy(edges_hbm.at[pl.ds(row0, k * B)],
                                  ibuf.at[pl.ds(0, k * B)], insem),
        ]

    def load_issue(start_unit, k, cbuf, ibuf, insem):
        start_unit = jnp.minimum(start_unit, UNITS - k)
        for d in load_descs(start_unit, k, cbuf, ibuf, insem):
            d.start()

    def load_wait(k, cbuf, ibuf, insem):
        for d in load_descs(0, k, cbuf, ibuf, insem):
            d.wait()

    def load_tile(start_unit, k, cbuf, ibuf):
        load_issue(start_unit, k, cbuf, ibuf, sem)
        load_wait(k, cbuf, ibuf, sem)

    def compute_tile(k, cbuf, ibuf, vbuf, wibuf):
        def grp(m0, carry):
            for u in range(4):
                m = m0 * 4 + u
                r = m * L
                x0 = cbuf[pl.ds(r, L)]
                x1 = cbuf[pl.ds(T + r, L)]
                x2 = cbuf[pl.ds(2 * T + r, L)]
                vbuf[pl.ds(r, L)] = x0 * w00 + x1 * w01 + x2 * w02 + wb0
                vbuf[pl.ds(T + r, L)] = x0 * w10 + x1 * w11 + x2 * w12 + wb1
                vbuf[pl.ds(2 * T + r, L)] = (
                    x0 * w20 + x1 * w21 + x2 * w22 + wb2)
                wibuf[pl.ds(r, L)] = ibuf[pl.ds(r, L)]
            return carry

        lax.fori_loop(0, k * 2, grp, 0)

    def stream_tile(k, vbuf, wibuf, ssem, start):
        for cc in range(4):
            d = pltpu.make_async_copy(
                vbuf.at[pl.ds(cc * T, k * B)], accs[cc].at[wibuf], ssem)
            if start:
                d.start(add=True)
            else:
                d.wait()

    bufs = ((cbuf0, ibuf0, vbuf0, wibuf0, sem0, semi0),
            (cbuf1, ibuf1, vbuf1, wibuf1, sem1, semi1))

    load_issue(unit0, K, cbuf0, ibuf0, semi0)
    load_issue(unit0 + K, K, cbuf1, ibuf1, semi1)

    def pair(t, carry):
        for p in range(2):
            cbuf, ibuf, vbuf, wibuf, ssem, isem = bufs[p]

            @pl.when(t > 0)
            def _():
                stream_tile(K, vbuf, wibuf, ssem, start=False)

            load_wait(K, cbuf, ibuf, isem)
            compute_tile(K, cbuf, ibuf, vbuf, wibuf)
            stream_tile(K, vbuf, wibuf, ssem, start=True)
            load_issue(unit0 + (t * 2 + p + 2) * K, K, cbuf, ibuf, isem)
        return carry

    npairs = FULL_TILES // 2
    lax.fori_loop(0, npairs, pair, 0)
    load_wait(K, cbuf0, ibuf0, semi0)
    load_wait(K, cbuf1, ibuf1, semi1)
    stream_tile(K, vbuf0, wibuf0, sem0, start=False)
    stream_tile(K, vbuf1, wibuf1, sem1, start=False)

    def tail_tile(start_unit, k):
        load_tile(start_unit, k, cbuf0, ibuf0)
        compute_tile(k, cbuf0, ibuf0, vbuf0, wibuf0)
        if k == K:
            idref = wibuf0
        else:
            idref = tibuf

            def cpids(g, carry):
                tibuf[pl.ds(g * L, L)] = ibuf0[pl.ds(g * L, L)]
                return carry

            lax.fori_loop(0, (k * B) // L, cpids, 0)
        stream_tile(k, vbuf0, idref, sem0, start=True)
        stream_tile(k, vbuf0, idref, sem0, start=False)

    tail_tile(unit0 + npairs * 2 * K, K)

    def rem_unit(u, carry):
        tail_tile(unit0 + FULL_TILES * K + u, 1)
        return carry

    lax.fori_loop(0, n_units - FULL_TILES * K, rem_unit, 0)

    plsc.subcore_barrier()
    for cc in range(4):
        pltpu.sync_copy(
            accs[cc].at[pl.ds(s * stripe, stripe)],
            part_hbm.at[pl.ds(c * (SEG_PAD * 4) + cc * SEG_PAD + s * stripe,
                              stripe)])


def _final_body(part_hbm, out_hbm, pbuf, obuf, sem):
    c = lax.axis_index("c")
    s = lax.axis_index("s")
    w = s * NC + c
    seg0 = w * SEG_W

    def run(nseg):
        descs = []
        for sc in range(NC):
            for cc in range(4):
                descs.append(pltpu.async_copy(
                    part_hbm.at[pl.ds(
                        sc * (SEG_PAD * 4) + cc * SEG_PAD + seg0, nseg)],
                    pbuf.at[pl.ds((sc * 4 + cc) * SEG_W, nseg)], sem))
        for d in descs:
            d.wait()

        def grp(g, carry):
            r = g * L
            a0 = pbuf[pl.ds(r, L)] + pbuf[pl.ds(4 * SEG_W + r, L)]
            a1 = (pbuf[pl.ds(SEG_W + r, L)]
                  + pbuf[pl.ds(5 * SEG_W + r, L)])
            a2 = (pbuf[pl.ds(2 * SEG_W + r, L)]
                  + pbuf[pl.ds(6 * SEG_W + r, L)])
            cnt = (pbuf[pl.ds(3 * SEG_W + r, L)]
                   + pbuf[pl.ds(7 * SEG_W + r, L)])
            rec = 1.0 / jnp.maximum(cnt, 1.0)
            obuf[pl.ds(r, L)] = a0 * rec
            obuf[pl.ds(SEG_W + r, L)] = a1 * rec
            obuf[pl.ds(2 * SEG_W + r, L)] = a2 * rec
            return carry

        lax.fori_loop(0, nseg // L, grp, 0)
        for cc in range(3):
            pltpu.sync_copy(
                obuf.at[pl.ds(cc * SEG_W, nseg)],
                out_hbm.at[pl.ds(cc * NSEG + seg0, nseg)])

    @pl.when(w < NW - 1)
    def _():
        run(SEG_W)

    @pl.when(w == NW - 1)
    def _():
        run(SEG_LAST)


def _run_accum(coor_flat, edges_flat, wvec, zeros):
    accum = pl.kernel(
        _accum_body,
        out_type=jax.ShapeDtypeStruct((NC * SEG_PAD * 4,), jnp.float32),
        mesh=plsc.VectorSubcoreMesh(core_axis_name="c",
                                    subcore_axis_name="s"),
        compiler_params=pltpu.CompilerParams(needs_layout_passes=False),
        scratch_types=[
            pltpu.VMEM_SHARED((SEG_PAD,), jnp.float32),
            pltpu.VMEM_SHARED((SEG_PAD,), jnp.float32),
            pltpu.VMEM_SHARED((SEG_PAD,), jnp.float32),
            pltpu.VMEM_SHARED((SEG_PAD,), jnp.float32),
            pltpu.VMEM((T * 3,), jnp.float32),
            pltpu.VMEM((T,), jnp.int32),
            pltpu.VMEM((T * 4,), jnp.float32),
            pltpu.VMEM((T,), jnp.int32),
            pltpu.VMEM((T * 3,), jnp.float32),
            pltpu.VMEM((T,), jnp.int32),
            pltpu.VMEM((T * 4,), jnp.float32),
            pltpu.VMEM((T,), jnp.int32),
            pltpu.VMEM((B,), jnp.int32),
            pltpu.VMEM((12, L), jnp.float32),
            pltpu.SemaphoreType.DMA,
            pltpu.SemaphoreType.DMA,
            pltpu.SemaphoreType.DMA,
            pltpu.SemaphoreType.DMA,
            pltpu.SemaphoreType.DMA,
        ],
    )
    return accum(coor_flat, edges_flat, wvec, zeros)


def _run_final(part):
    final = pl.kernel(
        _final_body,
        out_type=jax.ShapeDtypeStruct((3 * NSEG,), jnp.float32),
        mesh=plsc.VectorSubcoreMesh(core_axis_name="c",
                                    subcore_axis_name="s"),
        compiler_params=pltpu.CompilerParams(needs_layout_passes=False),
        scratch_types=[
            pltpu.VMEM((8 * SEG_W,), jnp.float32),
            pltpu.VMEM((3 * SEG_W,), jnp.float32),
            pltpu.SemaphoreType.DMA,
        ],
    )
    return final(part)


@jax.jit
def kernel(edges, coor, W1, b1, W2, b2, W4, b4):
    Wc = W4 @ W2 @ W1
    bc = W4 @ (W2 @ b1 + b2) + b4
    wvec = jnp.broadcast_to(
        jnp.concatenate([Wc.reshape(9), bc])[:, None], (12, L))
    coor_flat = jnp.transpose(coor, (0, 2, 1)).reshape(3 * E_TOTAL)
    edges_flat = edges.reshape(E_TOTAL)
    zeros = jnp.zeros((SEG_PAD,), jnp.float32)
    part = _run_accum(coor_flat, edges_flat, wvec, zeros)
    out3 = _run_final(part)
    return jnp.transpose(out3.reshape(3, NSEG))[None]

# --- scband reference (transcript-rebuilt; emitter-appended) ---
"""Pipeline reference for scband-mess-net-63350767616428 (READ-ONLY COPY).

The authoritative reference and input builder live on the scoring server;
editing this copy changes nothing except your own understanding.
"""

import jax, jax.numpy as jnp
import numpy as np

NUM_SEGMENTS = 100000
E = 6400000


def setup_inputs(seed: int = 0) -> dict:
    key = jax.random.key(seed)
    k1, k2, k3, k4, k5, k6, k7, k8 = jax.random.split(key, 8)
    # edges: [1, E, 1] int; last column is the segment id, values < NUM_SEGMENTS
    edges = jnp.sort(
        jax.random.randint(k1, (1, E, 1), 0, NUM_SEGMENTS, dtype=jnp.int32), axis=1
    )
    coor = jax.random.normal(k2, (1, E, 3), dtype=jnp.float32)
    # nn.Linear(3,3) parameters for fc1, fc2, fc4 (y = x @ W.T + b)
    W1 = jax.random.normal(k3, (3, 3), dtype=jnp.float32) * 0.5
    b1 = jax.random.normal(k4, (3,), dtype=jnp.float32) * 0.1
    W2 = jax.random.normal(k5, (3, 3), dtype=jnp.float32) * 0.5
    b2 = jax.random.normal(k6, (3,), dtype=jnp.float32) * 0.1
    W4 = jax.random.normal(k7, (3, 3), dtype=jnp.float32) * 0.5
    b4 = jax.random.normal(k8, (3,), dtype=jnp.float32) * 0.1
    return {"edges": edges, "coor": coor, "W1": W1, "b1": b1, "W2": W2, "b2": b2, "W4": W4, "b4": b4}


def reference(edges, coor, W1, b1, W2, b2, W4, b4):
    # Vectorized form of the per-row Python loop: each row's first 3 elements
    # pass through fc1 -> fc2 -> fc4 (all Linear(3,3), no activations).
    x = coor[0, :, 0:3]                      # [E, 3]
    h = x @ W1.T + b1
    h = h @ W2.T + b2
    vals = h @ W4.T + b4                     # [E, 3]
    idx = edges[0][:, -1]                    # [E]
    # scatter(vals.t(), idx, dim=1, reduce='mean') == segment-mean over rows
    sums = jax.ops.segment_sum(vals, idx, num_segments=NUM_SEGMENTS)          # [S, 3]
    cnt = jax.ops.segment_sum(jnp.ones((vals.shape[0],), vals.dtype), idx,
                              num_segments=NUM_SEGMENTS)                       # [S]
    out = sums / jnp.maximum(cnt, 1.0)[:, None]                                # [S, 3]
    # torch: torch.unsqueeze(out.t(), 0) -> [1, S, 3]
    return out[None, :, :]

if __name__ == "__main__":
    import jax
    _d = setup_inputs()
    print(jax.jit(kernel)(*tuple(_d.values())))

</pallas_src>

<mosaic_0001>
#map = affine_map<(d0, d1) -> (0)>
#map1 = affine_map<(d0, d1) -> (0, 0)>
module attributes {stable_mosaic.version = 14 : i64} {
  func.func @_accum_body(%arg0: i32, %arg1: i32, %arg2: memref<19200000xf32, #tpu.memory_space<hbm>>, %arg3: memref<6400000xi32, #tpu.memory_space<hbm>>, %arg4: memref<12x16xf32, #tpu.memory_space<hbm>>, %arg5: memref<100352xf32, #tpu.memory_space<hbm>>, %arg6: memref<802816xf32, #tpu.memory_space<hbm>>, %arg7: memref<100352xf32, #tpu.memory_space<vmem_shared>>, %arg8: memref<100352xf32, #tpu.memory_space<vmem_shared>>, %arg9: memref<100352xf32, #tpu.memory_space<vmem_shared>>, %arg10: memref<100352xf32, #tpu.memory_space<vmem_shared>>, %arg11: memref<6144xf32, #tpu.memory_space<vmem>>, %arg12: memref<2048xi32, #tpu.memory_space<vmem>>, %arg13: memref<8192xf32, #tpu.memory_space<vmem>>, %arg14: memref<2048xi32, #tpu.memory_space<vmem>>, %arg15: memref<6144xf32, #tpu.memory_space<vmem>>, %arg16: memref<2048xi32, #tpu.memory_space<vmem>>, %arg17: memref<8192xf32, #tpu.memory_space<vmem>>, %arg18: memref<2048xi32, #tpu.memory_space<vmem>>, %arg19: memref<128xi32, #tpu.memory_space<vmem>>, %arg20: memref<12x16xf32, #tpu.memory_space<vmem>>, %arg21: memref<!tpu.dma_semaphore, #tpu.memory_space<semaphore_mem>>, %arg22: memref<!tpu.dma_semaphore, #tpu.memory_space<semaphore_mem>>, %arg23: memref<!tpu.dma_semaphore, #tpu.memory_space<semaphore_mem>>, %arg24: memref<!tpu.dma_semaphore, #tpu.memory_space<semaphore_mem>>, %arg25: memref<!tpu.dma_semaphore, #tpu.memory_space<semaphore_mem>>) attributes {dimension_semantics = [#tpu.dimension_semantics<core_parallel>, #tpu.dimension_semantics<subcore_parallel>], iteration_bounds = array<i64: 2, 16>, scalar_prefetch = 0 : i64, scratch_operands = 19 : i64, tpu.core_type = #tpu.core_type<sc_vector_subcore>, window_params = [{transform_indices = #map}, {transform_indices = #map}, {transform_indices = #map1}, {transform_indices = #map}, {transform_indices = #map}]} {
    %mul3A = arith.constant 2 : i32
    %mul3A_0 = arith.muli %arg1, %mul3A : i32
    %add3A = arith.addi %mul3A_0, %arg0 : i32
    %mul3A_1 = arith.constant 6272 : i32
    %mul3A_2 = arith.muli %arg1, %mul3A_1 : i32
    %mul3A_3 = arith.constant 6272 : i32
    %mul3A_4 = arith.muli %arg1, %mul3A_3 : i32
    "tpu.region"() ({
      %run_scoped3A = tpu.sem_alloc : memref<!tpu.dma_semaphore, #tpu.memory_space<semaphore_mem>>
      %dma_start3A_399 = tpu.memref_slice %arg7[%mul3A_4] : memref<100352xf32, #tpu.memory_space<vmem_shared>> -> memref<6272xf32, #tpu.memory_space<vmem_shared>>
      %dma_start3A_400 = tpu.memref_slice %arg5[%mul3A_2] : memref<100352xf32, #tpu.memory_space<hbm>> -> memref<6272xf32, #tpu.memory_space<hbm>>
      tpu.enqueue_dma source(%dma_start3A_400 : memref<6272xf32, #tpu.memory_space<hbm>>) target(%dma_start3A_399 : memref<6272xf32, #tpu.memory_space<vmem_shared>>) target_semaphore(%run_scoped3A : memref<!tpu.dma_semaphore, #tpu.memory_space<semaphore_mem>>)
      %dma_wait3A_401 = tpu.memref_slice %arg7[%mul3A_4] : memref<100352xf32, #tpu.memory_space<vmem_shared>> -> memref<6272xf32, #tpu.memory_space<vmem_shared>>
      %dma_wait3A_402 = tpu.memref_slice %arg5[%mul3A_2] : memref<100352xf32, #tpu.memory_space<hbm>> -> memref<6272xf32, #tpu.memory_space<hbm>>
      tpu.wait_dma2 semaphore(%run_scoped3A : memref<!tpu.dma_semaphore, #tpu.memory_space<semaphore_mem>>) src(%dma_wait3A_402 : memref<6272xf32, #tpu.memory_space<hbm>>) dst(%dma_wait3A_401 : memref<6272xf32, #tpu.memory_space<vmem_shared>>)
      tpu.yield
    }) : () -> ()
    %mul3A_5 = arith.constant 6272 : i32
    %mul3A_6 = arith.muli %arg1, %mul3A_5 : i32
    %mul3A_7 = arith.constant 6272 : i32
    %mul3A_8 = arith.muli %arg1, %mul3A_7 : i32
    "tpu.region"() ({
      %run_scoped3A = tpu.sem_alloc : memref<!tpu.dma_semaphore, #tpu.memory_space<semaphore_mem>>
      %dma_start3A_399 = tpu.memref_slice %arg8[%mul3A_8] : memref<100352xf32, #tpu.memory_space<vmem_shared>> -> memref<6272xf32, #tpu.memory_space<vmem_shared>>
      %dma_start3A_400 = tpu.memref_slice %arg5[%mul3A_6] : memref<100352xf32, #tpu.memory_space<hbm>> -> memref<6272xf32, #tpu.memory_space<hbm>>
      tpu.enqueue_dma source(%dma_start3A_400 : memref<6272xf32, #tpu.memory_space<hbm>>) target(%dma_start3A_399 : memref<6272xf32, #tpu.memory_space<vmem_shared>>) target_semaphore(%run_scoped3A : memref<!tpu.dma_semaphore, #tpu.memory_space<semaphore_mem>>)
      %dma_wait3A_401 = tpu.memref_slice %arg8[%mul3A_8] : memref<100352xf32, #tpu.memory_space<vmem_shared>> -> memref<6272xf32, #tpu.memory_space<vmem_shared>>
      %dma_wait3A_402 = tpu.memref_slice %arg5[%mul3A_6] : memref<100352xf32, #tpu.memory_space<hbm>> -> memref<6272xf32, #tpu.memory_space<hbm>>
      tpu.wait_dma2 semaphore(%run_scoped3A : memref<!tpu.dma_semaphore, #tpu.memory_space<semaphore_mem>>) src(%dma_wait3A_402 : memref<6272xf32, #tpu.memory_space<hbm>>) dst(%dma_wait3A_401 : memref<6272xf32, #tpu.memory_space<vmem_shared>>)
      tpu.yield
    }) : () -> ()
    %mul3A_9 = arith.constant 6272 : i32
    %mul3A_10 = arith.muli %arg1, %mul3A_9 : i32
    %mul3A_11 = arith.constant 6272 : i32
    %mul3A_12 = arith.muli %arg1, %mul3A_11 : i32
    "tpu.region"() ({
      %run_scoped3A = tpu.sem_alloc : memref<!tpu.dma_semaphore, #tpu.memory_space<semaphore_mem>>
      %dma_start3A_399 = tpu.memref_slice %arg9[%mul3A_12] : memref<100352xf32, #tpu.memory_space<vmem_shared>> -> memref<6272xf32, #tpu.memory_space<vmem_shared>>
      %dma_start3A_400 = tpu.memref_slice %arg5[%mul3A_10] : memref<100352xf32, #tpu.memory_space<hbm>> -> memref<6272xf32, #tpu.memory_space<hbm>>
      tpu.enqueue_dma source(%dma_start3A_400 : memref<6272xf32, #tpu.memory_space<hbm>>) target(%dma_start3A_399 : memref<6272xf32, #tpu.memory_space<vmem_shared>>) target_semaphore(%run_scoped3A : memref<!tpu.dma_semaphore, #tpu.memory_space<semaphore_mem>>)
      %dma_wait3A_401 = tpu.memref_slice %arg9[%mul3A_12] : memref<100352xf32, #tpu.memory_space<vmem_shared>> -> memref<6272xf32, #tpu.memory_space<vmem_shared>>
      %dma_wait3A_402 = tpu.memref_slice %arg5[%mul3A_10] : memref<100352xf32, #tpu.memory_space<hbm>> -> memref<6272xf32, #tpu.memory_space<hbm>>
      tpu.wait_dma2 semaphore(%run_scoped3A : memref<!tpu.dma_semaphore, #tpu.memory_space<semaphore_mem>>) src(%dma_wait3A_402 : memref<6272xf32, #tpu.memory_space<hbm>>) dst(%dma_wait3A_401 : memref<6272xf32, #tpu.memory_space<vmem_shared>>)
      tpu.yield
    }) : () -> ()
    %mul3A_13 = arith.constant 6272 : i32
    %mul3A_14 = arith.muli %arg1, %mul3A_13 : i32
    %mul3A_15 = arith.constant 6272 : i32
    %mul3A_16 = arith.muli %arg1, %mul3A_15 : i32
    "tpu.region"() ({
      %run_scoped3A = tpu.sem_alloc : memref<!tpu.dma_semaphore, #tpu.memory_space<semaphore_mem>>
      %dma_start3A_399 = tpu.memref_slice %arg10[%mul3A_16] : memref<100352xf32, #tpu.memory_space<vmem_shared>> -> memref<6272xf32, #tpu.memory_space<vmem_shared>>
      %dma_start3A_400 = tpu.memref_slice %arg5[%mul3A_14] : memref<100352xf32, #tpu.memory_space<hbm>> -> memref<6272xf32, #tpu.memory_space<hbm>>
      tpu.enqueue_dma source(%dma_start3A_400 : memref<6272xf32, #tpu.memory_space<hbm>>) target(%dma_start3A_399 : memref<6272xf32, #tpu.memory_space<vmem_shared>>) target_semaphore(%run_scoped3A : memref<!tpu.dma_semaphore, #tpu.memory_space<semaphore_mem>>)
      %dma_wait3A_401 = tpu.memref_slice %arg10[%mul3A_16] : memref<100352xf32, #tpu.memory_space<vmem_shared>> -> memref<6272xf32, #tpu.memory_space<vmem_shared>>
      %dma_wait3A_402 = tpu.memref_slice %arg5[%mul3A_14] : memref<100352xf32, #tpu.memory_space<hbm>> -> memref<6272xf32, #tpu.memory_space<hbm>>
      tpu.wait_dma2 semaphore(%run_scoped3A : memref<!tpu.dma_semaphore, #tpu.memory_space<semaphore_mem>>) src(%dma_wait3A_402 : memref<6272xf32, #tpu.memory_space<hbm>>) dst(%dma_wait3A_401 : memref<6272xf32, #tpu.memory_space<vmem_shared>>)
      tpu.yield
    }) : () -> ()
    "tpu.region"() ({
      %run_scoped3A = tpu.sem_alloc : memref<!tpu.dma_semaphore, #tpu.memory_space<semaphore_mem>>
      tpu.enqueue_dma source(%arg4 : memref<12x16xf32, #tpu.memory_space<hbm>>) target(%arg20 : memref<12x16xf32, #tpu.memory_space<vmem>>) target_semaphore(%run_scoped3A : memref<!tpu.dma_semaphore, #tpu.memory_space<semaphore_mem>>)
      tpu.wait_dma2 semaphore(%run_scoped3A : memref<!tpu.dma_semaphore, #tpu.memory_space<semaphore_mem>>) src(%arg4 : memref<12x16xf32, #tpu.memory_space<hbm>>) dst(%arg20 : memref<12x16xf32, #tpu.memory_space<vmem>>)
      tpu.yield
    }) : () -> ()
    %barrier3A = arith.constant 0 : index
    tpu.barrier barrier_id(%barrier3A)
    %get3A = arith.constant 0 : i32
    %get3A_17 = arith.index_cast %get3A : i32 to index
    %get3A_18 = arith.constant 0 : index
    %get3A_19 = tpu.vector_load %arg20[%get3A_17, %get3A_18] {strides = array<i32>} : memref<12x16xf32, #tpu.memory_space<vmem>>, vector<16xf32>,
    %get3A_20 = arith.constant 1 : i32
    %get3A_21 = arith.index_cast %get3A_20 : i32 to index
    %get3A_22 = arith.constant 0 : index
    %get3A_23 = tpu.vector_load %arg20[%get3A_21, %get3A_22] {strides = array<i32>} : memref<12x16xf32, #tpu.memory_space<vmem>>, vector<16xf32>,
    %get3A_24 = arith.constant 2 : i32
    %get3A_25 = arith.index_cast %get3A_24 : i32 to index
    %get3A_26 = arith.constant 0 : index
    %get3A_27 = tpu.vector_load %arg20[%get3A_25, %get3A_26] {strides = array<i32>} : memref<12x16xf32, #tpu.memory_space<vmem>>, vector<16xf32>,
    %get3A_28 = arith.constant 3 : i32
    %get3A_29 = arith.index_cast %get3A_28 : i32 to index
    %get3A_30 = arith.constant 0 : index
    %get3A_31 = tpu.vector_load %arg20[%get3A_29, %get3A_30] {strides = array<i32>} : memref<12x16xf32, #tpu.memory_space<vmem>>, vector<16xf32>,
    %get3A_32 = arith.constant 4 : i32
    %get3A_33 = arith.index_cast %get3A_32 : i32 to index
    %get3A_34 = arith.constant 0 : index
    %get3A_35 = tpu.vector_load %arg20[%get3A_33, %get3A_34] {strides = array<i32>} : memref<12x16xf32, #tpu.memory_space<vmem>>, vector<16xf32>,
    %get3A_36 = arith.constant 5 : i32
    %get3A_37 = arith.index_cast %get3A_36 : i32 to index
    %get3A_38 = arith.constant 0 : index
    %get3A_39 = tpu.vector_load %arg20[%get3A_37, %get3A_38] {strides = array<i32>} : memref<12x16xf32, #tpu.memory_space<vmem>>, vector<16xf32>,
    %get3A_40 = arith.constant 6 : i32
    %get3A_41 = arith.index_cast %get3A_40 : i32 to index
    %get3A_42 = arith.constant 0 : index
    %get3A_43 = tpu.vector_load %arg20[%get3A_41, %get3A_42] {strides = array<i32>} : memref<12x16xf32, #tpu.memory_space<vmem>>, vector<16xf32>,
    %get3A_44 = arith.constant 7 : i32
    %get3A_45 = arith.index_cast %get3A_44 : i32 to index
    %get3A_46 = arith.constant 0 : index
    %get3A_47 = tpu.vector_load %arg20[%get3A_45, %get3A_46] {strides = array<i32>} : memref<12x16xf32, #tpu.memory_space<vmem>>, vector<16xf32>,
    %get3A_48 = arith.constant 8 : i32
    %get3A_49 = arith.index_cast %get3A_48 : i32 to index
    %get3A_50 = arith.constant 0 : index
    %get3A_51 = tpu.vector_load %arg20[%get3A_49, %get3A_50] {strides = array<i32>} : memref<12x16xf32, #tpu.memory_space<vmem>>, vector<16xf32>,
    %get3A_52 = arith.constant 9 : i32
    %get3A_53 = arith.index_cast %get3A_52 : i32 to index
    %get3A_54 = arith.constant 0 : index
    %get3A_55 = tpu.vector_load %arg20[%get3A_53, %get3A_54] {strides = array<i32>} : memref<12x16xf32, #tpu.memory_space<vmem>>, vector<16xf32>,
    %get3A_56 = arith.constant 10 : i32
    %get3A_57 = arith.index_cast %get3A_56 : i32 to index
    %get3A_58 = arith.constant 0 : index
    %get3A_59 = tpu.vector_load %arg20[%get3A_57, %get3A_58] {strides = array<i32>} : memref<12x16xf32, #tpu.memory_space<vmem>>, vector<16xf32>,
    %get3A_60 = arith.constant 11 : i32
    %get3A_61 = arith.index_cast %get3A_60 : i32 to index
    %get3A_62 = arith.constant 0 : index
    %get3A_63 = tpu.vector_load %arg20[%get3A_61, %get3A_62] {strides = array<i32>} : memref<12x16xf32, #tpu.memory_space<vmem>>, vector<16xf32>,
    %mul3A_64 = arith.constant 0.000000e+00 : f32
    %mul3A_65 = vector.broadcast %mul3A_64 : f32 to vector<16xf32>
    %mul3A_66 = arith.mulf %get3A_19, %mul3A_65 : vector<16xf32>
    %add3A_67 = arith.constant 1.000000e+00 : f32
    %add3A_68 = vector.broadcast %add3A_67 : f32 to vector<16xf32>
    %add3A_69 = arith.addf %mul3A_66, %add3A_68 : vector<16xf32>
    %scan3A = arith.constant 0 : i32
    %scan3A_70 = arith.constant 0 : i32
    %scan3A_71 = arith.constant 128 : i32
    %scan3A_72 = arith.addi %scan3A_70, %scan3A_71 : i32
    %scan3A_73 = arith.constant 1 : i32
    scf.for %scan3A_399 = %scan3A_70 to %scan3A_72 step %scan3A_73  : i32 {
      %mul3A_400 = arith.constant 16 : i32
      %mul3A_401 = arith.muli %scan3A_399, %mul3A_400 : i32
      %add3A_402 = arith.constant 6144 : i32
      %add3A_403 = arith.addi %add3A_402, %mul3A_401 : i32
      %swap3A = arith.index_cast %add3A_403 : i32 to index
      %swap3A_404 = tpu.vector_load %arg13[%swap3A] {strides = array<i32>} : memref<8192xf32, #tpu.memory_space<vmem>>, vector<16xf32>,
      tpu.vector_store %arg13[%swap3A], %add3A_69 {strides = array<i32>} : memref<8192xf32, #tpu.memory_space<vmem>>, vector<16xf32>,
      %mul3A_405 = arith.constant 16 : i32
      %mul3A_406 = arith.muli %scan3A_399, %mul3A_405 : i32
      %add3A_407 = arith.constant 6144 : i32
      %add3A_408 = arith.addi %add3A_407, %mul3A_406 : i32
      %swap3A_409 = arith.index_cast %add3A_408 : i32 to index
      %swap3A_410 = tpu.vector_load %arg17[%swap3A_409] {strides = array<i32>} : memref<8192xf32, #tpu.memory_space<vmem>>, vector<16xf32>,
      tpu.vector_store %arg17[%swap3A_409], %add3A_69 {strides = array<i32>} : memref<8192xf32, #tpu.memory_space<vmem>>, vector<16xf32>,
    }
    %scan3A_74 = arith.constant 128 : i32
    %mul3A_75 = arith.constant 1562 : i32
    %mul3A_76 = arith.muli %add3A, %mul3A_75 : i32
    %min3A = arith.constant 16 : i32
    %min3A_77 = arith.minsi %add3A, %min3A : i32
    %add3A_78 = arith.addi %mul3A_76, %min3A_77 : i32
    %lt3A = arith.constant 16 : i32
    %lt3A_79 = arith.cmpi slt, %add3A, %lt3A : i32
    %convert_element_type3A = arith.extui %lt3A_79 : i1 to i32
    %add3A_80 = arith.constant 1562 : i32
    %add3A_81 = arith.addi %add3A_80, %convert_element_type3A : i32
    %min3A_82 = arith.constant 49984 : i32
    %min3A_83 = arith.minsi %add3A_78, %min3A_82 : i32
    %mul3A_84 = arith.constant 128 : i32
    %mul3A_85 = arith.muli %min3A_83, %mul3A_84 : i32
    %add3A_86 = arith.constant 6400000 : i32
    %add3A_87 = arith.addi %add3A_86, %mul3A_85 : i32
    %add3A_88 = arith.constant 12800000 : i32
    %add3A_89 = arith.addi %add3A_88, %mul3A_85 : i32
    %dma_start3A = arith.constant 0 : i32
    %dma_start3A_90 = tpu.memref_slice %arg11[%dma_start3A] : memref<6144xf32, #tpu.memory_space<vmem>> -> memref<2048xf32, #tpu.memory_space<vmem>>
    %dma_start3A_91 = tpu.memref_slice %arg2[%mul3A_85] : memref<19200000xf32, #tpu.memory_space<hbm>> -> memref<2048xf32, #tpu.memory_space<hbm>>
    %dma_start3A_92 = arith.constant 0 : i32
    %dma_start3A_93 = tpu.memref_slice %arg11[%dma_start3A_92] : memref<6144xf32, #tpu.memory_space<vmem>> -> memref<2048xf32, #tpu.memory_space<vmem>>
    %dma_start3A_94 = tpu.memref_slice %arg2[%mul3A_85] : memref<19200000xf32, #tpu.memory_space<hbm>> -> memref<2048xf32, #tpu.memory_space<hbm>>
    tpu.enqueue_dma source(%dma_start3A_94 : memref<2048xf32, #tpu.memory_space<hbm>>) target(%dma_start3A_93 : memref<2048xf32, #tpu.memory_space<vmem>>) target_semaphore(%arg24 : memref<!tpu.dma_semaphore, #tpu.memory_space<semaphore_mem>>)
    %dma_start3A_95 = arith.constant 2048 : i32
    %dma_start3A_96 = tpu.memref_slice %arg11[%dma_start3A_95] : memref<6144xf32, #tpu.memory_space<vmem>> -> memref<2048xf32, #tpu.memory_space<vmem>>
    %dma_start3A_97 = tpu.memref_slice %arg2[%add3A_87] : memref<19200000xf32, #tpu.memory_space<hbm>> -> memref<2048xf32, #tpu.memory_space<hbm>>
    %dma_start3A_98 = arith.constant 2048 : i32
    %dma_start3A_99 = tpu.memref_slice %arg11[%dma_start3A_98] : memref<6144xf32, #tpu.memory_space<vmem>> -> memref<2048xf32, #tpu.memory_space<vmem>>
    %dma_start3A_100 = tpu.memref_slice %arg2[%add3A_87] : memref<19200000xf32, #tpu.memory_space<hbm>> -> memref<2048xf32, #tpu.memory_space<hbm>>
    tpu.enqueue_dma source(%dma_start3A_100 : memref<2048xf32, #tpu.memory_space<hbm>>) target(%dma_start3A_99 : memref<2048xf32, #tpu.memory_space<vmem>>) target_semaphore(%arg24 : memref<!tpu.dma_semaphore, #tpu.memory_space<semaphore_mem>>)
    %dma_start3A_101 = arith.constant 4096 : i32
    %dma_start3A_102 = tpu.memref_slice %arg11[%dma_start3A_101] : memref<6144xf32, #tpu.memory_space<vmem>> -> memref<2048xf32, #tpu.memory_space<vmem>>
    %dma_start3A_103 = tpu.memref_slice %arg2[%add3A_89] : memref<19200000xf32, #tpu.memory_space<hbm>> -> memref<2048xf32, #tpu.memory_space<hbm>>
    %dma_start3A_104 = arith.constant 4096 : i32
    %dma_start3A_105 = tpu.memref_slice %arg11[%dma_start3A_104] : memref<6144xf32, #tpu.memory_space<vmem>> -> memref<2048xf32, #tpu.memory_space<vmem>>
    %dma_start3A_106 = tpu.memref_slice %arg2[%add3A_89] : memref<19200000xf32, #tpu.memory_space<hbm>> -> memref<2048xf32, #tpu.memory_space<hbm>>
    tpu.enqueue_dma source(%dma_start3A_106 : memref<2048xf32, #tpu.memory_space<hbm>>) target(%dma_start3A_105 : memref<2048xf32, #tpu.memory_space<vmem>>) target_semaphore(%arg24 : memref<!tpu.dma_semaphore, #tpu.memory_space<semaphore_mem>>)
    %dma_start3A_107 = arith.constant 0 : i32
    %dma_start3A_108 = tpu.memref_slice %arg12[%dma_start3A_107] : memref<2048xi32, #tpu.memory_space<vmem>> -> memref<2048xi32, #tpu.memory_space<vmem>>
    %dma_start3A_109 = tpu.memref_slice %arg3[%mul3A_85] : memref<6400000xi32, #tpu.memory_space<hbm>> -> memref<2048xi32, #tpu.memory_space<hbm>>
    %dma_start3A_110 = arith.constant 0 : i32
    %dma_start3A_111 = tpu.memref_slice %arg12[%dma_start3A_110] : memref<2048xi32, #tpu.memory_space<vmem>> -> memref<2048xi32, #tpu.memory_space<vmem>>
    %dma_start3A_112 = tpu.memref_slice %arg3[%mul3A_85] : memref<6400000xi32, #tpu.memory_space<hbm>> -> memref<2048xi32, #tpu.memory_space<hbm>>
    tpu.enqueue_dma source(%dma_start3A_112 : memref<2048xi32, #tpu.memory_space<hbm>>) target(%dma_start3A_111 : memref<2048xi32, #tpu.memory_space<vmem>>) target_semaphore(%arg24 : memref<!tpu.dma_semaphore, #tpu.memory_space<semaphore_mem>>)
    %add3A_113 = arith.constant 16 : i32
    %add3A_114 = arith.addi %add3A_78, %add3A_113 : i32
    %min3A_115 = arith.constant 49984 : i32
    %min3A_116 = arith.minsi %add3A_114, %min3A_115 : i32
    %mul3A_117 = arith.constant 128 : i32
    %mul3A_118 = arith.muli %min3A_116, %mul3A_117 : i32
    %add3A_119 = arith.constant 6400000 : i32
    %add3A_120 = arith.addi %add3A_119, %mul3A_118 : i32
    %add3A_121 = arith.constant 12800000 : i32
    %add3A_122 = arith.addi %add3A_121, %mul3A_118 : i32
    %dma_start3A_123 = arith.constant 0 : i32
    %dma_start3A_124 = tpu.memref_slice %arg15[%dma_start3A_123] : memref<6144xf32, #tpu.memory_space<vmem>> -> memref<2048xf32, #tpu.memory_space<vmem>>
    %dma_start3A_125 = tpu.memref_slice %arg2[%mul3A_118] : memref<19200000xf32, #tpu.memory_space<hbm>> -> memref<2048xf32, #tpu.memory_space<hbm>>
    %dma_start3A_126 = arith.constant 0 : i32
    %dma_start3A_127 = tpu.memref_slice %arg15[%dma_start3A_126] : memref<6144xf32, #tpu.memory_space<vmem>> -> memref<2048xf32, #tpu.memory_space<vmem>>
    %dma_start3A_128 = tpu.memref_slice %arg2[%mul3A_118] : memref<19200000xf32, #tpu.memory_space<hbm>> -> memref<2048xf32, #tpu.memory_space<hbm>>
    tpu.enqueue_dma source(%dma_start3A_128 : memref<2048xf32, #tpu.memory_space<hbm>>) target(%dma_start3A_127 : memref<2048xf32, #tpu.memory_space<vmem>>) target_semaphore(%arg25 : memref<!tpu.dma_semaphore, #tpu.memory_space<semaphore_mem>>)
    %dma_start3A_129 = arith.constant 2048 : i32
    %dma_start3A_130 = tpu.memref_slice %arg15[%dma_start3A_129] : memref<6144xf32, #tpu.memory_space<vmem>> -> memref<2048xf32, #tpu.memory_space<vmem>>
    %dma_start3A_131 = tpu.memref_slice %arg2[%add3A_120] : memref<19200000xf32, #tpu.memory_space<hbm>> -> memref<2048xf32, #tpu.memory_space<hbm>>
    %dma_start3A_132 = arith.constant 2048 : i32
    %dma_start3A_133 = tpu.memref_slice %arg15[%dma_start3A_132] : memref<6144xf32, #tpu.memory_space<vmem>> -> memref<2048xf32, #tpu.memory_space<vmem>>
    %dma_start3A_134 = tpu.memref_slice %arg2[%add3A_120] : memref<19200000xf32, #tpu.memory_space<hbm>> -> memref<2048xf32, #tpu.memory_space<hbm>>
    tpu.enqueue_dma source(%dma_start3A_134 : memref<2048xf32, #tpu.memory_space<hbm>>) target(%dma_start3A_133 : memref<2048xf32, #tpu.memory_space<vmem>>) target_semaphore(%arg25 : memref<!tpu.dma_semaphore, #tpu.memory_space<semaphore_mem>>)
    %dma_start3A_135 = arith.constant 4096 : i32
    %dma_start3A_136 = tpu.memref_slice %arg15[%dma_start3A_135] : memref<6144xf32, #tpu.memory_space<vmem>> -> memref<2048xf32, #tpu.memory_space<vmem>>
    %dma_start3A_137 = tpu.memref_slice %arg2[%add3A_122] : memref<19200000xf32, #tpu.memory_space<hbm>> -> memref<2048xf32, #tpu.memory_space<hbm>>
    %dma_start3A_138 = arith.constant 4096 : i32
    %dma_start3A_139 = tpu.memref_slice %arg15[%dma_start3A_138] : memref<6144xf32, #tpu.memory_space<vmem>> -> memref<2048xf32, #tpu.memory_space<vmem>>
    %dma_start3A_140 = tpu.memref_slice %arg2[%add3A_122] : memref<19200000xf32, #tpu.memory_space<hbm>> -> memref<2048xf32, #tpu.memory_space<hbm>>
    tpu.enqueue_dma source(%dma_start3A_140 : memref<2048xf32, #tpu.memory_space<hbm>>) target(%dma_start3A_139 : memref<2048xf32, #tpu.memory_space<vmem>>) target_semaphore(%arg25 : memref<!tpu.dma_semaphore, #tpu.memory_space<semaphore_mem>>)
    %dma_start3A_141 = arith.constant 0 : i32
    %dma_start3A_142 = tpu.memref_slice %arg16[%dma_start3A_141] : memref<2048xi32, #tpu.memory_space<vmem>> -> memref<2048xi32, #tpu.memory_space<vmem>>
    %dma_start3A_143 = tpu.memref_slice %arg3[%mul3A_118] : memref<6400000xi32, #tpu.memory_space<hbm>> -> memref<2048xi32, #tpu.memory_space<hbm>>
    %dma_start3A_144 = arith.constant 0 : i32
    %dma_start3A_145 = tpu.memref_slice %arg16[%dma_start3A_144] : memref<2048xi32, #tpu.memory_space<vmem>> -> memref<2048xi32, #tpu.memory_space<vmem>>
    %dma_start3A_146 = tpu.memref_slice %arg3[%mul3A_118] : memref<6400000xi32, #tpu.memory_space<hbm>> -> memref<2048xi32, #tpu.memory_space<hbm>>
    tpu.enqueue_dma source(%dma_start3A_146 : memref<2048xi32, #tpu.memory_space<hbm>>) target(%dma_start3A_145 : memref<2048xi32, #tpu.memory_space<vmem>>) target_semaphore(%arg25 : memref<!tpu.dma_semaphore, #tpu.memory_space<semaphore_mem>>)
    %scan3A_147 = arith.constant 0 : i32
    %scan3A_148 = arith.constant 0 : i32
    %scan3A_149 = arith.constant 48 : i32
    %scan3A_150 = arith.addi %scan3A_148, %scan3A_149 : i32
    %scan3A_151 = arith.constant 1 : i32
    scf.for %scan3A_399 = %scan3A_148 to %scan3A_150 step %scan3A_151  : i32 {
      %gt3A = arith.constant 0 : i32
      %gt3A_400 = arith.cmpi sgt, %scan3A_399, %gt3A : i32
      %convert_element_type3A_401 = arith.extui %gt3A_400 : i1 to i32
      %cond3A = arith.constant 0 : i32
      %cond3A_402 = arith.cmpi ne, %convert_element_type3A_401, %cond3A : i32
      scf.if %cond3A_402 {
        %dma_wait3A_598 = arith.constant 0 : i32
        %dma_wait3A_599 = tpu.memref_slice %arg13[%dma_wait3A_598] : memref<8192xf32, #tpu.memory_space<vmem>> -> memref<2048xf32, #tpu.memory_space<vmem>>
        %dma_wait3A_600 = arith.constant 0 : i32
        %dma_wait3A_601 = tpu.memref_slice %arg7[%dma_wait3A_600] : memref<100352xf32, #tpu.memory_space<vmem_shared>> -> memref<100352xf32, #tpu.memory_space<vmem_shared>>
        tpu.wait_indirect_dma semaphore(%arg22 : memref<!tpu.dma_semaphore, #tpu.memory_space<semaphore_mem>>) src(%dma_wait3A_599 : memref<2048xf32, #tpu.memory_space<vmem>>) dst(%dma_wait3A_601 : memref<100352xf32, #tpu.memory_space<vmem_shared>>)
        %dma_wait3A_602 = arith.constant 2048 : i32
        %dma_wait3A_603 = tpu.memref_slice %arg13[%dma_wait3A_602] : memref<8192xf32, #tpu.memory_space<vmem>> -> memref<2048xf32, #tpu.memory_space<vmem>>
        %dma_wait3A_604 = arith.constant 0 : i32
        %dma_wait3A_605 = tpu.memref_slice %arg8[%dma_wait3A_604] : memref<100352xf32, #tpu.memory_space<vmem_shared>> -> memref<100352xf32, #tpu.memory_space<vmem_shared>>
        tpu.wait_indirect_dma semaphore(%arg22 : memref<!tpu.dma_semaphore, #tpu.memory_space<semaphore_mem>>) src(%dma_wait3A_603 : memref<2048xf32, #tpu.memory_space<vmem>>) dst(%dma_wait3A_605 : memref<100352xf32, #tpu.memory_space<vmem_shared>>)
        %dma_wait3A_606 = arith.constant 4096 : i32
        %dma_wait3A_607 = tpu.memref_slice %arg13[%dma_wait3A_606] : memref<8192xf32, #tpu.memory_space<vmem>> -> memref<2048xf32, #tpu.memory_space<vmem>>
        %dma_wait3A_608 = arith.constant 0 : i32
        %dma_wait3A_609 = tpu.memref_slice %arg9[%dma_wait3A_608] : memref<100352xf32, #tpu.memory_space<vmem_shared>> -> memref<100352xf32, #tpu.memory_space<vmem_shared>>
        tpu.wait_indirect_dma semaphore(%arg22 : memref<!tpu.dma_semaphore, #tpu.memory_space<semaphore_mem>>) src(%dma_wait3A_607 : memref<2048xf32, #tpu.memory_space<vmem>>) dst(%dma_wait3A_609 : memref<100352xf32, #tpu.memory_space<vmem_shared>>)
        %dma_wait3A_610 = arith.constant 6144 : i32
        %dma_wait3A_611 = tpu.memref_slice %arg13[%dma_wait3A_610] : memref<8192xf32, #tpu.memory_space<vmem>> -> memref<2048xf32, #tpu.memory_space<vmem>>
        %dma_wait3A_612 = arith.constant 0 : i32
        %dma_wait3A_613 = tpu.memref_slice %arg10[%dma_wait3A_612] : memref<100352xf32, #tpu.memory_space<vmem_shared>> -> memref<100352xf32, #tpu.memory_space<vmem_shared>>
        tpu.wait_indirect_dma semaphore(%arg22 : memref<!tpu.dma_semaphore, #tpu.memory_space<semaphore_mem>>) src(%dma_wait3A_611 : memref<2048xf32, #tpu.memory_space<vmem>>) dst(%dma_wait3A_613 : memref<100352xf32, #tpu.memory_space<vmem_shared>>)
      } else {
      }
      %dma_wait3A_403 = arith.constant 0 : i32
      %dma_wait3A_404 = tpu.memref_slice %arg11[%dma_wait3A_403] : memref<6144xf32, #tpu.memory_space<vmem>> -> memref<2048xf32, #tpu.memory_space<vmem>>
      %dma_wait3A_405 = arith.constant 0 : i32
      %dma_wait3A_406 = tpu.memref_slice %arg2[%dma_wait3A_405] : memref<19200000xf32, #tpu.memory_space<hbm>> -> memref<2048xf32, #tpu.memory_space<hbm>>
      %dma_wait3A_407 = arith.constant 0 : i32
      %dma_wait3A_408 = tpu.memref_slice %arg11[%dma_wait3A_407] : memref<6144xf32, #tpu.memory_space<vmem>> -> memref<2048xf32, #tpu.memory_space<vmem>>
      %dma_wait3A_409 = arith.constant 0 : i32
      %dma_wait3A_410 = tpu.memref_slice %arg2[%dma_wait3A_409] : memref<19200000xf32, #tpu.memory_space<hbm>> -> memref<2048xf32, #tpu.memory_space<hbm>>
      tpu.wait_dma2 semaphore(%arg24 : memref<!tpu.dma_semaphore, #tpu.memory_space<semaphore_mem>>) src(%dma_wait3A_410 : memref<2048xf32, #tpu.memory_space<hbm>>) dst(%dma_wait3A_408 : memref<2048xf32, #tpu.memory_space<vmem>>)
      %dma_wait3A_411 = arith.constant 2048 : i32
      %dma_wait3A_412 = tpu.memref_slice %arg11[%dma_wait3A_411] : memref<6144xf32, #tpu.memory_space<vmem>> -> memref<2048xf32, #tpu.memory_space<vmem>>
      %dma_wait3A_413 = arith.constant 6400000 : i32
      %dma_wait3A_414 = tpu.memref_slice %arg2[%dma_wait3A_413] : memref<19200000xf32, #tpu.memory_space<hbm>> -> memref<2048xf32, #tpu.memory_space<hbm>>
      %dma_wait3A_415 = arith.constant 2048 : i32
      %dma_wait3A_416 = tpu.memref_slice %arg11[%dma_wait3A_415] : memref<6144xf32, #tpu.memory_space<vmem>> -> memref<2048xf32, #tpu.memory_space<vmem>>
      %dma_wait3A_417 = arith.constant 6400000 : i32
      %dma_wait3A_418 = tpu.memref_slice %arg2[%dma_wait3A_417] : memref<19200000xf32, #tpu.memory_space<hbm>> -> memref<2048xf32, #tpu.memory_space<hbm>>
      tpu.wait_dma2 semaphore(%arg24 : memref<!tpu.dma_semaphore, #tpu.memory_space<semaphore_mem>>) src(%dma_wait3A_418 : memref<2048xf32, #tpu.memory_space<hbm>>) dst(%dma_wait3A_416 : memref<2048xf32, #tpu.memory_space<vmem>>)
      %dma_wait3A_419 = arith.constant 4096 : i32
      %dma_wait3A_420 = tpu.memref_slice %arg11[%dma_wait3A_419] : memref<6144xf32, #tpu.memory_space<vmem>> -> memref<2048xf32, #tpu.memory_space<vmem>>
      %dma_wait3A_421 = arith.constant 12800000 : i32
      %dma_wait3A_422 = tpu.memref_slice %arg2[%dma_wait3A_421] : memref<19200000xf32, #tpu.memory_space<hbm>> -> memref<2048xf32, #tpu.memory_space<hbm>>
      %dma_wait3A_423 = arith.constant 4096 : i32
      %dma_wait3A_424 = tpu.memref_slice %arg11[%dma_wait3A_423] : memref<6144xf32, #tpu.memory_space<vmem>> -> memref<2048xf32, #tpu.memory_space<vmem>>
      %dma_wait3A_425 = arith.constant 12800000 : i32
      %dma_wait3A_426 = tpu.memref_slice %arg2[%dma_wait3A_425] : memref<19200000xf32, #tpu.memory_space<hbm>> -> memref<2048xf32, #tpu.memory_space<hbm>>
      tpu.wait_dma2 semaphore(%arg24 : memref<!tpu.dma_semaphore, #tpu.memory_space<semaphore_mem>>) src(%dma_wait3A_426 : memref<2048xf32, #tpu.memory_space<hbm>>) dst(%dma_wait3A_424 : memref<2048xf32, #tpu.memory_space<vmem>>)
      %dma_wait3A_427 = arith.constant 0 : i32
      %dma_wait3A_428 = tpu.memref_slice %arg12[%dma_wait3A_427] : memref<2048xi32, #tpu.memory_space<vmem>> -> memref<2048xi32, #tpu.memory_space<vmem>>
      %dma_wait3A_429 = arith.constant 0 : i32
      %dma_wait3A_430 = tpu.memref_slice %arg3[%dma_wait3A_429] : memref<6400000xi32, #tpu.memory_space<hbm>> -> memref<2048xi32, #tpu.memory_space<hbm>>
      %dma_wait3A_431 = arith.constant 0 : i32
      %dma_wait3A_432 = tpu.memref_slice %arg12[%dma_wait3A_431] : memref<2048xi32, #tpu.memory_space<vmem>> -> memref<2048xi32, #tpu.memory_space<vmem>>
      %dma_wait3A_433 = arith.constant 0 : i32
      %dma_wait3A_434 = tpu.memref_slice %arg3[%dma_wait3A_433] : memref<6400000xi32, #tpu.memory_space<hbm>> -> memref<2048xi32, #tpu.memory_space<hbm>>
      tpu.wait_dma2 semaphore(%arg24 : memref<!tpu.dma_semaphore, #tpu.memory_space<semaphore_mem>>) src(%dma_wait3A_434 : memref<2048xi32, #tpu.memory_space<hbm>>) dst(%dma_wait3A_432 : memref<2048xi32, #tpu.memory_space<vmem>>)
      %scan3A_435 = arith.constant 0 : i32
      %scan3A_436 = arith.constant 0 : i32
      %scan3A_437 = arith.constant 32 : i32
      %scan3A_438 = arith.addi %scan3A_436, %scan3A_437 : i32
      %scan3A_439 = arith.constant 1 : i32
      scf.for %scan3A_598 = %scan3A_436 to %scan3A_438 step %scan3A_439  : i32 {
        %mul3A_599 = arith.constant 4 : i32
        %mul3A_600 = arith.muli %scan3A_598, %mul3A_599 : i32
        %add3A_601 = arith.constant 0 : i32
        %add3A_602 = arith.addi %mul3A_600, %add3A_601 : i32
        %mul3A_603 = arith.constant 16 : i32
        %mul3A_604 = arith.muli %add3A_602, %mul3A_603 : i32
        %get3A_605 = arith.index_cast %mul3A_604 : i32 to index
        %get3A_606 = tpu.vector_load %arg11[%get3A_605] {strides = array<i32>} : memref<6144xf32, #tpu.memory_space<vmem>>, vector<16xf32>,
        %add3A_607 = arith.constant 2048 : i32
        %add3A_608 = arith.addi %add3A_607, %mul3A_604 : i32
        %get3A_609 = arith.index_cast %add3A_608 : i32 to index
        %get3A_610 = tpu.vector_load %arg11[%get3A_609] {strides = array<i32>} : memref<6144xf32, #tpu.memory_space<vmem>>, vector<16xf32>,
        %add3A_611 = arith.constant 4096 : i32
        %add3A_612 = arith.addi %add3A_611, %mul3A_604 : i32
        %get3A_613 = arith.index_cast %add3A_612 : i32 to index
        %get3A_614 = tpu.vector_load %arg11[%get3A_613] {strides = array<i32>} : memref<6144xf32, #tpu.memory_space<vmem>>, vector<16xf32>,
        %mul3A_615 = arith.mulf %get3A_606, %get3A_19 : vector<16xf32>
        %mul3A_616 = arith.mulf %get3A_610, %get3A_23 : vector<16xf32>
        %add3A_617 = arith.addf %mul3A_615, %mul3A_616 : vector<16xf32>
        %mul3A_618 = arith.mulf %get3A_614, %get3A_27 : vector<16xf32>
        %add3A_619 = arith.addf %add3A_617, %mul3A_618 : vector<16xf32>
        %add3A_620 = arith.addf %add3A_619, %get3A_55 : vector<16xf32>
        %swap3A = arith.index_cast %mul3A_604 : i32 to index
        %swap3A_621 = tpu.vector_load %arg13[%swap3A] {strides = array<i32>} : memref<8192xf32, #tpu.memory_space<vmem>>, vector<16xf32>,
        tpu.vector_store %arg13[%swap3A], %add3A_620 {strides = array<i32>} : memref<8192xf32, #tpu.memory_space<vmem>>, vector<16xf32>,
        %mul3A_622 = arith.mulf %get3A_606, %get3A_31 : vector<16xf32>
        %mul3A_623 = arith.mulf %get3A_610, %get3A_35 : vector<16xf32>
        %add3A_624 = arith.addf %mul3A_622, %mul3A_623 : vector<16xf32>
        %mul3A_625 = arith.mulf %get3A_614, %get3A_39 : vector<16xf32>
        %add3A_626 = arith.addf %add3A_624, %mul3A_625 : vector<16xf32>
        %add3A_627 = arith.addf %add3A_626, %get3A_59 : vector<16xf32>
        %add3A_628 = arith.constant 2048 : i32
        %add3A_629 = arith.addi %add3A_628, %mul3A_604 : i32
        %swap3A_630 = arith.index_cast %add3A_629 : i32 to index
        %swap3A_631 = tpu.vector_load %arg13[%swap3A_630] {strides = array<i32>} : memref<8192xf32, #tpu.memory_space<vmem>>, vector<16xf32>,
        tpu.vector_store %arg13[%swap3A_630], %add3A_627 {strides = array<i32>} : memref<8192xf32, #tpu.memory_space<vmem>>, vector<16xf32>,
        %mul3A_632 = arith.mulf %get3A_606, %get3A_43 : vector<16xf32>
        %mul3A_633 = arith.mulf %get3A_610, %get3A_47 : vector<16xf32>
        %add3A_634 = arith.addf %mul3A_632, %mul3A_633 : vector<16xf32>
        %mul3A_635 = arith.mulf %get3A_614, %get3A_51 : vector<16xf32>
        %add3A_636 = arith.addf %add3A_634, %mul3A_635 : vector<16xf32>
        %add3A_637 = arith.addf %add3A_636, %get3A_63 : vector<16xf32>
        %add3A_638 = arith.constant 4096 : i32
        %add3A_639 = arith.addi %add3A_638, %mul3A_604 : i32
        %swap3A_640 = arith.index_cast %add3A_639 : i32 to index
        %swap3A_641 = tpu.vector_load %arg13[%swap3A_640] {strides = array<i32>} : memref<8192xf32, #tpu.memory_space<vmem>>, vector<16xf32>,
        tpu.vector_store %arg13[%swap3A_640], %add3A_637 {strides = array<i32>} : memref<8192xf32, #tpu.memory_space<vmem>>, vector<16xf32>,
        %get3A_642 = arith.index_cast %mul3A_604 : i32 to index
        %get3A_643 = tpu.vector_load %arg12[%get3A_642] {strides = array<i32>} : memref<2048xi32, #tpu.memory_space<vmem>>, vector<16xi32>,
        %swap3A_644 = arith.index_cast %mul3A_604 : i32 to index
        %swap3A_645 = tpu.vector_load %arg14[%swap3A_644] {strides = array<i32>} : memref<2048xi32, #tpu.memory_space<vmem>>, vector<16xi32>,
        tpu.vector_store %arg14[%swap3A_644], %get3A_643 {strides = array<i32>} : memref<2048xi32, #tpu.memory_space<vmem>>, vector<16xi32>,
        %mul3A_646 = arith.constant 4 : i32
        %mul3A_647 = arith.muli %scan3A_598, %mul3A_646 : i32
        %add3A_648 = arith.constant 1 : i32
        %add3A_649 = arith.addi %mul3A_647, %add3A_648 : i32
        %mul3A_650 = arith.constant 16 : i32
        %mul3A_651 = arith.muli %add3A_649, %mul3A_650 : i32
        %get3A_652 = arith.index_cast %mul3A_651 : i32 to index
        %get3A_653 = tpu.vector_load %arg11[%get3A_652] {strides = array<i32>} : memref<6144xf32, #tpu.memory_space<vmem>>, vector<16xf32>,
        %add3A_654 = arith.constant 2048 : i32
        %add3A_655 = arith.addi %add3A_654, %mul3A_651 : i32
        %get3A_656 = arith.index_cast %add3A_655 : i32 to index
        %get3A_657 = tpu.vector_load %arg11[%get3A_656] {strides = array<i32>} : memref<6144xf32, #tpu.memory_space<vmem>>, vector<16xf32>,
        %add3A_658 = arith.constant 4096 : i32
        %add3A_659 = arith.addi %add3A_658, %mul3A_651 : i32
        %get3A_660 = arith.index_cast %add3A_659 : i32 to index
        %get3A_661 = tpu.vector_load %arg11[%get3A_660] {strides = array<i32>} : memref<6144xf32, #tpu.memory_space<vmem>>, vector<16xf32>,
        %mul3A_662 = arith.mulf %get3A_653, %get3A_19 : vector<16xf32>
        %mul3A_663 = arith.mulf %get3A_657, %get3A_23 : vector<16xf32>
        %add3A_664 = arith.addf %mul3A_662, %mul3A_663 : vector<16xf32>
        %mul3A_665 = arith.mulf %get3A_661, %get3A_27 : vector<16xf32>
        %add3A_666 = arith.addf %add3A_664, %mul3A_665 : vector<16xf32>
        %add3A_667 = arith.addf %add3A_666, %get3A_55 : vector<16xf32>
        %swap3A_668 = arith.index_cast %mul3A_651 : i32 to index
        %swap3A_669 = tpu.vector_load %arg13[%swap3A_668] {strides = array<i32>} : memref<8192xf32, #tpu.memory_space<vmem>>, vector<16xf32>,
        tpu.vector_store %arg13[%swap3A_668], %add3A_667 {strides = array<i32>} : memref<8192xf32, #tpu.memory_space<vmem>>, vector<16xf32>,
        %mul3A_670 = arith.mulf %get3A_653, %get3A_31 : vector<16xf32>
        %mul3A_671 = arith.mulf %get3A_657, %get3A_35 : vector<16xf32>
        %add3A_672 = arith.addf %mul3A_670, %mul3A_671 : vector<16xf32>
        %mul3A_673 = arith.mulf %get3A_661, %get3A_39 : vector<16xf32>
        %add3A_674 = arith.addf %add3A_672, %mul3A_673 : vector<16xf32>
        %add3A_675 = arith.addf %add3A_674, %get3A_59 : vector<16xf32>
        %add3A_676 = arith.constant 2048 : i32
        %add3A_677 = arith.addi %add3A_676, %mul3A_651 : i32
        %swap3A_678 = arith.index_cast %add3A_677 : i32 to index
        %swap3A_679 = tpu.vector_load %arg13[%swap3A_678] {strides = array<i32>} : memref<8192xf32, #tpu.memory_space<vmem>>, vector<16xf32>,
        tpu.vector_store %arg13[%swap3A_678], %add3A_675 {strides = array<i32>} : memref<8192xf32, #tpu.memory_space<vmem>>, vector<16xf32>,
        %mul3A_680 = arith.mulf %get3A_653, %get3A_43 : vector<16xf32>
        %mul3A_681 = arith.mulf %get3A_657, %get3A_47 : vector<16xf32>
        %add3A_682 = arith.addf %mul3A_680, %mul3A_681 : vector<16xf32>
        %mul3A_683 = arith.mulf %get3A_661, %get3A_51 : vector<16xf32>
        %add3A_684 = arith.addf %add3A_682, %mul3A_683 : vector<16xf32>
        %add3A_685 = arith.addf %add3A_684, %get3A_63 : vector<16xf32>
        %add3A_686 = arith.constant 4096 : i32
        %add3A_687 = arith.addi %add3A_686, %mul3A_651 : i32
        %swap3A_688 = arith.index_cast %add3A_687 : i32 to index
        %swap3A_689 = tpu.vector_load %arg13[%swap3A_688] {strides = array<i32>} : memref<8192xf32, #tpu.memory_space<vmem>>, vector<16xf32>,
        tpu.vector_store %arg13[%swap3A_688], %add3A_685 {strides = array<i32>} : memref<8192xf32, #tpu.memory_space<vmem>>, vector<16xf32>,
        %get3A_690 = arith.index_cast %mul3A_651 : i32 to index
        %get3A_691 = tpu.vector_load %arg12[%get3A_690] {strides = array<i32>} : memref<2048xi32, #tpu.memory_space<vmem>>, vector<16xi32>,
        %swap3A_692 = arith.index_cast %mul3A_651 : i32 to index
        %swap3A_693 = tpu.vector_load %arg14[%swap3A_692] {strides = array<i32>} : memref<2048xi32, #tpu.memory_space<vmem>>, vector<16xi32>,
        tpu.vector_store %arg14[%swap3A_692], %get3A_691 {strides = array<i32>} : memref<2048xi32, #tpu.memory_space<vmem>>, vector<16xi32>,
        %mul3A_694 = arith.constant 4 : i32
        %mul3A_695 = arith.muli %scan3A_598, %mul3A_694 : i32
        %add3A_696 = arith.constant 2 : i32
        %add3A_697 = arith.addi %mul3A_695, %add3A_696 : i32
        %mul3A_698 = arith.constant 16 : i32
        %mul3A_699 = arith.muli %add3A_697, %mul3A_698 : i32
        %get3A_700 = arith.index_cast %mul3A_699 : i32 to index
        %get3A_701 = tpu.vector_load %arg11[%get3A_700] {strides = array<i32>} : memref<6144xf32, #tpu.memory_space<vmem>>, vector<16xf32>,
        %add3A_702 = arith.constant 2048 : i32
        %add3A_703 = arith.addi %add3A_702, %mul3A_699 : i32
        %get3A_704 = arith.index_cast %add3A_703 : i32 to index
        %get3A_705 = tpu.vector_load %arg11[%get3A_704] {strides = array<i32>} : memref<6144xf32, #tpu.memory_space<vmem>>, vector<16xf32>,
        %add3A_706 = arith.constant 4096 : i32
        %add3A_707 = arith.addi %add3A_706, %mul3A_699 : i32
        %get3A_708 = arith.index_cast %add3A_707 : i32 to index
        %get3A_709 = tpu.vector_load %arg11[%get3A_708] {strides = array<i32>} : memref<6144xf32, #tpu.memory_space<vmem>>, vector<16xf32>,
        %mul3A_710 = arith.mulf %get3A_701, %get3A_19 : vector<16xf32>
        %mul3A_711 = arith.mulf %get3A_705, %get3A_23 : vector<16xf32>
        %add3A_712 = arith.addf %mul3A_710, %mul3A_711 : vector<16xf32>
        %mul3A_713 = arith.mulf %get3A_709, %get3A_27 : vector<16xf32>
        %add3A_714 = arith.addf %add3A_712, %mul3A_713 : vector<16xf32>
        %add3A_715 = arith.addf %add3A_714, %get3A_55 : vector<16xf32>
        %swap3A_716 = arith.index_cast %mul3A_699 : i32 to index
        %swap3A_717 = tpu.vector_load %arg13[%swap3A_716] {strides = array<i32>} : memref<8192xf32, #tpu.memory_space<vmem>>, vector<16xf32>,
        tpu.vector_store %arg13[%swap3A_716], %add3A_715 {strides = array<i32>} : memref<8192xf32, #tpu.memory_space<vmem>>, vector<16xf32>,
        %mul3A_718 = arith.mulf %get3A_701, %get3A_31 : vector<16xf32>
        %mul3A_719 = arith.mulf %get3A_705, %get3A_35 : vector<16xf32>
        %add3A_720 = arith.addf %mul3A_718, %mul3A_719 : vector<16xf32>
        %mul3A_721 = arith.mulf %get3A_709, %get3A_39 : vector<16xf32>
        %add3A_722 = arith.addf %add3A_720, %mul3A_721 : vector<16xf32>
        %add3A_723 = arith.addf %add3A_722, %get3A_59 : vector<16xf32>
        %add3A_724 = arith.constant 2048 : i32
        %add3A_725 = arith.addi %add3A_724, %mul3A_699 : i32
        %swap3A_726 = arith.index_cast %add3A_725 : i32 to index
        %swap3A_727 = tpu.vector_load %arg13[%swap3A_726] {strides = array<i32>} : memref<8192xf32, #tpu.memory_space<vmem>>, vector<16xf32>,
        tpu.vector_store %arg13[%swap3A_726], %add3A_723 {strides = array<i32>} : memref<8192xf32, #tpu.memory_space<vmem>>, vector<16xf32>,
        %mul3A_728 = arith.mulf %get3A_701, %get3A_43 : vector<16xf32>
        %mul3A_729 = arith.mulf %get3A_705, %get3A_47 : vector<16xf32>
        %add3A_730 = arith.addf %mul3A_728, %mul3A_729 : vector<16xf32>
        %mul3A_731 = arith.mulf %get3A_709, %get3A_51 : vector<16xf32>
        %add3A_732 = arith.addf %add3A_730, %mul3A_731 : vector<16xf32>
        %add3A_733 = arith.addf %add3A_732, %get3A_63 : vector<16xf32>
        %add3A_734 = arith.constant 4096 : i32
        %add3A_735 = arith.addi %add3A_734, %mul3A_699 : i32
        %swap3A_736 = arith.index_cast %add3A_735 : i32 to index
        %swap3A_737 = tpu.vector_load %arg13[%swap3A_736] {strides = array<i32>} : memref<8192xf32, #tpu.memory_space<vmem>>, vector<16xf32>,
        tpu.vector_store %arg13[%swap3A_736], %add3A_733 {strides = array<i32>} : memref<8192xf32, #tpu.memory_space<vmem>>, vector<16xf32>,
        %get3A_738 = arith.index_cast %mul3A_699 : i32 to index
        %get3A_739 = tpu.vector_load %arg12[%get3A_738] {strides = array<i32>} : memref<2048xi32, #tpu.memory_space<vmem>>, vector<16xi32>,
        %swap3A_740 = arith.index_cast %mul3A_699 : i32 to index
        %swap3A_741 = tpu.vector_load %arg14[%swap3A_740] {strides = array<i32>} : memref<2048xi32, #tpu.memory_space<vmem>>, vector<16xi32>,
        tpu.vector_store %arg14[%swap3A_740], %get3A_739 {strides = array<i32>} : memref<2048xi32, #tpu.memory_space<vmem>>, vector<16xi32>,
        %mul3A_742 = arith.constant 4 : i32
        %mul3A_743 = arith.muli %scan3A_598, %mul3A_742 : i32
        %add3A_744 = arith.constant 3 : i32
        %add3A_745 = arith.addi %mul3A_743, %add3A_744 : i32
        %mul3A_746 = arith.constant 16 : i32
        %mul3A_747 = arith.muli %add3A_745, %mul3A_746 : i32
        %get3A_748 = arith.index_cast %mul3A_747 : i32 to index
        %get3A_749 = tpu.vector_load %arg11[%get3A_748] {strides = array<i32>} : memref<6144xf32, #tpu.memory_space<vmem>>, vector<16xf32>,
        %add3A_750 = arith.constant 2048 : i32
        %add3A_751 = arith.addi %add3A_750, %mul3A_747 : i32
        %get3A_752 = arith.index_cast %add3A_751 : i32 to index
        %get3A_753 = tpu.vector_load %arg11[%get3A_752] {strides = array<i32>} : memref<6144xf32, #tpu.memory_space<vmem>>, vector<16xf32>,
        %add3A_754 = arith.constant 4096 : i32
        %add3A_755 = arith.addi %add3A_754, %mul3A_747 : i32
        %get3A_756 = arith.index_cast %add3A_755 : i32 to index
        %get3A_757 = tpu.vector_load %arg11[%get3A_756] {strides = array<i32>} : memref<6144xf32, #tpu.memory_space<vmem>>, vector<16xf32>,
        %mul3A_758 = arith.mulf %get3A_749, %get3A_19 : vector<16xf32>
        %mul3A_759 = arith.mulf %get3A_753, %get3A_23 : vector<16xf32>
        %add3A_760 = arith.addf %mul3A_758, %mul3A_759 : vector<16xf32>
        %mul3A_761 = arith.mulf %get3A_757, %get3A_27 : vector<16xf32>
        %add3A_762 = arith.addf %add3A_760, %mul3A_761 : vector<16xf32>
        %add3A_763 = arith.addf %add3A_762, %get3A_55 : vector<16xf32>
        %swap3A_764 = arith.index_cast %mul3A_747 : i32 to index
        %swap3A_765 = tpu.vector_load %arg13[%swap3A_764] {strides = array<i32>} : memref<8192xf32, #tpu.memory_space<vmem>>, vector<16xf32>,
        tpu.vector_store %arg13[%swap3A_764], %add3A_763 {strides = array<i32>} : memref<8192xf32, #tpu.memory_space<vmem>>, vector<16xf32>,
        %mul3A_766 = arith.mulf %get3A_749, %get3A_31 : vector<16xf32>
        %mul3A_767 = arith.mulf %get3A_753, %get3A_35 : vector<16xf32>
        %add3A_768 = arith.addf %mul3A_766, %mul3A_767 : vector<16xf32>
        %mul3A_769 = arith.mulf %get3A_757, %get3A_39 : vector<16xf32>
        %add3A_770 = arith.addf %add3A_768, %mul3A_769 : vector<16xf32>
        %add3A_771 = arith.addf %add3A_770, %get3A_59 : vector<16xf32>
        %add3A_772 = arith.constant 2048 : i32
        %add3A_773 = arith.addi %add3A_772, %mul3A_747 : i32
        %swap3A_774 = arith.index_cast %add3A_773 : i32 to index
        %swap3A_775 = tpu.vector_load %arg13[%swap3A_774] {strides = array<i32>} : memref<8192xf32, #tpu.memory_space<vmem>>, vector<16xf32>,
        tpu.vector_store %arg13[%swap3A_774], %add3A_771 {strides = array<i32>} : memref<8192xf32, #tpu.memory_space<vmem>>, vector<16xf32>,
        %mul3A_776 = arith.mulf %get3A_749, %get3A_43 : vector<16xf32>
        %mul3A_777 = arith.mulf %get3A_753, %get3A_47 : vector<16xf32>
        %add3A_778 = arith.addf %mul3A_776, %mul3A_777 : vector<16xf32>
        %mul3A_779 = arith.mulf %get3A_757, %get3A_51 : vector<16xf32>
        %add3A_780 = arith.addf %add3A_778, %mul3A_779 : vector<16xf32>
        %add3A_781 = arith.addf %add3A_780, %get3A_63 : vector<16xf32>
        %add3A_782 = arith.constant 4096 : i32
        %add3A_783 = arith.addi %add3A_782, %mul3A_747 : i32
        %swap3A_784 = arith.index_cast %add3A_783 : i32 to index
        %swap3A_785 = tpu.vector_load %arg13[%swap3A_784] {strides = array<i32>} : memref<8192xf32, #tpu.memory_space<vmem>>, vector<16xf32>,
        tpu.vector_store %arg13[%swap3A_784], %add3A_781 {strides = array<i32>} : memref<8192xf32, #tpu.memory_space<vmem>>, vector<16xf32>,
        %get3A_786 = arith.index_cast %mul3A_747 : i32 to index
        %get3A_787 = tpu.vector_load %arg12[%get3A_786] {strides = array<i32>} : memref<2048xi32, #tpu.memory_space<vmem>>, vector<16xi32>,
        %swap3A_788 = arith.index_cast %mul3A_747 : i32 to index
        %swap3A_789 = tpu.vector_load %arg14[%swap3A_788] {strides = array<i32>} : memref<2048xi32, #tpu.memory_space<vmem>>, vector<16xi32>,
        tpu.vector_store %arg14[%swap3A_788], %get3A_787 {strides = array<i32>} : memref<2048xi32, #tpu.memory_space<vmem>>, vector<16xi32>,
      }
      %scan3A_440 = arith.constant 32 : i32
      %dma_start3A_441 = arith.constant 0 : i32
      %dma_start3A_442 = tpu.memref_slice %arg13[%dma_start3A_441] : memref<8192xf32, #tpu.memory_space<vmem>> -> memref<2048xf32, #tpu.memory_space<vmem>>
      %dma_start3A_443 = arith.constant 0 : i32
      %dma_start3A_444 = tpu.memref_slice %arg7[%dma_start3A_443] : memref<100352xf32, #tpu.memory_space<vmem_shared>> -> memref<100352xf32, #tpu.memory_space<vmem_shared>>
      tpu.enqueue_indirect_dma source(%dma_start3A_442 : memref<2048xf32, #tpu.memory_space<vmem>>) target(%dma_start3A_444 : memref<100352xf32, #tpu.memory_space<vmem_shared>>) offsets(%arg14 : memref<2048xi32, #tpu.memory_space<vmem>>) semaphore(%arg22 : memref<!tpu.dma_semaphore, #tpu.memory_space<semaphore_mem>>) {add = true}
      %dma_start3A_445 = arith.constant 2048 : i32
      %dma_start3A_446 = tpu.memref_slice %arg13[%dma_start3A_445] : memref<8192xf32, #tpu.memory_space<vmem>> -> memref<2048xf32, #tpu.memory_space<vmem>>
      %dma_start3A_447 = arith.constant 0 : i32
      %dma_start3A_448 = tpu.memref_slice %arg8[%dma_start3A_447] : memref<100352xf32, #tpu.memory_space<vmem_shared>> -> memref<100352xf32, #tpu.memory_space<vmem_shared>>
      tpu.enqueue_indirect_dma source(%dma_start3A_446 : memref<2048xf32, #tpu.memory_space<vmem>>) target(%dma_start3A_448 : memref<100352xf32, #tpu.memory_space<vmem_shared>>) offsets(%arg14 : memref<2048xi32, #tpu.memory_space<vmem>>) semaphore(%arg22 : memref<!tpu.dma_semaphore, #tpu.memory_space<semaphore_mem>>) {add = true}
      %dma_start3A_449 = arith.constant 4096 : i32
      %dma_start3A_450 = tpu.memref_slice %arg13[%dma_start3A_449] : memref<8192xf32, #tpu.memory_space<vmem>> -> memref<2048xf32, #tpu.memory_space<vmem>>
      %dma_start3A_451 = arith.constant 0 : i32
      %dma_start3A_452 = tpu.memref_slice %arg9[%dma_start3A_451] : memref<100352xf32, #tpu.memory_space<vmem_shared>> -> memref<100352xf32, #tpu.memory_space<vmem_shared>>
      tpu.enqueue_indirect_dma source(%dma_start3A_450 : memref<2048xf32, #tpu.memory_space<vmem>>) target(%dma_start3A_452 : memref<100352xf32, #tpu.memory_space<vmem_shared>>) offsets(%arg14 : memref<2048xi32, #tpu.memory_space<vmem>>) semaphore(%arg22 : memref<!tpu.dma_semaphore, #tpu.memory_space<semaphore_mem>>) {add = true}
      %dma_start3A_453 = arith.constant 6144 : i32
      %dma_start3A_454 = tpu.memref_slice %arg13[%dma_start3A_453] : memref<8192xf32, #tpu.memory_space<vmem>> -> memref<2048xf32, #tpu.memory_space<vmem>>
      %dma_start3A_455 = arith.constant 0 : i32
      %dma_start3A_456 = tpu.memref_slice %arg10[%dma_start3A_455] : memref<100352xf32, #tpu.memory_space<vmem_shared>> -> memref<100352xf32, #tpu.memory_space<vmem_shared>>
      tpu.enqueue_indirect_dma source(%dma_start3A_454 : memref<2048xf32, #tpu.memory_space<vmem>>) target(%dma_start3A_456 : memref<100352xf32, #tpu.memory_space<vmem_shared>>) offsets(%arg14 : memref<2048xi32, #tpu.memory_space<vmem>>) semaphore(%arg22 : memref<!tpu.dma_semaphore, #tpu.memory_space<semaphore_mem>>) {add = true}
      %mul3A_457 = arith.constant 2 : i32
      %mul3A_458 = arith.muli %scan3A_399, %mul3A_457 : i32
      %add3A_459 = arith.constant 0 : i32
      %add3A_460 = arith.addi %mul3A_458, %add3A_459 : i32
      %add3A_461 = arith.constant 2 : i32
      %add3A_462 = arith.addi %add3A_460, %add3A_461 : i32
      %mul3A_463 = arith.constant 16 : i32
      %mul3A_464 = arith.muli %add3A_462, %mul3A_463 : i32
      %add3A_465 = arith.addi %add3A_78, %mul3A_464 : i32
      %min3A_466 = arith.constant 49984 : i32
      %min3A_467 = arith.minsi %add3A_465, %min3A_466 : i32
      %mul3A_468 = arith.constant 128 : i32
      %mul3A_469 = arith.muli %min3A_467, %mul3A_468 : i32
      %add3A_470 = arith.constant 6400000 : i32
      %add3A_471 = arith.addi %add3A_470, %mul3A_469 : i32
      %add3A_472 = arith.constant 12800000 : i32
      %add3A_473 = arith.addi %add3A_472, %mul3A_469 : i32
      %dma_start3A_474 = arith.constant 0 : i32
      %dma_start3A_475 = tpu.memref_slice %arg11[%dma_start3A_474] : memref<6144xf32, #tpu.memory_space<vmem>> -> memref<2048xf32, #tpu.memory_space<vmem>>
      %dma_start3A_476 = tpu.memref_slice %arg2[%mul3A_469] : memref<19200000xf32, #tpu.memory_space<hbm>> -> memref<2048xf32, #tpu.memory_space<hbm>>
      %dma_start3A_477 = arith.constant 0 : i32
      %dma_start3A_478 = tpu.memref_slice %arg11[%dma_start3A_477] : memref<6144xf32, #tpu.memory_space<vmem>> -> memref<2048xf32, #tpu.memory_space<vmem>>
      %dma_start3A_479 = tpu.memref_slice %arg2[%mul3A_469] : memref<19200000xf32, #tpu.memory_space<hbm>> -> memref<2048xf32, #tpu.memory_space<hbm>>
      tpu.enqueue_dma source(%dma_start3A_479 : memref<2048xf32, #tpu.memory_space<hbm>>) target(%dma_start3A_478 : memref<2048xf32, #tpu.memory_space<vmem>>) target_semaphore(%arg24 : memref<!tpu.dma_semaphore, #tpu.memory_space<semaphore_mem>>)
      %dma_start3A_480 = arith.constant 2048 : i32
      %dma_start3A_481 = tpu.memref_slice %arg11[%dma_start3A_480] : memref<6144xf32, #tpu.memory_space<vmem>> -> memref<2048xf32, #tpu.memory_space<vmem>>
      %dma_start3A_482 = tpu.memref_slice %arg2[%add3A_471] : memref<19200000xf32, #tpu.memory_space<hbm>> -> memref<2048xf32, #tpu.memory_space<hbm>>
      %dma_start3A_483 = arith.constant 2048 : i32
      %dma_start3A_484 = tpu.memref_slice %arg11[%dma_start3A_483] : memref<6144xf32, #tpu.memory_space<vmem>> -> memref<2048xf32, #tpu.memory_space<vmem>>
      %dma_start3A_485 = tpu.memref_slice %arg2[%add3A_471] : memref<19200000xf32, #tpu.memory_space<hbm>> -> memref<2048xf32, #tpu.memory_space<hbm>>
      tpu.enqueue_dma source(%dma_start3A_485 : memref<2048xf32, #tpu.memory_space<hbm>>) target(%dma_start3A_484 : memref<2048xf32, #tpu.memory_space<vmem>>) target_semaphore(%arg24 : memref<!tpu.dma_semaphore, #tpu.memory_space<semaphore_mem>>)
      %dma_start3A_486 = arith.constant 4096 : i32
      %dma_start3A_487 = tpu.memref_slice %arg11[%dma_start3A_486] : memref<6144xf32, #tpu.memory_space<vmem>> -> memref<2048xf32, #tpu.memory_space<vmem>>
      %dma_start3A_488 = tpu.memref_slice %arg2[%add3A_473] : memref<19200000xf32, #tpu.memory_space<hbm>> -> memref<2048xf32, #tpu.memory_space<hbm>>
      %dma_start3A_489 = arith.constant 4096 : i32
      %dma_start3A_490 = tpu.memref_slice %arg11[%dma_start3A_489] : memref<6144xf32, #tpu.memory_space<vmem>> -> memref<2048xf32, #tpu.memory_space<vmem>>
      %dma_start3A_491 = tpu.memref_slice %arg2[%add3A_473] : memref<19200000xf32, #tpu.memory_space<hbm>> -> memref<2048xf32, #tpu.memory_space<hbm>>
      tpu.enqueue_dma source(%dma_start3A_491 : memref<2048xf32, #tpu.memory_space<hbm>>) target(%dma_start3A_490 : memref<2048xf32, #tpu.memory_space<vmem>>) target_semaphore(%arg24 : memref<!tpu.dma_semaphore, #tpu.memory_space<semaphore_mem>>)
      %dma_start3A_492 = arith.constant 0 : i32
      %dma_start3A_493 = tpu.memref_slice %arg12[%dma_start3A_492] : memref<2048xi32, #tpu.memory_space<vmem>> -> memref<2048xi32, #tpu.memory_space<vmem>>
      %dma_start3A_494 = tpu.memref_slice %arg3[%mul3A_469] : memref<6400000xi32, #tpu.memory_space<hbm>> -> memref<2048xi32, #tpu.memory_space<hbm>>
      %dma_start3A_495 = arith.constant 0 : i32
      %dma_start3A_496 = tpu.memref_slice %arg12[%dma_start3A_495] : memref<2048xi32, #tpu.memory_space<vmem>> -> memref<2048xi32, #tpu.memory_space<vmem>>
      %dma_start3A_497 = tpu.memref_slice %arg3[%mul3A_469] : memref<6400000xi32, #tpu.memory_space<hbm>> -> memref<2048xi32, #tpu.memory_space<hbm>>
      tpu.enqueue_dma source(%dma_start3A_497 : memref<2048xi32, #tpu.memory_space<hbm>>) target(%dma_start3A_496 : memref<2048xi32, #tpu.memory_space<vmem>>) target_semaphore(%arg24 : memref<!tpu.dma_semaphore, #tpu.memory_space<semaphore_mem>>)
      %gt3A_498 = arith.constant 0 : i32
      %gt3A_499 = arith.cmpi sgt, %scan3A_399, %gt3A_498 : i32
      %convert_element_type3A_500 = arith.extui %gt3A_499 : i1 to i32
      %cond3A_501 = arith.constant 0 : i32
      %cond3A_502 = arith.cmpi ne, %convert_element_type3A_500, %cond3A_501 : i32
      scf.if %cond3A_502 {
        %dma_wait3A_598 = arith.constant 0 : i32
        %dma_wait3A_599 = tpu.memref_slice %arg17[%dma_wait3A_598] : memref<8192xf32, #tpu.memory_space<vmem>> -> memref<2048xf32, #tpu.memory_space<vmem>>
        %dma_wait3A_600 = arith.constant 0 : i32
        %dma_wait3A_601 = tpu.memref_slice %arg7[%dma_wait3A_600] : memref<100352xf32, #tpu.memory_space<vmem_shared>> -> memref<100352xf32, #tpu.memory_space<vmem_shared>>
        tpu.wait_indirect_dma semaphore(%arg23 : memref<!tpu.dma_semaphore, #tpu.memory_space<semaphore_mem>>) src(%dma_wait3A_599 : memref<2048xf32, #tpu.memory_space<vmem>>) dst(%dma_wait3A_601 : memref<100352xf32, #tpu.memory_space<vmem_shared>>)
        %dma_wait3A_602 = arith.constant 2048 : i32
        %dma_wait3A_603 = tpu.memref_slice %arg17[%dma_wait3A_602] : memref<8192xf32, #tpu.memory_space<vmem>> -> memref<2048xf32, #tpu.memory_space<vmem>>
        %dma_wait3A_604 = arith.constant 0 : i32
        %dma_wait3A_605 = tpu.memref_slice %arg8[%dma_wait3A_604] : memref<100352xf32, #tpu.memory_space<vmem_shared>> -> memref<100352xf32, #tpu.memory_space<vmem_shared>>
        tpu.wait_indirect_dma semaphore(%arg23 : memref<!tpu.dma_semaphore, #tpu.memory_space<semaphore_mem>>) src(%dma_wait3A_603 : memref<2048xf32, #tpu.memory_space<vmem>>) dst(%dma_wait3A_605 : memref<100352xf32, #tpu.memory_space<vmem_shared>>)
        %dma_wait3A_606 = arith.constant 4096 : i32
        %dma_wait3A_607 = tpu.memref_slice %arg17[%dma_wait3A_606] : memref<8192xf32, #tpu.memory_space<vmem>> -> memref<2048xf32, #tpu.memory_space<vmem>>
        %dma_wait3A_608 = arith.constant 0 : i32
        %dma_wait3A_609 = tpu.memref_slice %arg9[%dma_wait3A_608] : memref<100352xf32, #tpu.memory_space<vmem_shared>> -> memref<100352xf32, #tpu.memory_space<vmem_shared>>
        tpu.wait_indirect_dma semaphore(%arg23 : memref<!tpu.dma_semaphore, #tpu.memory_space<semaphore_mem>>) src(%dma_wait3A_607 : memref<2048xf32, #tpu.memory_space<vmem>>) dst(%dma_wait3A_609 : memref<100352xf32, #tpu.memory_space<vmem_shared>>)
        %dma_wait3A_610 = arith.constant 6144 : i32
        %dma_wait3A_611 = tpu.memref_slice %arg17[%dma_wait3A_610] : memref<8192xf32, #tpu.memory_space<vmem>> -> memref<2048xf32, #tpu.memory_space<vmem>>
        %dma_wait3A_612 = arith.constant 0 : i32
        %dma_wait3A_613 = tpu.memref_slice %arg10[%dma_wait3A_612] : memref<100352xf32, #tpu.memory_space<vmem_shared>> -> memref<100352xf32, #tpu.memory_space<vmem_shared>>
        tpu.wait_indirect_dma semaphore(%arg23 : memref<!tpu.dma_semaphore, #tpu.memory_space<semaphore_mem>>) src(%dma_wait3A_611 : memref<2048xf32, #tpu.memory_space<vmem>>) dst(%dma_wait3A_613 : memref<100352xf32, #tpu.memory_space<vmem_shared>>)
      } else {
      }
      %dma_wait3A_503 = arith.constant 0 : i32
      %dma_wait3A_504 = tpu.memref_slice %arg15[%dma_wait3A_503] : memref<6144xf32, #tpu.memory_space<vmem>> -> memref<2048xf32, #tpu.memory_space<vmem>>
      %dma_wait3A_505 = arith.constant 0 : i32
      %dma_wait3A_506 = tpu.memref_slice %arg2[%dma_wait3A_505] : memref<19200000xf32, #tpu.memory_space<hbm>> -> memref<2048xf32, #tpu.memory_space<hbm>>
      %dma_wait3A_507 = arith.constant 0 : i32
      %dma_wait3A_508 = tpu.memref_slice %arg15[%dma_wait3A_507] : memref<6144xf32, #tpu.memory_space<vmem>> -> memref<2048xf32, #tpu.memory_space<vmem>>
      %dma_wait3A_509 = arith.constant 0 : i32
      %dma_wait3A_510 = tpu.memref_slice %arg2[%dma_wait3A_509] : memref<19200000xf32, #tpu.memory_space<hbm>> -> memref<2048xf32, #tpu.memory_space<hbm>>
      tpu.wait_dma2 semaphore(%arg25 : memref<!tpu.dma_semaphore, #tpu.memory_space<semaphore_mem>>) src(%dma_wait3A_510 : memref<2048xf32, #tpu.memory_space<hbm>>) dst(%dma_wait3A_508 : memref<2048xf32, #tpu.memory_space<vmem>>)
      %dma_wait3A_511 = arith.constant 2048 : i32
      %dma_wait3A_512 = tpu.memref_slice %arg15[%dma_wait3A_511] : memref<6144xf32, #tpu.memory_space<vmem>> -> memref<2048xf32, #tpu.memory_space<vmem>>
      %dma_wait3A_513 = arith.constant 6400000 : i32
      %dma_wait3A_514 = tpu.memref_slice %arg2[%dma_wait3A_513] : memref<19200000xf32, #tpu.memory_space<hbm>> -> memref<2048xf32, #tpu.memory_space<hbm>>
      %dma_wait3A_515 = arith.constant 2048 : i32
      %dma_wait3A_516 = tpu.memref_slice %arg15[%dma_wait3A_515] : memref<6144xf32, #tpu.memory_space<vmem>> -> memref<2048xf32, #tpu.memory_space<vmem>>
      %dma_wait3A_517 = arith.constant 6400000 : i32
      %dma_wait3A_518 = tpu.memref_slice %arg2[%dma_wait3A_517] : memref<19200000xf32, #tpu.memory_space<hbm>> -> memref<2048xf32, #tpu.memory_space<hbm>>
      tpu.wait_dma2 semaphore(%arg25 : memref<!tpu.dma_semaphore, #tpu.memory_space<semaphore_mem>>) src(%dma_wait3A_518 : memref<2048xf32, #tpu.memory_space<hbm>>) dst(%dma_wait3A_516 : memref<2048xf32, #tpu.memory_space<vmem>>)
      %dma_wait3A_519 = arith.constant 4096 : i32
      %dma_wait3A_520 = tpu.memref_slice %arg15[%dma_wait3A_519] : memref<6144xf32, #tpu.memory_space<vmem>> -> memref<2048xf32, #tpu.memory_space<vmem>>
      %dma_wait3A_521 = arith.constant 12800000 : i32
      %dma_wait3A_522 = tpu.memref_slice %arg2[%dma_wait3A_521] : memref<19200000xf32, #tpu.memory_space<hbm>> -> memref<2048xf32, #tpu.memory_space<hbm>>
      %dma_wait3A_523 = arith.constant 4096 : i32
      %dma_wait3A_524 = tpu.memref_slice %arg15[%dma_wait3A_523] : memref<6144xf32, #tpu.memory_space<vmem>> -> memref<2048xf32, #tpu.memory_space<vmem>>
      %dma_wait3A_525 = arith.constant 12800000 : i32
      %dma_wait3A_526 = tpu.memref_slice %arg2[%dma_wait3A_525] : memref<19200000xf32, #tpu.memory_space<hbm>> -> memref<2048xf32, #tpu.memory_space<hbm>>
      tpu.wait_dma2 semaphore(%arg25 : memref<!tpu.dma_semaphore, #tpu.memory_space<semaphore_mem>>) src(%dma_wait3A_526 : memref<2048xf32, #tpu.memory_space<hbm>>) dst(%dma_wait3A_524 : memref<2048xf32, #tpu.memory_space<vmem>>)
      %dma_wait3A_527 = arith.constant 0 : i32
      %dma_wait3A_528 = tpu.memref_slice %arg16[%dma_wait3A_527] : memref<2048xi32, #tpu.memory_space<vmem>> -> memref<2048xi32, #tpu.memory_space<vmem>>
      %dma_wait3A_529 = arith.constant 0 : i32
      %dma_wait3A_530 = tpu.memref_slice %arg3[%dma_wait3A_529] : memref<6400000xi32, #tpu.memory_space<hbm>> -> memref<2048xi32, #tpu.memory_space<hbm>>
      %dma_wait3A_531 = arith.constant 0 : i32
      %dma_wait3A_532 = tpu.memref_slice %arg16[%dma_wait3A_531] : memref<2048xi32, #tpu.memory_space<vmem>> -> memref<2048xi32, #tpu.memory_space<vmem>>
      %dma_wait3A_533 = arith.constant 0 : i32
      %dma_wait3A_534 = tpu.memref_slice %arg3[%dma_wait3A_533] : memref<6400000xi32, #tpu.memory_space<hbm>> -> memref<2048xi32, #tpu.memory_space<hbm>>
      tpu.wait_dma2 semaphore(%arg25 : memref<!tpu.dma_semaphore, #tpu.memory_space<semaphore_mem>>) src(%dma_wait3A_534 : memref<2048xi32, #tpu.memory_space<hbm>>) dst(%dma_wait3A_532 : memref<2048xi32, #tpu.memory_space<vmem>>)
      %scan3A_535 = arith.constant 0 : i32
      %scan3A_536 = arith.constant 0 : i32
      %scan3A_537 = arith.constant 32 : i32
      %scan3A_538 = arith.addi %scan3A_536, %scan3A_537 : i32
      %scan3A_539 = arith.constant 1 : i32
      scf.for %scan3A_598 = %scan3A_536 to %scan3A_538 step %scan3A_539  : i32 {
        %mul3A_599 = arith.constant 4 : i32
        %mul3A_600 = arith.muli %scan3A_598, %mul3A_599 : i32
        %add3A_601 = arith.constant 0 : i32
        %add3A_602 = arith.addi %mul3A_600, %add3A_601 : i32
        %mul3A_603 = arith.constant 16 : i32
        %mul3A_604 = arith.muli %add3A_602, %mul3A_603 : i32
        %get3A_605 = arith.index_cast %mul3A_604 : i32 to index
        %get3A_606 = tpu.vector_load %arg15[%get3A_605] {strides = array<i32>} : memref<6144xf32, #tpu.memory_space<vmem>>, vector<16xf32>,
        %add3A_607 = arith.constant 2048 : i32
        %add3A_608 = arith.addi %add3A_607, %mul3A_604 : i32
        %get3A_609 = arith.index_cast %add3A_608 : i32 to index
        %get3A_610 = tpu.vector_load %arg15[%get3A_609] {strides = array<i32>} : memref<6144xf32, #tpu.memory_space<vmem>>, vector<16xf32>,
        %add3A_611 = arith.constant 4096 : i32
        %add3A_612 = arith.addi %add3A_611, %mul3A_604 : i32
        %get3A_613 = arith.index_cast %add3A_612 : i32 to index
        %get3A_614 = tpu.vector_load %arg15[%get3A_613] {strides = array<i32>} : memref<6144xf32, #tpu.memory_space<vmem>>, vector<16xf32>,
        %mul3A_615 = arith.mulf %get3A_606, %get3A_19 : vector<16xf32>
        %mul3A_616 = arith.mulf %get3A_610, %get3A_23 : vector<16xf32>
        %add3A_617 = arith.addf %mul3A_615, %mul3A_616 : vector<16xf32>
        %mul3A_618 = arith.mulf %get3A_614, %get3A_27 : vector<16xf32>
        %add3A_619 = arith.addf %add3A_617, %mul3A_618 : vector<16xf32>
        %add3A_620 = arith.addf %add3A_619, %get3A_55 : vector<16xf32>
        %swap3A = arith.index_cast %mul3A_604 : i32 to index
        %swap3A_621 = tpu.vector_load %arg17[%swap3A] {strides = array<i32>} : memref<8192xf32, #tpu.memory_space<vmem>>, vector<16xf32>,
        tpu.vector_store %arg17[%swap3A], %add3A_620 {strides = array<i32>} : memref<8192xf32, #tpu.memory_space<vmem>>, vector<16xf32>,
        %mul3A_622 = arith.mulf %get3A_606, %get3A_31 : vector<16xf32>
        %mul3A_623 = arith.mulf %get3A_610, %get3A_35 : vector<16xf32>
        %add3A_624 = arith.addf %mul3A_622, %mul3A_623 : vector<16xf32>
        %mul3A_625 = arith.mulf %get3A_614, %get3A_39 : vector<16xf32>
        %add3A_626 = arith.addf %add3A_624, %mul3A_625 : vector<16xf32>
        %add3A_627 = arith.addf %add3A_626, %get3A_59 : vector<16xf32>
        %add3A_628 = arith.constant 2048 : i32
        %add3A_629 = arith.addi %add3A_628, %mul3A_604 : i32
        %swap3A_630 = arith.index_cast %add3A_629 : i32 to index
        %swap3A_631 = tpu.vector_load %arg17[%swap3A_630] {strides = array<i32>} : memref<8192xf32, #tpu.memory_space<vmem>>, vector<16xf32>,
        tpu.vector_store %arg17[%swap3A_630], %add3A_627 {strides = array<i32>} : memref<8192xf32, #tpu.memory_space<vmem>>, vector<16xf32>,
        %mul3A_632 = arith.mulf %get3A_606, %get3A_43 : vector<16xf32>
        %mul3A_633 = arith.mulf %get3A_610, %get3A_47 : vector<16xf32>
        %add3A_634 = arith.addf %mul3A_632, %mul3A_633 : vector<16xf32>
        %mul3A_635 = arith.mulf %get3A_614, %get3A_51 : vector<16xf32>
        %add3A_636 = arith.addf %add3A_634, %mul3A_635 : vector<16xf32>
        %add3A_637 = arith.addf %add3A_636, %get3A_63 : vector<16xf32>
        %add3A_638 = arith.constant 4096 : i32
        %add3A_639 = arith.addi %add3A_638, %mul3A_604 : i32
        %swap3A_640 = arith.index_cast %add3A_639 : i32 to index
        %swap3A_641 = tpu.vector_load %arg17[%swap3A_640] {strides = array<i32>} : memref<8192xf32, #tpu.memory_space<vmem>>, vector<16xf32>,
        tpu.vector_store %arg17[%swap3A_640], %add3A_637 {strides = array<i32>} : memref<8192xf32, #tpu.memory_space<vmem>>, vector<16xf32>,
        %get3A_642 = arith.index_cast %mul3A_604 : i32 to index
        %get3A_643 = tpu.vector_load %arg16[%get3A_642] {strides = array<i32>} : memref<2048xi32, #tpu.memory_space<vmem>>, vector<16xi32>,
        %swap3A_644 = arith.index_cast %mul3A_604 : i32 to index
        %swap3A_645 = tpu.vector_load %arg18[%swap3A_644] {strides = array<i32>} : memref<2048xi32, #tpu.memory_space<vmem>>, vector<16xi32>,
        tpu.vector_store %arg18[%swap3A_644], %get3A_643 {strides = array<i32>} : memref<2048xi32, #tpu.memory_space<vmem>>, vector<16xi32>,
        %mul3A_646 = arith.constant 4 : i32
        %mul3A_647 = arith.muli %scan3A_598, %mul3A_646 : i32
        %add3A_648 = arith.constant 1 : i32
        %add3A_649 = arith.addi %mul3A_647, %add3A_648 : i32
        %mul3A_650 = arith.constant 16 : i32
        %mul3A_651 = arith.muli %add3A_649, %mul3A_650 : i32
        %get3A_652 = arith.index_cast %mul3A_651 : i32 to index
        %get3A_653 = tpu.vector_load %arg15[%get3A_652] {strides = array<i32>} : memref<6144xf32, #tpu.memory_space<vmem>>, vector<16xf32>,
        %add3A_654 = arith.constant 2048 : i32
        %add3A_655 = arith.addi %add3A_654, %mul3A_651 : i32
        %get3A_656 = arith.index_cast %add3A_655 : i32 to index
        %get3A_657 = tpu.vector_load %arg15[%get3A_656] {strides = array<i32>} : memref<6144xf32, #tpu.memory_space<vmem>>, vector<16xf32>,
        %add3A_658 = arith.constant 4096 : i32
        %add3A_659 = arith.addi %add3A_658, %mul3A_651 : i32
        %get3A_660 = arith.index_cast %add3A_659 : i32 to index
        %get3A_661 = tpu.vector_load %arg15[%get3A_660] {strides = array<i32>} : memref<6144xf32, #tpu.memory_space<vmem>>, vector<16xf32>,
        %mul3A_662 = arith.mulf %get3A_653, %get3A_19 : vector<16xf32>
        %mul3A_663 = arith.mulf %get3A_657, %get3A_23 : vector<16xf32>
        %add3A_664 = arith.addf %mul3A_662, %mul3A_663 : vector<16xf32>
        %mul3A_665 = arith.mulf %get3A_661, %get3A_27 : vector<16xf32>
        %add3A_666 = arith.addf %add3A_664, %mul3A_665 : vector<16xf32>
        %add3A_667 = arith.addf %add3A_666, %get3A_55 : vector<16xf32>
        %swap3A_668 = arith.index_cast %mul3A_651 : i32 to index
        %swap3A_669 = tpu.vector_load %arg17[%swap3A_668] {strides = array<i32>} : memref<8192xf32, #tpu.memory_space<vmem>>, vector<16xf32>,
        tpu.vector_store %arg17[%swap3A_668], %add3A_667 {strides = array<i32>} : memref<8192xf32, #tpu.memory_space<vmem>>, vector<16xf32>,
        %mul3A_670 = arith.mulf %get3A_653, %get3A_31 : vector<16xf32>
        %mul3A_671 = arith.mulf %get3A_657, %get3A_35 : vector<16xf32>
        %add3A_672 = arith.addf %mul3A_670, %mul3A_671 : vector<16xf32>
        %mul3A_673 = arith.mulf %get3A_661, %get3A_39 : vector<16xf32>
        %add3A_674 = arith.addf %add3A_672, %mul3A_673 : vector<16xf32>
        %add3A_675 = arith.addf %add3A_674, %get3A_59 : vector<16xf32>
        %add3A_676 = arith.constant 2048 : i32
        %add3A_677 = arith.addi %add3A_676, %mul3A_651 : i32
        %swap3A_678 = arith.index_cast %add3A_677 : i32 to index
        %swap3A_679 = tpu.vector_load %arg17[%swap3A_678] {strides = array<i32>} : memref<8192xf32, #tpu.memory_space<vmem>>, vector<16xf32>,
        tpu.vector_store %arg17[%swap3A_678], %add3A_675 {strides = array<i32>} : memref<8192xf32, #tpu.memory_space<vmem>>, vector<16xf32>,
        %mul3A_680 = arith.mulf %get3A_653, %get3A_43 : vector<16xf32>
        %mul3A_681 = arith.mulf %get3A_657, %get3A_47 : vector<16xf32>
        %add3A_682 = arith.addf %mul3A_680, %mul3A_681 : vector<16xf32>
        %mul3A_683 = arith.mulf %get3A_661, %get3A_51 : vector<16xf32>
        %add3A_684 = arith.addf %add3A_682, %mul3A_683 : vector<16xf32>
        %add3A_685 = arith.addf %add3A_684, %get3A_63 : vector<16xf32>
        %add3A_686 = arith.constant 4096 : i32
        %add3A_687 = arith.addi %add3A_686, %mul3A_651 : i32
        %swap3A_688 = arith.index_cast %add3A_687 : i32 to index
        %swap3A_689 = tpu.vector_load %arg17[%swap3A_688] {strides = array<i32>} : memref<8192xf32, #tpu.memory_space<vmem>>, vector<16xf32>,
        tpu.vector_store %arg17[%swap3A_688], %add3A_685 {strides = array<i32>} : memref<8192xf32, #tpu.memory_space<vmem>>, vector<16xf32>,
        %get3A_690 = arith.index_cast %mul3A_651 : i32 to index
        %get3A_691 = tpu.vector_load %arg16[%get3A_690] {strides = array<i32>} : memref<2048xi32, #tpu.memory_space<vmem>>, vector<16xi32>,
        %swap3A_692 = arith.index_cast %mul3A_651 : i32 to index
        %swap3A_693 = tpu.vector_load %arg18[%swap3A_692] {strides = array<i32>} : memref<2048xi32, #tpu.memory_space<vmem>>, vector<16xi32>,
        tpu.vector_store %arg18[%swap3A_692], %get3A_691 {strides = array<i32>} : memref<2048xi32, #tpu.memory_space<vmem>>, vector<16xi32>,
        %mul3A_694 = arith.constant 4 : i32
        %mul3A_695 = arith.muli %scan3A_598, %mul3A_694 : i32
        %add3A_696 = arith.constant 2 : i32
        %add3A_697 = arith.addi %mul3A_695, %add3A_696 : i32
        %mul3A_698 = arith.constant 16 : i32
        %mul3A_699 = arith.muli %add3A_697, %mul3A_698 : i32
        %get3A_700 = arith.index_cast %mul3A_699 : i32 to index
        %get3A_701 = tpu.vector_load %arg15[%get3A_700] {strides = array<i32>} : memref<6144xf32, #tpu.memory_space<vmem>>, vector<16xf32>,
        %add3A_702 = arith.constant 2048 : i32
        %add3A_703 = arith.addi %add3A_702, %mul3A_699 : i32
        %get3A_704 = arith.index_cast %add3A_703 : i32 to index
        %get3A_705 = tpu.vector_load %arg15[%get3A_704] {strides = array<i32>} : memref<6144xf32, #tpu.memory_space<vmem>>, vector<16xf32>,
        %add3A_706 = arith.constant 4096 : i32
        %add3A_707 = arith.addi %add3A_706, %mul3A_699 : i32
        %get3A_708 = arith.index_cast %add3A_707 : i32 to index
        %get3A_709 = tpu.vector_load %arg15[%get3A_708] {strides = array<i32>} : memref<6144xf32, #tpu.memory_space<vmem>>, vector<16xf32>,
        %mul3A_710 = arith.mulf %get3A_701, %get3A_19 : vector<16xf32>
        %mul3A_711 = arith.mulf %get3A_705, %get3A_23 : vector<16xf32>
        %add3A_712 = arith.addf %mul3A_710, %mul3A_711 : vector<16xf32>
        %mul3A_713 = arith.mulf %get3A_709, %get3A_27 : vector<16xf32>
        %add3A_714 = arith.addf %add3A_712, %mul3A_713 : vector<16xf32>
        %add3A_715 = arith.addf %add3A_714, %get3A_55 : vector<16xf32>
        %swap3A_716 = arith.index_cast %mul3A_699 : i32 to index
        %swap3A_717 = tpu.vector_load %arg17[%swap3A_716] {strides = array<i32>} : memref<8192xf32, #tpu.memory_space<vmem>>, vector<16xf32>,
        tpu.vector_store %arg17[%swap3A_716], %add3A_715 {strides = array<i32>} : memref<8192xf32, #tpu.memory_space<vmem>>, vector<16xf32>,
        %mul3A_718 = arith.mulf %get3A_701, %get3A_31 : vector<16xf32>
        %mul3A_719 = arith.mulf %get3A_705, %get3A_35 : vector<16xf32>
        %add3A_720 = arith.addf %mul3A_718, %mul3A_719 : vector<16xf32>
        %mul3A_721 = arith.mulf %get3A_709, %get3A_39 : vector<16xf32>
        %add3A_722 = arith.addf %add3A_720, %mul3A_721 : vector<16xf32>
        %add3A_723 = arith.addf %add3A_722, %get3A_59 : vector<16xf32>
        %add3A_724 = arith.constant 2048 : i32
        %add3A_725 = arith.addi %add3A_724, %mul3A_699 : i32
        %swap3A_726 = arith.index_cast %add3A_725 : i32 to index
        %swap3A_727 = tpu.vector_load %arg17[%swap3A_726] {strides = array<i32>} : memref<8192xf32, #tpu.memory_space<vmem>>, vector<16xf32>,
        tpu.vector_store %arg17[%swap3A_726], %add3A_723 {strides = array<i32>} : memref<8192xf32, #tpu.memory_space<vmem>>, vector<16xf32>,
        %mul3A_728 = arith.mulf %get3A_701, %get3A_43 : vector<16xf32>
        %mul3A_729 = arith.mulf %get3A_705, %get3A_47 : vector<16xf32>
        %add3A_730 = arith.addf %mul3A_728, %mul3A_729 : vector<16xf32>
        %mul3A_731 = arith.mulf %get3A_709, %get3A_51 : vector<16xf32>
        %add3A_732 = arith.addf %add3A_730, %mul3A_731 : vector<16xf32>
        %add3A_733 = arith.addf %add3A_732, %get3A_63 : vector<16xf32>
        %add3A_734 = arith.constant 4096 : i32
        %add3A_735 = arith.addi %add3A_734, %mul3A_699 : i32
        %swap3A_736 = arith.index_cast %add3A_735 : i32 to index
        %swap3A_737 = tpu.vector_load %arg17[%swap3A_736] {strides = array<i32>} : memref<8192xf32, #tpu.memory_space<vmem>>, vector<16xf32>,
        tpu.vector_store %arg17[%swap3A_736], %add3A_733 {strides = array<i32>} : memref<8192xf32, #tpu.memory_space<vmem>>, vector<16xf32>,
        %get3A_738 = arith.index_cast %mul3A_699 : i32 to index
        %get3A_739 = tpu.vector_load %arg16[%get3A_738] {strides = array<i32>} : memref<2048xi32, #tpu.memory_space<vmem>>, vector<16xi32>,
        %swap3A_740 = arith.index_cast %mul3A_699 : i32 to index
        %swap3A_741 = tpu.vector_load %arg18[%swap3A_740] {strides = array<i32>} : memref<2048xi32, #tpu.memory_space<vmem>>, vector<16xi32>,
        tpu.vector_store %arg18[%swap3A_740], %get3A_739 {strides = array<i32>} : memref<2048xi32, #tpu.memory_space<vmem>>, vector<16xi32>,
        %mul3A_742 = arith.constant 4 : i32
        %mul3A_743 = arith.muli %scan3A_598, %mul3A_742 : i32
        %add3A_744 = arith.constant 3 : i32
        %add3A_745 = arith.addi %mul3A_743, %add3A_744 : i32
        %mul3A_746 = arith.constant 16 : i32
        %mul3A_747 = arith.muli %add3A_745, %mul3A_746 : i32
        %get3A_748 = arith.index_cast %mul3A_747 : i32 to index
        %get3A_749 = tpu.vector_load %arg15[%get3A_748] {strides = array<i32>} : memref<6144xf32, #tpu.memory_space<vmem>>, vector<16xf32>,
        %add3A_750 = arith.constant 2048 : i32
        %add3A_751 = arith.addi %add3A_750, %mul3A_747 : i32
        %get3A_752 = arith.index_cast %add3A_751 : i32 to index
        %get3A_753 = tpu.vector_load %arg15[%get3A_752] {strides = array<i32>} : memref<6144xf32, #tpu.memory_space<vmem>>, vector<16xf32>,
        %add3A_754 = arith.constant 4096 : i32
        %add3A_755 = arith.addi %add3A_754, %mul3A_747 : i32
        %get3A_756 = arith.index_cast %add3A_755 : i32 to index
        %get3A_757 = tpu.vector_load %arg15[%get3A_756] {strides = array<i32>} : memref<6144xf32, #tpu.memory_space<vmem>>, vector<16xf32>,
        %mul3A_758 = arith.mulf %get3A_749, %get3A_19 : vector<16xf32>
        %mul3A_759 = arith.mulf %get3A_753, %get3A_23 : vector<16xf32>
        %add3A_760 = arith.addf %mul3A_758, %mul3A_759 : vector<16xf32>
        %mul3A_761 = arith.mulf %get3A_757, %get3A_27 : vector<16xf32>
        %add3A_762 = arith.addf %add3A_760, %mul3A_761 : vector<16xf32>
        %add3A_763 = arith.addf %add3A_762, %get3A_55 : vector<16xf32>
        %swap3A_764 = arith.index_cast %mul3A_747 : i32 to index
        %swap3A_765 = tpu.vector_load %arg17[%swap3A_764] {strides = array<i32>} : memref<8192xf32, #tpu.memory_space<vmem>>, vector<16xf32>,
        tpu.vector_store %arg17[%swap3A_764], %add3A_763 {strides = array<i32>} : memref<8192xf32, #tpu.memory_space<vmem>>, vector<16xf32>,
        %mul3A_766 = arith.mulf %get3A_749, %get3A_31 : vector<16xf32>
        %mul3A_767 = arith.mulf %get3A_753, %get3A_35 : vector<16xf32>
        %add3A_768 = arith.addf %mul3A_766, %mul3A_767 : vector<16xf32>
        %mul3A_769 = arith.mulf %get3A_757, %get3A_39 : vector<16xf32>
        %add3A_770 = arith.addf %add3A_768, %mul3A_769 : vector<16xf32>
        %add3A_771 = arith.addf %add3A_770, %get3A_59 : vector<16xf32>
        %add3A_772 = arith.constant 2048 : i32
        %add3A_773 = arith.addi %add3A_772, %mul3A_747 : i32
        %swap3A_774 = arith.index_cast %add3A_773 : i32 to index
        %swap3A_775 = tpu.vector_load %arg17[%swap3A_774] {strides = array<i32>} : memref<8192xf32, #tpu.memory_space<vmem>>, vector<16xf32>,
        tpu.vector_store %arg17[%swap3A_774], %add3A_771 {strides = array<i32>} : memref<8192xf32, #tpu.memory_space<vmem>>, vector<16xf32>,
        %mul3A_776 = arith.mulf %get3A_749, %get3A_43 : vector<16xf32>
        %mul3A_777 = arith.mulf %get3A_753, %get3A_47 : vector<16xf32>
        %add3A_778 = arith.addf %mul3A_776, %mul3A_777 : vector<16xf32>
        %mul3A_779 = arith.mulf %get3A_757, %get3A_51 : vector<16xf32>
        %add3A_780 = arith.addf %add3A_778, %mul3A_779 : vector<16xf32>
        %add3A_781 = arith.addf %add3A_780, %get3A_63 : vector<16xf32>
        %add3A_782 = arith.constant 4096 : i32
        %add3A_783 = arith.addi %add3A_782, %mul3A_747 : i32
        %swap3A_784 = arith.index_cast %add3A_783 : i32 to index
        %swap3A_785 = tpu.vector_load %arg17[%swap3A_784] {strides = array<i32>} : memref<8192xf32, #tpu.memory_space<vmem>>, vector<16xf32>,
        tpu.vector_store %arg17[%swap3A_784], %add3A_781 {strides = array<i32>} : memref<8192xf32, #tpu.memory_space<vmem>>, vector<16xf32>,
        %get3A_786 = arith.index_cast %mul3A_747 : i32 to index
        %get3A_787 = tpu.vector_load %arg16[%get3A_786] {strides = array<i32>} : memref<2048xi32, #tpu.memory_space<vmem>>, vector<16xi32>,
        %swap3A_788 = arith.index_cast %mul3A_747 : i32 to index
        %swap3A_789 = tpu.vector_load %arg18[%swap3A_788] {strides = array<i32>} : memref<2048xi32, #tpu.memory_space<vmem>>, vector<16xi32>,
        tpu.vector_store %arg18[%swap3A_788], %get3A_787 {strides = array<i32>} : memref<2048xi32, #tpu.memory_space<vmem>>, vector<16xi32>,
      }
      %scan3A_540 = arith.constant 32 : i32
      %dma_start3A_541 = arith.constant 0 : i32
      %dma_start3A_542 = tpu.memref_slice %arg17[%dma_start3A_541] : memref<8192xf32, #tpu.memory_space<vmem>> -> memref<2048xf32, #tpu.memory_space<vmem>>
      %dma_start3A_543 = arith.constant 0 : i32
      %dma_start3A_544 = tpu.memref_slice %arg7[%dma_start3A_543] : memref<100352xf32, #tpu.memory_space<vmem_shared>> -> memref<100352xf32, #tpu.memory_space<vmem_shared>>
      tpu.enqueue_indirect_dma source(%dma_start3A_542 : memref<2048xf32, #tpu.memory_space<vmem>>) target(%dma_start3A_544 : memref<100352xf32, #tpu.memory_space<vmem_shared>>) offsets(%arg18 : memref<2048xi32, #tpu.memory_space<vmem>>) semaphore(%arg23 : memref<!tpu.dma_semaphore, #tpu.memory_space<semaphore_mem>>) {add = true}
      %dma_start3A_545 = arith.constant 2048 : i32
      %dma_start3A_546 = tpu.memref_slice %arg17[%dma_start3A_545] : memref<8192xf32, #tpu.memory_space<vmem>> -> memref<2048xf32, #tpu.memory_space<vmem>>
      %dma_start3A_547 = arith.constant 0 : i32
      %dma_start3A_548 = tpu.memref_slice %arg8[%dma_start3A_547] : memref<100352xf32, #tpu.memory_space<vmem_shared>> -> memref<100352xf32, #tpu.memory_space<vmem_shared>>
      tpu.enqueue_indirect_dma source(%dma_start3A_546 : memref<2048xf32, #tpu.memory_space<vmem>>) target(%dma_start3A_548 : memref<100352xf32, #tpu.memory_space<vmem_shared>>) offsets(%arg18 : memref<2048xi32, #tpu.memory_space<vmem>>) semaphore(%arg23 : memref<!tpu.dma_semaphore, #tpu.memory_space<semaphore_mem>>) {add = true}
      %dma_start3A_549 = arith.constant 4096 : i32
      %dma_start3A_550 = tpu.memref_slice %arg17[%dma_start3A_549] : memref<8192xf32, #tpu.memory_space<vmem>> -> memref<2048xf32, #tpu.memory_space<vmem>>
      %dma_start3A_551 = arith.constant 0 : i32
      %dma_start3A_552 = tpu.memref_slice %arg9[%dma_start3A_551] : memref<100352xf32, #tpu.memory_space<vmem_shared>> -> memref<100352xf32, #tpu.memory_space<vmem_shared>>
      tpu.enqueue_indirect_dma source(%dma_start3A_550 : memref<2048xf32, #tpu.memory_space<vmem>>) target(%dma_start3A_552 : memref<100352xf32, #tpu.memory_space<vmem_shared>>) offsets(%arg18 : memref<2048xi32, #tpu.memory_space<vmem>>) semaphore(%arg23 : memref<!tpu.dma_semaphore, #tpu.memory_space<semaphore_mem>>) {add = true}
      %dma_start3A_553 = arith.constant 6144 : i32
      %dma_start3A_554 = tpu.memref_slice %arg17[%dma_start3A_553] : memref<8192xf32, #tpu.memory_space<vmem>> -> memref<2048xf32, #tpu.memory_space<vmem>>
      %dma_start3A_555 = arith.constant 0 : i32
      %dma_start3A_556 = tpu.memref_slice %arg10[%dma_start3A_555] : memref<100352xf32, #tpu.memory_space<vmem_shared>> -> memref<100352xf32, #tpu.memory_space<vmem_shared>>
      tpu.enqueue_indirect_dma source(%dma_start3A_554 : memref<2048xf32, #tpu.memory_space<vmem>>) target(%dma_start3A_556 : memref<100352xf32, #tpu.memory_space<vmem_shared>>) offsets(%arg18 : memref<2048xi32, #tpu.memory_space<vmem>>) semaphore(%arg23 : memref<!tpu.dma_semaphore, #tpu.memory_space<semaphore_mem>>) {add = true}
      %mul3A_557 = arith.constant 2 : i32
      %mul3A_558 = arith.muli %scan3A_399, %mul3A_557 : i32
      %add3A_559 = arith.constant 1 : i32
      %add3A_560 = arith.addi %mul3A_558, %add3A_559 : i32
      %add3A_561 = arith.constant 2 : i32
      %add3A_562 = arith.addi %add3A_560, %add3A_561 : i32
      %mul3A_563 = arith.constant 16 : i32
      %mul3A_564 = arith.muli %add3A_562, %mul3A_563 : i32
      %add3A_565 = arith.addi %add3A_78, %mul3A_564 : i32
      %min3A_566 = arith.constant 49984 : i32
      %min3A_567 = arith.minsi %add3A_565, %min3A_566 : i32
      %mul3A_568 = arith.constant 128 : i32
      %mul3A_569 = arith.muli %min3A_567, %mul3A_568 : i32
      %add3A_570 = arith.constant 6400000 : i32
      %add3A_571 = arith.addi %add3A_570, %mul3A_569 : i32
      %add3A_572 = arith.constant 12800000 : i32
      %add3A_573 = arith.addi %add3A_572, %mul3A_569 : i32
      %dma_start3A_574 = arith.constant 0 : i32
      %dma_start3A_575 = tpu.memref_slice %arg15[%dma_start3A_574] : memref<6144xf32, #tpu.memory_space<vmem>> -> memref<2048xf32, #tpu.memory_space<vmem>>
      %dma_start3A_576 = tpu.memref_slice %arg2[%mul3A_569] : memref<19200000xf32, #tpu.memory_space<hbm>> -> memref<2048xf32, #tpu.memory_space<hbm>>
      %dma_start3A_577 = arith.constant 0 : i32
      %dma_start3A_578 = tpu.memref_slice %arg15[%dma_start3A_577] : memref<6144xf32, #tpu.memory_space<vmem>> -> memref<2048xf32, #tpu.memory_space<vmem>>
      %dma_start3A_579 = tpu.memref_slice %arg2[%mul3A_569] : memref<19200000xf32, #tpu.memory_space<hbm>> -> memref<2048xf32, #tpu.memory_space<hbm>>
      tpu.enqueue_dma source(%dma_start3A_579 : memref<2048xf32, #tpu.memory_space<hbm>>) target(%dma_start3A_578 : memref<2048xf32, #tpu.memory_space<vmem>>) target_semaphore(%arg25 : memref<!tpu.dma_semaphore, #tpu.memory_space<semaphore_mem>>)
      %dma_start3A_580 = arith.constant 2048 : i32
      %dma_start3A_581 = tpu.memref_slice %arg15[%dma_start3A_580] : memref<6144xf32, #tpu.memory_space<vmem>> -> memref<2048xf32, #tpu.memory_space<vmem>>
      %dma_start3A_582 = tpu.memref_slice %arg2[%add3A_571] : memref<19200000xf32, #tpu.memory_space<hbm>> -> memref<2048xf32, #tpu.memory_space<hbm>>
      %dma_start3A_583 = arith.constant 2048 : i32
      %dma_start3A_584 = tpu.memref_slice %arg15[%dma_start3A_583] : memref<6144xf32, #tpu.memory_space<vmem>> -> memref<2048xf32, #tpu.memory_space<vmem>>
      %dma_start3A_585 = tpu.memref_slice %arg2[%add3A_571] : memref<19200000xf32, #tpu.memory_space<hbm>> -> memref<2048xf32, #tpu.memory_space<hbm>>
      tpu.enqueue_dma source(%dma_start3A_585 : memref<2048xf32, #tpu.memory_space<hbm>>) target(%dma_start3A_584 : memref<2048xf32, #tpu.memory_space<vmem>>) target_semaphore(%arg25 : memref<!tpu.dma_semaphore, #tpu.memory_space<semaphore_mem>>)
      %dma_start3A_586 = arith.constant 4096 : i32
      %dma_start3A_587 = tpu.memref_slice %arg15[%dma_start3A_586] : memref<6144xf32, #tpu.memory_space<vmem>> -> memref<2048xf32, #tpu.memory_space<vmem>>
      %dma_start3A_588 = tpu.memref_slice %arg2[%add3A_573] : memref<19200000xf32, #tpu.memory_space<hbm>> -> memref<2048xf32, #tpu.memory_space<hbm>>
      %dma_start3A_589 = arith.constant 4096 : i32
      %dma_start3A_590 = tpu.memref_slice %arg15[%dma_start3A_589] : memref<6144xf32, #tpu.memory_space<vmem>> -> memref<2048xf32, #tpu.memory_space<vmem>>
      %dma_start3A_591 = tpu.memref_slice %arg2[%add3A_573] : memref<19200000xf32, #tpu.memory_space<hbm>> -> memref<2048xf32, #tpu.memory_space<hbm>>
      tpu.enqueue_dma source(%dma_start3A_591 : memref<2048xf32, #tpu.memory_space<hbm>>) target(%dma_start3A_590 : memref<2048xf32, #tpu.memory_space<vmem>>) target_semaphore(%arg25 : memref<!tpu.dma_semaphore, #tpu.memory_space<semaphore_mem>>)
      %dma_start3A_592 = arith.constant 0 : i32
      %dma_start3A_593 = tpu.memref_slice %arg16[%dma_start3A_592] : memref<2048xi32, #tpu.memory_space<vmem>> -> memref<2048xi32, #tpu.memory_space<vmem>>
      %dma_start3A_594 = tpu.memref_slice %arg3[%mul3A_569] : memref<6400000xi32, #tpu.memory_space<hbm>> -> memref<2048xi32, #tpu.memory_space<hbm>>
      %dma_start3A_595 = arith.constant 0 : i32
      %dma_start3A_596 = tpu.memref_slice %arg16[%dma_start3A_595] : memref<2048xi32, #tpu.memory_space<vmem>> -> memref<2048xi32, #tpu.memory_space<vmem>>
      %dma_start3A_597 = tpu.memref_slice %arg3[%mul3A_569] : memref<6400000xi32, #tpu.memory_space<hbm>> -> memref<2048xi32, #tpu.memory_space<hbm>>
      tpu.enqueue_dma source(%dma_start3A_597 : memref<2048xi32, #tpu.memory_space<hbm>>) target(%dma_start3A_596 : memref<2048xi32, #tpu.memory_space<vmem>>) target_semaphore(%arg25 : memref<!tpu.dma_semaphore, #tpu.memory_space<semaphore_mem>>)
    }
    %scan3A_152 = arith.constant 48 : i32
    %dma_wait3A = arith.constant 0 : i32
    %dma_wait3A_153 = tpu.memref_slice %arg11[%dma_wait3A] : memref<6144xf32, #tpu.memory_space<vmem>> -> memref<2048xf32, #tpu.memory_space<vmem>>
    %dma_wait3A_154 = arith.constant 0 : i32
    %dma_wait3A_155 = tpu.memref_slice %arg2[%dma_wait3A_154] : memref<19200000xf32, #tpu.memory_space<hbm>> -> memref<2048xf32, #tpu.memory_space<hbm>>
    %dma_wait3A_156 = arith.constant 0 : i32
    %dma_wait3A_157 = tpu.memref_slice %arg11[%dma_wait3A_156] : memref<6144xf32, #tpu.memory_space<vmem>> -> memref<2048xf32, #tpu.memory_space<vmem>>
    %dma_wait3A_158 = arith.constant 0 : i32
    %dma_wait3A_159 = tpu.memref_slice %arg2[%dma_wait3A_158] : memref<19200000xf32, #tpu.memory_space<hbm>> -> memref<2048xf32, #tpu.memory_space<hbm>>
    tpu.wait_dma2 semaphore(%arg24 : memref<!tpu.dma_semaphore, #tpu.memory_space<semaphore_mem>>) src(%dma_wait3A_159 : memref<2048xf32, #tpu.memory_space<hbm>>) dst(%dma_wait3A_157 : memref<2048xf32, #tpu.memory_space<vmem>>)
    %dma_wait3A_160 = arith.constant 2048 : i32
    %dma_wait3A_161 = tpu.memref_slice %arg11[%dma_wait3A_160] : memref<6144xf32, #tpu.memory_space<vmem>> -> memref<2048xf32, #tpu.memory_space<vmem>>
    %dma_wait3A_162 = arith.constant 6400000 : i32
    %dma_wait3A_163 = tpu.memref_slice %arg2[%dma_wait3A_162] : memref<19200000xf32, #tpu.memory_space<hbm>> -> memref<2048xf32, #tpu.memory_space<hbm>>
    %dma_wait3A_164 = arith.constant 2048 : i32
    %dma_wait3A_165 = tpu.memref_slice %arg11[%dma_wait3A_164] : memref<6144xf32, #tpu.memory_space<vmem>> -> memref<2048xf32, #tpu.memory_space<vmem>>
    %dma_wait3A_166 = arith.constant 6400000 : i32
    %dma_wait3A_167 = tpu.memref_slice %arg2[%dma_wait3A_166] : memref<19200000xf32, #tpu.memory_space<hbm>> -> memref<2048xf32, #tpu.memory_space<hbm>>
    tpu.wait_dma2 semaphore(%arg24 : memref<!tpu.dma_semaphore, #tpu.memory_space<semaphore_mem>>) src(%dma_wait3A_167 : memref<2048xf32, #tpu.memory_space<hbm>>) dst(%dma_wait3A_165 : memref<2048xf32, #tpu.memory_space<vmem>>)
    %dma_wait3A_168 = arith.constant 4096 : i32
    %dma_wait3A_169 = tpu.memref_slice %arg11[%dma_wait3A_168] : memref<6144xf32, #tpu.memory_space<vmem>> -> memref<2048xf32, #tpu.memory_space<vmem>>
    %dma_wait3A_170 = arith.constant 12800000 : i32
    %dma_wait3A_171 = tpu.memref_slice %arg2[%dma_wait3A_170] : memref<19200000xf32, #tpu.memory_space<hbm>> -> memref<2048xf32, #tpu.memory_space<hbm>>
    %dma_wait3A_172 = arith.constant 4096 : i32
    %dma_wait3A_173 = tpu.memref_slice %arg11[%dma_wait3A_172] : memref<6144xf32, #tpu.memory_space<vmem>> -> memref<2048xf32, #tpu.memory_space<vmem>>
    %dma_wait3A_174 = arith.constant 12800000 : i32
    %dma_wait3A_175 = tpu.memref_slice %arg2[%dma_wait3A_174] : memref<19200000xf32, #tpu.memory_space<hbm>> -> memref<2048xf32, #tpu.memory_space<hbm>>
    tpu.wait_dma2 semaphore(%arg24 : memref<!tpu.dma_semaphore, #tpu.memory_space<semaphore_mem>>) src(%dma_wait3A_175 : memref<2048xf32, #tpu.memory_space<hbm>>) dst(%dma_wait3A_173 : memref<2048xf32, #tpu.memory_space<vmem>>)
    %dma_wait3A_176 = arith.constant 0 : i32
    %dma_wait3A_177 = tpu.memref_slice %arg12[%dma_wait3A_176] : memref<2048xi32, #tpu.memory_space<vmem>> -> memref<2048xi32, #tpu.memory_space<vmem>>
    %dma_wait3A_178 = arith.constant 0 : i32
    %dma_wait3A_179 = tpu.memref_slice %arg3[%dma_wait3A_178] : memref<6400000xi32, #tpu.memory_space<hbm>> -> memref<2048xi32, #tpu.memory_space<hbm>>
    %dma_wait3A_180 = arith.constant 0 : i32
    %dma_wait3A_181 = tpu.memref_slice %arg12[%dma_wait3A_180] : memref<2048xi32, #tpu.memory_space<vmem>> -> memref<2048xi32, #tpu.memory_space<vmem>>
    %dma_wait3A_182 = arith.constant 0 : i32
    %dma_wait3A_183 = tpu.memref_slice %arg3[%dma_wait3A_182] : memref<6400000xi32, #tpu.memory_space<hbm>> -> memref<2048xi32, #tpu.memory_space<hbm>>
    tpu.wait_dma2 semaphore(%arg24 : memref<!tpu.dma_semaphore, #tpu.memory_space<semaphore_mem>>) src(%dma_wait3A_183 : memref<2048xi32, #tpu.memory_space<hbm>>) dst(%dma_wait3A_181 : memref<2048xi32, #tpu.memory_space<vmem>>)
    %dma_wait3A_184 = arith.constant 0 : i32
    %dma_wait3A_185 = tpu.memref_slice %arg15[%dma_wait3A_184] : memref<6144xf32, #tpu.memory_space<vmem>> -> memref<2048xf32, #tpu.memory_space<vmem>>
    %dma_wait3A_186 = arith.constant 0 : i32
    %dma_wait3A_187 = tpu.memref_slice %arg2[%dma_wait3A_186] : memref<19200000xf32, #tpu.memory_space<hbm>> -> memref<2048xf32, #tpu.memory_space<hbm>>
    %dma_wait3A_188 = arith.constant 0 : i32
    %dma_wait3A_189 = tpu.memref_slice %arg15[%dma_wait3A_188] : memref<6144xf32, #tpu.memory_space<vmem>> -> memref<2048xf32, #tpu.memory_space<vmem>>
    %dma_wait3A_190 = arith.constant 0 : i32
    %dma_wait3A_191 = tpu.memref_slice %arg2[%dma_wait3A_190] : memref<19200000xf32, #tpu.memory_space<hbm>> -> memref<2048xf32, #tpu.memory_space<hbm>>
    tpu.wait_dma2 semaphore(%arg25 : memref<!tpu.dma_semaphore, #tpu.memory_space<semaphore_mem>>) src(%dma_wait3A_191 : memref<2048xf32, #tpu.memory_space<hbm>>) dst(%dma_wait3A_189 : memref<2048xf32, #tpu.memory_space<vmem>>)
    %dma_wait3A_192 = arith.constant 2048 : i32
    %dma_wait3A_193 = tpu.memref_slice %arg15[%dma_wait3A_192] : memref<6144xf32, #tpu.memory_space<vmem>> -> memref<2048xf32, #tpu.memory_space<vmem>>
    %dma_wait3A_194 = arith.constant 6400000 : i32
    %dma_wait3A_195 = tpu.memref_slice %arg2[%dma_wait3A_194] : memref<19200000xf32, #tpu.memory_space<hbm>> -> memref<2048xf32, #tpu.memory_space<hbm>>
    %dma_wait3A_196 = arith.constant 2048 : i32
    %dma_wait3A_197 = tpu.memref_slice %arg15[%dma_wait3A_196] : memref<6144xf32, #tpu.memory_space<vmem>> -> memref<2048xf32, #tpu.memory_space<vmem>>
    %dma_wait3A_198 = arith.constant 6400000 : i32
    %dma_wait3A_199 = tpu.memref_slice %arg2[%dma_wait3A_198] : memref<19200000xf32, #tpu.memory_space<hbm>> -> memref<2048xf32, #tpu.memory_space<hbm>>
    tpu.wait_dma2 semaphore(%arg25 : memref<!tpu.dma_semaphore, #tpu.memory_space<semaphore_mem>>) src(%dma_wait3A_199 : memref<2048xf32, #tpu.memory_space<hbm>>) dst(%dma_wait3A_197 : memref<2048xf32, #tpu.memory_space<vmem>>)
    %dma_wait3A_200 = arith.constant 4096 : i32
    %dma_wait3A_201 = tpu.memref_slice %arg15[%dma_wait3A_200] : memref<6144xf32, #tpu.memory_space<vmem>> -> memref<2048xf32, #tpu.memory_space<vmem>>
    %dma_wait3A_202 = arith.constant 12800000 : i32
    %dma_wait3A_203 = tpu.memref_slice %arg2[%dma_wait3A_202] : memref<19200000xf32, #tpu.memory_space<hbm>> -> memref<2048xf32, #tpu.memory_space<hbm>>
    %dma_wait3A_204 = arith.constant 4096 : i32
    %dma_wait3A_205 = tpu.memref_slice %arg15[%dma_wait3A_204] : memref<6144xf32, #tpu.memory_space<vmem>> -> memref<2048xf32, #tpu.memory_space<vmem>>
    %dma_wait3A_206 = arith.constant 12800000 : i32
    %dma_wait3A_207 = tpu.memref_slice %arg2[%dma_wait3A_206] : memref<19200000xf32, #tpu.memory_space<hbm>> -> memref<2048xf32, #tpu.memory_space<hbm>>
    tpu.wait_dma2 semaphore(%arg25 : memref<!tpu.dma_semaphore, #tpu.memory_space<semaphore_mem>>) src(%dma_wait3A_207 : memref<2048xf32, #tpu.memory_space<hbm>>) dst(%dma_wait3A_205 : memref<2048xf32, #tpu.memory_space<vmem>>)
    %dma_wait3A_208 = arith.constant 0 : i32
    %dma_wait3A_209 = tpu.memref_slice %arg16[%dma_wait3A_208] : memref<2048xi32, #tpu.memory_space<vmem>> -> memref<2048xi32, #tpu.memory_space<vmem>>
    %dma_wait3A_210 = arith.constant 0 : i32
    %dma_wait3A_211 = tpu.memref_slice %arg3[%dma_wait3A_210] : memref<6400000xi32, #tpu.memory_space<hbm>> -> memref<2048xi32, #tpu.memory_space<hbm>>
    %dma_wait3A_212 = arith.constant 0 : i32
    %dma_wait3A_213 = tpu.memref_slice %arg16[%dma_wait3A_212] : memref<2048xi32, #tpu.memory_space<vmem>> -> memref<2048xi32, #tpu.memory_space<vmem>>
    %dma_wait3A_214 = arith.constant 0 : i32
    %dma_wait3A_215 = tpu.memref_slice %arg3[%dma_wait3A_214] : memref<6400000xi32, #tpu.memory_space<hbm>> -> memref<2048xi32, #tpu.memory_space<hbm>>
    tpu.wait_dma2 semaphore(%arg25 : memref<!tpu.dma_semaphore, #tpu.memory_space<semaphore_mem>>) src(%dma_wait3A_215 : memref<2048xi32, #tpu.memory_space<hbm>>) dst(%dma_wait3A_213 : memref<2048xi32, #tpu.memory_space<vmem>>)
    %dma_wait3A_216 = arith.constant 0 : i32
    %dma_wait3A_217 = tpu.memref_slice %arg13[%dma_wait3A_216] : memref<8192xf32, #tpu.memory_space<vmem>> -> memref<2048xf32, #tpu.memory_space<vmem>>
    %dma_wait3A_218 = arith.constant 0 : i32
    %dma_wait3A_219 = tpu.memref_slice %arg7[%dma_wait3A_218] : memref<100352xf32, #tpu.memory_space<vmem_shared>> -> memref<100352xf32, #tpu.memory_space<vmem_shared>>
    tpu.wait_indirect_dma semaphore(%arg22 : memref<!tpu.dma_semaphore, #tpu.memory_space<semaphore_mem>>) src(%dma_wait3A_217 : memref<2048xf32, #tpu.memory_space<vmem>>) dst(%dma_wait3A_219 : memref<100352xf32, #tpu.memory_space<vmem_shared>>)
    %dma_wait3A_220 = arith.constant 2048 : i32
    %dma_wait3A_221 = tpu.memref_slice %arg13[%dma_wait3A_220] : memref<8192xf32, #tpu.memory_space<vmem>> -> memref<2048xf32, #tpu.memory_space<vmem>>
    %dma_wait3A_222 = arith.constant 0 : i32
    %dma_wait3A_223 = tpu.memref_slice %arg8[%dma_wait3A_222] : memref<100352xf32, #tpu.memory_space<vmem_shared>> -> memref<100352xf32, #tpu.memory_space<vmem_shared>>
    tpu.wait_indirect_dma semaphore(%arg22 : memref<!tpu.dma_semaphore, #tpu.memory_space<semaphore_mem>>) src(%dma_wait3A_221 : memref<2048xf32, #tpu.memory_space<vmem>>) dst(%dma_wait3A_223 : memref<100352xf32, #tpu.memory_space<vmem_shared>>)
    %dma_wait3A_224 = arith.constant 4096 : i32
    %dma_wait3A_225 = tpu.memref_slice %arg13[%dma_wait3A_224] : memref<8192xf32, #tpu.memory_space<vmem>> -> memref<2048xf32, #tpu.memory_space<vmem>>
    %dma_wait3A_226 = arith.constant 0 : i32
    %dma_wait3A_227 = tpu.memref_slice %arg9[%dma_wait3A_226] : memref<100352xf32, #tpu.memory_space<vmem_shared>> -> memref<100352xf32, #tpu.memory_space<vmem_shared>>
    tpu.wait_indirect_dma semaphore(%arg22 : memref<!tpu.dma_semaphore, #tpu.memory_space<semaphore_mem>>) src(%dma_wait3A_225 : memref<2048xf32, #tpu.memory_space<vmem>>) dst(%dma_wait3A_227 : memref<100352xf32, #tpu.memory_space<vmem_shared>>)
    %dma_wait3A_228 = arith.constant 6144 : i32
    %dma_wait3A_229 = tpu.memref_slice %arg13[%dma_wait3A_228] : memref<8192xf32, #tpu.memory_space<vmem>> -> memref<2048xf32, #tpu.memory_space<vmem>>
    %dma_wait3A_230 = arith.constant 0 : i32
    %dma_wait3A_231 = tpu.memref_slice %arg10[%dma_wait3A_230] : memref<100352xf32, #tpu.memory_space<vmem_shared>> -> memref<100352xf32, #tpu.memory_space<vmem_shared>>
    tpu.wait_indirect_dma semaphore(%arg22 : memref<!tpu.dma_semaphore, #tpu.memory_space<semaphore_mem>>) src(%dma_wait3A_229 : memref<2048xf32, #tpu.memory_space<vmem>>) dst(%dma_wait3A_231 : memref<100352xf32, #tpu.memory_space<vmem_shared>>)
    %dma_wait3A_232 = arith.constant 0 : i32
    %dma_wait3A_233 = tpu.memref_slice %arg17[%dma_wait3A_232] : memref<8192xf32, #tpu.memory_space<vmem>> -> memref<2048xf32, #tpu.memory_space<vmem>>
    %dma_wait3A_234 = arith.constant 0 : i32
    %dma_wait3A_235 = tpu.memref_slice %arg7[%dma_wait3A_234] : memref<100352xf32, #tpu.memory_space<vmem_shared>> -> memref<100352xf32, #tpu.memory_space<vmem_shared>>
    tpu.wait_indirect_dma semaphore(%arg23 : memref<!tpu.dma_semaphore, #tpu.memory_space<semaphore_mem>>) src(%dma_wait3A_233 : memref<2048xf32, #tpu.memory_space<vmem>>) dst(%dma_wait3A_235 : memref<100352xf32, #tpu.memory_space<vmem_shared>>)
    %dma_wait3A_236 = arith.constant 2048 : i32
    %dma_wait3A_237 = tpu.memref_slice %arg17[%dma_wait3A_236] : memref<8192xf32, #tpu.memory_space<vmem>> -> memref<2048xf32, #tpu.memory_space<vmem>>
    %dma_wait3A_238 = arith.constant 0 : i32
    %dma_wait3A_239 = tpu.memref_slice %arg8[%dma_wait3A_238] : memref<100352xf32, #tpu.memory_space<vmem_shared>> -> memref<100352xf32, #tpu.memory_space<vmem_shared>>
    tpu.wait_indirect_dma semaphore(%arg23 : memref<!tpu.dma_semaphore, #tpu.memory_space<semaphore_mem>>) src(%dma_wait3A_237 : memref<2048xf32, #tpu.memory_space<vmem>>) dst(%dma_wait3A_239 : memref<100352xf32, #tpu.memory_space<vmem_shared>>)
    %dma_wait3A_240 = arith.constant 4096 : i32
    %dma_wait3A_241 = tpu.memref_slice %arg17[%dma_wait3A_240] : memref<8192xf32, #tpu.memory_space<vmem>> -> memref<2048xf32, #tpu.memory_space<vmem>>
    %dma_wait3A_242 = arith.constant 0 : i32
    %dma_wait3A_243 = tpu.memref_slice %arg9[%dma_wait3A_242] : memref<100352xf32, #tpu.memory_space<vmem_shared>> -> memref<100352xf32, #tpu.memory_space<vmem_shared>>
    tpu.wait_indirect_dma semaphore(%arg23 : memref<!tpu.dma_semaphore, #tpu.memory_space<semaphore_mem>>) src(%dma_wait3A_241 : memref<2048xf32, #tpu.memory_space<vmem>>) dst(%dma_wait3A_243 : memref<100352xf32, #tpu.memory_space<vmem_shared>>)
    %dma_wait3A_244 = arith.constant 6144 : i32
    %dma_wait3A_245 = tpu.memref_slice %arg17[%dma_wait3A_244] : memref<8192xf32, #tpu.memory_space<vmem>> -> memref<2048xf32, #tpu.memory_space<vmem>>
    %dma_wait3A_246 = arith.constant 0 : i32
    %dma_wait3A_247 = tpu.memref_slice %arg10[%dma_wait3A_246] : memref<100352xf32, #tpu.memory_space<vmem_shared>> -> memref<100352xf32, #tpu.memory_space<vmem_shared>>
    tpu.wait_indirect_dma semaphore(%arg23 : memref<!tpu.dma_semaphore, #tpu.memory_space<semaphore_mem>>) src(%dma_wait3A_245 : memref<2048xf32, #tpu.memory_space<vmem>>) dst(%dma_wait3A_247 : memref<100352xf32, #tpu.memory_space<vmem_shared>>)
    %add3A_248 = arith.constant 1536 : i32
    %add3A_249 = arith.addi %add3A_78, %add3A_248 : i32
    %min3A_250 = arith.constant 49984 : i32
    %min3A_251 = arith.minsi %add3A_249, %min3A_250 : i32
    %mul3A_252 = arith.constant 128 : i32
    %mul3A_253 = arith.muli %min3A_251, %mul3A_252 : i32
    %add3A_254 = arith.constant 6400000 : i32
    %add3A_255 = arith.addi %add3A_254, %mul3A_253 : i32
    %add3A_256 = arith.constant 12800000 : i32
    %add3A_257 = arith.addi %add3A_256, %mul3A_253 : i32
    %dma_start3A_258 = arith.constant 0 : i32
    %dma_start3A_259 = tpu.memref_slice %arg11[%dma_start3A_258] : memref<6144xf32, #tpu.memory_space<vmem>> -> memref<2048xf32, #tpu.memory_space<vmem>>
    %dma_start3A_260 = tpu.memref_slice %arg2[%mul3A_253] : memref<19200000xf32, #tpu.memory_space<hbm>> -> memref<2048xf32, #tpu.memory_space<hbm>>
    %dma_start3A_261 = arith.constant 0 : i32
    %dma_start3A_262 = tpu.memref_slice %arg11[%dma_start3A_261] : memref<6144xf32, #tpu.memory_space<vmem>> -> memref<2048xf32, #tpu.memory_space<vmem>>
    %dma_start3A_263 = tpu.memref_slice %arg2[%mul3A_253] : memref<19200000xf32, #tpu.memory_space<hbm>> -> memref<2048xf32, #tpu.memory_space<hbm>>
    tpu.enqueue_dma source(%dma_start3A_263 : memref<2048xf32, #tpu.memory_space<hbm>>) target(%dma_start3A_262 : memref<2048xf32, #tpu.memory_space<vmem>>) target_semaphore(%arg21 : memref<!tpu.dma_semaphore, #tpu.memory_space<semaphore_mem>>)
    %dma_start3A_264 = arith.constant 2048 : i32
    %dma_start3A_265 = tpu.memref_slice %arg11[%dma_start3A_264] : memref<6144xf32, #tpu.memory_space<vmem>> -> memref<2048xf32, #tpu.memory_space<vmem>>
    %dma_start3A_266 = tpu.memref_slice %arg2[%add3A_255] : memref<19200000xf32, #tpu.memory_space<hbm>> -> memref<2048xf32, #tpu.memory_space<hbm>>
    %dma_start3A_267 = arith.constant 2048 : i32
    %dma_start3A_268 = tpu.memref_slice %arg11[%dma_start3A_267] : memref<6144xf32, #tpu.memory_space<vmem>> -> memref<2048xf32, #tpu.memory_space<vmem>>
    %dma_start3A_269 = tpu.memref_slice %arg2[%add3A_255] : memref<19200000xf32, #tpu.memory_space<hbm>> -> memref<2048xf32, #tpu.memory_space<hbm>>
    tpu.enqueue_dma source(%dma_start3A_269 : memref<2048xf32, #tpu.memory_space<hbm>>) target(%dma_start3A_268 : memref<2048xf32, #tpu.memory_space<vmem>>) target_semaphore(%arg21 : memref<!tpu.dma_semaphore, #tpu.memory_space<semaphore_mem>>)
    %dma_start3A_270 = arith.constant 4096 : i32
    %dma_start3A_271 = tpu.memref_slice %arg11[%dma_start3A_270] : memref<6144xf32, #tpu.memory_space<vmem>> -> memref<2048xf32, #tpu.memory_space<vmem>>
    %dma_start3A_272 = tpu.memref_slice %arg2[%add3A_257] : memref<19200000xf32, #tpu.memory_space<hbm>> -> memref<2048xf32, #tpu.memory_space<hbm>>
    %dma_start3A_273 = arith.constant 4096 : i32
    %dma_start3A_274 = tpu.memref_slice %arg11[%dma_start3A_273] : memref<6144xf32, #tpu.memory_space<vmem>> -> memref<2048xf32, #tpu.memory_space<vmem>>
    %dma_start3A_275 = tpu.memref_slice %arg2[%add3A_257] : memref<19200000xf32, #tpu.memory_space<hbm>> -> memref<2048xf32, #tpu.memory_space<hbm>>
    tpu.enqueue_dma source(%dma_start3A_275 : memref<2048xf32, #tpu.memory_space<hbm>>) target(%dma_start3A_274 : memref<2048xf32, #tpu.memory_space<vmem>>) target_semaphore(%arg21 : memref<!tpu.dma_semaphore, #tpu.memory_space<semaphore_mem>>)
    %dma_start3A_276 = arith.constant 0 : i32
    %dma_start3A_277 = tpu.memref_slice %arg12[%dma_start3A_276] : memref<2048xi32, #tpu.memory_space<vmem>> -> memref<2048xi32, #tpu.memory_space<vmem>>
    %dma_start3A_278 = tpu.memref_slice %arg3[%mul3A_253] : memref<6400000xi32, #tpu.memory_space<hbm>> -> memref<2048xi32, #tpu.memory_space<hbm>>
    %dma_start3A_279 = arith.constant 0 : i32
    %dma_start3A_280 = tpu.memref_slice %arg12[%dma_start3A_279] : memref<2048xi32, #tpu.memory_space<vmem>> -> memref<2048xi32, #tpu.memory_space<vmem>>
    %dma_start3A_281 = tpu.memref_slice %arg3[%mul3A_253] : memref<6400000xi32, #tpu.memory_space<hbm>> -> memref<2048xi32, #tpu.memory_space<hbm>>
    tpu.enqueue_dma source(%dma_start3A_281 : memref<2048xi32, #tpu.memory_space<hbm>>) target(%dma_start3A_280 : memref<2048xi32, #tpu.memory_space<vmem>>) target_semaphore(%arg21 : memref<!tpu.dma_semaphore, #tpu.memory_space<semaphore_mem>>)
    %dma_wait3A_282 = arith.constant 0 : i32
    %dma_wait3A_283 = tpu.memref_slice %arg11[%dma_wait3A_282] : memref<6144xf32, #tpu.memory_space<vmem>> -> memref<2048xf32, #tpu.memory_space<vmem>>
    %dma_wait3A_284 = arith.constant 0 : i32
    %dma_wait3A_285 = tpu.memref_slice %arg2[%dma_wait3A_284] : memref<19200000xf32, #tpu.memory_space<hbm>> -> memref<2048xf32, #tpu.memory_space<hbm>>
    %dma_wait3A_286 = arith.constant 0 : i32
    %dma_wait3A_287 = tpu.memref_slice %arg11[%dma_wait3A_286] : memref<6144xf32, #tpu.memory_space<vmem>> -> memref<2048xf32, #tpu.memory_space<vmem>>
    %dma_wait3A_288 = arith.constant 0 : i32
    %dma_wait3A_289 = tpu.memref_slice %arg2[%dma_wait3A_288] : memref<19200000xf32, #tpu.memory_space<hbm>> -> memref<2048xf32, #tpu.memory_space<hbm>>
    tpu.wait_dma2 semaphore(%arg21 : memref<!tpu.dma_semaphore, #tpu.memory_space<semaphore_mem>>) src(%dma_wait3A_289 : memref<2048xf32, #tpu.memory_space<hbm>>) dst(%dma_wait3A_287 : memref<2048xf32, #tpu.memory_space<vmem>>)
    %dma_wait3A_290 = arith.constant 2048 : i32
    %dma_wait3A_291 = tpu.memref_slice %arg11[%dma_wait3A_290] : memref<6144xf32, #tpu.memory_space<vmem>> -> memref<2048xf32, #tpu.memory_space<vmem>>
    %dma_wait3A_292 = arith.constant 6400000 : i32
    %dma_wait3A_293 = tpu.memref_slice %arg2[%dma_wait3A_292] : memref<19200000xf32, #tpu.memory_space<hbm>> -> memref<2048xf32, #tpu.memory_space<hbm>>
    %dma_wait3A_294 = arith.constant 2048 : i32
    %dma_wait3A_295 = tpu.memref_slice %arg11[%dma_wait3A_294] : memref<6144xf32, #tpu.memory_space<vmem>> -> memref<2048xf32, #tpu.memory_space<vmem>>
    %dma_wait3A_296 = arith.constant 6400000 : i32
    %dma_wait3A_297 = tpu.memref_slice %arg2[%dma_wait3A_296] : memref<19200000xf32, #tpu.memory_space<hbm>> -> memref<2048xf32, #tpu.memory_space<hbm>>
    tpu.wait_dma2 semaphore(%arg21 : memref<!tpu.dma_semaphore, #tpu.memory_space<semaphore_mem>>) src(%dma_wait3A_297 : memref<2048xf32, #tpu.memory_space<hbm>>) dst(%dma_wait3A_295 : memref<2048xf32, #tpu.memory_space<vmem>>)
    %dma_wait3A_298 = arith.constant 4096 : i32
    %dma_wait3A_299 = tpu.memref_slice %arg11[%dma_wait3A_298] : memref<6144xf32, #tpu.memory_space<vmem>> -> memref<2048xf32, #tpu.memory_space<vmem>>
    %dma_wait3A_300 = arith.constant 12800000 : i32
    %dma_wait3A_301 = tpu.memref_slice %arg2[%dma_wait3A_300] : memref<19200000xf32, #tpu.memory_space<hbm>> -> memref<2048xf32, #tpu.memory_space<hbm>>
    %dma_wait3A_302 = arith.constant 4096 : i32
    %dma_wait3A_303 = tpu.memref_slice %arg11[%dma_wait3A_302] : memref<6144xf32, #tpu.memory_space<vmem>> -> memref<2048xf32, #tpu.memory_space<vmem>>
    %dma_wait3A_304 = arith.constant 12800000 : i32
    %dma_wait3A_305 = tpu.memref_slice %arg2[%dma_wait3A_304] : memref<19200000xf32, #tpu.memory_space<hbm>> -> memref<2048xf32, #tpu.memory_space<hbm>>
    tpu.wait_dma2 semaphore(%arg21 : memref<!tpu.dma_semaphore, #tpu.memory_space<semaphore_mem>>) src(%dma_wait3A_305 : memref<2048xf32, #tpu.memory_space<hbm>>) dst(%dma_wait3A_303 : memref<2048xf32, #tpu.memory_space<vmem>>)
    %dma_wait3A_306 = arith.constant 0 : i32
    %dma_wait3A_307 = tpu.memref_slice %arg12[%dma_wait3A_306] : memref<2048xi32, #tpu.memory_space<vmem>> -> memref<2048xi32, #tpu.memory_space<vmem>>
    %dma_wait3A_308 = arith.constant 0 : i32
    %dma_wait3A_309 = tpu.memref_slice %arg3[%dma_wait3A_308] : memref<6400000xi32, #tpu.memory_space<hbm>> -> memref<2048xi32, #tpu.memory_space<hbm>>
    %dma_wait3A_310 = arith.constant 0 : i32
    %dma_wait3A_311 = tpu.memref_slice %arg12[%dma_wait3A_310] : memref<2048xi32, #tpu.memory_space<vmem>> -> memref<2048xi32, #tpu.memory_space<vmem>>
    %dma_wait3A_312 = arith.constant 0 : i32
    %dma_wait3A_313 = tpu.memref_slice %arg3[%dma_wait3A_312] : memref<6400000xi32, #tpu.memory_space<hbm>> -> memref<2048xi32, #tpu.memory_space<hbm>>
    tpu.wait_dma2 semaphore(%arg21 : memref<!tpu.dma_semaphore, #tpu.memory_space<semaphore_mem>>) src(%dma_wait3A_313 : memref<2048xi32, #tpu.memory_space<hbm>>) dst(%dma_wait3A_311 : memref<2048xi32, #tpu.memory_space<vmem>>)
    %scan3A_314 = arith.constant 0 : i32
    %scan3A_315 = arith.constant 0 : i32
    %scan3A_316 = arith.constant 32 : i32
    %scan3A_317 = arith.addi %scan3A_315, %scan3A_316 : i32
    %scan3A_318 = arith.constant 1 : i32
    scf.for %scan3A_399 = %scan3A_315 to %scan3A_317 step %scan3A_318  : i32 {
      %mul3A_400 = arith.constant 4 : i32
      %mul3A_401 = arith.muli %scan3A_399, %mul3A_400 : i32
      %add3A_402 = arith.constant 0 : i32
      %add3A_403 = arith.addi %mul3A_401, %add3A_402 : i32
      %mul3A_404 = arith.constant 16 : i32
      %mul3A_405 = arith.muli %add3A_403, %mul3A_404 : i32
      %get3A_406 = arith.index_cast %mul3A_405 : i32 to index
      %get3A_407 = tpu.vector_load %arg11[%get3A_406] {strides = array<i32>} : memref<6144xf32, #tpu.memory_space<vmem>>, vector<16xf32>,
      %add3A_408 = arith.constant 2048 : i32
      %add3A_409 = arith.addi %add3A_408, %mul3A_405 : i32
      %get3A_410 = arith.index_cast %add3A_409 : i32 to index
      %get3A_411 = tpu.vector_load %arg11[%get3A_410] {strides = array<i32>} : memref<6144xf32, #tpu.memory_space<vmem>>, vector<16xf32>,
      %add3A_412 = arith.constant 4096 : i32
      %add3A_413 = arith.addi %add3A_412, %mul3A_405 : i32
      %get3A_414 = arith.index_cast %add3A_413 : i32 to index
      %get3A_415 = tpu.vector_load %arg11[%get3A_414] {strides = array<i32>} : memref<6144xf32, #tpu.memory_space<vmem>>, vector<16xf32>,
      %mul3A_416 = arith.mulf %get3A_407, %get3A_19 : vector<16xf32>
      %mul3A_417 = arith.mulf %get3A_411, %get3A_23 : vector<16xf32>
      %add3A_418 = arith.addf %mul3A_416, %mul3A_417 : vector<16xf32>
      %mul3A_419 = arith.mulf %get3A_415, %get3A_27 : vector<16xf32>
      %add3A_420 = arith.addf %add3A_418, %mul3A_419 : vector<16xf32>
      %add3A_421 = arith.addf %add3A_420, %get3A_55 : vector<16xf32>
      %swap3A = arith.index_cast %mul3A_405 : i32 to index
      %swap3A_422 = tpu.vector_load %arg13[%swap3A] {strides = array<i32>} : memref<8192xf32, #tpu.memory_space<vmem>>, vector<16xf32>,
      tpu.vector_store %arg13[%swap3A], %add3A_421 {strides = array<i32>} : memref<8192xf32, #tpu.memory_space<vmem>>, vector<16xf32>,
      %mul3A_423 = arith.mulf %get3A_407, %get3A_31 : vector<16xf32>
      %mul3A_424 = arith.mulf %get3A_411, %get3A_35 : vector<16xf32>
      %add3A_425 = arith.addf %mul3A_423, %mul3A_424 : vector<16xf32>
      %mul3A_426 = arith.mulf %get3A_415, %get3A_39 : vector<16xf32>
      %add3A_427 = arith.addf %add3A_425, %mul3A_426 : vector<16xf32>
      %add3A_428 = arith.addf %add3A_427, %get3A_59 : vector<16xf32>
      %add3A_429 = arith.constant 2048 : i32
      %add3A_430 = arith.addi %add3A_429, %mul3A_405 : i32
      %swap3A_431 = arith.index_cast %add3A_430 : i32 to index
      %swap3A_432 = tpu.vector_load %arg13[%swap3A_431] {strides = array<i32>} : memref<8192xf32, #tpu.memory_space<vmem>>, vector<16xf32>,
      tpu.vector_store %arg13[%swap3A_431], %add3A_428 {strides = array<i32>} : memref<8192xf32, #tpu.memory_space<vmem>>, vector<16xf32>,
      %mul3A_433 = arith.mulf %get3A_407, %get3A_43 : vector<16xf32>
      %mul3A_434 = arith.mulf %get3A_411, %get3A_47 : vector<16xf32>
      %add3A_435 = arith.addf %mul3A_433, %mul3A_434 : vector<16xf32>
      %mul3A_436 = arith.mulf %get3A_415, %get3A_51 : vector<16xf32>
      %add3A_437 = arith.addf %add3A_435, %mul3A_436 : vector<16xf32>
      %add3A_438 = arith.addf %add3A_437, %get3A_63 : vector<16xf32>
      %add3A_439 = arith.constant 4096 : i32
      %add3A_440 = arith.addi %add3A_439, %mul3A_405 : i32
      %swap3A_441 = arith.index_cast %add3A_440 : i32 to index
      %swap3A_442 = tpu.vector_load %arg13[%swap3A_441] {strides = array<i32>} : memref<8192xf32, #tpu.memory_space<vmem>>, vector<16xf32>,
      tpu.vector_store %arg13[%swap3A_441], %add3A_438 {strides = array<i32>} : memref<8192xf32, #tpu.memory_space<vmem>>, vector<16xf32>,
      %get3A_443 = arith.index_cast %mul3A_405 : i32 to index
      %get3A_444 = tpu.vector_load %arg12[%get3A_443] {strides = array<i32>} : memref<2048xi32, #tpu.memory_space<vmem>>, vector<16xi32>,
      %swap3A_445 = arith.index_cast %mul3A_405 : i32 to index
      %swap3A_446 = tpu.vector_load %arg14[%swap3A_445] {strides = array<i32>} : memref<2048xi32, #tpu.memory_space<vmem>>, vector<16xi32>,
      tpu.vector_store %arg14[%swap3A_445], %get3A_444 {strides = array<i32>} : memref<2048xi32, #tpu.memory_space<vmem>>, vector<16xi32>,
      %mul3A_447 = arith.constant 4 : i32
      %mul3A_448 = arith.muli %scan3A_399, %mul3A_447 : i32
      %add3A_449 = arith.constant 1 : i32
      %add3A_450 = arith.addi %mul3A_448, %add3A_449 : i32
      %mul3A_451 = arith.constant 16 : i32
      %mul3A_452 = arith.muli %add3A_450, %mul3A_451 : i32
      %get3A_453 = arith.index_cast %mul3A_452 : i32 to index
      %get3A_454 = tpu.vector_load %arg11[%get3A_453] {strides = array<i32>} : memref<6144xf32, #tpu.memory_space<vmem>>, vector<16xf32>,
      %add3A_455 = arith.constant 2048 : i32
      %add3A_456 = arith.addi %add3A_455, %mul3A_452 : i32
      %get3A_457 = arith.index_cast %add3A_456 : i32 to index
      %get3A_458 = tpu.vector_load %arg11[%get3A_457] {strides = array<i32>} : memref<6144xf32, #tpu.memory_space<vmem>>, vector<16xf32>,
      %add3A_459 = arith.constant 4096 : i32
      %add3A_460 = arith.addi %add3A_459, %mul3A_452 : i32
      %get3A_461 = arith.index_cast %add3A_460 : i32 to index
      %get3A_462 = tpu.vector_load %arg11[%get3A_461] {strides = array<i32>} : memref<6144xf32, #tpu.memory_space<vmem>>, vector<16xf32>,
      %mul3A_463 = arith.mulf %get3A_454, %get3A_19 : vector<16xf32>
      %mul3A_464 = arith.mulf %get3A_458, %get3A_23 : vector<16xf32>
      %add3A_465 = arith.addf %mul3A_463, %mul3A_464 : vector<16xf32>
      %mul3A_466 = arith.mulf %get3A_462, %get3A_27 : vector<16xf32>
      %add3A_467 = arith.addf %add3A_465, %mul3A_466 : vector<16xf32>
      %add3A_468 = arith.addf %add3A_467, %get3A_55 : vector<16xf32>
      %swap3A_469 = arith.index_cast %mul3A_452 : i32 to index
      %swap3A_470 = tpu.vector_load %arg13[%swap3A_469] {strides = array<i32>} : memref<8192xf32, #tpu.memory_space<vmem>>, vector<16xf32>,
      tpu.vector_store %arg13[%swap3A_469], %add3A_468 {strides = array<i32>} : memref<8192xf32, #tpu.memory_space<vmem>>, vector<16xf32>,
      %mul3A_471 = arith.mulf %get3A_454, %get3A_31 : vector<16xf32>
      %mul3A_472 = arith.mulf %get3A_458, %get3A_35 : vector<16xf32>
      %add3A_473 = arith.addf %mul3A_471, %mul3A_472 : vector<16xf32>
      %mul3A_474 = arith.mulf %get3A_462, %get3A_39 : vector<16xf32>
      %add3A_475 = arith.addf %add3A_473, %mul3A_474 : vector<16xf32>
      %add3A_476 = arith.addf %add3A_475, %get3A_59 : vector<16xf32>
      %add3A_477 = arith.constant 2048 : i32
      %add3A_478 = arith.addi %add3A_477, %mul3A_452 : i32
      %swap3A_479 = arith.index_cast %add3A_478 : i32 to index
      %swap3A_480 = tpu.vector_load %arg13[%swap3A_479] {strides = array<i32>} : memref<8192xf32, #tpu.memory_space<vmem>>, vector<16xf32>,
      tpu.vector_store %arg13[%swap3A_479], %add3A_476 {strides = array<i32>} : memref<8192xf32, #tpu.memory_space<vmem>>, vector<16xf32>,
      %mul3A_481 = arith.mulf %get3A_454, %get3A_43 : vector<16xf32>
      %mul3A_482 = arith.mulf %get3A_458, %get3A_47 : vector<16xf32>
      %add3A_483 = arith.addf %mul3A_481, %mul3A_482 : vector<16xf32>
      %mul3A_484 = arith.mulf %get3A_462, %get3A_51 : vector<16xf32>
      %add3A_485 = arith.addf %add3A_483, %mul3A_484 : vector<16xf32>
      %add3A_486 = arith.addf %add3A_485, %get3A_63 : vector<16xf32>
      %add3A_487 = arith.constant 4096 : i32
      %add3A_488 = arith.addi %add3A_487, %mul3A_452 : i32
      %swap3A_489 = arith.index_cast %add3A_488 : i32 to index
      %swap3A_490 = tpu.vector_load %arg13[%swap3A_489] {strides = array<i32>} : memref<8192xf32, #tpu.memory_space<vmem>>, vector<16xf32>,
      tpu.vector_store %arg13[%swap3A_489], %add3A_486 {strides = array<i32>} : memref<8192xf32, #tpu.memory_space<vmem>>, vector<16xf32>,
      %get3A_491 = arith.index_cast %mul3A_452 : i32 to index
      %get3A_492 = tpu.vector_load %arg12[%get3A_491] {strides = array<i32>} : memref<2048xi32, #tpu.memory_space<vmem>>, vector<16xi32>,
      %swap3A_493 = arith.index_cast %mul3A_452 : i32 to index
      %swap3A_494 = tpu.vector_load %arg14[%swap3A_493] {strides = array<i32>} : memref<2048xi32, #tpu.memory_space<vmem>>, vector<16xi32>,
      tpu.vector_store %arg14[%swap3A_493], %get3A_492 {strides = array<i32>} : memref<2048xi32, #tpu.memory_space<vmem>>, vector<16xi32>,
      %mul3A_495 = arith.constant 4 : i32
      %mul3A_496 = arith.muli %scan3A_399, %mul3A_495 : i32
      %add3A_497 = arith.constant 2 : i32
      %add3A_498 = arith.addi %mul3A_496, %add3A_497 : i32
      %mul3A_499 = arith.constant 16 : i32
      %mul3A_500 = arith.muli %add3A_498, %mul3A_499 : i32
      %get3A_501 = arith.index_cast %mul3A_500 : i32 to index
      %get3A_502 = tpu.vector_load %arg11[%get3A_501] {strides = array<i32>} : memref<6144xf32, #tpu.memory_space<vmem>>, vector<16xf32>,
      %add3A_503 = arith.constant 2048 : i32
      %add3A_504 = arith.addi %add3A_503, %mul3A_500 : i32
      %get3A_505 = arith.index_cast %add3A_504 : i32 to index
      %get3A_506 = tpu.vector_load %arg11[%get3A_505] {strides = array<i32>} : memref<6144xf32, #tpu.memory_space<vmem>>, vector<16xf32>,
      %add3A_507 = arith.constant 4096 : i32
      %add3A_508 = arith.addi %add3A_507, %mul3A_500 : i32
      %get3A_509 = arith.index_cast %add3A_508 : i32 to index
      %get3A_510 = tpu.vector_load %arg11[%get3A_509] {strides = array<i32>} : memref<6144xf32, #tpu.memory_space<vmem>>, vector<16xf32>,
      %mul3A_511 = arith.mulf %get3A_502, %get3A_19 : vector<16xf32>
      %mul3A_512 = arith.mulf %get3A_506, %get3A_23 : vector<16xf32>
      %add3A_513 = arith.addf %mul3A_511, %mul3A_512 : vector<16xf32>
      %mul3A_514 = arith.mulf %get3A_510, %get3A_27 : vector<16xf32>
      %add3A_515 = arith.addf %add3A_513, %mul3A_514 : vector<16xf32>
      %add3A_516 = arith.addf %add3A_515, %get3A_55 : vector<16xf32>
      %swap3A_517 = arith.index_cast %mul3A_500 : i32 to index
      %swap3A_518 = tpu.vector_load %arg13[%swap3A_517] {strides = array<i32>} : memref<8192xf32, #tpu.memory_space<vmem>>, vector<16xf32>,
      tpu.vector_store %arg13[%swap3A_517], %add3A_516 {strides = array<i32>} : memref<8192xf32, #tpu.memory_space<vmem>>, vector<16xf32>,
      %mul3A_519 = arith.mulf %get3A_502, %get3A_31 : vector<16xf32>
      %mul3A_520 = arith.mulf %get3A_506, %get3A_35 : vector<16xf32>
      %add3A_521 = arith.addf %mul3A_519, %mul3A_520 : vector<16xf32>
      %mul3A_522 = arith.mulf %get3A_510, %get3A_39 : vector<16xf32>
      %add3A_523 = arith.addf %add3A_521, %mul3A_522 : vector<16xf32>
      %add3A_524 = arith.addf %add3A_523, %get3A_59 : vector<16xf32>
      %add3A_525 = arith.constant 2048 : i32
      %add3A_526 = arith.addi %add3A_525, %mul3A_500 : i32
      %swap3A_527 = arith.index_cast %add3A_526 : i32 to index
      %swap3A_528 = tpu.vector_load %arg13[%swap3A_527] {strides = array<i32>} : memref<8192xf32, #tpu.memory_space<vmem>>, vector<16xf32>,
      tpu.vector_store %arg13[%swap3A_527], %add3A_524 {strides = array<i32>} : memref<8192xf32, #tpu.memory_space<vmem>>, vector<16xf32>,
      %mul3A_529 = arith.mulf %get3A_502, %get3A_43 : vector<16xf32>
      %mul3A_530 = arith.mulf %get3A_506, %get3A_47 : vector<16xf32>
      %add3A_531 = arith.addf %mul3A_529, %mul3A_530 : vector<16xf32>
      %mul3A_532 = arith.mulf %get3A_510, %get3A_51 : vector<16xf32>
      %add3A_533 = arith.addf %add3A_531, %mul3A_532 : vector<16xf32>
      %add3A_534 = arith.addf %add3A_533, %get3A_63 : vector<16xf32>
      %add3A_535 = arith.constant 4096 : i32
      %add3A_536 = arith.addi %add3A_535, %mul3A_500 : i32
      %swap3A_537 = arith.index_cast %add3A_536 : i32 to index
      %swap3A_538 = tpu.vector_load %arg13[%swap3A_537] {strides = array<i32>} : memref<8192xf32, #tpu.memory_space<vmem>>, vector<16xf32>,
      tpu.vector_store %arg13[%swap3A_537], %add3A_534 {strides = array<i32>} : memref<8192xf32, #tpu.memory_space<vmem>>, vector<16xf32>,
      %get3A_539 = arith.index_cast %mul3A_500 : i32 to index
      %get3A_540 = tpu.vector_load %arg12[%get3A_539] {strides = array<i32>} : memref<2048xi32, #tpu.memory_space<vmem>>, vector<16xi32>,
      %swap3A_541 = arith.index_cast %mul3A_500 : i32 to index
      %swap3A_542 = tpu.vector_load %arg14[%swap3A_541] {strides = array<i32>} : memref<2048xi32, #tpu.memory_space<vmem>>, vector<16xi32>,
      tpu.vector_store %arg14[%swap3A_541], %get3A_540 {strides = array<i32>} : memref<2048xi32, #tpu.memory_space<vmem>>, vector<16xi32>,
      %mul3A_543 = arith.constant 4 : i32
      %mul3A_544 = arith.muli %scan3A_399, %mul3A_543 : i32
      %add3A_545 = arith.constant 3 : i32
      %add3A_546 = arith.addi %mul3A_544, %add3A_545 : i32
      %mul3A_547 = arith.constant 16 : i32
      %mul3A_548 = arith.muli %add3A_546, %mul3A_547 : i32
      %get3A_549 = arith.index_cast %mul3A_548 : i32 to index
      %get3A_550 = tpu.vector_load %arg11[%get3A_549] {strides = array<i32>} : memref<6144xf32, #tpu.memory_space<vmem>>, vector<16xf32>,
      %add3A_551 = arith.constant 2048 : i32
      %add3A_552 = arith.addi %add3A_551, %mul3A_548 : i32
      %get3A_553 = arith.index_cast %add3A_552 : i32 to index
      %get3A_554 = tpu.vector_load %arg11[%get3A_553] {strides = array<i32>} : memref<6144xf32, #tpu.memory_space<vmem>>, vector<16xf32>,
      %add3A_555 = arith.constant 4096 : i32
      %add3A_556 = arith.addi %add3A_555, %mul3A_548 : i32
      %get3A_557 = arith.index_cast %add3A_556 : i32 to index
      %get3A_558 = tpu.vector_load %arg11[%get3A_557] {strides = array<i32>} : memref<6144xf32, #tpu.memory_space<vmem>>, vector<16xf32>,
      %mul3A_559 = arith.mulf %get3A_550, %get3A_19 : vector<16xf32>
      %mul3A_560 = arith.mulf %get3A_554, %get3A_23 : vector<16xf32>
      %add3A_561 = arith.addf %mul3A_559, %mul3A_560 : vector<16xf32>
      %mul3A_562 = arith.mulf %get3A_558, %get3A_27 : vector<16xf32>
      %add3A_563 = arith.addf %add3A_561, %mul3A_562 : vector<16xf32>
      %add3A_564 = arith.addf %add3A_563, %get3A_55 : vector<16xf32>
      %swap3A_565 = arith.index_cast %mul3A_548 : i32 to index
      %swap3A_566 = tpu.vector_load %arg13[%swap3A_565] {strides = array<i32>} : memref<8192xf32, #tpu.memory_space<vmem>>, vector<16xf32>,
      tpu.vector_store %arg13[%swap3A_565], %add3A_564 {strides = array<i32>} : memref<8192xf32, #tpu.memory_space<vmem>>, vector<16xf32>,
      %mul3A_567 = arith.mulf %get3A_550, %get3A_31 : vector<16xf32>
      %mul3A_568 = arith.mulf %get3A_554, %get3A_35 : vector<16xf32>
      %add3A_569 = arith.addf %mul3A_567, %mul3A_568 : vector<16xf32>
      %mul3A_570 = arith.mulf %get3A_558, %get3A_39 : vector<16xf32>
      %add3A_571 = arith.addf %add3A_569, %mul3A_570 : vector<16xf32>
      %add3A_572 = arith.addf %add3A_571, %get3A_59 : vector<16xf32>
      %add3A_573 = arith.constant 2048 : i32
      %add3A_574 = arith.addi %add3A_573, %mul3A_548 : i32
      %swap3A_575 = arith.index_cast %add3A_574 : i32 to index
      %swap3A_576 = tpu.vector_load %arg13[%swap3A_575] {strides = array<i32>} : memref<8192xf32, #tpu.memory_space<vmem>>, vector<16xf32>,
      tpu.vector_store %arg13[%swap3A_575], %add3A_572 {strides = array<i32>} : memref<8192xf32, #tpu.memory_space<vmem>>, vector<16xf32>,
      %mul3A_577 = arith.mulf %get3A_550, %get3A_43 : vector<16xf32>
      %mul3A_578 = arith.mulf %get3A_554, %get3A_47 : vector<16xf32>
      %add3A_579 = arith.addf %mul3A_577, %mul3A_578 : vector<16xf32>
      %mul3A_580 = arith.mulf %get3A_558, %get3A_51 : vector<16xf32>
      %add3A_581 = arith.addf %add3A_579, %mul3A_580 : vector<16xf32>
      %add3A_582 = arith.addf %add3A_581, %get3A_63 : vector<16xf32>
      %add3A_583 = arith.constant 4096 : i32
      %add3A_584 = arith.addi %add3A_583, %mul3A_548 : i32
      %swap3A_585 = arith.index_cast %add3A_584 : i32 to index
      %swap3A_586 = tpu.vector_load %arg13[%swap3A_585] {strides = array<i32>} : memref<8192xf32, #tpu.memory_space<vmem>>, vector<16xf32>,
      tpu.vector_store %arg13[%swap3A_585], %add3A_582 {strides = array<i32>} : memref<8192xf32, #tpu.memory_space<vmem>>, vector<16xf32>,
      %get3A_587 = arith.index_cast %mul3A_548 : i32 to index
      %get3A_588 = tpu.vector_load %arg12[%get3A_587] {strides = array<i32>} : memref<2048xi32, #tpu.memory_space<vmem>>, vector<16xi32>,
      %swap3A_589 = arith.index_cast %mul3A_548 : i32 to index
      %swap3A_590 = tpu.vector_load %arg14[%swap3A_589] {strides = array<i32>} : memref<2048xi32, #tpu.memory_space<vmem>>, vector<16xi32>,
      tpu.vector_store %arg14[%swap3A_589], %get3A_588 {strides = array<i32>} : memref<2048xi32, #tpu.memory_space<vmem>>, vector<16xi32>,
    }
    %scan3A_319 = arith.constant 32 : i32
    %dma_start3A_320 = arith.constant 0 : i32
    %dma_start3A_321 = tpu.memref_slice %arg13[%dma_start3A_320] : memref<8192xf32, #tpu.memory_space<vmem>> -> memref<2048xf32, #tpu.memory_space<vmem>>
    %dma_start3A_322 = arith.constant 0 : i32
    %dma_start3A_323 = tpu.memref_slice %arg7[%dma_start3A_322] : memref<100352xf32, #tpu.memory_space<vmem_shared>> -> memref<100352xf32, #tpu.memory_space<vmem_shared>>
    tpu.enqueue_indirect_dma source(%dma_start3A_321 : memref<2048xf32, #tpu.memory_space<vmem>>) target(%dma_start3A_323 : memref<100352xf32, #tpu.memory_space<vmem_shared>>) offsets(%arg14 : memref<2048xi32, #tpu.memory_space<vmem>>) semaphore(%arg22 : memref<!tpu.dma_semaphore, #tpu.memory_space<semaphore_mem>>) {add = true}
    %dma_start3A_324 = arith.constant 2048 : i32
    %dma_start3A_325 = tpu.memref_slice %arg13[%dma_start3A_324] : memref<8192xf32, #tpu.memory_space<vmem>> -> memref<2048xf32, #tpu.memory_space<vmem>>
    %dma_start3A_326 = arith.constant 0 : i32
    %dma_start3A_327 = tpu.memref_slice %arg8[%dma_start3A_326] : memref<100352xf32, #tpu.memory_space<vmem_shared>> -> memref<100352xf32, #tpu.memory_space<vmem_shared>>
    tpu.enqueue_indirect_dma source(%dma_start3A_325 : memref<2048xf32, #tpu.memory_space<vmem>>) target(%dma_start3A_327 : memref<100352xf32, #tpu.memory_space<vmem_shared>>) offsets(%arg14 : memref<2048xi32, #tpu.memory_space<vmem>>) semaphore(%arg22 : memref<!tpu.dma_semaphore, #tpu.memory_space<semaphore_mem>>) {add = true}
    %dma_start3A_328 = arith.constant 4096 : i32
    %dma_start3A_329 = tpu.memref_slice %arg13[%dma_start3A_328] : memref<8192xf32, #tpu.memory_space<vmem>> -> memref<2048xf32, #tpu.memory_space<vmem>>
    %dma_start3A_330 = arith.constant 0 : i32
    %dma_start3A_331 = tpu.memref_slice %arg9[%dma_start3A_330] : memref<100352xf32, #tpu.memory_space<vmem_shared>> -> memref<100352xf32, #tpu.memory_space<vmem_shared>>
    tpu.enqueue_indirect_dma source(%dma_start3A_329 : memref<2048xf32, #tpu.memory_space<vmem>>) target(%dma_start3A_331 : memref<100352xf32, #tpu.memory_space<vmem_shared>>) offsets(%arg14 : memref<2048xi32, #tpu.memory_space<vmem>>) semaphore(%arg22 : memref<!tpu.dma_semaphore, #tpu.memory_space<semaphore_mem>>) {add = true}
    %dma_start3A_332 = arith.constant 6144 : i32
    %dma_start3A_333 = tpu.memref_slice %arg13[%dma_start3A_332] : memref<8192xf32, #tpu.memory_space<vmem>> -> memref<2048xf32, #tpu.memory_space<vmem>>
    %dma_start3A_334 = arith.constant 0 : i32
    %dma_start3A_335 = tpu.memref_slice %arg10[%dma_start3A_334] : memref<100352xf32, #tpu.memory_space<vmem_shared>> -> memref<100352xf32, #tpu.memory_space<vmem_shared>>
    tpu.enqueue_indirect_dma source(%dma_start3A_333 : memref<2048xf32, #tpu.memory_space<vmem>>) target(%dma_start3A_335 : memref<100352xf32, #tpu.memory_space<vmem_shared>>) offsets(%arg14 : memref<2048xi32, #tpu.memory_space<vmem>>) semaphore(%arg22 : memref<!tpu.dma_semaphore, #tpu.memory_space<semaphore_mem>>) {add = true}
    %dma_wait3A_336 = arith.constant 0 : i32
    %dma_wait3A_337 = tpu.memref_slice %arg13[%dma_wait3A_336] : memref<8192xf32, #tpu.memory_space<vmem>> -> memref<2048xf32, #tpu.memory_space<vmem>>
    %dma_wait3A_338 = arith.constant 0 : i32
    %dma_wait3A_339 = tpu.memref_slice %arg7[%dma_wait3A_338] : memref<100352xf32, #tpu.memory_space<vmem_shared>> -> memref<100352xf32, #tpu.memory_space<vmem_shared>>
    tpu.wait_indirect_dma semaphore(%arg22 : memref<!tpu.dma_semaphore, #tpu.memory_space<semaphore_mem>>) src(%dma_wait3A_337 : memref<2048xf32, #tpu.memory_space<vmem>>) dst(%dma_wait3A_339 : memref<100352xf32, #tpu.memory_space<vmem_shared>>)
    %dma_wait3A_340 = arith.constant 2048 : i32
    %dma_wait3A_341 = tpu.memref_slice %arg13[%dma_wait3A_340] : memref<8192xf32, #tpu.memory_space<vmem>> -> memref<2048xf32, #tpu.memory_space<vmem>>
    %dma_wait3A_342 = arith.constant 0 : i32
    %dma_wait3A_343 = tpu.memref_slice %arg8[%dma_wait3A_342] : memref<100352xf32, #tpu.memory_space<vmem_shared>> -> memref<100352xf32, #tpu.memory_space<vmem_shared>>
    tpu.wait_indirect_dma semaphore(%arg22 : memref<!tpu.dma_semaphore, #tpu.memory_space<semaphore_mem>>) src(%dma_wait3A_341 : memref<2048xf32, #tpu.memory_space<vmem>>) dst(%dma_wait3A_343 : memref<100352xf32, #tpu.memory_space<vmem_shared>>)
    %dma_wait3A_344 = arith.constant 4096 : i32
    %dma_wait3A_345 = tpu.memref_slice %arg13[%dma_wait3A_344] : memref<8192xf32, #tpu.memory_space<vmem>> -> memref<2048xf32, #tpu.memory_space<vmem>>
    %dma_wait3A_346 = arith.constant 0 : i32
    %dma_wait3A_347 = tpu.memref_slice %arg9[%dma_wait3A_346] : memref<100352xf32, #tpu.memory_space<vmem_shared>> -> memref<100352xf32, #tpu.memory_space<vmem_shared>>
    tpu.wait_indirect_dma semaphore(%arg22 : memref<!tpu.dma_semaphore, #tpu.memory_space<semaphore_mem>>) src(%dma_wait3A_345 : memref<2048xf32, #tpu.memory_space<vmem>>) dst(%dma_wait3A_347 : memref<100352xf32, #tpu.memory_space<vmem_shared>>)
    %dma_wait3A_348 = arith.constant 6144 : i32
    %dma_wait3A_349 = tpu.memref_slice %arg13[%dma_wait3A_348] : memref<8192xf32, #tpu.memory_space<vmem>> -> memref<2048xf32, #tpu.memory_space<vmem>>
    %dma_wait3A_350 = arith.constant 0 : i32
    %dma_wait3A_351 = tpu.memref_slice %arg10[%dma_wait3A_350] : memref<100352xf32, #tpu.memory_space<vmem_shared>> -> memref<100352xf32, #tpu.memory_space<vmem_shared>>
    tpu.wait_indirect_dma semaphore(%arg22 : memref<!tpu.dma_semaphore, #tpu.memory_space<semaphore_mem>>) src(%dma_wait3A_349 : memref<2048xf32, #tpu.memory_space<vmem>>) dst(%dma_wait3A_351 : memref<100352xf32, #tpu.memory_space<vmem_shared>>)
    %sub3A = arith.constant 1552 : i32
    %sub3A_352 = arith.subi %add3A_81, %sub3A : i32
    %while3A = arith.constant 0 : i32
    %while3A_353 = arith.constant 0 : i32
    %while3A_354 = arith.subi %sub3A_352, %while3A_353 : i32
    %while3A_355 = arith.addi %while3A_353, %while3A_354 : i32
    %while3A_356 = arith.constant 1 : i32
    %while3A_357 = arith.divsi %while3A_354, %while3A_356 : i32
    %while3A_358 = arith.muli %while3A_357, %while3A_356 : i32
    %while3A_359 = arith.addi %while3A_353, %while3A_358 : i32
    %while3A_360 = arith.constant 1 : i32
    scf.for %while3A_399 = %while3A_353 to %while3A_359 step %while3A_360  : i32 {
      %add3A_400 = arith.constant 1552 : i32
      %add3A_401 = arith.addi %add3A_78, %add3A_400 : i32
      %add3A_402 = arith.addi %add3A_401, %while3A_399 : i32
      %min3A_403 = arith.constant 49999 : i32
      %min3A_404 = arith.minsi %add3A_402, %min3A_403 : i32
      %mul3A_405 = arith.constant 128 : i32
      %mul3A_406 = arith.muli %min3A_404, %mul3A_405 : i32
      %add3A_407 = arith.constant 6400000 : i32
      %add3A_408 = arith.addi %add3A_407, %mul3A_406 : i32
      %add3A_409 = arith.constant 12800000 : i32
      %add3A_410 = arith.addi %add3A_409, %mul3A_406 : i32
      %dma_start3A_411 = arith.constant 0 : i32
      %dma_start3A_412 = tpu.memref_slice %arg11[%dma_start3A_411] : memref<6144xf32, #tpu.memory_space<vmem>> -> memref<128xf32, #tpu.memory_space<vmem>>
      %dma_start3A_413 = tpu.memref_slice %arg2[%mul3A_406] : memref<19200000xf32, #tpu.memory_space<hbm>> -> memref<128xf32, #tpu.memory_space<hbm>>
      %dma_start3A_414 = arith.constant 0 : i32
      %dma_start3A_415 = tpu.memref_slice %arg11[%dma_start3A_414] : memref<6144xf32, #tpu.memory_space<vmem>> -> memref<128xf32, #tpu.memory_space<vmem>>
      %dma_start3A_416 = tpu.memref_slice %arg2[%mul3A_406] : memref<19200000xf32, #tpu.memory_space<hbm>> -> memref<128xf32, #tpu.memory_space<hbm>>
      tpu.enqueue_dma source(%dma_start3A_416 : memref<128xf32, #tpu.memory_space<hbm>>) target(%dma_start3A_415 : memref<128xf32, #tpu.memory_space<vmem>>) target_semaphore(%arg21 : memref<!tpu.dma_semaphore, #tpu.memory_space<semaphore_mem>>)
      %dma_start3A_417 = arith.constant 2048 : i32
      %dma_start3A_418 = tpu.memref_slice %arg11[%dma_start3A_417] : memref<6144xf32, #tpu.memory_space<vmem>> -> memref<128xf32, #tpu.memory_space<vmem>>
      %dma_start3A_419 = tpu.memref_slice %arg2[%add3A_408] : memref<19200000xf32, #tpu.memory_space<hbm>> -> memref<128xf32, #tpu.memory_space<hbm>>
      %dma_start3A_420 = arith.constant 2048 : i32
      %dma_start3A_421 = tpu.memref_slice %arg11[%dma_start3A_420] : memref<6144xf32, #tpu.memory_space<vmem>> -> memref<128xf32, #tpu.memory_space<vmem>>
      %dma_start3A_422 = tpu.memref_slice %arg2[%add3A_408] : memref<19200000xf32, #tpu.memory_space<hbm>> -> memref<128xf32, #tpu.memory_space<hbm>>
      tpu.enqueue_dma source(%dma_start3A_422 : memref<128xf32, #tpu.memory_space<hbm>>) target(%dma_start3A_421 : memref<128xf32, #tpu.memory_space<vmem>>) target_semaphore(%arg21 : memref<!tpu.dma_semaphore, #tpu.memory_space<semaphore_mem>>)
      %dma_start3A_423 = arith.constant 4096 : i32
      %dma_start3A_424 = tpu.memref_slice %arg11[%dma_start3A_423] : memref<6144xf32, #tpu.memory_space<vmem>> -> memref<128xf32, #tpu.memory_space<vmem>>
      %dma_start3A_425 = tpu.memref_slice %arg2[%add3A_410] : memref<19200000xf32, #tpu.memory_space<hbm>> -> memref<128xf32, #tpu.memory_space<hbm>>
      %dma_start3A_426 = arith.constant 4096 : i32
      %dma_start3A_427 = tpu.memref_slice %arg11[%dma_start3A_426] : memref<6144xf32, #tpu.memory_space<vmem>> -> memref<128xf32, #tpu.memory_space<vmem>>
      %dma_start3A_428 = tpu.memref_slice %arg2[%add3A_410] : memref<19200000xf32, #tpu.memory_space<hbm>> -> memref<128xf32, #tpu.memory_space<hbm>>
      tpu.enqueue_dma source(%dma_start3A_428 : memref<128xf32, #tpu.memory_space<hbm>>) target(%dma_start3A_427 : memref<128xf32, #tpu.memory_space<vmem>>) target_semaphore(%arg21 : memref<!tpu.dma_semaphore, #tpu.memory_space<semaphore_mem>>)
      %dma_start3A_429 = arith.constant 0 : i32
      %dma_start3A_430 = tpu.memref_slice %arg12[%dma_start3A_429] : memref<2048xi32, #tpu.memory_space<vmem>> -> memref<128xi32, #tpu.memory_space<vmem>>
      %dma_start3A_431 = tpu.memref_slice %arg3[%mul3A_406] : memref<6400000xi32, #tpu.memory_space<hbm>> -> memref<128xi32, #tpu.memory_space<hbm>>
      %dma_start3A_432 = arith.constant 0 : i32
      %dma_start3A_433 = tpu.memref_slice %arg12[%dma_start3A_432] : memref<2048xi32, #tpu.memory_space<vmem>> -> memref<128xi32, #tpu.memory_space<vmem>>
      %dma_start3A_434 = tpu.memref_slice %arg3[%mul3A_406] : memref<6400000xi32, #tpu.memory_space<hbm>> -> memref<128xi32, #tpu.memory_space<hbm>>
      tpu.enqueue_dma source(%dma_start3A_434 : memref<128xi32, #tpu.memory_space<hbm>>) target(%dma_start3A_433 : memref<128xi32, #tpu.memory_space<vmem>>) target_semaphore(%arg21 : memref<!tpu.dma_semaphore, #tpu.memory_space<semaphore_mem>>)
      %dma_wait3A_435 = arith.constant 0 : i32
      %dma_wait3A_436 = tpu.memref_slice %arg11[%dma_wait3A_435] : memref<6144xf32, #tpu.memory_space<vmem>> -> memref<128xf32, #tpu.memory_space<vmem>>
      %dma_wait3A_437 = arith.constant 0 : i32
      %dma_wait3A_438 = tpu.memref_slice %arg2[%dma_wait3A_437] : memref<19200000xf32, #tpu.memory_space<hbm>> -> memref<128xf32, #tpu.memory_space<hbm>>
      %dma_wait3A_439 = arith.constant 0 : i32
      %dma_wait3A_440 = tpu.memref_slice %arg11[%dma_wait3A_439] : memref<6144xf32, #tpu.memory_space<vmem>> -> memref<128xf32, #tpu.memory_space<vmem>>
      %dma_wait3A_441 = arith.constant 0 : i32
      %dma_wait3A_442 = tpu.memref_slice %arg2[%dma_wait3A_441] : memref<19200000xf32, #tpu.memory_space<hbm>> -> memref<128xf32, #tpu.memory_space<hbm>>
      tpu.wait_dma2 semaphore(%arg21 : memref<!tpu.dma_semaphore, #tpu.memory_space<semaphore_mem>>) src(%dma_wait3A_442 : memref<128xf32, #tpu.memory_space<hbm>>) dst(%dma_wait3A_440 : memref<128xf32, #tpu.memory_space<vmem>>)
      %dma_wait3A_443 = arith.constant 2048 : i32
      %dma_wait3A_444 = tpu.memref_slice %arg11[%dma_wait3A_443] : memref<6144xf32, #tpu.memory_space<vmem>> -> memref<128xf32, #tpu.memory_space<vmem>>
      %dma_wait3A_445 = arith.constant 6400000 : i32
      %dma_wait3A_446 = tpu.memref_slice %arg2[%dma_wait3A_445] : memref<19200000xf32, #tpu.memory_space<hbm>> -> memref<128xf32, #tpu.memory_space<hbm>>
      %dma_wait3A_447 = arith.constant 2048 : i32
      %dma_wait3A_448 = tpu.memref_slice %arg11[%dma_wait3A_447] : memref<6144xf32, #tpu.memory_space<vmem>> -> memref<128xf32, #tpu.memory_space<vmem>>
      %dma_wait3A_449 = arith.constant 6400000 : i32
      %dma_wait3A_450 = tpu.memref_slice %arg2[%dma_wait3A_449] : memref<19200000xf32, #tpu.memory_space<hbm>> -> memref<128xf32, #tpu.memory_space<hbm>>
      tpu.wait_dma2 semaphore(%arg21 : memref<!tpu.dma_semaphore, #tpu.memory_space<semaphore_mem>>) src(%dma_wait3A_450 : memref<128xf32, #tpu.memory_space<hbm>>) dst(%dma_wait3A_448 : memref<128xf32, #tpu.memory_space<vmem>>)
      %dma_wait3A_451 = arith.constant 4096 : i32
      %dma_wait3A_452 = tpu.memref_slice %arg11[%dma_wait3A_451] : memref<6144xf32, #tpu.memory_space<vmem>> -> memref<128xf32, #tpu.memory_space<vmem>>
      %dma_wait3A_453 = arith.constant 12800000 : i32
      %dma_wait3A_454 = tpu.memref_slice %arg2[%dma_wait3A_453] : memref<19200000xf32, #tpu.memory_space<hbm>> -> memref<128xf32, #tpu.memory_space<hbm>>
      %dma_wait3A_455 = arith.constant 4096 : i32
      %dma_wait3A_456 = tpu.memref_slice %arg11[%dma_wait3A_455] : memref<6144xf32, #tpu.memory_space<vmem>> -> memref<128xf32, #tpu.memory_space<vmem>>
      %dma_wait3A_457 = arith.constant 12800000 : i32
      %dma_wait3A_458 = tpu.memref_slice %arg2[%dma_wait3A_457] : memref<19200000xf32, #tpu.memory_space<hbm>> -> memref<128xf32, #tpu.memory_space<hbm>>
      tpu.wait_dma2 semaphore(%arg21 : memref<!tpu.dma_semaphore, #tpu.memory_space<semaphore_mem>>) src(%dma_wait3A_458 : memref<128xf32, #tpu.memory_space<hbm>>) dst(%dma_wait3A_456 : memref<128xf32, #tpu.memory_space<vmem>>)
      %dma_wait3A_459 = arith.constant 0 : i32
      %dma_wait3A_460 = tpu.memref_slice %arg12[%dma_wait3A_459] : memref<2048xi32, #tpu.memory_space<vmem>> -> memref<128xi32, #tpu.memory_space<vmem>>
      %dma_wait3A_461 = arith.constant 0 : i32
      %dma_wait3A_462 = tpu.memref_slice %arg3[%dma_wait3A_461] : memref<6400000xi32, #tpu.memory_space<hbm>> -> memref<128xi32, #tpu.memory_space<hbm>>
      %dma_wait3A_463 = arith.constant 0 : i32
      %dma_wait3A_464 = tpu.memref_slice %arg12[%dma_wait3A_463] : memref<2048xi32, #tpu.memory_space<vmem>> -> memref<128xi32, #tpu.memory_space<vmem>>
      %dma_wait3A_465 = arith.constant 0 : i32
      %dma_wait3A_466 = tpu.memref_slice %arg3[%dma_wait3A_465] : memref<6400000xi32, #tpu.memory_space<hbm>> -> memref<128xi32, #tpu.memory_space<hbm>>
      tpu.wait_dma2 semaphore(%arg21 : memref<!tpu.dma_semaphore, #tpu.memory_space<semaphore_mem>>) src(%dma_wait3A_466 : memref<128xi32, #tpu.memory_space<hbm>>) dst(%dma_wait3A_464 : memref<128xi32, #tpu.memory_space<vmem>>)
      %scan3A_467 = arith.constant 0 : i32
      %scan3A_468 = arith.constant 0 : i32
      %scan3A_469 = arith.constant 2 : i32
      %scan3A_470 = arith.addi %scan3A_468, %scan3A_469 : i32
      %scan3A_471 = arith.constant 1 : i32
      scf.for %scan3A_511 = %scan3A_468 to %scan3A_470 step %scan3A_471  : i32 {
        %mul3A_512 = arith.constant 4 : i32
        %mul3A_513 = arith.muli %scan3A_511, %mul3A_512 : i32
        %add3A_514 = arith.constant 0 : i32
        %add3A_515 = arith.addi %mul3A_513, %add3A_514 : i32
        %mul3A_516 = arith.constant 16 : i32
        %mul3A_517 = arith.muli %add3A_515, %mul3A_516 : i32
        %get3A_518 = arith.index_cast %mul3A_517 : i32 to index
        %get3A_519 = tpu.vector_load %arg11[%get3A_518] {strides = array<i32>} : memref<6144xf32, #tpu.memory_space<vmem>>, vector<16xf32>,
        %add3A_520 = arith.constant 2048 : i32
        %add3A_521 = arith.addi %add3A_520, %mul3A_517 : i32
        %get3A_522 = arith.index_cast %add3A_521 : i32 to index
        %get3A_523 = tpu.vector_load %arg11[%get3A_522] {strides = array<i32>} : memref<6144xf32, #tpu.memory_space<vmem>>, vector<16xf32>,
        %add3A_524 = arith.constant 4096 : i32
        %add3A_525 = arith.addi %add3A_524, %mul3A_517 : i32
        %get3A_526 = arith.index_cast %add3A_525 : i32 to index
        %get3A_527 = tpu.vector_load %arg11[%get3A_526] {strides = array<i32>} : memref<6144xf32, #tpu.memory_space<vmem>>, vector<16xf32>,
        %mul3A_528 = arith.mulf %get3A_519, %get3A_19 : vector<16xf32>
        %mul3A_529 = arith.mulf %get3A_523, %get3A_23 : vector<16xf32>
        %add3A_530 = arith.addf %mul3A_528, %mul3A_529 : vector<16xf32>
        %mul3A_531 = arith.mulf %get3A_527, %get3A_27 : vector<16xf32>
        %add3A_532 = arith.addf %add3A_530, %mul3A_531 : vector<16xf32>
        %add3A_533 = arith.addf %add3A_532, %get3A_55 : vector<16xf32>
        %swap3A = arith.index_cast %mul3A_517 : i32 to index
        %swap3A_534 = tpu.vector_load %arg13[%swap3A] {strides = array<i32>} : memref<8192xf32, #tpu.memory_space<vmem>>, vector<16xf32>,
        tpu.vector_store %arg13[%swap3A], %add3A_533 {strides = array<i32>} : memref<8192xf32, #tpu.memory_space<vmem>>, vector<16xf32>,
        %mul3A_535 = arith.mulf %get3A_519, %get3A_31 : vector<16xf32>
        %mul3A_536 = arith.mulf %get3A_523, %get3A_35 : vector<16xf32>
        %add3A_537 = arith.addf %mul3A_535, %mul3A_536 : vector<16xf32>
        %mul3A_538 = arith.mulf %get3A_527, %get3A_39 : vector<16xf32>
        %add3A_539 = arith.addf %add3A_537, %mul3A_538 : vector<16xf32>
        %add3A_540 = arith.addf %add3A_539, %get3A_59 : vector<16xf32>
        %add3A_541 = arith.constant 2048 : i32
        %add3A_542 = arith.addi %add3A_541, %mul3A_517 : i32
        %swap3A_543 = arith.index_cast %add3A_542 : i32 to index
        %swap3A_544 = tpu.vector_load %arg13[%swap3A_543] {strides = array<i32>} : memref<8192xf32, #tpu.memory_space<vmem>>, vector<16xf32>,
        tpu.vector_store %arg13[%swap3A_543], %add3A_540 {strides = array<i32>} : memref<8192xf32, #tpu.memory_space<vmem>>, vector<16xf32>,
        %mul3A_545 = arith.mulf %get3A_519, %get3A_43 : vector<16xf32>
        %mul3A_546 = arith.mulf %get3A_523, %get3A_47 : vector<16xf32>
        %add3A_547 = arith.addf %mul3A_545, %mul3A_546 : vector<16xf32>
        %mul3A_548 = arith.mulf %get3A_527, %get3A_51 : vector<16xf32>
        %add3A_549 = arith.addf %add3A_547, %mul3A_548 : vector<16xf32>
        %add3A_550 = arith.addf %add3A_549, %get3A_63 : vector<16xf32>
        %add3A_551 = arith.constant 4096 : i32
        %add3A_552 = arith.addi %add3A_551, %mul3A_517 : i32
        %swap3A_553 = arith.index_cast %add3A_552 : i32 to index
        %swap3A_554 = tpu.vector_load %arg13[%swap3A_553] {strides = array<i32>} : memref<8192xf32, #tpu.memory_space<vmem>>, vector<16xf32>,
        tpu.vector_store %arg13[%swap3A_553], %add3A_550 {strides = array<i32>} : memref<8192xf32, #tpu.memory_space<vmem>>, vector<16xf32>,
        %get3A_555 = arith.index_cast %mul3A_517 : i32 to index
        %get3A_556 = tpu.vector_load %arg12[%get3A_555] {strides = array<i32>} : memref<2048xi32, #tpu.memory_space<vmem>>, vector<16xi32>,
        %swap3A_557 = arith.index_cast %mul3A_517 : i32 to index
        %swap3A_558 = tpu.vector_load %arg14[%swap3A_557] {strides = array<i32>} : memref<2048xi32, #tpu.memory_space<vmem>>, vector<16xi32>,
        tpu.vector_store %arg14[%swap3A_557], %get3A_556 {strides = array<i32>} : memref<2048xi32, #tpu.memory_space<vmem>>, vector<16xi32>,
        %mul3A_559 = arith.constant 4 : i32
        %mul3A_560 = arith.muli %scan3A_511, %mul3A_559 : i32
        %add3A_561 = arith.constant 1 : i32
        %add3A_562 = arith.addi %mul3A_560, %add3A_561 : i32
        %mul3A_563 = arith.constant 16 : i32
        %mul3A_564 = arith.muli %add3A_562, %mul3A_563 : i32
        %get3A_565 = arith.index_cast %mul3A_564 : i32 to index
        %get3A_566 = tpu.vector_load %arg11[%get3A_565] {strides = array<i32>} : memref<6144xf32, #tpu.memory_space<vmem>>, vector<16xf32>,
        %add3A_567 = arith.constant 2048 : i32
        %add3A_568 = arith.addi %add3A_567, %mul3A_564 : i32
        %get3A_569 = arith.index_cast %add3A_568 : i32 to index
        %get3A_570 = tpu.vector_load %arg11[%get3A_569] {strides = array<i32>} : memref<6144xf32, #tpu.memory_space<vmem>>, vector<16xf32>,
        %add3A_571 = arith.constant 4096 : i32
        %add3A_572 = arith.addi %add3A_571, %mul3A_564 : i32
        %get3A_573 = arith.index_cast %add3A_572 : i32 to index
        %get3A_574 = tpu.vector_load %arg11[%get3A_573] {strides = array<i32>} : memref<6144xf32, #tpu.memory_space<vmem>>, vector<16xf32>,
        %mul3A_575 = arith.mulf %get3A_566, %get3A_19 : vector<16xf32>
        %mul3A_576 = arith.mulf %get3A_570, %get3A_23 : vector<16xf32>
        %add3A_577 = arith.addf %mul3A_575, %mul3A_576 : vector<16xf32>
        %mul3A_578 = arith.mulf %get3A_574, %get3A_27 : vector<16xf32>
        %add3A_579 = arith.addf %add3A_577, %mul3A_578 : vector<16xf32>
        %add3A_580 = arith.addf %add3A_579, %get3A_55 : vector<16xf32>
        %swap3A_581 = arith.index_cast %mul3A_564 : i32 to index
        %swap3A_582 = tpu.vector_load %arg13[%swap3A_581] {strides = array<i32>} : memref<8192xf32, #tpu.memory_space<vmem>>, vector<16xf32>,
        tpu.vector_store %arg13[%swap3A_581], %add3A_580 {strides = array<i32>} : memref<8192xf32, #tpu.memory_space<vmem>>, vector<16xf32>,
        %mul3A_583 = arith.mulf %get3A_566, %get3A_31 : vector<16xf32>
        %mul3A_584 = arith.mulf %get3A_570, %get3A_35 : vector<16xf32>
        %add3A_585 = arith.addf %mul3A_583, %mul3A_584 : vector<16xf32>
        %mul3A_586 = arith.mulf %get3A_574, %get3A_39 : vector<16xf32>
        %add3A_587 = arith.addf %add3A_585, %mul3A_586 : vector<16xf32>
        %add3A_588 = arith.addf %add3A_587, %get3A_59 : vector<16xf32>
        %add3A_589 = arith.constant 2048 : i32
        %add3A_590 = arith.addi %add3A_589, %mul3A_564 : i32
        %swap3A_591 = arith.index_cast %add3A_590 : i32 to index
        %swap3A_592 = tpu.vector_load %arg13[%swap3A_591] {strides = array<i32>} : memref<8192xf32, #tpu.memory_space<vmem>>, vector<16xf32>,
        tpu.vector_store %arg13[%swap3A_591], %add3A_588 {strides = array<i32>} : memref<8192xf32, #tpu.memory_space<vmem>>, vector<16xf32>,
        %mul3A_593 = arith.mulf %get3A_566, %get3A_43 : vector<16xf32>
        %mul3A_594 = arith.mulf %get3A_570, %get3A_47 : vector<16xf32>
        %add3A_595 = arith.addf %mul3A_593, %mul3A_594 : vector<16xf32>
        %mul3A_596 = arith.mulf %get3A_574, %get3A_51 : vector<16xf32>
        %add3A_597 = arith.addf %add3A_595, %mul3A_596 : vector<16xf32>
        %add3A_598 = arith.addf %add3A_597, %get3A_63 : vector<16xf32>
        %add3A_599 = arith.constant 4096 : i32
        %add3A_600 = arith.addi %add3A_599, %mul3A_564 : i32
        %swap3A_601 = arith.index_cast %add3A_600 : i32 to index
        %swap3A_602 = tpu.vector_load %arg13[%swap3A_601] {strides = array<i32>} : memref<8192xf32, #tpu.memory_space<vmem>>, vector<16xf32>,
        tpu.vector_store %arg13[%swap3A_601], %add3A_598 {strides = array<i32>} : memref<8192xf32, #tpu.memory_space<vmem>>, vector<16xf32>,
        %get3A_603 = arith.index_cast %mul3A_564 : i32 to index
        %get3A_604 = tpu.vector_load %arg12[%get3A_603] {strides = array<i32>} : memref<2048xi32, #tpu.memory_space<vmem>>, vector<16xi32>,
        %swap3A_605 = arith.index_cast %mul3A_564 : i32 to index
        %swap3A_606 = tpu.vector_load %arg14[%swap3A_605] {strides = array<i32>} : memref<2048xi32, #tpu.memory_space<vmem>>, vector<16xi32>,
        tpu.vector_store %arg14[%swap3A_605], %get3A_604 {strides = array<i32>} : memref<2048xi32, #tpu.memory_space<vmem>>, vector<16xi32>,
        %mul3A_607 = arith.constant 4 : i32
        %mul3A_608 = arith.muli %scan3A_511, %mul3A_607 : i32
        %add3A_609 = arith.constant 2 : i32
        %add3A_610 = arith.addi %mul3A_608, %add3A_609 : i32
        %mul3A_611 = arith.constant 16 : i32
        %mul3A_612 = arith.muli %add3A_610, %mul3A_611 : i32
        %get3A_613 = arith.index_cast %mul3A_612 : i32 to index
        %get3A_614 = tpu.vector_load %arg11[%get3A_613] {strides = array<i32>} : memref<6144xf32, #tpu.memory_space<vmem>>, vector<16xf32>,
        %add3A_615 = arith.constant 2048 : i32
        %add3A_616 = arith.addi %add3A_615, %mul3A_612 : i32
        %get3A_617 = arith.index_cast %add3A_616 : i32 to index
        %get3A_618 = tpu.vector_load %arg11[%get3A_617] {strides = array<i32>} : memref<6144xf32, #tpu.memory_space<vmem>>, vector<16xf32>,
        %add3A_619 = arith.constant 4096 : i32
        %add3A_620 = arith.addi %add3A_619, %mul3A_612 : i32
        %get3A_621 = arith.index_cast %add3A_620 : i32 to index
        %get3A_622 = tpu.vector_load %arg11[%get3A_621] {strides = array<i32>} : memref<6144xf32, #tpu.memory_space<vmem>>, vector<16xf32>,
        %mul3A_623 = arith.mulf %get3A_614, %get3A_19 : vector<16xf32>
        %mul3A_624 = arith.mulf %get3A_618, %get3A_23 : vector<16xf32>
        %add3A_625 = arith.addf %mul3A_623, %mul3A_624 : vector<16xf32>
        %mul3A_626 = arith.mulf %get3A_622, %get3A_27 : vector<16xf32>
        %add3A_627 = arith.addf %add3A_625, %mul3A_626 : vector<16xf32>
        %add3A_628 = arith.addf %add3A_627, %get3A_55 : vector<16xf32>
        %swap3A_629 = arith.index_cast %mul3A_612 : i32 to index
        %swap3A_630 = tpu.vector_load %arg13[%swap3A_629] {strides = array<i32>} : memref<8192xf32, #tpu.memory_space<vmem>>, vector<16xf32>,
        tpu.vector_store %arg13[%swap3A_629], %add3A_628 {strides = array<i32>} : memref<8192xf32, #tpu.memory_space<vmem>>, vector<16xf32>,
        %mul3A_631 = arith.mulf %get3A_614, %get3A_31 : vector<16xf32>
        %mul3A_632 = arith.mulf %get3A_618, %get3A_35 : vector<16xf32>
        %add3A_633 = arith.addf %mul3A_631, %mul3A_632 : vector<16xf32>
        %mul3A_634 = arith.mulf %get3A_622, %get3A_39 : vector<16xf32>
        %add3A_635 = arith.addf %add3A_633, %mul3A_634 : vector<16xf32>
        %add3A_636 = arith.addf %add3A_635, %get3A_59 : vector<16xf32>
        %add3A_637 = arith.constant 2048 : i32
        %add3A_638 = arith.addi %add3A_637, %mul3A_612 : i32
        %swap3A_639 = arith.index_cast %add3A_638 : i32 to index
        %swap3A_640 = tpu.vector_load %arg13[%swap3A_639] {strides = array<i32>} : memref<8192xf32, #tpu.memory_space<vmem>>, vector<16xf32>,
        tpu.vector_store %arg13[%swap3A_639], %add3A_636 {strides = array<i32>} : memref<8192xf32, #tpu.memory_space<vmem>>, vector<16xf32>,
        %mul3A_641 = arith.mulf %get3A_614, %get3A_43 : vector<16xf32>
        %mul3A_642 = arith.mulf %get3A_618, %get3A_47 : vector<16xf32>
        %add3A_643 = arith.addf %mul3A_641, %mul3A_642 : vector<16xf32>
        %mul3A_644 = arith.mulf %get3A_622, %get3A_51 : vector<16xf32>
        %add3A_645 = arith.addf %add3A_643, %mul3A_644 : vector<16xf32>
        %add3A_646 = arith.addf %add3A_645, %get3A_63 : vector<16xf32>
        %add3A_647 = arith.constant 4096 : i32
        %add3A_648 = arith.addi %add3A_647, %mul3A_612 : i32
        %swap3A_649 = arith.index_cast %add3A_648 : i32 to index
        %swap3A_650 = tpu.vector_load %arg13[%swap3A_649] {strides = array<i32>} : memref<8192xf32, #tpu.memory_space<vmem>>, vector<16xf32>,
        tpu.vector_store %arg13[%swap3A_649], %add3A_646 {strides = array<i32>} : memref<8192xf32, #tpu.memory_space<vmem>>, vector<16xf32>,
        %get3A_651 = arith.index_cast %mul3A_612 : i32 to index
        %get3A_652 = tpu.vector_load %arg12[%get3A_651] {strides = array<i32>} : memref<2048xi32, #tpu.memory_space<vmem>>, vector<16xi32>,
        %swap3A_653 = arith.index_cast %mul3A_612 : i32 to index
        %swap3A_654 = tpu.vector_load %arg14[%swap3A_653] {strides = array<i32>} : memref<2048xi32, #tpu.memory_space<vmem>>, vector<16xi32>,
        tpu.vector_store %arg14[%swap3A_653], %get3A_652 {strides = array<i32>} : memref<2048xi32, #tpu.memory_space<vmem>>, vector<16xi32>,
        %mul3A_655 = arith.constant 4 : i32
        %mul3A_656 = arith.muli %scan3A_511, %mul3A_655 : i32
        %add3A_657 = arith.constant 3 : i32
        %add3A_658 = arith.addi %mul3A_656, %add3A_657 : i32
        %mul3A_659 = arith.constant 16 : i32
        %mul3A_660 = arith.muli %add3A_658, %mul3A_659 : i32
        %get3A_661 = arith.index_cast %mul3A_660 : i32 to index
        %get3A_662 = tpu.vector_load %arg11[%get3A_661] {strides = array<i32>} : memref<6144xf32, #tpu.memory_space<vmem>>, vector<16xf32>,
        %add3A_663 = arith.constant 2048 : i32
        %add3A_664 = arith.addi %add3A_663, %mul3A_660 : i32
        %get3A_665 = arith.index_cast %add3A_664 : i32 to index
        %get3A_666 = tpu.vector_load %arg11[%get3A_665] {strides = array<i32>} : memref<6144xf32, #tpu.memory_space<vmem>>, vector<16xf32>,
        %add3A_667 = arith.constant 4096 : i32
        %add3A_668 = arith.addi %add3A_667, %mul3A_660 : i32
        %get3A_669 = arith.index_cast %add3A_668 : i32 to index
        %get3A_670 = tpu.vector_load %arg11[%get3A_669] {strides = array<i32>} : memref<6144xf32, #tpu.memory_space<vmem>>, vector<16xf32>,
        %mul3A_671 = arith.mulf %get3A_662, %get3A_19 : vector<16xf32>
        %mul3A_672 = arith.mulf %get3A_666, %get3A_23 : vector<16xf32>
        %add3A_673 = arith.addf %mul3A_671, %mul3A_672 : vector<16xf32>
        %mul3A_674 = arith.mulf %get3A_670, %get3A_27 : vector<16xf32>
        %add3A_675 = arith.addf %add3A_673, %mul3A_674 : vector<16xf32>
        %add3A_676 = arith.addf %add3A_675, %get3A_55 : vector<16xf32>
        %swap3A_677 = arith.index_cast %mul3A_660 : i32 to index
        %swap3A_678 = tpu.vector_load %arg13[%swap3A_677] {strides = array<i32>} : memref<8192xf32, #tpu.memory_space<vmem>>, vector<16xf32>,
        tpu.vector_store %arg13[%swap3A_677], %add3A_676 {strides = array<i32>} : memref<8192xf32, #tpu.memory_space<vmem>>, vector<16xf32>,
        %mul3A_679 = arith.mulf %get3A_662, %get3A_31 : vector<16xf32>
        %mul3A_680 = arith.mulf %get3A_666, %get3A_35 : vector<16xf32>
        %add3A_681 = arith.addf %mul3A_679, %mul3A_680 : vector<16xf32>
        %mul3A_682 = arith.mulf %get3A_670, %get3A_39 : vector<16xf32>
        %add3A_683 = arith.addf %add3A_681, %mul3A_682 : vector<16xf32>
        %add3A_684 = arith.addf %add3A_683, %get3A_59 : vector<16xf32>
        %add3A_685 = arith.constant 2048 : i32
        %add3A_686 = arith.addi %add3A_685, %mul3A_660 : i32
        %swap3A_687 = arith.index_cast %add3A_686 : i32 to index
        %swap3A_688 = tpu.vector_load %arg13[%swap3A_687] {strides = array<i32>} : memref<8192xf32, #tpu.memory_space<vmem>>, vector<16xf32>,
        tpu.vector_store %arg13[%swap3A_687], %add3A_684 {strides = array<i32>} : memref<8192xf32, #tpu.memory_space<vmem>>, vector<16xf32>,
        %mul3A_689 = arith.mulf %get3A_662, %get3A_43 : vector<16xf32>
        %mul3A_690 = arith.mulf %get3A_666, %get3A_47 : vector<16xf32>
        %add3A_691 = arith.addf %mul3A_689, %mul3A_690 : vector<16xf32>
        %mul3A_692 = arith.mulf %get3A_670, %get3A_51 : vector<16xf32>
        %add3A_693 = arith.addf %add3A_691, %mul3A_692 : vector<16xf32>
        %add3A_694 = arith.addf %add3A_693, %get3A_63 : vector<16xf32>
        %add3A_695 = arith.constant 4096 : i32
        %add3A_696 = arith.addi %add3A_695, %mul3A_660 : i32
        %swap3A_697 = arith.index_cast %add3A_696 : i32 to index
        %swap3A_698 = tpu.vector_load %arg13[%swap3A_697] {strides = array<i32>} : memref<8192xf32, #tpu.memory_space<vmem>>, vector<16xf32>,
        tpu.vector_store %arg13[%swap3A_697], %add3A_694 {strides = array<i32>} : memref<8192xf32, #tpu.memory_space<vmem>>, vector<16xf32>,
        %get3A_699 = arith.index_cast %mul3A_660 : i32 to index
        %get3A_700 = tpu.vector_load %arg12[%get3A_699] {strides = array<i32>} : memref<2048xi32, #tpu.memory_space<vmem>>, vector<16xi32>,
        %swap3A_701 = arith.index_cast %mul3A_660 : i32 to index
        %swap3A_702 = tpu.vector_load %arg14[%swap3A_701] {strides = array<i32>} : memref<2048xi32, #tpu.memory_space<vmem>>, vector<16xi32>,
        tpu.vector_store %arg14[%swap3A_701], %get3A_700 {strides = array<i32>} : memref<2048xi32, #tpu.memory_space<vmem>>, vector<16xi32>,
      }
      %scan3A_472 = arith.constant 2 : i32
      %scan3A_473 = arith.constant 0 : i32
      %scan3A_474 = arith.constant 0 : i32
      %scan3A_475 = arith.constant 8 : i32
      %scan3A_476 = arith.addi %scan3A_474, %scan3A_475 : i32
      %scan3A_477 = arith.constant 1 : i32
      scf.for %scan3A_511 = %scan3A_474 to %scan3A_476 step %scan3A_477  : i32 {
        %mul3A_512 = arith.constant 16 : i32
        %mul3A_513 = arith.muli %scan3A_511, %mul3A_512 : i32
        %get3A_514 = arith.index_cast %mul3A_513 : i32 to index
        %get3A_515 = tpu.vector_load %arg12[%get3A_514] {strides = array<i32>} : memref<2048xi32, #tpu.memory_space<vmem>>, vector<16xi32>,
        %mul3A_516 = arith.constant 16 : i32
        %mul3A_517 = arith.muli %scan3A_511, %mul3A_516 : i32
        %swap3A = arith.index_cast %mul3A_517 : i32 to index
        %swap3A_518 = tpu.vector_load %arg19[%swap3A] {strides = array<i32>} : memref<128xi32, #tpu.memory_space<vmem>>, vector<16xi32>,
        tpu.vector_store %arg19[%swap3A], %get3A_515 {strides = array<i32>} : memref<128xi32, #tpu.memory_space<vmem>>, vector<16xi32>,
      }
      %scan3A_478 = arith.constant 8 : i32
      %dma_start3A_479 = arith.constant 0 : i32
      %dma_start3A_480 = tpu.memref_slice %arg13[%dma_start3A_479] : memref<8192xf32, #tpu.memory_space<vmem>> -> memref<128xf32, #tpu.memory_space<vmem>>
      %dma_start3A_481 = arith.constant 0 : i32
      %dma_start3A_482 = tpu.memref_slice %arg7[%dma_start3A_481] : memref<100352xf32, #tpu.memory_space<vmem_shared>> -> memref<100352xf32, #tpu.memory_space<vmem_shared>>
      tpu.enqueue_indirect_dma source(%dma_start3A_480 : memref<128xf32, #tpu.memory_space<vmem>>) target(%dma_start3A_482 : memref<100352xf32, #tpu.memory_space<vmem_shared>>) offsets(%arg19 : memref<128xi32, #tpu.memory_space<vmem>>) semaphore(%arg22 : memref<!tpu.dma_semaphore, #tpu.memory_space<semaphore_mem>>) {add = true}
      %dma_start3A_483 = arith.constant 2048 : i32
      %dma_start3A_484 = tpu.memref_slice %arg13[%dma_start3A_483] : memref<8192xf32, #tpu.memory_space<vmem>> -> memref<128xf32, #tpu.memory_space<vmem>>
      %dma_start3A_485 = arith.constant 0 : i32
      %dma_start3A_486 = tpu.memref_slice %arg8[%dma_start3A_485] : memref<100352xf32, #tpu.memory_space<vmem_shared>> -> memref<100352xf32, #tpu.memory_space<vmem_shared>>
      tpu.enqueue_indirect_dma source(%dma_start3A_484 : memref<128xf32, #tpu.memory_space<vmem>>) target(%dma_start3A_486 : memref<100352xf32, #tpu.memory_space<vmem_shared>>) offsets(%arg19 : memref<128xi32, #tpu.memory_space<vmem>>) semaphore(%arg22 : memref<!tpu.dma_semaphore, #tpu.memory_space<semaphore_mem>>) {add = true}
      %dma_start3A_487 = arith.constant 4096 : i32
      %dma_start3A_488 = tpu.memref_slice %arg13[%dma_start3A_487] : memref<8192xf32, #tpu.memory_space<vmem>> -> memref<128xf32, #tpu.memory_space<vmem>>
      %dma_start3A_489 = arith.constant 0 : i32
      %dma_start3A_490 = tpu.memref_slice %arg9[%dma_start3A_489] : memref<100352xf32, #tpu.memory_space<vmem_shared>> -> memref<100352xf32, #tpu.memory_space<vmem_shared>>
      tpu.enqueue_indirect_dma source(%dma_start3A_488 : memref<128xf32, #tpu.memory_space<vmem>>) target(%dma_start3A_490 : memref<100352xf32, #tpu.memory_space<vmem_shared>>) offsets(%arg19 : memref<128xi32, #tpu.memory_space<vmem>>) semaphore(%arg22 : memref<!tpu.dma_semaphore, #tpu.memory_space<semaphore_mem>>) {add = true}
      %dma_start3A_491 = arith.constant 6144 : i32
      %dma_start3A_492 = tpu.memref_slice %arg13[%dma_start3A_491] : memref<8192xf32, #tpu.memory_space<vmem>> -> memref<128xf32, #tpu.memory_space<vmem>>
      %dma_start3A_493 = arith.constant 0 : i32
      %dma_start3A_494 = tpu.memref_slice %arg10[%dma_start3A_493] : memref<100352xf32, #tpu.memory_space<vmem_shared>> -> memref<100352xf32, #tpu.memory_space<vmem_shared>>
      tpu.enqueue_indirect_dma source(%dma_start3A_492 : memref<128xf32, #tpu.memory_space<vmem>>) target(%dma_start3A_494 : memref<100352xf32, #tpu.memory_space<vmem_shared>>) offsets(%arg19 : memref<128xi32, #tpu.memory_space<vmem>>) semaphore(%arg22 : memref<!tpu.dma_semaphore, #tpu.memory_space<semaphore_mem>>) {add = true}
      %dma_wait3A_495 = arith.constant 0 : i32
      %dma_wait3A_496 = tpu.memref_slice %arg13[%dma_wait3A_495] : memref<8192xf32, #tpu.memory_space<vmem>> -> memref<128xf32, #tpu.memory_space<vmem>>
      %dma_wait3A_497 = arith.constant 0 : i32
      %dma_wait3A_498 = tpu.memref_slice %arg7[%dma_wait3A_497] : memref<100352xf32, #tpu.memory_space<vmem_shared>> -> memref<100352xf32, #tpu.memory_space<vmem_shared>>
      tpu.wait_indirect_dma semaphore(%arg22 : memref<!tpu.dma_semaphore, #tpu.memory_space<semaphore_mem>>) src(%dma_wait3A_496 : memref<128xf32, #tpu.memory_space<vmem>>) dst(%dma_wait3A_498 : memref<100352xf32, #tpu.memory_space<vmem_shared>>)
      %dma_wait3A_499 = arith.constant 2048 : i32
      %dma_wait3A_500 = tpu.memref_slice %arg13[%dma_wait3A_499] : memref<8192xf32, #tpu.memory_space<vmem>> -> memref<128xf32, #tpu.memory_space<vmem>>
      %dma_wait3A_501 = arith.constant 0 : i32
      %dma_wait3A_502 = tpu.memref_slice %arg8[%dma_wait3A_501] : memref<100352xf32, #tpu.memory_space<vmem_shared>> -> memref<100352xf32, #tpu.memory_space<vmem_shared>>
      tpu.wait_indirect_dma semaphore(%arg22 : memref<!tpu.dma_semaphore, #tpu.memory_space<semaphore_mem>>) src(%dma_wait3A_500 : memref<128xf32, #tpu.memory_space<vmem>>) dst(%dma_wait3A_502 : memref<100352xf32, #tpu.memory_space<vmem_shared>>)
      %dma_wait3A_503 = arith.constant 4096 : i32
      %dma_wait3A_504 = tpu.memref_slice %arg13[%dma_wait3A_503] : memref<8192xf32, #tpu.memory_space<vmem>> -> memref<128xf32, #tpu.memory_space<vmem>>
      %dma_wait3A_505 = arith.constant 0 : i32
      %dma_wait3A_506 = tpu.memref_slice %arg9[%dma_wait3A_505] : memref<100352xf32, #tpu.memory_space<vmem_shared>> -> memref<100352xf32, #tpu.memory_space<vmem_shared>>
      tpu.wait_indirect_dma semaphore(%arg22 : memref<!tpu.dma_semaphore, #tpu.memory_space<semaphore_mem>>) src(%dma_wait3A_504 : memref<128xf32, #tpu.memory_space<vmem>>) dst(%dma_wait3A_506 : memref<100352xf32, #tpu.memory_space<vmem_shared>>)
      %dma_wait3A_507 = arith.constant 6144 : i32
      %dma_wait3A_508 = tpu.memref_slice %arg13[%dma_wait3A_507] : memref<8192xf32, #tpu.memory_space<vmem>> -> memref<128xf32, #tpu.memory_space<vmem>>
      %dma_wait3A_509 = arith.constant 0 : i32
      %dma_wait3A_510 = tpu.memref_slice %arg10[%dma_wait3A_509] : memref<100352xf32, #tpu.memory_space<vmem_shared>> -> memref<100352xf32, #tpu.memory_space<vmem_shared>>
      tpu.wait_indirect_dma semaphore(%arg22 : memref<!tpu.dma_semaphore, #tpu.memory_space<semaphore_mem>>) src(%dma_wait3A_508 : memref<128xf32, #tpu.memory_space<vmem>>) dst(%dma_wait3A_510 : memref<100352xf32, #tpu.memory_space<vmem_shared>>)
    }
    %while3A_361 = arith.constant 1 : i32
    scf.for %while3A_399 = %while3A_359 to %while3A_355 step %while3A_361  : i32 {
      %add3A_400 = arith.constant 1552 : i32
      %add3A_401 = arith.addi %add3A_78, %add3A_400 : i32
      %add3A_402 = arith.addi %add3A_401, %while3A_399 : i32
      %min3A_403 = arith.constant 49999 : i32
      %min3A_404 = arith.minsi %add3A_402, %min3A_403 : i32
      %mul3A_405 = arith.constant 128 : i32
      %mul3A_406 = arith.muli %min3A_404, %mul3A_405 : i32
      %add3A_407 = arith.constant 6400000 : i32
      %add3A_408 = arith.addi %add3A_407, %mul3A_406 : i32
      %add3A_409 = arith.constant 12800000 : i32
      %add3A_410 = arith.addi %add3A_409, %mul3A_406 : i32
      %dma_start3A_411 = arith.constant 0 : i32
      %dma_start3A_412 = tpu.memref_slice %arg11[%dma_start3A_411] : memref<6144xf32, #tpu.memory_space<vmem>> -> memref<128xf32, #tpu.memory_space<vmem>>
      %dma_start3A_413 = tpu.memref_slice %arg2[%mul3A_406] : memref<19200000xf32, #tpu.memory_space<hbm>> -> memref<128xf32, #tpu.memory_space<hbm>>
      %dma_start3A_414 = arith.constant 0 : i32
      %dma_start3A_415 = tpu.memref_slice %arg11[%dma_start3A_414] : memref<6144xf32, #tpu.memory_space<vmem>> -> memref<128xf32, #tpu.memory_space<vmem>>
      %dma_start3A_416 = tpu.memref_slice %arg2[%mul3A_406] : memref<19200000xf32, #tpu.memory_space<hbm>> -> memref<128xf32, #tpu.memory_space<hbm>>
      tpu.enqueue_dma source(%dma_start3A_416 : memref<128xf32, #tpu.memory_space<hbm>>) target(%dma_start3A_415 : memref<128xf32, #tpu.memory_space<vmem>>) target_semaphore(%arg21 : memref<!tpu.dma_semaphore, #tpu.memory_space<semaphore_mem>>)
      %dma_start3A_417 = arith.constant 2048 : i32
      %dma_start3A_418 = tpu.memref_slice %arg11[%dma_start3A_417] : memref<6144xf32, #tpu.memory_space<vmem>> -> memref<128xf32, #tpu.memory_space<vmem>>
      %dma_start3A_419 = tpu.memref_slice %arg2[%add3A_408] : memref<19200000xf32, #tpu.memory_space<hbm>> -> memref<128xf32, #tpu.memory_space<hbm>>
      %dma_start3A_420 = arith.constant 2048 : i32
      %dma_start3A_421 = tpu.memref_slice %arg11[%dma_start3A_420] : memref<6144xf32, #tpu.memory_space<vmem>> -> memref<128xf32, #tpu.memory_space<vmem>>
      %dma_start3A_422 = tpu.memref_slice %arg2[%add3A_408] : memref<19200000xf32, #tpu.memory_space<hbm>> -> memref<128xf32, #tpu.memory_space<hbm>>
      tpu.enqueue_dma source(%dma_start3A_422 : memref<128xf32, #tpu.memory_space<hbm>>) target(%dma_start3A_421 : memref<128xf32, #tpu.memory_space<vmem>>) target_semaphore(%arg21 : memref<!tpu.dma_semaphore, #tpu.memory_space<semaphore_mem>>)
      %dma_start3A_423 = arith.constant 4096 : i32
      %dma_start3A_424 = tpu.memref_slice %arg11[%dma_start3A_423] : memref<6144xf32, #tpu.memory_space<vmem>> -> memref<128xf32, #tpu.memory_space<vmem>>
      %dma_start3A_425 = tpu.memref_slice %arg2[%add3A_410] : memref<19200000xf32, #tpu.memory_space<hbm>> -> memref<128xf32, #tpu.memory_space<hbm>>
      %dma_start3A_426 = arith.constant 4096 : i32
      %dma_start3A_427 = tpu.memref_slice %arg11[%dma_start3A_426] : memref<6144xf32, #tpu.memory_space<vmem>> -> memref<128xf32, #tpu.memory_space<vmem>>
      %dma_start3A_428 = tpu.memref_slice %arg2[%add3A_410] : memref<19200000xf32, #tpu.memory_space<hbm>> -> memref<128xf32, #tpu.memory_space<hbm>>
      tpu.enqueue_dma source(%dma_start3A_428 : memref<128xf32, #tpu.memory_space<hbm>>) target(%dma_start3A_427 : memref<128xf32, #tpu.memory_space<vmem>>) target_semaphore(%arg21 : memref<!tpu.dma_semaphore, #tpu.memory_space<semaphore_mem>>)
      %dma_start3A_429 = arith.constant 0 : i32
      %dma_start3A_430 = tpu.memref_slice %arg12[%dma_start3A_429] : memref<2048xi32, #tpu.memory_space<vmem>> -> memref<128xi32, #tpu.memory_space<vmem>>
      %dma_start3A_431 = tpu.memref_slice %arg3[%mul3A_406] : memref<6400000xi32, #tpu.memory_space<hbm>> -> memref<128xi32, #tpu.memory_space<hbm>>
      %dma_start3A_432 = arith.constant 0 : i32
      %dma_start3A_433 = tpu.memref_slice %arg12[%dma_start3A_432] : memref<2048xi32, #tpu.memory_space<vmem>> -> memref<128xi32, #tpu.memory_space<vmem>>
      %dma_start3A_434 = tpu.memref_slice %arg3[%mul3A_406] : memref<6400000xi32, #tpu.memory_space<hbm>> -> memref<128xi32, #tpu.memory_space<hbm>>
      tpu.enqueue_dma source(%dma_start3A_434 : memref<128xi32, #tpu.memory_space<hbm>>) target(%dma_start3A_433 : memref<128xi32, #tpu.memory_space<vmem>>) target_semaphore(%arg21 : memref<!tpu.dma_semaphore, #tpu.memory_space<semaphore_mem>>)
      %dma_wait3A_435 = arith.constant 0 : i32
      %dma_wait3A_436 = tpu.memref_slice %arg11[%dma_wait3A_435] : memref<6144xf32, #tpu.memory_space<vmem>> -> memref<128xf32, #tpu.memory_space<vmem>>
      %dma_wait3A_437 = arith.constant 0 : i32
      %dma_wait3A_438 = tpu.memref_slice %arg2[%dma_wait3A_437] : memref<19200000xf32, #tpu.memory_space<hbm>> -> memref<128xf32, #tpu.memory_space<hbm>>
      %dma_wait3A_439 = arith.constant 0 : i32
      %dma_wait3A_440 = tpu.memref_slice %arg11[%dma_wait3A_439] : memref<6144xf32, #tpu.memory_space<vmem>> -> memref<128xf32, #tpu.memory_space<vmem>>
      %dma_wait3A_441 = arith.constant 0 : i32
      %dma_wait3A_442 = tpu.memref_slice %arg2[%dma_wait3A_441] : memref<19200000xf32, #tpu.memory_space<hbm>> -> memref<128xf32, #tpu.memory_space<hbm>>
      tpu.wait_dma2 semaphore(%arg21 : memref<!tpu.dma_semaphore, #tpu.memory_space<semaphore_mem>>) src(%dma_wait3A_442 : memref<128xf32, #tpu.memory_space<hbm>>) dst(%dma_wait3A_440 : memref<128xf32, #tpu.memory_space<vmem>>)
      %dma_wait3A_443 = arith.constant 2048 : i32
      %dma_wait3A_444 = tpu.memref_slice %arg11[%dma_wait3A_443] : memref<6144xf32, #tpu.memory_space<vmem>> -> memref<128xf32, #tpu.memory_space<vmem>>
      %dma_wait3A_445 = arith.constant 6400000 : i32
      %dma_wait3A_446 = tpu.memref_slice %arg2[%dma_wait3A_445] : memref<19200000xf32, #tpu.memory_space<hbm>> -> memref<128xf32, #tpu.memory_space<hbm>>
      %dma_wait3A_447 = arith.constant 2048 : i32
      %dma_wait3A_448 = tpu.memref_slice %arg11[%dma_wait3A_447] : memref<6144xf32, #tpu.memory_space<vmem>> -> memref<128xf32, #tpu.memory_space<vmem>>
      %dma_wait3A_449 = arith.constant 6400000 : i32
      %dma_wait3A_450 = tpu.memref_slice %arg2[%dma_wait3A_449] : memref<19200000xf32, #tpu.memory_space<hbm>> -> memref<128xf32, #tpu.memory_space<hbm>>
      tpu.wait_dma2 semaphore(%arg21 : memref<!tpu.dma_semaphore, #tpu.memory_space<semaphore_mem>>) src(%dma_wait3A_450 : memref<128xf32, #tpu.memory_space<hbm>>) dst(%dma_wait3A_448 : memref<128xf32, #tpu.memory_space<vmem>>)
      %dma_wait3A_451 = arith.constant 4096 : i32
      %dma_wait3A_452 = tpu.memref_slice %arg11[%dma_wait3A_451] : memref<6144xf32, #tpu.memory_space<vmem>> -> memref<128xf32, #tpu.memory_space<vmem>>
      %dma_wait3A_453 = arith.constant 12800000 : i32
      %dma_wait3A_454 = tpu.memref_slice %arg2[%dma_wait3A_453] : memref<19200000xf32, #tpu.memory_space<hbm>> -> memref<128xf32, #tpu.memory_space<hbm>>
      %dma_wait3A_455 = arith.constant 4096 : i32
      %dma_wait3A_456 = tpu.memref_slice %arg11[%dma_wait3A_455] : memref<6144xf32, #tpu.memory_space<vmem>> -> memref<128xf32, #tpu.memory_space<vmem>>
      %dma_wait3A_457 = arith.constant 12800000 : i32
      %dma_wait3A_458 = tpu.memref_slice %arg2[%dma_wait3A_457] : memref<19200000xf32, #tpu.memory_space<hbm>> -> memref<128xf32, #tpu.memory_space<hbm>>
      tpu.wait_dma2 semaphore(%arg21 : memref<!tpu.dma_semaphore, #tpu.memory_space<semaphore_mem>>) src(%dma_wait3A_458 : memref<128xf32, #tpu.memory_space<hbm>>) dst(%dma_wait3A_456 : memref<128xf32, #tpu.memory_space<vmem>>)
      %dma_wait3A_459 = arith.constant 0 : i32
      %dma_wait3A_460 = tpu.memref_slice %arg12[%dma_wait3A_459] : memref<2048xi32, #tpu.memory_space<vmem>> -> memref<128xi32, #tpu.memory_space<vmem>>
      %dma_wait3A_461 = arith.constant 0 : i32
      %dma_wait3A_462 = tpu.memref_slice %arg3[%dma_wait3A_461] : memref<6400000xi32, #tpu.memory_space<hbm>> -> memref<128xi32, #tpu.memory_space<hbm>>
      %dma_wait3A_463 = arith.constant 0 : i32
      %dma_wait3A_464 = tpu.memref_slice %arg12[%dma_wait3A_463] : memref<2048xi32, #tpu.memory_space<vmem>> -> memref<128xi32, #tpu.memory_space<vmem>>
      %dma_wait3A_465 = arith.constant 0 : i32
      %dma_wait3A_466 = tpu.memref_slice %arg3[%dma_wait3A_465] : memref<6400000xi32, #tpu.memory_space<hbm>> -> memref<128xi32, #tpu.memory_space<hbm>>
      tpu.wait_dma2 semaphore(%arg21 : memref<!tpu.dma_semaphore, #tpu.memory_space<semaphore_mem>>) src(%dma_wait3A_466 : memref<128xi32, #tpu.memory_space<hbm>>) dst(%dma_wait3A_464 : memref<128xi32, #tpu.memory_space<vmem>>)
      %scan3A_467 = arith.constant 0 : i32
      %scan3A_468 = arith.constant 0 : i32
      %scan3A_469 = arith.constant 2 : i32
      %scan3A_470 = arith.addi %scan3A_468, %scan3A_469 : i32
      %scan3A_471 = arith.constant 1 : i32
      scf.for %scan3A_511 = %scan3A_468 to %scan3A_470 step %scan3A_471  : i32 {
        %mul3A_512 = arith.constant 4 : i32
        %mul3A_513 = arith.muli %scan3A_511, %mul3A_512 : i32
        %add3A_514 = arith.constant 0 : i32
        %add3A_515 = arith.addi %mul3A_513, %add3A_514 : i32
        %mul3A_516 = arith.constant 16 : i32
        %mul3A_517 = arith.muli %add3A_515, %mul3A_516 : i32
        %get3A_518 = arith.index_cast %mul3A_517 : i32 to index
        %get3A_519 = tpu.vector_load %arg11[%get3A_518] {strides = array<i32>} : memref<6144xf32, #tpu.memory_space<vmem>>, vector<16xf32>,
        %add3A_520 = arith.constant 2048 : i32
        %add3A_521 = arith.addi %add3A_520, %mul3A_517 : i32
        %get3A_522 = arith.index_cast %add3A_521 : i32 to index
        %get3A_523 = tpu.vector_load %arg11[%get3A_522] {strides = array<i32>} : memref<6144xf32, #tpu.memory_space<vmem>>, vector<16xf32>,
        %add3A_524 = arith.constant 4096 : i32
        %add3A_525 = arith.addi %add3A_524, %mul3A_517 : i32
        %get3A_526 = arith.index_cast %add3A_525 : i32 to index
        %get3A_527 = tpu.vector_load %arg11[%get3A_526] {strides = array<i32>} : memref<6144xf32, #tpu.memory_space<vmem>>, vector<16xf32>,
        %mul3A_528 = arith.mulf %get3A_519, %get3A_19 : vector<16xf32>
        %mul3A_529 = arith.mulf %get3A_523, %get3A_23 : vector<16xf32>
        %add3A_530 = arith.addf %mul3A_528, %mul3A_529 : vector<16xf32>
        %mul3A_531 = arith.mulf %get3A_527, %get3A_27 : vector<16xf32>
        %add3A_532 = arith.addf %add3A_530, %mul3A_531 : vector<16xf32>
        %add3A_533 = arith.addf %add3A_532, %get3A_55 : vector<16xf32>
        %swap3A = arith.index_cast %mul3A_517 : i32 to index
        %swap3A_534 = tpu.vector_load %arg13[%swap3A] {strides = array<i32>} : memref<8192xf32, #tpu.memory_space<vmem>>, vector<16xf32>,
        tpu.vector_store %arg13[%swap3A], %add3A_533 {strides = array<i32>} : memref<8192xf32, #tpu.memory_space<vmem>>, vector<16xf32>,
        %mul3A_535 = arith.mulf %get3A_519, %get3A_31 : vector<16xf32>
        %mul3A_536 = arith.mulf %get3A_523, %get3A_35 : vector<16xf32>
        %add3A_537 = arith.addf %mul3A_535, %mul3A_536 : vector<16xf32>
        %mul3A_538 = arith.mulf %get3A_527, %get3A_39 : vector<16xf32>
        %add3A_539 = arith.addf %add3A_537, %mul3A_538 : vector<16xf32>
        %add3A_540 = arith.addf %add3A_539, %get3A_59 : vector<16xf32>
        %add3A_541 = arith.constant 2048 : i32
        %add3A_542 = arith.addi %add3A_541, %mul3A_517 : i32
        %swap3A_543 = arith.index_cast %add3A_542 : i32 to index
        %swap3A_544 = tpu.vector_load %arg13[%swap3A_543] {strides = array<i32>} : memref<8192xf32, #tpu.memory_space<vmem>>, vector<16xf32>,
        tpu.vector_store %arg13[%swap3A_543], %add3A_540 {strides = array<i32>} : memref<8192xf32, #tpu.memory_space<vmem>>, vector<16xf32>,
        %mul3A_545 = arith.mulf %get3A_519, %get3A_43 : vector<16xf32>
        %mul3A_546 = arith.mulf %get3A_523, %get3A_47 : vector<16xf32>
        %add3A_547 = arith.addf %mul3A_545, %mul3A_546 : vector<16xf32>
        %mul3A_548 = arith.mulf %get3A_527, %get3A_51 : vector<16xf32>
        %add3A_549 = arith.addf %add3A_547, %mul3A_548 : vector<16xf32>
        %add3A_550 = arith.addf %add3A_549, %get3A_63 : vector<16xf32>
        %add3A_551 = arith.constant 4096 : i32
        %add3A_552 = arith.addi %add3A_551, %mul3A_517 : i32
        %swap3A_553 = arith.index_cast %add3A_552 : i32 to index
        %swap3A_554 = tpu.vector_load %arg13[%swap3A_553] {strides = array<i32>} : memref<8192xf32, #tpu.memory_space<vmem>>, vector<16xf32>,
        tpu.vector_store %arg13[%swap3A_553], %add3A_550 {strides = array<i32>} : memref<8192xf32, #tpu.memory_space<vmem>>, vector<16xf32>,
        %get3A_555 = arith.index_cast %mul3A_517 : i32 to index
        %get3A_556 = tpu.vector_load %arg12[%get3A_555] {strides = array<i32>} : memref<2048xi32, #tpu.memory_space<vmem>>, vector<16xi32>,
        %swap3A_557 = arith.index_cast %mul3A_517 : i32 to index
        %swap3A_558 = tpu.vector_load %arg14[%swap3A_557] {strides = array<i32>} : memref<2048xi32, #tpu.memory_space<vmem>>, vector<16xi32>,
        tpu.vector_store %arg14[%swap3A_557], %get3A_556 {strides = array<i32>} : memref<2048xi32, #tpu.memory_space<vmem>>, vector<16xi32>,
        %mul3A_559 = arith.constant 4 : i32
        %mul3A_560 = arith.muli %scan3A_511, %mul3A_559 : i32
        %add3A_561 = arith.constant 1 : i32
        %add3A_562 = arith.addi %mul3A_560, %add3A_561 : i32
        %mul3A_563 = arith.constant 16 : i32
        %mul3A_564 = arith.muli %add3A_562, %mul3A_563 : i32
        %get3A_565 = arith.index_cast %mul3A_564 : i32 to index
        %get3A_566 = tpu.vector_load %arg11[%get3A_565] {strides = array<i32>} : memref<6144xf32, #tpu.memory_space<vmem>>, vector<16xf32>,
        %add3A_567 = arith.constant 2048 : i32
        %add3A_568 = arith.addi %add3A_567, %mul3A_564 : i32
        %get3A_569 = arith.index_cast %add3A_568 : i32 to index
        %get3A_570 = tpu.vector_load %arg11[%get3A_569] {strides = array<i32>} : memref<6144xf32, #tpu.memory_space<vmem>>, vector<16xf32>,
        %add3A_571 = arith.constant 4096 : i32
        %add3A_572 = arith.addi %add3A_571, %mul3A_564 : i32
        %get3A_573 = arith.index_cast %add3A_572 : i32 to index
        %get3A_574 = tpu.vector_load %arg11[%get3A_573] {strides = array<i32>} : memref<6144xf32, #tpu.memory_space<vmem>>, vector<16xf32>,
        %mul3A_575 = arith.mulf %get3A_566, %get3A_19 : vector<16xf32>
        %mul3A_576 = arith.mulf %get3A_570, %get3A_23 : vector<16xf32>
        %add3A_577 = arith.addf %mul3A_575, %mul3A_576 : vector<16xf32>
        %mul3A_578 = arith.mulf %get3A_574, %get3A_27 : vector<16xf32>
        %add3A_579 = arith.addf %add3A_577, %mul3A_578 : vector<16xf32>
        %add3A_580 = arith.addf %add3A_579, %get3A_55 : vector<16xf32>
        %swap3A_581 = arith.index_cast %mul3A_564 : i32 to index
        %swap3A_582 = tpu.vector_load %arg13[%swap3A_581] {strides = array<i32>} : memref<8192xf32, #tpu.memory_space<vmem>>, vector<16xf32>,
        tpu.vector_store %arg13[%swap3A_581], %add3A_580 {strides = array<i32>} : memref<8192xf32, #tpu.memory_space<vmem>>, vector<16xf32>,
        %mul3A_583 = arith.mulf %get3A_566, %get3A_31 : vector<16xf32>
        %mul3A_584 = arith.mulf %get3A_570, %get3A_35 : vector<16xf32>
        %add3A_585 = arith.addf %mul3A_583, %mul3A_584 : vector<16xf32>
        %mul3A_586 = arith.mulf %get3A_574, %get3A_39 : vector<16xf32>
        %add3A_587 = arith.addf %add3A_585, %mul3A_586 : vector<16xf32>
        %add3A_588 = arith.addf %add3A_587, %get3A_59 : vector<16xf32>
        %add3A_589 = arith.constant 2048 : i32
        %add3A_590 = arith.addi %add3A_589, %mul3A_564 : i32
        %swap3A_591 = arith.index_cast %add3A_590 : i32 to index
        %swap3A_592 = tpu.vector_load %arg13[%swap3A_591] {strides = array<i32>} : memref<8192xf32, #tpu.memory_space<vmem>>, vector<16xf32>,
        tpu.vector_store %arg13[%swap3A_591], %add3A_588 {strides = array<i32>} : memref<8192xf32, #tpu.memory_space<vmem>>, vector<16xf32>,
        %mul3A_593 = arith.mulf %get3A_566, %get3A_43 : vector<16xf32>
        %mul3A_594 = arith.mulf %get3A_570, %get3A_47 : vector<16xf32>
        %add3A_595 = arith.addf %mul3A_593, %mul3A_594 : vector<16xf32>
        %mul3A_596 = arith.mulf %get3A_574, %get3A_51 : vector<16xf32>
        %add3A_597 = arith.addf %add3A_595, %mul3A_596 : vector<16xf32>
        %add3A_598 = arith.addf %add3A_597, %get3A_63 : vector<16xf32>
        %add3A_599 = arith.constant 4096 : i32
        %add3A_600 = arith.addi %add3A_599, %mul3A_564 : i32
        %swap3A_601 = arith.index_cast %add3A_600 : i32 to index
        %swap3A_602 = tpu.vector_load %arg13[%swap3A_601] {strides = array<i32>} : memref<8192xf32, #tpu.memory_space<vmem>>, vector<16xf32>,
        tpu.vector_store %arg13[%swap3A_601], %add3A_598 {strides = array<i32>} : memref<8192xf32, #tpu.memory_space<vmem>>, vector<16xf32>,
        %get3A_603 = arith.index_cast %mul3A_564 : i32 to index
        %get3A_604 = tpu.vector_load %arg12[%get3A_603] {strides = array<i32>} : memref<2048xi32, #tpu.memory_space<vmem>>, vector<16xi32>,
        %swap3A_605 = arith.index_cast %mul3A_564 : i32 to index
        %swap3A_606 = tpu.vector_load %arg14[%swap3A_605] {strides = array<i32>} : memref<2048xi32, #tpu.memory_space<vmem>>, vector<16xi32>,
        tpu.vector_store %arg14[%swap3A_605], %get3A_604 {strides = array<i32>} : memref<2048xi32, #tpu.memory_space<vmem>>, vector<16xi32>,
        %mul3A_607 = arith.constant 4 : i32
        %mul3A_608 = arith.muli %scan3A_511, %mul3A_607 : i32
        %add3A_609 = arith.constant 2 : i32
        %add3A_610 = arith.addi %mul3A_608, %add3A_609 : i32
        %mul3A_611 = arith.constant 16 : i32
        %mul3A_612 = arith.muli %add3A_610, %mul3A_611 : i32
        %get3A_613 = arith.index_cast %mul3A_612 : i32 to index
        %get3A_614 = tpu.vector_load %arg11[%get3A_613] {strides = array<i32>} : memref<6144xf32, #tpu.memory_space<vmem>>, vector<16xf32>,
        %add3A_615 = arith.constant 2048 : i32
        %add3A_616 = arith.addi %add3A_615, %mul3A_612 : i32
        %get3A_617 = arith.index_cast %add3A_616 : i32 to index
        %get3A_618 = tpu.vector_load %arg11[%get3A_617] {strides = array<i32>} : memref<6144xf32, #tpu.memory_space<vmem>>, vector<16xf32>,
        %add3A_619 = arith.constant 4096 : i32
        %add3A_620 = arith.addi %add3A_619, %mul3A_612 : i32
        %get3A_621 = arith.index_cast %add3A_620 : i32 to index
        %get3A_622 = tpu.vector_load %arg11[%get3A_621] {strides = array<i32>} : memref<6144xf32, #tpu.memory_space<vmem>>, vector<16xf32>,
        %mul3A_623 = arith.mulf %get3A_614, %get3A_19 : vector<16xf32>
        %mul3A_624 = arith.mulf %get3A_618, %get3A_23 : vector<16xf32>
        %add3A_625 = arith.addf %mul3A_623, %mul3A_624 : vector<16xf32>
        %mul3A_626 = arith.mulf %get3A_622, %get3A_27 : vector<16xf32>
        %add3A_627 = arith.addf %add3A_625, %mul3A_626 : vector<16xf32>
        %add3A_628 = arith.addf %add3A_627, %get3A_55 : vector<16xf32>
        %swap3A_629 = arith.index_cast %mul3A_612 : i32 to index
        %swap3A_630 = tpu.vector_load %arg13[%swap3A_629] {strides = array<i32>} : memref<8192xf32, #tpu.memory_space<vmem>>, vector<16xf32>,
        tpu.vector_store %arg13[%swap3A_629], %add3A_628 {strides = array<i32>} : memref<8192xf32, #tpu.memory_space<vmem>>, vector<16xf32>,
        %mul3A_631 = arith.mulf %get3A_614, %get3A_31 : vector<16xf32>
        %mul3A_632 = arith.mulf %get3A_618, %get3A_35 : vector<16xf32>
        %add3A_633 = arith.addf %mul3A_631, %mul3A_632 : vector<16xf32>
        %mul3A_634 = arith.mulf %get3A_622, %get3A_39 : vector<16xf32>
        %add3A_635 = arith.addf %add3A_633, %mul3A_634 : vector<16xf32>
        %add3A_636 = arith.addf %add3A_635, %get3A_59 : vector<16xf32>
        %add3A_637 = arith.constant 2048 : i32
        %add3A_638 = arith.addi %add3A_637, %mul3A_612 : i32
        %swap3A_639 = arith.index_cast %add3A_638 : i32 to index
        %swap3A_640 = tpu.vector_load %arg13[%swap3A_639] {strides = array<i32>} : memref<8192xf32, #tpu.memory_space<vmem>>, vector<16xf32>,
        tpu.vector_store %arg13[%swap3A_639], %add3A_636 {strides = array<i32>} : memref<8192xf32, #tpu.memory_space<vmem>>, vector<16xf32>,
        %mul3A_641 = arith.mulf %get3A_614, %get3A_43 : vector<16xf32>
        %mul3A_642 = arith.mulf %get3A_618, %get3A_47 : vector<16xf32>
        %add3A_643 = arith.addf %mul3A_641, %mul3A_642 : vector<16xf32>
        %mul3A_644 = arith.mulf %get3A_622, %get3A_51 : vector<16xf32>
        %add3A_645 = arith.addf %add3A_643, %mul3A_644 : vector<16xf32>
        %add3A_646 = arith.addf %add3A_645, %get3A_63 : vector<16xf32>
        %add3A_647 = arith.constant 4096 : i32
        %add3A_648 = arith.addi %add3A_647, %mul3A_612 : i32
        %swap3A_649 = arith.index_cast %add3A_648 : i32 to index
        %swap3A_650 = tpu.vector_load %arg13[%swap3A_649] {strides = array<i32>} : memref<8192xf32, #tpu.memory_space<vmem>>, vector<16xf32>,
        tpu.vector_store %arg13[%swap3A_649], %add3A_646 {strides = array<i32>} : memref<8192xf32, #tpu.memory_space<vmem>>, vector<16xf32>,
        %get3A_651 = arith.index_cast %mul3A_612 : i32 to index
        %get3A_652 = tpu.vector_load %arg12[%get3A_651] {strides = array<i32>} : memref<2048xi32, #tpu.memory_space<vmem>>, vector<16xi32>,
        %swap3A_653 = arith.index_cast %mul3A_612 : i32 to index
        %swap3A_654 = tpu.vector_load %arg14[%swap3A_653] {strides = array<i32>} : memref<2048xi32, #tpu.memory_space<vmem>>, vector<16xi32>,
        tpu.vector_store %arg14[%swap3A_653], %get3A_652 {strides = array<i32>} : memref<2048xi32, #tpu.memory_space<vmem>>, vector<16xi32>,
        %mul3A_655 = arith.constant 4 : i32
        %mul3A_656 = arith.muli %scan3A_511, %mul3A_655 : i32
        %add3A_657 = arith.constant 3 : i32
        %add3A_658 = arith.addi %mul3A_656, %add3A_657 : i32
        %mul3A_659 = arith.constant 16 : i32
        %mul3A_660 = arith.muli %add3A_658, %mul3A_659 : i32
        %get3A_661 = arith.index_cast %mul3A_660 : i32 to index
        %get3A_662 = tpu.vector_load %arg11[%get3A_661] {strides = array<i32>} : memref<6144xf32, #tpu.memory_space<vmem>>, vector<16xf32>,
        %add3A_663 = arith.constant 2048 : i32
        %add3A_664 = arith.addi %add3A_663, %mul3A_660 : i32
        %get3A_665 = arith.index_cast %add3A_664 : i32 to index
        %get3A_666 = tpu.vector_load %arg11[%get3A_665] {strides = array<i32>} : memref<6144xf32, #tpu.memory_space<vmem>>, vector<16xf32>,
        %add3A_667 = arith.constant 4096 : i32
        %add3A_668 = arith.addi %add3A_667, %mul3A_660 : i32
        %get3A_669 = arith.index_cast %add3A_668 : i32 to index
        %get3A_670 = tpu.vector_load %arg11[%get3A_669] {strides = array<i32>} : memref<6144xf32, #tpu.memory_space<vmem>>, vector<16xf32>,
        %mul3A_671 = arith.mulf %get3A_662, %get3A_19 : vector<16xf32>
        %mul3A_672 = arith.mulf %get3A_666, %get3A_23 : vector<16xf32>
        %add3A_673 = arith.addf %mul3A_671, %mul3A_672 : vector<16xf32>
        %mul3A_674 = arith.mulf %get3A_670, %get3A_27 : vector<16xf32>
        %add3A_675 = arith.addf %add3A_673, %mul3A_674 : vector<16xf32>
        %add3A_676 = arith.addf %add3A_675, %get3A_55 : vector<16xf32>
        %swap3A_677 = arith.index_cast %mul3A_660 : i32 to index
        %swap3A_678 = tpu.vector_load %arg13[%swap3A_677] {strides = array<i32>} : memref<8192xf32, #tpu.memory_space<vmem>>, vector<16xf32>,
        tpu.vector_store %arg13[%swap3A_677], %add3A_676 {strides = array<i32>} : memref<8192xf32, #tpu.memory_space<vmem>>, vector<16xf32>,
        %mul3A_679 = arith.mulf %get3A_662, %get3A_31 : vector<16xf32>
        %mul3A_680 = arith.mulf %get3A_666, %get3A_35 : vector<16xf32>
        %add3A_681 = arith.addf %mul3A_679, %mul3A_680 : vector<16xf32>
        %mul3A_682 = arith.mulf %get3A_670, %get3A_39 : vector<16xf32>
        %add3A_683 = arith.addf %add3A_681, %mul3A_682 : vector<16xf32>
        %add3A_684 = arith.addf %add3A_683, %get3A_59 : vector<16xf32>
        %add3A_685 = arith.constant 2048 : i32
        %add3A_686 = arith.addi %add3A_685, %mul3A_660 : i32
        %swap3A_687 = arith.index_cast %add3A_686 : i32 to index
        %swap3A_688 = tpu.vector_load %arg13[%swap3A_687] {strides = array<i32>} : memref<8192xf32, #tpu.memory_space<vmem>>, vector<16xf32>,
        tpu.vector_store %arg13[%swap3A_687], %add3A_684 {strides = array<i32>} : memref<8192xf32, #tpu.memory_space<vmem>>, vector<16xf32>,
        %mul3A_689 = arith.mulf %get3A_662, %get3A_43 : vector<16xf32>
        %mul3A_690 = arith.mulf %get3A_666, %get3A_47 : vector<16xf32>
        %add3A_691 = arith.addf %mul3A_689, %mul3A_690 : vector<16xf32>
        %mul3A_692 = arith.mulf %get3A_670, %get3A_51 : vector<16xf32>
        %add3A_693 = arith.addf %add3A_691, %mul3A_692 : vector<16xf32>
        %add3A_694 = arith.addf %add3A_693, %get3A_63 : vector<16xf32>
        %add3A_695 = arith.constant 4096 : i32
        %add3A_696 = arith.addi %add3A_695, %mul3A_660 : i32
        %swap3A_697 = arith.index_cast %add3A_696 : i32 to index
        %swap3A_698 = tpu.vector_load %arg13[%swap3A_697] {strides = array<i32>} : memref<8192xf32, #tpu.memory_space<vmem>>, vector<16xf32>,
        tpu.vector_store %arg13[%swap3A_697], %add3A_694 {strides = array<i32>} : memref<8192xf32, #tpu.memory_space<vmem>>, vector<16xf32>,
        %get3A_699 = arith.index_cast %mul3A_660 : i32 to index
        %get3A_700 = tpu.vector_load %arg12[%get3A_699] {strides = array<i32>} : memref<2048xi32, #tpu.memory_space<vmem>>, vector<16xi32>,
        %swap3A_701 = arith.index_cast %mul3A_660 : i32 to index
        %swap3A_702 = tpu.vector_load %arg14[%swap3A_701] {strides = array<i32>} : memref<2048xi32, #tpu.memory_space<vmem>>, vector<16xi32>,
        tpu.vector_store %arg14[%swap3A_701], %get3A_700 {strides = array<i32>} : memref<2048xi32, #tpu.memory_space<vmem>>, vector<16xi32>,
      }
      %scan3A_472 = arith.constant 2 : i32
      %scan3A_473 = arith.constant 0 : i32
      %scan3A_474 = arith.constant 0 : i32
      %scan3A_475 = arith.constant 8 : i32
      %scan3A_476 = arith.addi %scan3A_474, %scan3A_475 : i32
      %scan3A_477 = arith.constant 1 : i32
      scf.for %scan3A_511 = %scan3A_474 to %scan3A_476 step %scan3A_477  : i32 {
        %mul3A_512 = arith.constant 16 : i32
        %mul3A_513 = arith.muli %scan3A_511, %mul3A_512 : i32
        %get3A_514 = arith.index_cast %mul3A_513 : i32 to index
        %get3A_515 = tpu.vector_load %arg12[%get3A_514] {strides = array<i32>} : memref<2048xi32, #tpu.memory_space<vmem>>, vector<16xi32>,
        %mul3A_516 = arith.constant 16 : i32
        %mul3A_517 = arith.muli %scan3A_511, %mul3A_516 : i32
        %swap3A = arith.index_cast %mul3A_517 : i32 to index
        %swap3A_518 = tpu.vector_load %arg19[%swap3A] {strides = array<i32>} : memref<128xi32, #tpu.memory_space<vmem>>, vector<16xi32>,
        tpu.vector_store %arg19[%swap3A], %get3A_515 {strides = array<i32>} : memref<128xi32, #tpu.memory_space<vmem>>, vector<16xi32>,
      }
      %scan3A_478 = arith.constant 8 : i32
      %dma_start3A_479 = arith.constant 0 : i32
      %dma_start3A_480 = tpu.memref_slice %arg13[%dma_start3A_479] : memref<8192xf32, #tpu.memory_space<vmem>> -> memref<128xf32, #tpu.memory_space<vmem>>
      %dma_start3A_481 = arith.constant 0 : i32
      %dma_start3A_482 = tpu.memref_slice %arg7[%dma_start3A_481] : memref<100352xf32, #tpu.memory_space<vmem_shared>> -> memref<100352xf32, #tpu.memory_space<vmem_shared>>
      tpu.enqueue_indirect_dma source(%dma_start3A_480 : memref<128xf32, #tpu.memory_space<vmem>>) target(%dma_start3A_482 : memref<100352xf32, #tpu.memory_space<vmem_shared>>) offsets(%arg19 : memref<128xi32, #tpu.memory_space<vmem>>) semaphore(%arg22 : memref<!tpu.dma_semaphore, #tpu.memory_space<semaphore_mem>>) {add = true}
      %dma_start3A_483 = arith.constant 2048 : i32
      %dma_start3A_484 = tpu.memref_slice %arg13[%dma_start3A_483] : memref<8192xf32, #tpu.memory_space<vmem>> -> memref<128xf32, #tpu.memory_space<vmem>>
      %dma_start3A_485 = arith.constant 0 : i32
      %dma_start3A_486 = tpu.memref_slice %arg8[%dma_start3A_485] : memref<100352xf32, #tpu.memory_space<vmem_shared>> -> memref<100352xf32, #tpu.memory_space<vmem_shared>>
      tpu.enqueue_indirect_dma source(%dma_start3A_484 : memref<128xf32, #tpu.memory_space<vmem>>) target(%dma_start3A_486 : memref<100352xf32, #tpu.memory_space<vmem_shared>>) offsets(%arg19 : memref<128xi32, #tpu.memory_space<vmem>>) semaphore(%arg22 : memref<!tpu.dma_semaphore, #tpu.memory_space<semaphore_mem>>) {add = true}
      %dma_start3A_487 = arith.constant 4096 : i32
      %dma_start3A_488 = tpu.memref_slice %arg13[%dma_start3A_487] : memref<8192xf32, #tpu.memory_space<vmem>> -> memref<128xf32, #tpu.memory_space<vmem>>
      %dma_start3A_489 = arith.constant 0 : i32
      %dma_start3A_490 = tpu.memref_slice %arg9[%dma_start3A_489] : memref<100352xf32, #tpu.memory_space<vmem_shared>> -> memref<100352xf32, #tpu.memory_space<vmem_shared>>
      tpu.enqueue_indirect_dma source(%dma_start3A_488 : memref<128xf32, #tpu.memory_space<vmem>>) target(%dma_start3A_490 : memref<100352xf32, #tpu.memory_space<vmem_shared>>) offsets(%arg19 : memref<128xi32, #tpu.memory_space<vmem>>) semaphore(%arg22 : memref<!tpu.dma_semaphore, #tpu.memory_space<semaphore_mem>>) {add = true}
      %dma_start3A_491 = arith.constant 6144 : i32
      %dma_start3A_492 = tpu.memref_slice %arg13[%dma_start3A_491] : memref<8192xf32, #tpu.memory_space<vmem>> -> memref<128xf32, #tpu.memory_space<vmem>>
      %dma_start3A_493 = arith.constant 0 : i32
      %dma_start3A_494 = tpu.memref_slice %arg10[%dma_start3A_493] : memref<100352xf32, #tpu.memory_space<vmem_shared>> -> memref<100352xf32, #tpu.memory_space<vmem_shared>>
      tpu.enqueue_indirect_dma source(%dma_start3A_492 : memref<128xf32, #tpu.memory_space<vmem>>) target(%dma_start3A_494 : memref<100352xf32, #tpu.memory_space<vmem_shared>>) offsets(%arg19 : memref<128xi32, #tpu.memory_space<vmem>>) semaphore(%arg22 : memref<!tpu.dma_semaphore, #tpu.memory_space<semaphore_mem>>) {add = true}
      %dma_wait3A_495 = arith.constant 0 : i32
      %dma_wait3A_496 = tpu.memref_slice %arg13[%dma_wait3A_495] : memref<8192xf32, #tpu.memory_space<vmem>> -> memref<128xf32, #tpu.memory_space<vmem>>
      %dma_wait3A_497 = arith.constant 0 : i32
      %dma_wait3A_498 = tpu.memref_slice %arg7[%dma_wait3A_497] : memref<100352xf32, #tpu.memory_space<vmem_shared>> -> memref<100352xf32, #tpu.memory_space<vmem_shared>>
      tpu.wait_indirect_dma semaphore(%arg22 : memref<!tpu.dma_semaphore, #tpu.memory_space<semaphore_mem>>) src(%dma_wait3A_496 : memref<128xf32, #tpu.memory_space<vmem>>) dst(%dma_wait3A_498 : memref<100352xf32, #tpu.memory_space<vmem_shared>>)
      %dma_wait3A_499 = arith.constant 2048 : i32
      %dma_wait3A_500 = tpu.memref_slice %arg13[%dma_wait3A_499] : memref<8192xf32, #tpu.memory_space<vmem>> -> memref<128xf32, #tpu.memory_space<vmem>>
      %dma_wait3A_501 = arith.constant 0 : i32
      %dma_wait3A_502 = tpu.memref_slice %arg8[%dma_wait3A_501] : memref<100352xf32, #tpu.memory_space<vmem_shared>> -> memref<100352xf32, #tpu.memory_space<vmem_shared>>
      tpu.wait_indirect_dma semaphore(%arg22 : memref<!tpu.dma_semaphore, #tpu.memory_space<semaphore_mem>>) src(%dma_wait3A_500 : memref<128xf32, #tpu.memory_space<vmem>>) dst(%dma_wait3A_502 : memref<100352xf32, #tpu.memory_space<vmem_shared>>)
      %dma_wait3A_503 = arith.constant 4096 : i32
      %dma_wait3A_504 = tpu.memref_slice %arg13[%dma_wait3A_503] : memref<8192xf32, #tpu.memory_space<vmem>> -> memref<128xf32, #tpu.memory_space<vmem>>
      %dma_wait3A_505 = arith.constant 0 : i32
      %dma_wait3A_506 = tpu.memref_slice %arg9[%dma_wait3A_505] : memref<100352xf32, #tpu.memory_space<vmem_shared>> -> memref<100352xf32, #tpu.memory_space<vmem_shared>>
      tpu.wait_indirect_dma semaphore(%arg22 : memref<!tpu.dma_semaphore, #tpu.memory_space<semaphore_mem>>) src(%dma_wait3A_504 : memref<128xf32, #tpu.memory_space<vmem>>) dst(%dma_wait3A_506 : memref<100352xf32, #tpu.memory_space<vmem_shared>>)
      %dma_wait3A_507 = arith.constant 6144 : i32
      %dma_wait3A_508 = tpu.memref_slice %arg13[%dma_wait3A_507] : memref<8192xf32, #tpu.memory_space<vmem>> -> memref<128xf32, #tpu.memory_space<vmem>>
      %dma_wait3A_509 = arith.constant 0 : i32
      %dma_wait3A_510 = tpu.memref_slice %arg10[%dma_wait3A_509] : memref<100352xf32, #tpu.memory_space<vmem_shared>> -> memref<100352xf32, #tpu.memory_space<vmem_shared>>
      tpu.wait_indirect_dma semaphore(%arg22 : memref<!tpu.dma_semaphore, #tpu.memory_space<semaphore_mem>>) src(%dma_wait3A_508 : memref<128xf32, #tpu.memory_space<vmem>>) dst(%dma_wait3A_510 : memref<100352xf32, #tpu.memory_space<vmem_shared>>)
    }
    %barrier3A_362 = arith.constant 0 : index
    tpu.barrier barrier_id(%barrier3A_362)
    %mul3A_363 = arith.constant 6272 : i32
    %mul3A_364 = arith.muli %arg1, %mul3A_363 : i32
    %mul3A_365 = arith.constant 401408 : i32
    %mul3A_366 = arith.muli %arg0, %mul3A_365 : i32
    %add3A_367 = arith.constant 0 : i32
    %add3A_368 = arith.addi %mul3A_366, %add3A_367 : i32
    %mul3A_369 = arith.constant 6272 : i32
    %mul3A_370 = arith.muli %arg1, %mul3A_369 : i32
    %add3A_371 = arith.addi %add3A_368, %mul3A_370 : i32
    "tpu.region"() ({
      %run_scoped3A = tpu.sem_alloc : memref<!tpu.dma_semaphore, #tpu.memory_space<semaphore_mem>>
      %dma_start3A_399 = tpu.memref_slice %arg6[%add3A_371] : memref<802816xf32, #tpu.memory_space<hbm>> -> memref<6272xf32, #tpu.memory_space<hbm>>
      %dma_start3A_400 = tpu.memref_slice %arg7[%mul3A_364] : memref<100352xf32, #tpu.memory_space<vmem_shared>> -> memref<6272xf32, #tpu.memory_space<vmem_shared>>
      tpu.enqueue_dma source(%dma_start3A_400 : memref<6272xf32, #tpu.memory_space<vmem_shared>>) target(%dma_start3A_399 : memref<6272xf32, #tpu.memory_space<hbm>>) target_semaphore(%run_scoped3A : memref<!tpu.dma_semaphore, #tpu.memory_space<semaphore_mem>>)
      %dma_wait3A_401 = tpu.memref_slice %arg6[%add3A_371] : memref<802816xf32, #tpu.memory_space<hbm>> -> memref<6272xf32, #tpu.memory_space<hbm>>
      %dma_wait3A_402 = tpu.memref_slice %arg7[%mul3A_364] : memref<100352xf32, #tpu.memory_space<vmem_shared>> -> memref<6272xf32, #tpu.memory_space<vmem_shared>>
      tpu.wait_dma2 semaphore(%run_scoped3A : memref<!tpu.dma_semaphore, #tpu.memory_space<semaphore_mem>>) src(%dma_wait3A_402 : memref<6272xf32, #tpu.memory_space<vmem_shared>>) dst(%dma_wait3A_401 : memref<6272xf32, #tpu.memory_space<hbm>>)
      tpu.yield
    }) : () -> ()
    %mul3A_372 = arith.constant 6272 : i32
    %mul3A_373 = arith.muli %arg1, %mul3A_372 : i32
    %mul3A_374 = arith.constant 401408 : i32
    %mul3A_375 = arith.muli %arg0, %mul3A_374 : i32
    %add3A_376 = arith.constant 100352 : i32
    %add3A_377 = arith.addi %mul3A_375, %add3A_376 : i32
    %mul3A_378 = arith.constant 6272 : i32
    %mul3A_379 = arith.muli %arg1, %mul3A_378 : i32
    %add3A_380 = arith.addi %add3A_377, %mul3A_379 : i32
    "tpu.region"() ({
      %run_scoped3A = tpu.sem_alloc : memref<!tpu.dma_semaphore, #tpu.memory_space<semaphore_mem>>
      %dma_start3A_399 = tpu.memref_slice %arg6[%add3A_380] : memref<802816xf32, #tpu.memory_space<hbm>> -> memref<6272xf32, #tpu.memory_space<hbm>>
      %dma_start3A_400 = tpu.memref_slice %arg8[%mul3A_373] : memref<100352xf32, #tpu.memory_space<vmem_shared>> -> memref<6272xf32, #tpu.memory_space<vmem_shared>>
      tpu.enqueue_dma source(%dma_start3A_400 : memref<6272xf32, #tpu.memory_space<vmem_shared>>) target(%dma_start3A_399 : memref<6272xf32, #tpu.memory_space<hbm>>) target_semaphore(%run_scoped3A : memref<!tpu.dma_semaphore, #tpu.memory_space<semaphore_mem>>)
      %dma_wait3A_401 = tpu.memref_slice %arg6[%add3A_380] : memref<802816xf32, #tpu.memory_space<hbm>> -> memref<6272xf32, #tpu.memory_space<hbm>>
      %dma_wait3A_402 = tpu.memref_slice %arg8[%mul3A_373] : memref<100352xf32, #tpu.memory_space<vmem_shared>> -> memref<6272xf32, #tpu.memory_space<vmem_shared>>
      tpu.wait_dma2 semaphore(%run_scoped3A : memref<!tpu.dma_semaphore, #tpu.memory_space<semaphore_mem>>) src(%dma_wait3A_402 : memref<6272xf32, #tpu.memory_space<vmem_shared>>) dst(%dma_wait3A_401 : memref<6272xf32, #tpu.memory_space<hbm>>)
      tpu.yield
    }) : () -> ()
    %mul3A_381 = arith.constant 6272 : i32
    %mul3A_382 = arith.muli %arg1, %mul3A_381 : i32
    %mul3A_383 = arith.constant 401408 : i32
    %mul3A_384 = arith.muli %arg0, %mul3A_383 : i32
    %add3A_385 = arith.constant 200704 : i32
    %add3A_386 = arith.addi %mul3A_384, %add3A_385 : i32
    %mul3A_387 = arith.constant 6272 : i32
    %mul3A_388 = arith.muli %arg1, %mul3A_387 : i32
    %add3A_389 = arith.addi %add3A_386, %mul3A_388 : i32
    "tpu.region"() ({
      %run_scoped3A = tpu.sem_alloc : memref<!tpu.dma_semaphore, #tpu.memory_space<semaphore_mem>>
      %dma_start3A_399 = tpu.memref_slice %arg6[%add3A_389] : memref<802816xf32, #tpu.memory_space<hbm>> -> memref<6272xf32, #tpu.memory_space<hbm>>
      %dma_start3A_400 = tpu.memref_slice %arg9[%mul3A_382] : memref<100352xf32, #tpu.memory_space<vmem_shared>> -> memref<6272xf32, #tpu.memory_space<vmem_shared>>
      tpu.enqueue_dma source(%dma_start3A_400 : memref<6272xf32, #tpu.memory_space<vmem_shared>>) target(%dma_start3A_399 : memref<6272xf32, #tpu.memory_space<hbm>>) target_semaphore(%run_scoped3A : memref<!tpu.dma_semaphore, #tpu.memory_space<semaphore_mem>>)
      %dma_wait3A_401 = tpu.memref_slice %arg6[%add3A_389] : memref<802816xf32, #tpu.memory_space<hbm>> -> memref<6272xf32, #tpu.memory_space<hbm>>
      %dma_wait3A_402 = tpu.memref_slice %arg9[%mul3A_382] : memref<100352xf32, #tpu.memory_space<vmem_shared>> -> memref<6272xf32, #tpu.memory_space<vmem_shared>>
      tpu.wait_dma2 semaphore(%run_scoped3A : memref<!tpu.dma_semaphore, #tpu.memory_space<semaphore_mem>>) src(%dma_wait3A_402 : memref<6272xf32, #tpu.memory_space<vmem_shared>>) dst(%dma_wait3A_401 : memref<6272xf32, #tpu.memory_space<hbm>>)
      tpu.yield
    }) : () -> ()
    %mul3A_390 = arith.constant 6272 : i32
    %mul3A_391 = arith.muli %arg1, %mul3A_390 : i32
    %mul3A_392 = arith.constant 401408 : i32
    %mul3A_393 = arith.muli %arg0, %mul3A_392 : i32
    %add3A_394 = arith.constant 301056 : i32
    %add3A_395 = arith.addi %mul3A_393, %add3A_394 : i32
    %mul3A_396 = arith.constant 6272 : i32
    %mul3A_397 = arith.muli %arg1, %mul3A_396 : i32
    %add3A_398 = arith.addi %add3A_395, %mul3A_397 : i32
    "tpu.region"() ({
      %run_scoped3A = tpu.sem_alloc : memref<!tpu.dma_semaphore, #tpu.memory_space<semaphore_mem>>
      %dma_start3A_399 = tpu.memref_slice %arg6[%add3A_398] : memref<802816xf32, #tpu.memory_space<hbm>> -> memref<6272xf32, #tpu.memory_space<hbm>>
      %dma_start3A_400 = tpu.memref_slice %arg10[%mul3A_391] : memref<100352xf32, #tpu.memory_space<vmem_shared>> -> memref<6272xf32, #tpu.memory_space<vmem_shared>>
      tpu.enqueue_dma source(%dma_start3A_400 : memref<6272xf32, #tpu.memory_space<vmem_shared>>) target(%dma_start3A_399 : memref<6272xf32, #tpu.memory_space<hbm>>) target_semaphore(%run_scoped3A : memref<!tpu.dma_semaphore, #tpu.memory_space<semaphore_mem>>)
      %dma_wait3A_401 = tpu.memref_slice %arg6[%add3A_398] : memref<802816xf32, #tpu.memory_space<hbm>> -> memref<6272xf32, #tpu.memory_space<hbm>>
      %dma_wait3A_402 = tpu.memref_slice %arg10[%mul3A_391] : memref<100352xf32, #tpu.memory_space<vmem_shared>> -> memref<6272xf32, #tpu.memory_space<vmem_shared>>
      tpu.wait_dma2 semaphore(%run_scoped3A : memref<!tpu.dma_semaphore, #tpu.memory_space<semaphore_mem>>) src(%dma_wait3A_402 : memref<6272xf32, #tpu.memory_space<vmem_shared>>) dst(%dma_wait3A_401 : memref<6272xf32, #tpu.memory_space<hbm>>)
      tpu.yield
    }) : () -> ()
    return
  }
}

#map = affine_map<(d0, d1) -> (0)>
module attributes {stable_mosaic.version = 14 : i64} {
  func.func @_final_body(%arg0: i32, %arg1: i32, %arg2: memref<802816xf32, #tpu.memory_space<hbm>>, %arg3: memref<300000xf32, #tpu.memory_space<hbm>>, %arg4: memref<25088xf32, #tpu.memory_space<vmem>>, %arg5: memref<9408xf32, #tpu.memory_space<vmem>>, %arg6: memref<!tpu.dma_semaphore, #tpu.memory_space<semaphore_mem>>) attributes {dimension_semantics = [#tpu.dimension_semantics<core_parallel>, #tpu.dimension_semantics<subcore_parallel>], iteration_bounds = array<i64: 2, 16>, scalar_prefetch = 0 : i64, scratch_operands = 3 : i64, tpu.core_type = #tpu.core_type<sc_vector_subcore>, window_params = [{transform_indices = #map}, {transform_indices = #map}]} {
    %mul3A = arith.constant 2 : i32
    %mul3A_0 = arith.muli %arg1, %mul3A : i32
    %add3A = arith.addi %mul3A_0, %arg0 : i32
    %mul3A_1 = arith.constant 3136 : i32
    %mul3A_2 = arith.muli %add3A, %mul3A_1 : i32
    %lt3A = arith.constant 31 : i32
    %lt3A_3 = arith.cmpi slt, %add3A, %lt3A : i32
    %convert_element_type3A = arith.extui %lt3A_3 : i1 to i32
    %cond3A = arith.constant 0 : i32
    %cond3A_4 = arith.cmpi ne, %convert_element_type3A, %cond3A : i32
    scf.if %cond3A_4 {
      %add3A_9 = arith.constant 0 : i32
      %add3A_10 = arith.addi %add3A_9, %mul3A_2 : i32
      %dma_start3A = arith.constant 0 : i32
      %dma_start3A_11 = tpu.memref_slice %arg4[%dma_start3A] : memref<25088xf32, #tpu.memory_space<vmem>> -> memref<3136xf32, #tpu.memory_space<vmem>>
      %dma_start3A_12 = tpu.memref_slice %arg2[%add3A_10] : memref<802816xf32, #tpu.memory_space<hbm>> -> memref<3136xf32, #tpu.memory_space<hbm>>
      %dma_start3A_13 = arith.constant 0 : i32
      %dma_start3A_14 = tpu.memref_slice %arg4[%dma_start3A_13] : memref<25088xf32, #tpu.memory_space<vmem>> -> memref<3136xf32, #tpu.memory_space<vmem>>
      %dma_start3A_15 = tpu.memref_slice %arg2[%add3A_10] : memref<802816xf32, #tpu.memory_space<hbm>> -> memref<3136xf32, #tpu.memory_space<hbm>>
      tpu.enqueue_dma source(%dma_start3A_15 : memref<3136xf32, #tpu.memory_space<hbm>>) target(%dma_start3A_14 : memref<3136xf32, #tpu.memory_space<vmem>>) target_semaphore(%arg6 : memref<!tpu.dma_semaphore, #tpu.memory_space<semaphore_mem>>)
      %add3A_16 = arith.constant 100352 : i32
      %add3A_17 = arith.addi %add3A_16, %mul3A_2 : i32
      %dma_start3A_18 = arith.constant 3136 : i32
      %dma_start3A_19 = tpu.memref_slice %arg4[%dma_start3A_18] : memref<25088xf32, #tpu.memory_space<vmem>> -> memref<3136xf32, #tpu.memory_space<vmem>>
      %dma_start3A_20 = tpu.memref_slice %arg2[%add3A_17] : memref<802816xf32, #tpu.memory_space<hbm>> -> memref<3136xf32, #tpu.memory_space<hbm>>
      %dma_start3A_21 = arith.constant 3136 : i32
      %dma_start3A_22 = tpu.memref_slice %arg4[%dma_start3A_21] : memref<25088xf32, #tpu.memory_space<vmem>> -> memref<3136xf32, #tpu.memory_space<vmem>>
      %dma_start3A_23 = tpu.memref_slice %arg2[%add3A_17] : memref<802816xf32, #tpu.memory_space<hbm>> -> memref<3136xf32, #tpu.memory_space<hbm>>
      tpu.enqueue_dma source(%dma_start3A_23 : memref<3136xf32, #tpu.memory_space<hbm>>) target(%dma_start3A_22 : memref<3136xf32, #tpu.memory_space<vmem>>) target_semaphore(%arg6 : memref<!tpu.dma_semaphore, #tpu.memory_space<semaphore_mem>>)
      %add3A_24 = arith.constant 200704 : i32
      %add3A_25 = arith.addi %add3A_24, %mul3A_2 : i32
      %dma_start3A_26 = arith.constant 6272 : i32
      %dma_start3A_27 = tpu.memref_slice %arg4[%dma_start3A_26] : memref<25088xf32, #tpu.memory_space<vmem>> -> memref<3136xf32, #tpu.memory_space<vmem>>
      %dma_start3A_28 = tpu.memref_slice %arg2[%add3A_25] : memref<802816xf32, #tpu.memory_space<hbm>> -> memref<3136xf32, #tpu.memory_space<hbm>>
      %dma_start3A_29 = arith.constant 6272 : i32
      %dma_start3A_30 = tpu.memref_slice %arg4[%dma_start3A_29] : memref<25088xf32, #tpu.memory_space<vmem>> -> memref<3136xf32, #tpu.memory_space<vmem>>
      %dma_start3A_31 = tpu.memref_slice %arg2[%add3A_25] : memref<802816xf32, #tpu.memory_space<hbm>> -> memref<3136xf32, #tpu.memory_space<hbm>>
      tpu.enqueue_dma source(%dma_start3A_31 : memref<3136xf32, #tpu.memory_space<hbm>>) target(%dma_start3A_30 : memref<3136xf32, #tpu.memory_space<vmem>>) target_semaphore(%arg6 : memref<!tpu.dma_semaphore, #tpu.memory_space<semaphore_mem>>)
      %add3A_32 = arith.constant 301056 : i32
      %add3A_33 = arith.addi %add3A_32, %mul3A_2 : i32
      %dma_start3A_34 = arith.constant 9408 : i32
      %dma_start3A_35 = tpu.memref_slice %arg4[%dma_start3A_34] : memref<25088xf32, #tpu.memory_space<vmem>> -> memref<3136xf32, #tpu.memory_space<vmem>>
      %dma_start3A_36 = tpu.memref_slice %arg2[%add3A_33] : memref<802816xf32, #tpu.memory_space<hbm>> -> memref<3136xf32, #tpu.memory_space<hbm>>
      %dma_start3A_37 = arith.constant 9408 : i32
      %dma_start3A_38 = tpu.memref_slice %arg4[%dma_start3A_37] : memref<25088xf32, #tpu.memory_space<vmem>> -> memref<3136xf32, #tpu.memory_space<vmem>>
      %dma_start3A_39 = tpu.memref_slice %arg2[%add3A_33] : memref<802816xf32, #tpu.memory_space<hbm>> -> memref<3136xf32, #tpu.memory_space<hbm>>
      tpu.enqueue_dma source(%dma_start3A_39 : memref<3136xf32, #tpu.memory_space<hbm>>) target(%dma_start3A_38 : memref<3136xf32, #tpu.memory_space<vmem>>) target_semaphore(%arg6 : memref<!tpu.dma_semaphore, #tpu.memory_space<semaphore_mem>>)
      %add3A_40 = arith.constant 401408 : i32
      %add3A_41 = arith.addi %add3A_40, %mul3A_2 : i32
      %dma_start3A_42 = arith.constant 12544 : i32
      %dma_start3A_43 = tpu.memref_slice %arg4[%dma_start3A_42] : memref<25088xf32, #tpu.memory_space<vmem>> -> memref<3136xf32, #tpu.memory_space<vmem>>
      %dma_start3A_44 = tpu.memref_slice %arg2[%add3A_41] : memref<802816xf32, #tpu.memory_space<hbm>> -> memref<3136xf32, #tpu.memory_space<hbm>>
      %dma_start3A_45 = arith.constant 12544 : i32
      %dma_start3A_46 = tpu.memref_slice %arg4[%dma_start3A_45] : memref<25088xf32, #tpu.memory_space<vmem>> -> memref<3136xf32, #tpu.memory_space<vmem>>
      %dma_start3A_47 = tpu.memref_slice %arg2[%add3A_41] : memref<802816xf32, #tpu.memory_space<hbm>> -> memref<3136xf32, #tpu.memory_space<hbm>>
      tpu.enqueue_dma source(%dma_start3A_47 : memref<3136xf32, #tpu.memory_space<hbm>>) target(%dma_start3A_46 : memref<3136xf32, #tpu.memory_space<vmem>>) target_semaphore(%arg6 : memref<!tpu.dma_semaphore, #tpu.memory_space<semaphore_mem>>)
      %add3A_48 = arith.constant 501760 : i32
      %add3A_49 = arith.addi %add3A_48, %mul3A_2 : i32
      %dma_start3A_50 = arith.constant 15680 : i32
      %dma_start3A_51 = tpu.memref_slice %arg4[%dma_start3A_50] : memref<25088xf32, #tpu.memory_space<vmem>> -> memref<3136xf32, #tpu.memory_space<vmem>>
      %dma_start3A_52 = tpu.memref_slice %arg2[%add3A_49] : memref<802816xf32, #tpu.memory_space<hbm>> -> memref<3136xf32, #tpu.memory_space<hbm>>
      %dma_start3A_53 = arith.constant 15680 : i32
      %dma_start3A_54 = tpu.memref_slice %arg4[%dma_start3A_53] : memref<25088xf32, #tpu.memory_space<vmem>> -> memref<3136xf32, #tpu.memory_space<vmem>>
      %dma_start3A_55 = tpu.memref_slice %arg2[%add3A_49] : memref<802816xf32, #tpu.memory_space<hbm>> -> memref<3136xf32, #tpu.memory_space<hbm>>
      tpu.enqueue_dma source(%dma_start3A_55 : memref<3136xf32, #tpu.memory_space<hbm>>) target(%dma_start3A_54 : memref<3136xf32, #tpu.memory_space<vmem>>) target_semaphore(%arg6 : memref<!tpu.dma_semaphore, #tpu.memory_space<semaphore_mem>>)
      %add3A_56 = arith.constant 602112 : i32
      %add3A_57 = arith.addi %add3A_56, %mul3A_2 : i32
      %dma_start3A_58 = arith.constant 18816 : i32
      %dma_start3A_59 = tpu.memref_slice %arg4[%dma_start3A_58] : memref<25088xf32, #tpu.memory_space<vmem>> -> memref<3136xf32, #tpu.memory_space<vmem>>
      %dma_start3A_60 = tpu.memref_slice %arg2[%add3A_57] : memref<802816xf32, #tpu.memory_space<hbm>> -> memref<3136xf32, #tpu.memory_space<hbm>>
      %dma_start3A_61 = arith.constant 18816 : i32
      %dma_start3A_62 = tpu.memref_slice %arg4[%dma_start3A_61] : memref<25088xf32, #tpu.memory_space<vmem>> -> memref<3136xf32, #tpu.memory_space<vmem>>
      %dma_start3A_63 = tpu.memref_slice %arg2[%add3A_57] : memref<802816xf32, #tpu.memory_space<hbm>> -> memref<3136xf32, #tpu.memory_space<hbm>>
      tpu.enqueue_dma source(%dma_start3A_63 : memref<3136xf32, #tpu.memory_space<hbm>>) target(%dma_start3A_62 : memref<3136xf32, #tpu.memory_space<vmem>>) target_semaphore(%arg6 : memref<!tpu.dma_semaphore, #tpu.memory_space<semaphore_mem>>)
      %add3A_64 = arith.constant 702464 : i32
      %add3A_65 = arith.addi %add3A_64, %mul3A_2 : i32
      %dma_start3A_66 = arith.constant 21952 : i32
      %dma_start3A_67 = tpu.memref_slice %arg4[%dma_start3A_66] : memref<25088xf32, #tpu.memory_space<vmem>> -> memref<3136xf32, #tpu.memory_space<vmem>>
      %dma_start3A_68 = tpu.memref_slice %arg2[%add3A_65] : memref<802816xf32, #tpu.memory_space<hbm>> -> memref<3136xf32, #tpu.memory_space<hbm>>
      %dma_start3A_69 = arith.constant 21952 : i32
      %dma_start3A_70 = tpu.memref_slice %arg4[%dma_start3A_69] : memref<25088xf32, #tpu.memory_space<vmem>> -> memref<3136xf32, #tpu.memory_space<vmem>>
      %dma_start3A_71 = tpu.memref_slice %arg2[%add3A_65] : memref<802816xf32, #tpu.memory_space<hbm>> -> memref<3136xf32, #tpu.memory_space<hbm>>
      tpu.enqueue_dma source(%dma_start3A_71 : memref<3136xf32, #tpu.memory_space<hbm>>) target(%dma_start3A_70 : memref<3136xf32, #tpu.memory_space<vmem>>) target_semaphore(%arg6 : memref<!tpu.dma_semaphore, #tpu.memory_space<semaphore_mem>>)
      %dma_wait3A = arith.constant 0 : i32
      %dma_wait3A_72 = tpu.memref_slice %arg4[%dma_wait3A] : memref<25088xf32, #tpu.memory_space<vmem>> -> memref<3136xf32, #tpu.memory_space<vmem>>
      %dma_wait3A_73 = tpu.memref_slice %arg2[%add3A_10] : memref<802816xf32, #tpu.memory_space<hbm>> -> memref<3136xf32, #tpu.memory_space<hbm>>
      %dma_wait3A_74 = arith.constant 0 : i32
      %dma_wait3A_75 = tpu.memref_slice %arg4[%dma_wait3A_74] : memref<25088xf32, #tpu.memory_space<vmem>> -> memref<3136xf32, #tpu.memory_space<vmem>>
      %dma_wait3A_76 = tpu.memref_slice %arg2[%add3A_10] : memref<802816xf32, #tpu.memory_space<hbm>> -> memref<3136xf32, #tpu.memory_space<hbm>>
      tpu.wait_dma2 semaphore(%arg6 : memref<!tpu.dma_semaphore, #tpu.memory_space<semaphore_mem>>) src(%dma_wait3A_76 : memref<3136xf32, #tpu.memory_space<hbm>>) dst(%dma_wait3A_75 : memref<3136xf32, #tpu.memory_space<vmem>>)
      %dma_wait3A_77 = arith.constant 3136 : i32
      %dma_wait3A_78 = tpu.memref_slice %arg4[%dma_wait3A_77] : memref<25088xf32, #tpu.memory_space<vmem>> -> memref<3136xf32, #tpu.memory_space<vmem>>
      %dma_wait3A_79 = tpu.memref_slice %arg2[%add3A_17] : memref<802816xf32, #tpu.memory_space<hbm>> -> memref<3136xf32, #tpu.memory_space<hbm>>
      %dma_wait3A_80 = arith.constant 3136 : i32
      %dma_wait3A_81 = tpu.memref_slice %arg4[%dma_wait3A_80] : memref<25088xf32, #tpu.memory_space<vmem>> -> memref<3136xf32, #tpu.memory_space<vmem>>
      %dma_wait3A_82 = tpu.memref_slice %arg2[%add3A_17] : memref<802816xf32, #tpu.memory_space<hbm>> -> memref<3136xf32, #tpu.memory_space<hbm>>
      tpu.wait_dma2 semaphore(%arg6 : memref<!tpu.dma_semaphore, #tpu.memory_space<semaphore_mem>>) src(%dma_wait3A_82 : memref<3136xf32, #tpu.memory_space<hbm>>) dst(%dma_wait3A_81 : memref<3136xf32, #tpu.memory_space<vmem>>)
      %dma_wait3A_83 = arith.constant 6272 : i32
      %dma_wait3A_84 = tpu.memref_slice %arg4[%dma_wait3A_83] : memref<25088xf32, #tpu.memory_space<vmem>> -> memref<3136xf32, #tpu.memory_space<vmem>>
      %dma_wait3A_85 = tpu.memref_slice %arg2[%add3A_25] : memref<802816xf32, #tpu.memory_space<hbm>> -> memref<3136xf32, #tpu.memory_space<hbm>>
      %dma_wait3A_86 = arith.constant 6272 : i32
      %dma_wait3A_87 = tpu.memref_slice %arg4[%dma_wait3A_86] : memref<25088xf32, #tpu.memory_space<vmem>> -> memref<3136xf32, #tpu.memory_space<vmem>>
      %dma_wait3A_88 = tpu.memref_slice %arg2[%add3A_25] : memref<802816xf32, #tpu.memory_space<hbm>> -> memref<3136xf32, #tpu.memory_space<hbm>>
      tpu.wait_dma2 semaphore(%arg6 : memref<!tpu.dma_semaphore, #tpu.memory_space<semaphore_mem>>) src(%dma_wait3A_88 : memref<3136xf32, #tpu.memory_space<hbm>>) dst(%dma_wait3A_87 : memref<3136xf32, #tpu.memory_space<vmem>>)
      %dma_wait3A_89 = arith.constant 9408 : i32
      %dma_wait3A_90 = tpu.memref_slice %arg4[%dma_wait3A_89] : memref<25088xf32, #tpu.memory_space<vmem>> -> memref<3136xf32, #tpu.memory_space<vmem>>
      %dma_wait3A_91 = tpu.memref_slice %arg2[%add3A_33] : memref<802816xf32, #tpu.memory_space<hbm>> -> memref<3136xf32, #tpu.memory_space<hbm>>
      %dma_wait3A_92 = arith.constant 9408 : i32
      %dma_wait3A_93 = tpu.memref_slice %arg4[%dma_wait3A_92] : memref<25088xf32, #tpu.memory_space<vmem>> -> memref<3136xf32, #tpu.memory_space<vmem>>
      %dma_wait3A_94 = tpu.memref_slice %arg2[%add3A_33] : memref<802816xf32, #tpu.memory_space<hbm>> -> memref<3136xf32, #tpu.memory_space<hbm>>
      tpu.wait_dma2 semaphore(%arg6 : memref<!tpu.dma_semaphore, #tpu.memory_space<semaphore_mem>>) src(%dma_wait3A_94 : memref<3136xf32, #tpu.memory_space<hbm>>) dst(%dma_wait3A_93 : memref<3136xf32, #tpu.memory_space<vmem>>)
      %dma_wait3A_95 = arith.constant 12544 : i32
      %dma_wait3A_96 = tpu.memref_slice %arg4[%dma_wait3A_95] : memref<25088xf32, #tpu.memory_space<vmem>> -> memref<3136xf32, #tpu.memory_space<vmem>>
      %dma_wait3A_97 = tpu.memref_slice %arg2[%add3A_41] : memref<802816xf32, #tpu.memory_space<hbm>> -> memref<3136xf32, #tpu.memory_space<hbm>>
      %dma_wait3A_98 = arith.constant 12544 : i32
      %dma_wait3A_99 = tpu.memref_slice %arg4[%dma_wait3A_98] : memref<25088xf32, #tpu.memory_space<vmem>> -> memref<3136xf32, #tpu.memory_space<vmem>>
      %dma_wait3A_100 = tpu.memref_slice %arg2[%add3A_41] : memref<802816xf32, #tpu.memory_space<hbm>> -> memref<3136xf32, #tpu.memory_space<hbm>>
      tpu.wait_dma2 semaphore(%arg6 : memref<!tpu.dma_semaphore, #tpu.memory_space<semaphore_mem>>) src(%dma_wait3A_100 : memref<3136xf32, #tpu.memory_space<hbm>>) dst(%dma_wait3A_99 : memref<3136xf32, #tpu.memory_space<vmem>>)
      %dma_wait3A_101 = arith.constant 15680 : i32
      %dma_wait3A_102 = tpu.memref_slice %arg4[%dma_wait3A_101] : memref<25088xf32, #tpu.memory_space<vmem>> -> memref<3136xf32, #tpu.memory_space<vmem>>
      %dma_wait3A_103 = tpu.memref_slice %arg2[%add3A_49] : memref<802816xf32, #tpu.memory_space<hbm>> -> memref<3136xf32, #tpu.memory_space<hbm>>
      %dma_wait3A_104 = arith.constant 15680 : i32
      %dma_wait3A_105 = tpu.memref_slice %arg4[%dma_wait3A_104] : memref<25088xf32, #tpu.memory_space<vmem>> -> memref<3136xf32, #tpu.memory_space<vmem>>
      %dma_wait3A_106 = tpu.memref_slice %arg2[%add3A_49] : memref<802816xf32, #tpu.memory_space<hbm>> -> memref<3136xf32, #tpu.memory_space<hbm>>
      tpu.wait_dma2 semaphore(%arg6 : memref<!tpu.dma_semaphore, #tpu.memory_space<semaphore_mem>>) src(%dma_wait3A_106 : memref<3136xf32, #tpu.memory_space<hbm>>) dst(%dma_wait3A_105 : memref<3136xf32, #tpu.memory_space<vmem>>)
      %dma_wait3A_107 = arith.constant 18816 : i32
      %dma_wait3A_108 = tpu.memref_slice %arg4[%dma_wait3A_107] : memref<25088xf32, #tpu.memory_space<vmem>> -> memref<3136xf32, #tpu.memory_space<vmem>>
      %dma_wait3A_109 = tpu.memref_slice %arg2[%add3A_57] : memref<802816xf32, #tpu.memory_space<hbm>> -> memref<3136xf32, #tpu.memory_space<hbm>>
      %dma_wait3A_110 = arith.constant 18816 : i32
      %dma_wait3A_111 = tpu.memref_slice %arg4[%dma_wait3A_110] : memref<25088xf32, #tpu.memory_space<vmem>> -> memref<3136xf32, #tpu.memory_space<vmem>>
      %dma_wait3A_112 = tpu.memref_slice %arg2[%add3A_57] : memref<802816xf32, #tpu.memory_space<hbm>> -> memref<3136xf32, #tpu.memory_space<hbm>>
      tpu.wait_dma2 semaphore(%arg6 : memref<!tpu.dma_semaphore, #tpu.memory_space<semaphore_mem>>) src(%dma_wait3A_112 : memref<3136xf32, #tpu.memory_space<hbm>>) dst(%dma_wait3A_111 : memref<3136xf32, #tpu.memory_space<vmem>>)
      %dma_wait3A_113 = arith.constant 21952 : i32
      %dma_wait3A_114 = tpu.memref_slice %arg4[%dma_wait3A_113] : memref<25088xf32, #tpu.memory_space<vmem>> -> memref<3136xf32, #tpu.memory_space<vmem>>
      %dma_wait3A_115 = tpu.memref_slice %arg2[%add3A_65] : memref<802816xf32, #tpu.memory_space<hbm>> -> memref<3136xf32, #tpu.memory_space<hbm>>
      %dma_wait3A_116 = arith.constant 21952 : i32
      %dma_wait3A_117 = tpu.memref_slice %arg4[%dma_wait3A_116] : memref<25088xf32, #tpu.memory_space<vmem>> -> memref<3136xf32, #tpu.memory_space<vmem>>
      %dma_wait3A_118 = tpu.memref_slice %arg2[%add3A_65] : memref<802816xf32, #tpu.memory_space<hbm>> -> memref<3136xf32, #tpu.memory_space<hbm>>
      tpu.wait_dma2 semaphore(%arg6 : memref<!tpu.dma_semaphore, #tpu.memory_space<semaphore_mem>>) src(%dma_wait3A_118 : memref<3136xf32, #tpu.memory_space<hbm>>) dst(%dma_wait3A_117 : memref<3136xf32, #tpu.memory_space<vmem>>)
      %scan3A = arith.constant 0 : i32
      %scan3A_119 = arith.constant 0 : i32
      %scan3A_120 = arith.constant 196 : i32
      %scan3A_121 = arith.addi %scan3A_119, %scan3A_120 : i32
      %scan3A_122 = arith.constant 1 : i32
      scf.for %scan3A_130 = %scan3A_119 to %scan3A_121 step %scan3A_122  : i32 {
        %mul3A_131 = arith.constant 16 : i32
        %mul3A_132 = arith.muli %scan3A_130, %mul3A_131 : i32
        %get3A = arith.index_cast %mul3A_132 : i32 to index
        %get3A_133 = tpu.vector_load %arg4[%get3A] {strides = array<i32>} : memref<25088xf32, #tpu.memory_space<vmem>>, vector<16xf32>,
        %add3A_134 = arith.constant 12544 : i32
        %add3A_135 = arith.addi %add3A_134, %mul3A_132 : i32
        %get3A_136 = arith.index_cast %add3A_135 : i32 to index
        %get3A_137 = tpu.vector_load %arg4[%get3A_136] {strides = array<i32>} : memref<25088xf32, #tpu.memory_space<vmem>>, vector<16xf32>,
        %add3A_138 = arith.addf %get3A_133, %get3A_137 : vector<16xf32>
        %add3A_139 = arith.constant 3136 : i32
        %add3A_140 = arith.addi %add3A_139, %mul3A_132 : i32
        %get3A_141 = arith.index_cast %add3A_140 : i32 to index
        %get3A_142 = tpu.vector_load %arg4[%get3A_141] {strides = array<i32>} : memref<25088xf32, #tpu.memory_space<vmem>>, vector<16xf32>,
        %add3A_143 = arith.constant 15680 : i32
        %add3A_144 = arith.addi %add3A_143, %mul3A_132 : i32
        %get3A_145 = arith.index_cast %add3A_144 : i32 to index
        %get3A_146 = tpu.vector_load %arg4[%get3A_145] {strides = array<i32>} : memref<25088xf32, #tpu.memory_space<vmem>>, vector<16xf32>,
        %add3A_147 = arith.addf %get3A_142, %get3A_146 : vector<16xf32>
        %add3A_148 = arith.constant 6272 : i32
        %add3A_149 = arith.addi %add3A_148, %mul3A_132 : i32
        %get3A_150 = arith.index_cast %add3A_149 : i32 to index
        %get3A_151 = tpu.vector_load %arg4[%get3A_150] {strides = array<i32>} : memref<25088xf32, #tpu.memory_space<vmem>>, vector<16xf32>,
        %add3A_152 = arith.constant 18816 : i32
        %add3A_153 = arith.addi %add3A_152, %mul3A_132 : i32
        %get3A_154 = arith.index_cast %add3A_153 : i32 to index
        %get3A_155 = tpu.vector_load %arg4[%get3A_154] {strides = array<i32>} : memref<25088xf32, #tpu.memory_space<vmem>>, vector<16xf32>,
        %add3A_156 = arith.addf %get3A_151, %get3A_155 : vector<16xf32>
        %add3A_157 = arith.constant 9408 : i32
        %add3A_158 = arith.addi %add3A_157, %mul3A_132 : i32
        %get3A_159 = arith.index_cast %add3A_158 : i32 to index
        %get3A_160 = tpu.vector_load %arg4[%get3A_159] {strides = array<i32>} : memref<25088xf32, #tpu.memory_space<vmem>>, vector<16xf32>,
        %add3A_161 = arith.constant 21952 : i32
        %add3A_162 = arith.addi %add3A_161, %mul3A_132 : i32
        %get3A_163 = arith.index_cast %add3A_162 : i32 to index
        %get3A_164 = tpu.vector_load %arg4[%get3A_163] {strides = array<i32>} : memref<25088xf32, #tpu.memory_space<vmem>>, vector<16xf32>,
        %add3A_165 = arith.addf %get3A_160, %get3A_164 : vector<16xf32>
        %max3A = arith.constant 1.000000e+00 : f32
        %max3A_166 = vector.broadcast %max3A : f32 to vector<16xf32>
        %max3A_167 = arith.maximumf %add3A_165, %max3A_166 : vector<16xf32>
        %div3A = arith.constant 1.000000e+00 : f32
        %div3A_168 = vector.broadcast %div3A : f32 to vector<16xf32>
        %div3A_169 = arith.divf %div3A_168, %max3A_167 : vector<16xf32>
        %mul3A_170 = arith.mulf %add3A_138, %div3A_169 : vector<16xf32>
        %swap3A = arith.index_cast %mul3A_132 : i32 to index
        %swap3A_171 = tpu.vector_load %arg5[%swap3A] {strides = array<i32>} : memref<9408xf32, #tpu.memory_space<vmem>>, vector<16xf32>,
        tpu.vector_store %arg5[%swap3A], %mul3A_170 {strides = array<i32>} : memref<9408xf32, #tpu.memory_space<vmem>>, vector<16xf32>,
        %mul3A_172 = arith.mulf %add3A_147, %div3A_169 : vector<16xf32>
        %add3A_173 = arith.constant 3136 : i32
        %add3A_174 = arith.addi %add3A_173, %mul3A_132 : i32
        %swap3A_175 = arith.index_cast %add3A_174 : i32 to index
        %swap3A_176 = tpu.vector_load %arg5[%swap3A_175] {strides = array<i32>} : memref<9408xf32, #tpu.memory_space<vmem>>, vector<16xf32>,
        tpu.vector_store %arg5[%swap3A_175], %mul3A_172 {strides = array<i32>} : memref<9408xf32, #tpu.memory_space<vmem>>, vector<16xf32>,
        %mul3A_177 = arith.mulf %add3A_156, %div3A_169 : vector<16xf32>
        %add3A_178 = arith.constant 6272 : i32
        %add3A_179 = arith.addi %add3A_178, %mul3A_132 : i32
        %swap3A_180 = arith.index_cast %add3A_179 : i32 to index
        %swap3A_181 = tpu.vector_load %arg5[%swap3A_180] {strides = array<i32>} : memref<9408xf32, #tpu.memory_space<vmem>>, vector<16xf32>,
        tpu.vector_store %arg5[%swap3A_180], %mul3A_177 {strides = array<i32>} : memref<9408xf32, #tpu.memory_space<vmem>>, vector<16xf32>,
      }
      %scan3A_123 = arith.constant 196 : i32
      %add3A_124 = arith.constant 0 : i32
      %add3A_125 = arith.addi %add3A_124, %mul3A_2 : i32
      "tpu.region"() ({
        %run_scoped3A = tpu.sem_alloc : memref<!tpu.dma_semaphore, #tpu.memory_space<semaphore_mem>>
        %dma_start3A_130 = arith.constant 0 : i32
        %dma_start3A_131 = tpu.memref_slice %arg5[%dma_start3A_130] : memref<9408xf32, #tpu.memory_space<vmem>> -> memref<3136xf32, #tpu.memory_space<vmem>>
        %dma_start3A_132 = tpu.memref_slice %arg3[%add3A_125] : memref<300000xf32, #tpu.memory_space<hbm>> -> memref<3136xf32, #tpu.memory_space<hbm>>
        %dma_start3A_133 = tpu.memref_slice %arg3[%add3A_125] : memref<300000xf32, #tpu.memory_space<hbm>> -> memref<3136xf32, #tpu.memory_space<hbm>>
        %dma_start3A_134 = arith.constant 0 : i32
        %dma_start3A_135 = tpu.memref_slice %arg5[%dma_start3A_134] : memref<9408xf32, #tpu.memory_space<vmem>> -> memref<3136xf32, #tpu.memory_space<vmem>>
        tpu.enqueue_dma source(%dma_start3A_135 : memref<3136xf32, #tpu.memory_space<vmem>>) target(%dma_start3A_133 : memref<3136xf32, #tpu.memory_space<hbm>>) target_semaphore(%run_scoped3A : memref<!tpu.dma_semaphore, #tpu.memory_space<semaphore_mem>>)
        %dma_wait3A_136 = arith.constant 0 : i32
        %dma_wait3A_137 = tpu.memref_slice %arg5[%dma_wait3A_136] : memref<9408xf32, #tpu.memory_space<vmem>> -> memref<3136xf32, #tpu.memory_space<vmem>>
        %dma_wait3A_138 = tpu.memref_slice %arg3[%add3A_125] : memref<300000xf32, #tpu.memory_space<hbm>> -> memref<3136xf32, #tpu.memory_space<hbm>>
        %dma_wait3A_139 = tpu.memref_slice %arg3[%add3A_125] : memref<300000xf32, #tpu.memory_space<hbm>> -> memref<3136xf32, #tpu.memory_space<hbm>>
        %dma_wait3A_140 = arith.constant 0 : i32
        %dma_wait3A_141 = tpu.memref_slice %arg5[%dma_wait3A_140] : memref<9408xf32, #tpu.memory_space<vmem>> -> memref<3136xf32, #tpu.memory_space<vmem>>
        tpu.wait_dma2 semaphore(%run_scoped3A : memref<!tpu.dma_semaphore, #tpu.memory_space<semaphore_mem>>) src(%dma_wait3A_141 : memref<3136xf32, #tpu.memory_space<vmem>>) dst(%dma_wait3A_139 : memref<3136xf32, #tpu.memory_space<hbm>>)
        tpu.yield
      }) : () -> ()
      %add3A_126 = arith.constant 100000 : i32
      %add3A_127 = arith.addi %add3A_126, %mul3A_2 : i32
      "tpu.region"() ({
        %run_scoped3A = tpu.sem_alloc : memref<!tpu.dma_semaphore, #tpu.memory_space<semaphore_mem>>
        %dma_start3A_130 = arith.constant 3136 : i32
        %dma_start3A_131 = tpu.memref_slice %arg5[%dma_start3A_130] : memref<9408xf32, #tpu.memory_space<vmem>> -> memref<3136xf32, #tpu.memory_space<vmem>>
        %dma_start3A_132 = tpu.memref_slice %arg3[%add3A_127] : memref<300000xf32, #tpu.memory_space<hbm>> -> memref<3136xf32, #tpu.memory_space<hbm>>
        %dma_start3A_133 = tpu.memref_slice %arg3[%add3A_127] : memref<300000xf32, #tpu.memory_space<hbm>> -> memref<3136xf32, #tpu.memory_space<hbm>>
        %dma_start3A_134 = arith.constant 3136 : i32
        %dma_start3A_135 = tpu.memref_slice %arg5[%dma_start3A_134] : memref<9408xf32, #tpu.memory_space<vmem>> -> memref<3136xf32, #tpu.memory_space<vmem>>
        tpu.enqueue_dma source(%dma_start3A_135 : memref<3136xf32, #tpu.memory_space<vmem>>) target(%dma_start3A_133 : memref<3136xf32, #tpu.memory_space<hbm>>) target_semaphore(%run_scoped3A : memref<!tpu.dma_semaphore, #tpu.memory_space<semaphore_mem>>)
        %dma_wait3A_136 = arith.constant 3136 : i32
        %dma_wait3A_137 = tpu.memref_slice %arg5[%dma_wait3A_136] : memref<9408xf32, #tpu.memory_space<vmem>> -> memref<3136xf32, #tpu.memory_space<vmem>>
        %dma_wait3A_138 = tpu.memref_slice %arg3[%add3A_127] : memref<300000xf32, #tpu.memory_space<hbm>> -> memref<3136xf32, #tpu.memory_space<hbm>>
        %dma_wait3A_139 = tpu.memref_slice %arg3[%add3A_127] : memref<300000xf32, #tpu.memory_space<hbm>> -> memref<3136xf32, #tpu.memory_space<hbm>>
        %dma_wait3A_140 = arith.constant 3136 : i32
        %dma_wait3A_141 = tpu.memref_slice %arg5[%dma_wait3A_140] : memref<9408xf32, #tpu.memory_space<vmem>> -> memref<3136xf32, #tpu.memory_space<vmem>>
        tpu.wait_dma2 semaphore(%run_scoped3A : memref<!tpu.dma_semaphore, #tpu.memory_space<semaphore_mem>>) src(%dma_wait3A_141 : memref<3136xf32, #tpu.memory_space<vmem>>) dst(%dma_wait3A_139 : memref<3136xf32, #tpu.memory_space<hbm>>)
        tpu.yield
      }) : () -> ()
      %add3A_128 = arith.constant 200000 : i32
      %add3A_129 = arith.addi %add3A_128, %mul3A_2 : i32
      "tpu.region"() ({
        %run_scoped3A = tpu.sem_alloc : memref<!tpu.dma_semaphore, #tpu.memory_space<semaphore_mem>>
        %dma_start3A_130 = arith.constant 6272 : i32
        %dma_start3A_131 = tpu.memref_slice %arg5[%dma_start3A_130] : memref<9408xf32, #tpu.memory_space<vmem>> -> memref<3136xf32, #tpu.memory_space<vmem>>
        %dma_start3A_132 = tpu.memref_slice %arg3[%add3A_129] : memref<300000xf32, #tpu.memory_space<hbm>> -> memref<3136xf32, #tpu.memory_space<hbm>>
        %dma_start3A_133 = tpu.memref_slice %arg3[%add3A_129] : memref<300000xf32, #tpu.memory_space<hbm>> -> memref<3136xf32, #tpu.memory_space<hbm>>
        %dma_start3A_134 = arith.constant 6272 : i32
        %dma_start3A_135 = tpu.memref_slice %arg5[%dma_start3A_134] : memref<9408xf32, #tpu.memory_space<vmem>> -> memref<3136xf32, #tpu.memory_space<vmem>>
        tpu.enqueue_dma source(%dma_start3A_135 : memref<3136xf32, #tpu.memory_space<vmem>>) target(%dma_start3A_133 : memref<3136xf32, #tpu.memory_space<hbm>>) target_semaphore(%run_scoped3A : memref<!tpu.dma_semaphore, #tpu.memory_space<semaphore_mem>>)
        %dma_wait3A_136 = arith.constant 6272 : i32
        %dma_wait3A_137 = tpu.memref_slice %arg5[%dma_wait3A_136] : memref<9408xf32, #tpu.memory_space<vmem>> -> memref<3136xf32, #tpu.memory_space<vmem>>
        %dma_wait3A_138 = tpu.memref_slice %arg3[%add3A_129] : memref<300000xf32, #tpu.memory_space<hbm>> -> memref<3136xf32, #tpu.memory_space<hbm>>
        %dma_wait3A_139 = tpu.memref_slice %arg3[%add3A_129] : memref<300000xf32, #tpu.memory_space<hbm>> -> memref<3136xf32, #tpu.memory_space<hbm>>
        %dma_wait3A_140 = arith.constant 6272 : i32
        %dma_wait3A_141 = tpu.memref_slice %arg5[%dma_wait3A_140] : memref<9408xf32, #tpu.memory_space<vmem>> -> memref<3136xf32, #tpu.memory_space<vmem>>
        tpu.wait_dma2 semaphore(%run_scoped3A : memref<!tpu.dma_semaphore, #tpu.memory_space<semaphore_mem>>) src(%dma_wait3A_141 : memref<3136xf32, #tpu.memory_space<vmem>>) dst(%dma_wait3A_139 : memref<3136xf32, #tpu.memory_space<hbm>>)
        tpu.yield
      }) : () -> ()
    } else {
    }
    %eq3A = arith.constant 31 : i32
    %eq3A_5 = arith.cmpi eq, %add3A, %eq3A : i32
    %convert_element_type3A_6 = arith.extui %eq3A_5 : i1 to i32
    %cond3A_7 = arith.constant 0 : i32
    %cond3A_8 = arith.cmpi ne, %convert_element_type3A_6, %cond3A_7 : i32
    scf.if %cond3A_8 {
      %add3A_9 = arith.constant 0 : i32
      %add3A_10 = arith.addi %add3A_9, %mul3A_2 : i32
      %dma_start3A = arith.constant 0 : i32
      %dma_start3A_11 = tpu.memref_slice %arg4[%dma_start3A] : memref<25088xf32, #tpu.memory_space<vmem>> -> memref<2784xf32, #tpu.memory_space<vmem>>
      %dma_start3A_12 = tpu.memref_slice %arg2[%add3A_10] : memref<802816xf32, #tpu.memory_space<hbm>> -> memref<2784xf32, #tpu.memory_space<hbm>>
      %dma_start3A_13 = arith.constant 0 : i32
      %dma_start3A_14 = tpu.memref_slice %arg4[%dma_start3A_13] : memref<25088xf32, #tpu.memory_space<vmem>> -> memref<2784xf32, #tpu.memory_space<vmem>>
      %dma_start3A_15 = tpu.memref_slice %arg2[%add3A_10] : memref<802816xf32, #tpu.memory_space<hbm>> -> memref<2784xf32, #tpu.memory_space<hbm>>
      tpu.enqueue_dma source(%dma_start3A_15 : memref<2784xf32, #tpu.memory_space<hbm>>) target(%dma_start3A_14 : memref<2784xf32, #tpu.memory_space<vmem>>) target_semaphore(%arg6 : memref<!tpu.dma_semaphore, #tpu.memory_space<semaphore_mem>>)
      %add3A_16 = arith.constant 100352 : i32
      %add3A_17 = arith.addi %add3A_16, %mul3A_2 : i32
      %dma_start3A_18 = arith.constant 3136 : i32
      %dma_start3A_19 = tpu.memref_slice %arg4[%dma_start3A_18] : memref<25088xf32, #tpu.memory_space<vmem>> -> memref<2784xf32, #tpu.memory_space<vmem>>
      %dma_start3A_20 = tpu.memref_slice %arg2[%add3A_17] : memref<802816xf32, #tpu.memory_space<hbm>> -> memref<2784xf32, #tpu.memory_space<hbm>>
      %dma_start3A_21 = arith.constant 3136 : i32
      %dma_start3A_22 = tpu.memref_slice %arg4[%dma_start3A_21] : memref<25088xf32, #tpu.memory_space<vmem>> -> memref<2784xf32, #tpu.memory_space<vmem>>
      %dma_start3A_23 = tpu.memref_slice %arg2[%add3A_17] : memref<802816xf32, #tpu.memory_space<hbm>> -> memref<2784xf32, #tpu.memory_space<hbm>>
      tpu.enqueue_dma source(%dma_start3A_23 : memref<2784xf32, #tpu.memory_space<hbm>>) target(%dma_start3A_22 : memref<2784xf32, #tpu.memory_space<vmem>>) target_semaphore(%arg6 : memref<!tpu.dma_semaphore, #tpu.memory_space<semaphore_mem>>)
      %add3A_24 = arith.constant 200704 : i32
      %add3A_25 = arith.addi %add3A_24, %mul3A_2 : i32
      %dma_start3A_26 = arith.constant 6272 : i32
      %dma_start3A_27 = tpu.memref_slice %arg4[%dma_start3A_26] : memref<25088xf32, #tpu.memory_space<vmem>> -> memref<2784xf32, #tpu.memory_space<vmem>>
      %dma_start3A_28 = tpu.memref_slice %arg2[%add3A_25] : memref<802816xf32, #tpu.memory_space<hbm>> -> memref<2784xf32, #tpu.memory_space<hbm>>
      %dma_start3A_29 = arith.constant 6272 : i32
      %dma_start3A_30 = tpu.memref_slice %arg4[%dma_start3A_29] : memref<25088xf32, #tpu.memory_space<vmem>> -> memref<2784xf32, #tpu.memory_space<vmem>>
      %dma_start3A_31 = tpu.memref_slice %arg2[%add3A_25] : memref<802816xf32, #tpu.memory_space<hbm>> -> memref<2784xf32, #tpu.memory_space<hbm>>
      tpu.enqueue_dma source(%dma_start3A_31 : memref<2784xf32, #tpu.memory_space<hbm>>) target(%dma_start3A_30 : memref<2784xf32, #tpu.memory_space<vmem>>) target_semaphore(%arg6 : memref<!tpu.dma_semaphore, #tpu.memory_space<semaphore_mem>>)
      %add3A_32 = arith.constant 301056 : i32
      %add3A_33 = arith.addi %add3A_32, %mul3A_2 : i32
      %dma_start3A_34 = arith.constant 9408 : i32
      %dma_start3A_35 = tpu.memref_slice %arg4[%dma_start3A_34] : memref<25088xf32, #tpu.memory_space<vmem>> -> memref<2784xf32, #tpu.memory_space<vmem>>
      %dma_start3A_36 = tpu.memref_slice %arg2[%add3A_33] : memref<802816xf32, #tpu.memory_space<hbm>> -> memref<2784xf32, #tpu.memory_space<hbm>>
      %dma_start3A_37 = arith.constant 9408 : i32
      %dma_start3A_38 = tpu.memref_slice %arg4[%dma_start3A_37] : memref<25088xf32, #tpu.memory_space<vmem>> -> memref<2784xf32, #tpu.memory_space<vmem>>
      %dma_start3A_39 = tpu.memref_slice %arg2[%add3A_33] : memref<802816xf32, #tpu.memory_space<hbm>> -> memref<2784xf32, #tpu.memory_space<hbm>>
      tpu.enqueue_dma source(%dma_start3A_39 : memref<2784xf32, #tpu.memory_space<hbm>>) target(%dma_start3A_38 : memref<2784xf32, #tpu.memory_space<vmem>>) target_semaphore(%arg6 : memref<!tpu.dma_semaphore, #tpu.memory_space<semaphore_mem>>)
      %add3A_40 = arith.constant 401408 : i32
      %add3A_41 = arith.addi %add3A_40, %mul3A_2 : i32
      %dma_start3A_42 = arith.constant 12544 : i32
      %dma_start3A_43 = tpu.memref_slice %arg4[%dma_start3A_42] : memref<25088xf32, #tpu.memory_space<vmem>> -> memref<2784xf32, #tpu.memory_space<vmem>>
      %dma_start3A_44 = tpu.memref_slice %arg2[%add3A_41] : memref<802816xf32, #tpu.memory_space<hbm>> -> memref<2784xf32, #tpu.memory_space<hbm>>
      %dma_start3A_45 = arith.constant 12544 : i32
      %dma_start3A_46 = tpu.memref_slice %arg4[%dma_start3A_45] : memref<25088xf32, #tpu.memory_space<vmem>> -> memref<2784xf32, #tpu.memory_space<vmem>>
      %dma_start3A_47 = tpu.memref_slice %arg2[%add3A_41] : memref<802816xf32, #tpu.memory_space<hbm>> -> memref<2784xf32, #tpu.memory_space<hbm>>
      tpu.enqueue_dma source(%dma_start3A_47 : memref<2784xf32, #tpu.memory_space<hbm>>) target(%dma_start3A_46 : memref<2784xf32, #tpu.memory_space<vmem>>) target_semaphore(%arg6 : memref<!tpu.dma_semaphore, #tpu.memory_space<semaphore_mem>>)
      %add3A_48 = arith.constant 501760 : i32
      %add3A_49 = arith.addi %add3A_48, %mul3A_2 : i32
      %dma_start3A_50 = arith.constant 15680 : i32
      %dma_start3A_51 = tpu.memref_slice %arg4[%dma_start3A_50] : memref<25088xf32, #tpu.memory_space<vmem>> -> memref<2784xf32, #tpu.memory_space<vmem>>
      %dma_start3A_52 = tpu.memref_slice %arg2[%add3A_49] : memref<802816xf32, #tpu.memory_space<hbm>> -> memref<2784xf32, #tpu.memory_space<hbm>>
      %dma_start3A_53 = arith.constant 15680 : i32
      %dma_start3A_54 = tpu.memref_slice %arg4[%dma_start3A_53] : memref<25088xf32, #tpu.memory_space<vmem>> -> memref<2784xf32, #tpu.memory_space<vmem>>
      %dma_start3A_55 = tpu.memref_slice %arg2[%add3A_49] : memref<802816xf32, #tpu.memory_space<hbm>> -> memref<2784xf32, #tpu.memory_space<hbm>>
      tpu.enqueue_dma source(%dma_start3A_55 : memref<2784xf32, #tpu.memory_space<hbm>>) target(%dma_start3A_54 : memref<2784xf32, #tpu.memory_space<vmem>>) target_semaphore(%arg6 : memref<!tpu.dma_semaphore, #tpu.memory_space<semaphore_mem>>)
      %add3A_56 = arith.constant 602112 : i32
      %add3A_57 = arith.addi %add3A_56, %mul3A_2 : i32
      %dma_start3A_58 = arith.constant 18816 : i32
      %dma_start3A_59 = tpu.memref_slice %arg4[%dma_start3A_58] : memref<25088xf32, #tpu.memory_space<vmem>> -> memref<2784xf32, #tpu.memory_space<vmem>>
      %dma_start3A_60 = tpu.memref_slice %arg2[%add3A_57] : memref<802816xf32, #tpu.memory_space<hbm>> -> memref<2784xf32, #tpu.memory_space<hbm>>
      %dma_start3A_61 = arith.constant 18816 : i32
      %dma_start3A_62 = tpu.memref_slice %arg4[%dma_start3A_61] : memref<25088xf32, #tpu.memory_space<vmem>> -> memref<2784xf32, #tpu.memory_space<vmem>>
      %dma_start3A_63 = tpu.memref_slice %arg2[%add3A_57] : memref<802816xf32, #tpu.memory_space<hbm>> -> memref<2784xf32, #tpu.memory_space<hbm>>
      tpu.enqueue_dma source(%dma_start3A_63 : memref<2784xf32, #tpu.memory_space<hbm>>) target(%dma_start3A_62 : memref<2784xf32, #tpu.memory_space<vmem>>) target_semaphore(%arg6 : memref<!tpu.dma_semaphore, #tpu.memory_space<semaphore_mem>>)
      %add3A_64 = arith.constant 702464 : i32
      %add3A_65 = arith.addi %add3A_64, %mul3A_2 : i32
      %dma_start3A_66 = arith.constant 21952 : i32
      %dma_start3A_67 = tpu.memref_slice %arg4[%dma_start3A_66] : memref<25088xf32, #tpu.memory_space<vmem>> -> memref<2784xf32, #tpu.memory_space<vmem>>
      %dma_start3A_68 = tpu.memref_slice %arg2[%add3A_65] : memref<802816xf32, #tpu.memory_space<hbm>> -> memref<2784xf32, #tpu.memory_space<hbm>>
      %dma_start3A_69 = arith.constant 21952 : i32
      %dma_start3A_70 = tpu.memref_slice %arg4[%dma_start3A_69] : memref<25088xf32, #tpu.memory_space<vmem>> -> memref<2784xf32, #tpu.memory_space<vmem>>
      %dma_start3A_71 = tpu.memref_slice %arg2[%add3A_65] : memref<802816xf32, #tpu.memory_space<hbm>> -> memref<2784xf32, #tpu.memory_space<hbm>>
      tpu.enqueue_dma source(%dma_start3A_71 : memref<2784xf32, #tpu.memory_space<hbm>>) target(%dma_start3A_70 : memref<2784xf32, #tpu.memory_space<vmem>>) target_semaphore(%arg6 : memref<!tpu.dma_semaphore, #tpu.memory_space<semaphore_mem>>)
      %dma_wait3A = arith.constant 0 : i32
      %dma_wait3A_72 = tpu.memref_slice %arg4[%dma_wait3A] : memref<25088xf32, #tpu.memory_space<vmem>> -> memref<2784xf32, #tpu.memory_space<vmem>>
      %dma_wait3A_73 = tpu.memref_slice %arg2[%add3A_10] : memref<802816xf32, #tpu.memory_space<hbm>> -> memref<2784xf32, #tpu.memory_space<hbm>>
      %dma_wait3A_74 = arith.constant 0 : i32
      %dma_wait3A_75 = tpu.memref_slice %arg4[%dma_wait3A_74] : memref<25088xf32, #tpu.memory_space<vmem>> -> memref<2784xf32, #tpu.memory_space<vmem>>
      %dma_wait3A_76 = tpu.memref_slice %arg2[%add3A_10] : memref<802816xf32, #tpu.memory_space<hbm>> -> memref<2784xf32, #tpu.memory_space<hbm>>
      tpu.wait_dma2 semaphore(%arg6 : memref<!tpu.dma_semaphore, #tpu.memory_space<semaphore_mem>>) src(%dma_wait3A_76 : memref<2784xf32, #tpu.memory_space<hbm>>) dst(%dma_wait3A_75 : memref<2784xf32, #tpu.memory_space<vmem>>)
      %dma_wait3A_77 = arith.constant 3136 : i32
      %dma_wait3A_78 = tpu.memref_slice %arg4[%dma_wait3A_77] : memref<25088xf32, #tpu.memory_space<vmem>> -> memref<2784xf32, #tpu.memory_space<vmem>>
      %dma_wait3A_79 = tpu.memref_slice %arg2[%add3A_17] : memref<802816xf32, #tpu.memory_space<hbm>> -> memref<2784xf32, #tpu.memory_space<hbm>>
      %dma_wait3A_80 = arith.constant 3136 : i32
      %dma_wait3A_81 = tpu.memref_slice %arg4[%dma_wait3A_80] : memref<25088xf32, #tpu.memory_space<vmem>> -> memref<2784xf32, #tpu.memory_space<vmem>>
      %dma_wait3A_82 = tpu.memref_slice %arg2[%add3A_17] : memref<802816xf32, #tpu.memory_space<hbm>> -> memref<2784xf32, #tpu.memory_space<hbm>>
      tpu.wait_dma2 semaphore(%arg6 : memref<!tpu.dma_semaphore, #tpu.memory_space<semaphore_mem>>) src(%dma_wait3A_82 : memref<2784xf32, #tpu.memory_space<hbm>>) dst(%dma_wait3A_81 : memref<2784xf32, #tpu.memory_space<vmem>>)
      %dma_wait3A_83 = arith.constant 6272 : i32
      %dma_wait3A_84 = tpu.memref_slice %arg4[%dma_wait3A_83] : memref<25088xf32, #tpu.memory_space<vmem>> -> memref<2784xf32, #tpu.memory_space<vmem>>
      %dma_wait3A_85 = tpu.memref_slice %arg2[%add3A_25] : memref<802816xf32, #tpu.memory_space<hbm>> -> memref<2784xf32, #tpu.memory_space<hbm>>
      %dma_wait3A_86 = arith.constant 6272 : i32
      %dma_wait3A_87 = tpu.memref_slice %arg4[%dma_wait3A_86] : memref<25088xf32, #tpu.memory_space<vmem>> -> memref<2784xf32, #tpu.memory_space<vmem>>
      %dma_wait3A_88 = tpu.memref_slice %arg2[%add3A_25] : memref<802816xf32, #tpu.memory_space<hbm>> -> memref<2784xf32, #tpu.memory_space<hbm>>
      tpu.wait_dma2 semaphore(%arg6 : memref<!tpu.dma_semaphore, #tpu.memory_space<semaphore_mem>>) src(%dma_wait3A_88 : memref<2784xf32, #tpu.memory_space<hbm>>) dst(%dma_wait3A_87 : memref<2784xf32, #tpu.memory_space<vmem>>)
      %dma_wait3A_89 = arith.constant 9408 : i32
      %dma_wait3A_90 = tpu.memref_slice %arg4[%dma_wait3A_89] : memref<25088xf32, #tpu.memory_space<vmem>> -> memref<2784xf32, #tpu.memory_space<vmem>>
      %dma_wait3A_91 = tpu.memref_slice %arg2[%add3A_33] : memref<802816xf32, #tpu.memory_space<hbm>> -> memref<2784xf32, #tpu.memory_space<hbm>>
      %dma_wait3A_92 = arith.constant 9408 : i32
      %dma_wait3A_93 = tpu.memref_slice %arg4[%dma_wait3A_92] : memref<25088xf32, #tpu.memory_space<vmem>> -> memref<2784xf32, #tpu.memory_space<vmem>>
      %dma_wait3A_94 = tpu.memref_slice %arg2[%add3A_33] : memref<802816xf32, #tpu.memory_space<hbm>> -> memref<2784xf32, #tpu.memory_space<hbm>>
      tpu.wait_dma2 semaphore(%arg6 : memref<!tpu.dma_semaphore, #tpu.memory_space<semaphore_mem>>) src(%dma_wait3A_94 : memref<2784xf32, #tpu.memory_space<hbm>>) dst(%dma_wait3A_93 : memref<2784xf32, #tpu.memory_space<vmem>>)
      %dma_wait3A_95 = arith.constant 12544 : i32
      %dma_wait3A_96 = tpu.memref_slice %arg4[%dma_wait3A_95] : memref<25088xf32, #tpu.memory_space<vmem>> -> memref<2784xf32, #tpu.memory_space<vmem>>
      %dma_wait3A_97 = tpu.memref_slice %arg2[%add3A_41] : memref<802816xf32, #tpu.memory_space<hbm>> -> memref<2784xf32, #tpu.memory_space<hbm>>
      %dma_wait3A_98 = arith.constant 12544 : i32
      %dma_wait3A_99 = tpu.memref_slice %arg4[%dma_wait3A_98] : memref<25088xf32, #tpu.memory_space<vmem>> -> memref<2784xf32, #tpu.memory_space<vmem>>
      %dma_wait3A_100 = tpu.memref_slice %arg2[%add3A_41] : memref<802816xf32, #tpu.memory_space<hbm>> -> memref<2784xf32, #tpu.memory_space<hbm>>
      tpu.wait_dma2 semaphore(%arg6 : memref<!tpu.dma_semaphore, #tpu.memory_space<semaphore_mem>>) src(%dma_wait3A_100 : memref<2784xf32, #tpu.memory_space<hbm>>) dst(%dma_wait3A_99 : memref<2784xf32, #tpu.memory_space<vmem>>)
      %dma_wait3A_101 = arith.constant 15680 : i32
      %dma_wait3A_102 = tpu.memref_slice %arg4[%dma_wait3A_101] : memref<25088xf32, #tpu.memory_space<vmem>> -> memref<2784xf32, #tpu.memory_space<vmem>>
      %dma_wait3A_103 = tpu.memref_slice %arg2[%add3A_49] : memref<802816xf32, #tpu.memory_space<hbm>> -> memref<2784xf32, #tpu.memory_space<hbm>>
      %dma_wait3A_104 = arith.constant 15680 : i32
      %dma_wait3A_105 = tpu.memref_slice %arg4[%dma_wait3A_104] : memref<25088xf32, #tpu.memory_space<vmem>> -> memref<2784xf32, #tpu.memory_space<vmem>>
      %dma_wait3A_106 = tpu.memref_slice %arg2[%add3A_49] : memref<802816xf32, #tpu.memory_space<hbm>> -> memref<2784xf32, #tpu.memory_space<hbm>>
      tpu.wait_dma2 semaphore(%arg6 : memref<!tpu.dma_semaphore, #tpu.memory_space<semaphore_mem>>) src(%dma_wait3A_106 : memref<2784xf32, #tpu.memory_space<hbm>>) dst(%dma_wait3A_105 : memref<2784xf32, #tpu.memory_space<vmem>>)
      %dma_wait3A_107 = arith.constant 18816 : i32
      %dma_wait3A_108 = tpu.memref_slice %arg4[%dma_wait3A_107] : memref<25088xf32, #tpu.memory_space<vmem>> -> memref<2784xf32, #tpu.memory_space<vmem>>
      %dma_wait3A_109 = tpu.memref_slice %arg2[%add3A_57] : memref<802816xf32, #tpu.memory_space<hbm>> -> memref<2784xf32, #tpu.memory_space<hbm>>
      %dma_wait3A_110 = arith.constant 18816 : i32
      %dma_wait3A_111 = tpu.memref_slice %arg4[%dma_wait3A_110] : memref<25088xf32, #tpu.memory_space<vmem>> -> memref<2784xf32, #tpu.memory_space<vmem>>
      %dma_wait3A_112 = tpu.memref_slice %arg2[%add3A_57] : memref<802816xf32, #tpu.memory_space<hbm>> -> memref<2784xf32, #tpu.memory_space<hbm>>
      tpu.wait_dma2 semaphore(%arg6 : memref<!tpu.dma_semaphore, #tpu.memory_space<semaphore_mem>>) src(%dma_wait3A_112 : memref<2784xf32, #tpu.memory_space<hbm>>) dst(%dma_wait3A_111 : memref<2784xf32, #tpu.memory_space<vmem>>)
      %dma_wait3A_113 = arith.constant 21952 : i32
      %dma_wait3A_114 = tpu.memref_slice %arg4[%dma_wait3A_113] : memref<25088xf32, #tpu.memory_space<vmem>> -> memref<2784xf32, #tpu.memory_space<vmem>>
      %dma_wait3A_115 = tpu.memref_slice %arg2[%add3A_65] : memref<802816xf32, #tpu.memory_space<hbm>> -> memref<2784xf32, #tpu.memory_space<hbm>>
      %dma_wait3A_116 = arith.constant 21952 : i32
      %dma_wait3A_117 = tpu.memref_slice %arg4[%dma_wait3A_116] : memref<25088xf32, #tpu.memory_space<vmem>> -> memref<2784xf32, #tpu.memory_space<vmem>>
      %dma_wait3A_118 = tpu.memref_slice %arg2[%add3A_65] : memref<802816xf32, #tpu.memory_space<hbm>> -> memref<2784xf32, #tpu.memory_space<hbm>>
      tpu.wait_dma2 semaphore(%arg6 : memref<!tpu.dma_semaphore, #tpu.memory_space<semaphore_mem>>) src(%dma_wait3A_118 : memref<2784xf32, #tpu.memory_space<hbm>>) dst(%dma_wait3A_117 : memref<2784xf32, #tpu.memory_space<vmem>>)
      %scan3A = arith.constant 0 : i32
      %scan3A_119 = arith.constant 0 : i32
      %scan3A_120 = arith.constant 174 : i32
      %scan3A_121 = arith.addi %scan3A_119, %scan3A_120 : i32
      %scan3A_122 = arith.constant 1 : i32
      scf.for %scan3A_130 = %scan3A_119 to %scan3A_121 step %scan3A_122  : i32 {
        %mul3A_131 = arith.constant 16 : i32
        %mul3A_132 = arith.muli %scan3A_130, %mul3A_131 : i32
        %get3A = arith.index_cast %mul3A_132 : i32 to index
        %get3A_133 = tpu.vector_load %arg4[%get3A] {strides = array<i32>} : memref<25088xf32, #tpu.memory_space<vmem>>, vector<16xf32>,
        %add3A_134 = arith.constant 12544 : i32
        %add3A_135 = arith.addi %add3A_134, %mul3A_132 : i32
        %get3A_136 = arith.index_cast %add3A_135 : i32 to index
        %get3A_137 = tpu.vector_load %arg4[%get3A_136] {strides = array<i32>} : memref<25088xf32, #tpu.memory_space<vmem>>, vector<16xf32>,
        %add3A_138 = arith.addf %get3A_133, %get3A_137 : vector<16xf32>
        %add3A_139 = arith.constant 3136 : i32
        %add3A_140 = arith.addi %add3A_139, %mul3A_132 : i32
        %get3A_141 = arith.index_cast %add3A_140 : i32 to index
        %get3A_142 = tpu.vector_load %arg4[%get3A_141] {strides = array<i32>} : memref<25088xf32, #tpu.memory_space<vmem>>, vector<16xf32>,
        %add3A_143 = arith.constant 15680 : i32
        %add3A_144 = arith.addi %add3A_143, %mul3A_132 : i32
        %get3A_145 = arith.index_cast %add3A_144 : i32 to index
        %get3A_146 = tpu.vector_load %arg4[%get3A_145] {strides = array<i32>} : memref<25088xf32, #tpu.memory_space<vmem>>, vector<16xf32>,
        %add3A_147 = arith.addf %get3A_142, %get3A_146 : vector<16xf32>
        %add3A_148 = arith.constant 6272 : i32
        %add3A_149 = arith.addi %add3A_148, %mul3A_132 : i32
        %get3A_150 = arith.index_cast %add3A_149 : i32 to index
        %get3A_151 = tpu.vector_load %arg4[%get3A_150] {strides = array<i32>} : memref<25088xf32, #tpu.memory_space<vmem>>, vector<16xf32>,
        %add3A_152 = arith.constant 18816 : i32
        %add3A_153 = arith.addi %add3A_152, %mul3A_132 : i32
        %get3A_154 = arith.index_cast %add3A_153 : i32 to index
        %get3A_155 = tpu.vector_load %arg4[%get3A_154] {strides = array<i32>} : memref<25088xf32, #tpu.memory_space<vmem>>, vector<16xf32>,
        %add3A_156 = arith.addf %get3A_151, %get3A_155 : vector<16xf32>
        %add3A_157 = arith.constant 9408 : i32
        %add3A_158 = arith.addi %add3A_157, %mul3A_132 : i32
        %get3A_159 = arith.index_cast %add3A_158 : i32 to index
        %get3A_160 = tpu.vector_load %arg4[%get3A_159] {strides = array<i32>} : memref<25088xf32, #tpu.memory_space<vmem>>, vector<16xf32>,
        %add3A_161 = arith.constant 21952 : i32
        %add3A_162 = arith.addi %add3A_161, %mul3A_132 : i32
        %get3A_163 = arith.index_cast %add3A_162 : i32 to index
        %get3A_164 = tpu.vector_load %arg4[%get3A_163] {strides = array<i32>} : memref<25088xf32, #tpu.memory_space<vmem>>, vector<16xf32>,
        %add3A_165 = arith.addf %get3A_160, %get3A_164 : vector<16xf32>
        %max3A = arith.constant 1.000000e+00 : f32
        %max3A_166 = vector.broadcast %max3A : f32 to vector<16xf32>
        %max3A_167 = arith.maximumf %add3A_165, %max3A_166 : vector<16xf32>
        %div3A = arith.constant 1.000000e+00 : f32
        %div3A_168 = vector.broadcast %div3A : f32 to vector<16xf32>
        %div3A_169 = arith.divf %div3A_168, %max3A_167 : vector<16xf32>
        %mul3A_170 = arith.mulf %add3A_138, %div3A_169 : vector<16xf32>
        %swap3A = arith.index_cast %mul3A_132 : i32 to index
        %swap3A_171 = tpu.vector_load %arg5[%swap3A] {strides = array<i32>} : memref<9408xf32, #tpu.memory_space<vmem>>, vector<16xf32>,
        tpu.vector_store %arg5[%swap3A], %mul3A_170 {strides = array<i32>} : memref<9408xf32, #tpu.memory_space<vmem>>, vector<16xf32>,
        %mul3A_172 = arith.mulf %add3A_147, %div3A_169 : vector<16xf32>
        %add3A_173 = arith.constant 3136 : i32
        %add3A_174 = arith.addi %add3A_173, %mul3A_132 : i32
        %swap3A_175 = arith.index_cast %add3A_174 : i32 to index
        %swap3A_176 = tpu.vector_load %arg5[%swap3A_175] {strides = array<i32>} : memref<9408xf32, #tpu.memory_space<vmem>>, vector<16xf32>,
        tpu.vector_store %arg5[%swap3A_175], %mul3A_172 {strides = array<i32>} : memref<9408xf32, #tpu.memory_space<vmem>>, vector<16xf32>,
        %mul3A_177 = arith.mulf %add3A_156, %div3A_169 : vector<16xf32>
        %add3A_178 = arith.constant 6272 : i32
        %add3A_179 = arith.addi %add3A_178, %mul3A_132 : i32
        %swap3A_180 = arith.index_cast %add3A_179 : i32 to index
        %swap3A_181 = tpu.vector_load %arg5[%swap3A_180] {strides = array<i32>} : memref<9408xf32, #tpu.memory_space<vmem>>, vector<16xf32>,
        tpu.vector_store %arg5[%swap3A_180], %mul3A_177 {strides = array<i32>} : memref<9408xf32, #tpu.memory_space<vmem>>, vector<16xf32>,
      }
      %scan3A_123 = arith.constant 174 : i32
      %add3A_124 = arith.constant 0 : i32
      %add3A_125 = arith.addi %add3A_124, %mul3A_2 : i32
      "tpu.region"() ({
        %run_scoped3A = tpu.sem_alloc : memref<!tpu.dma_semaphore, #tpu.memory_space<semaphore_mem>>
        %dma_start3A_130 = arith.constant 0 : i32
        %dma_start3A_131 = tpu.memref_slice %arg5[%dma_start3A_130] : memref<9408xf32, #tpu.memory_space<vmem>> -> memref<2784xf32, #tpu.memory_space<vmem>>
        %dma_start3A_132 = tpu.memref_slice %arg3[%add3A_125] : memref<300000xf32, #tpu.memory_space<hbm>> -> memref<2784xf32, #tpu.memory_space<hbm>>
        %dma_start3A_133 = tpu.memref_slice %arg3[%add3A_125] : memref<300000xf32, #tpu.memory_space<hbm>> -> memref<2784xf32, #tpu.memory_space<hbm>>
        %dma_start3A_134 = arith.constant 0 : i32
        %dma_start3A_135 = tpu.memref_slice %arg5[%dma_start3A_134] : memref<9408xf32, #tpu.memory_space<vmem>> -> memref<2784xf32, #tpu.memory_space<vmem>>
        tpu.enqueue_dma source(%dma_start3A_135 : memref<2784xf32, #tpu.memory_space<vmem>>) target(%dma_start3A_133 : memref<2784xf32, #tpu.memory_space<hbm>>) target_semaphore(%run_scoped3A : memref<!tpu.dma_semaphore, #tpu.memory_space<semaphore_mem>>)
        %dma_wait3A_136 = arith.constant 0 : i32
        %dma_wait3A_137 = tpu.memref_slice %arg5[%dma_wait3A_136] : memref<9408xf32, #tpu.memory_space<vmem>> -> memref<2784xf32, #tpu.memory_space<vmem>>
        %dma_wait3A_138 = tpu.memref_slice %arg3[%add3A_125] : memref<300000xf32, #tpu.memory_space<hbm>> -> memref<2784xf32, #tpu.memory_space<hbm>>
        %dma_wait3A_139 = tpu.memref_slice %arg3[%add3A_125] : memref<300000xf32, #tpu.memory_space<hbm>> -> memref<2784xf32, #tpu.memory_space<hbm>>
        %dma_wait3A_140 = arith.constant 0 : i32
        %dma_wait3A_141 = tpu.memref_slice %arg5[%dma_wait3A_140] : memref<9408xf32, #tpu.memory_space<vmem>> -> memref<2784xf32, #tpu.memory_space<vmem>>
        tpu.wait_dma2 semaphore(%run_scoped3A : memref<!tpu.dma_semaphore, #tpu.memory_space<semaphore_mem>>) src(%dma_wait3A_141 : memref<2784xf32, #tpu.memory_space<vmem>>) dst(%dma_wait3A_139 : memref<2784xf32, #tpu.memory_space<hbm>>)
        tpu.yield
      }) : () -> ()
      %add3A_126 = arith.constant 100000 : i32
      %add3A_127 = arith.addi %add3A_126, %mul3A_2 : i32
      "tpu.region"() ({
        %run_scoped3A = tpu.sem_alloc : memref<!tpu.dma_semaphore, #tpu.memory_space<semaphore_mem>>
        %dma_start3A_130 = arith.constant 3136 : i32
        %dma_start3A_131 = tpu.memref_slice %arg5[%dma_start3A_130] : memref<9408xf32, #tpu.memory_space<vmem>> -> memref<2784xf32, #tpu.memory_space<vmem>>
        %dma_start3A_132 = tpu.memref_slice %arg3[%add3A_127] : memref<300000xf32, #tpu.memory_space<hbm>> -> memref<2784xf32, #tpu.memory_space<hbm>>
        %dma_start3A_133 = tpu.memref_slice %arg3[%add3A_127] : memref<300000xf32, #tpu.memory_space<hbm>> -> memref<2784xf32, #tpu.memory_space<hbm>>
        %dma_start3A_134 = arith.constant 3136 : i32
        %dma_start3A_135 = tpu.memref_slice %arg5[%dma_start3A_134] : memref<9408xf32, #tpu.memory_space<vmem>> -> memref<2784xf32, #tpu.memory_space<vmem>>
        tpu.enqueue_dma source(%dma_start3A_135 : memref<2784xf32, #tpu.memory_space<vmem>>) target(%dma_start3A_133 : memref<2784xf32, #tpu.memory_space<hbm>>) target_semaphore(%run_scoped3A : memref<!tpu.dma_semaphore, #tpu.memory_space<semaphore_mem>>)
        %dma_wait3A_136 = arith.constant 3136 : i32
        %dma_wait3A_137 = tpu.memref_slice %arg5[%dma_wait3A_136] : memref<9408xf32, #tpu.memory_space<vmem>> -> memref<2784xf32, #tpu.memory_space<vmem>>
        %dma_wait3A_138 = tpu.memref_slice %arg3[%add3A_127] : memref<300000xf32, #tpu.memory_space<hbm>> -> memref<2784xf32, #tpu.memory_space<hbm>>
        %dma_wait3A_139 = tpu.memref_slice %arg3[%add3A_127] : memref<300000xf32, #tpu.memory_space<hbm>> -> memref<2784xf32, #tpu.memory_space<hbm>>
        %dma_wait3A_140 = arith.constant 3136 : i32
        %dma_wait3A_141 = tpu.memref_slice %arg5[%dma_wait3A_140] : memref<9408xf32, #tpu.memory_space<vmem>> -> memref<2784xf32, #tpu.memory_space<vmem>>
        tpu.wait_dma2 semaphore(%run_scoped3A : memref<!tpu.dma_semaphore, #tpu.memory_space<semaphore_mem>>) src(%dma_wait3A_141 : memref<2784xf32, #tpu.memory_space<vmem>>) dst(%dma_wait3A_139 : memref<2784xf32, #tpu.memory_space<hbm>>)
        tpu.yield
      }) : () -> ()
      %add3A_128 = arith.constant 200000 : i32
      %add3A_129 = arith.addi %add3A_128, %mul3A_2 : i32
      "tpu.region"() ({
        %run_scoped3A = tpu.sem_alloc : memref<!tpu.dma_semaphore, #tpu.memory_space<semaphore_mem>>
        %dma_start3A_130 = arith.constant 6272 : i32
        %dma_start3A_131 = tpu.memref_slice %arg5[%dma_start3A_130] : memref<9408xf32, #tpu.memory_space<vmem>> -> memref<2784xf32, #tpu.memory_space<vmem>>
        %dma_start3A_132 = tpu.memref_slice %arg3[%add3A_129] : memref<300000xf32, #tpu.memory_space<hbm>> -> memref<2784xf32, #tpu.memory_space<hbm>>
        %dma_start3A_133 = tpu.memref_slice %arg3[%add3A_129] : memref<300000xf32, #tpu.memory_space<hbm>> -> memref<2784xf32, #tpu.memory_space<hbm>>
        %dma_start3A_134 = arith.constant 6272 : i32
        %dma_start3A_135 = tpu.memref_slice %arg5[%dma_start3A_134] : memref<9408xf32, #tpu.memory_space<vmem>> -> memref<2784xf32, #tpu.memory_space<vmem>>
        tpu.enqueue_dma source(%dma_start3A_135 : memref<2784xf32, #tpu.memory_space<vmem>>) target(%dma_start3A_133 : memref<2784xf32, #tpu.memory_space<hbm>>) target_semaphore(%run_scoped3A : memref<!tpu.dma_semaphore, #tpu.memory_space<semaphore_mem>>)
        %dma_wait3A_136 = arith.constant 6272 : i32
        %dma_wait3A_137 = tpu.memref_slice %arg5[%dma_wait3A_136] : memref<9408xf32, #tpu.memory_space<vmem>> -> memref<2784xf32, #tpu.memory_space<vmem>>
        %dma_wait3A_138 = tpu.memref_slice %arg3[%add3A_129] : memref<300000xf32, #tpu.memory_space<hbm>> -> memref<2784xf32, #tpu.memory_space<hbm>>
        %dma_wait3A_139 = tpu.memref_slice %arg3[%add3A_129] : memref<300000xf32, #tpu.memory_space<hbm>> -> memref<2784xf32, #tpu.memory_space<hbm>>
        %dma_wait3A_140 = arith.constant 6272 : i32
        %dma_wait3A_141 = tpu.memref_slice %arg5[%dma_wait3A_140] : memref<9408xf32, #tpu.memory_space<vmem>> -> memref<2784xf32, #tpu.memory_space<vmem>>
        tpu.wait_dma2 semaphore(%run_scoped3A : memref<!tpu.dma_semaphore, #tpu.memory_space<semaphore_mem>>) src(%dma_wait3A_141 : memref<2784xf32, #tpu.memory_space<vmem>>) dst(%dma_wait3A_139 : memref<2784xf32, #tpu.memory_space<hbm>>)
        tpu.yield
      }) : () -> ()
    } else {
    }
    return
  }
}

</mosaic_0001>

<sc_bundles>
// kernel: kernel.4.cloned.1.call-start
scs
__scs_entry_jumppad:
0x0: {  	(pc) =	sbr.rel $0x88, $3  }
0x1: {  	(tag) =	ssettag $0x0;
	lr =	simm.s32 $0x1  }
0x2: {  	[smem:$0x3F99] =	sst lr;
	_ =	strace $0xD0000000  }
0x3: {  	_ = 	snop  }
0x4: {  	_ = 	snop  }
0x5: {  	_ = 	snop  }
0x6: {  	_ = 	snop  }
0x7: {  	_ = 	snop  }
__scs_overlays_trampoline_lowered:
0x8: {  	[smem:$0x3FA8] =	sst s0  }
0x9: {  	[smem:$0x3FA9] =	sst s1  }
0xa: {  	[smem:$0x3FAA] =	sst s2  }
0xb: {  	[smem:$0x3FAB] =	sst s3  }
0xc: {  	[smem:$0x3FAC] =	sst s4  }
0xd: {  	[smem:$0x3FAD] =	sst s5  }
0xe: {  	[smem:$0x3FAE] =	sst s6  }
0xf: {  	[smem:$0x3FAF] =	sst s7  }
0x10: {  	[smem:$0x3FB0] =	sst s8  }
0x11: {  	[smem:$0x3FB1] =	sst s9;
	s0 =	simm.s32 @!p0 $0x0  }
0x12: {  	s1 =	sld [smem:$0x3F97];
	s0 =	simm.s32 @p0 $0x1  }
0x13: {  	[smem:$0x3FB2] =	sst s0;
	s0 =	simm.s32 @!p1 $0x0  }
0x14: {  	s2 =	sld [smem:$0x3F96];
	s0 =	simm.s32 @p1 $0x1  }
0x15: {  	[smem:$0x3FB3] =	sst s0;
	s0 =	simm.s32 @!p2 $0x0  }
0x16: {  	s3 =	sld [smem:$0x3FDB];
	s0 =	simm.s32 @p2 $0x1  }
0x17: {  	s4 =	simm.s32 $0x1BF5;
	[smem:$0x3FB5] =	sst s0  }
0x18: {  	s0 =	sld [smem:$0x3F98];
	_ =	swait.ge [sflag:s4], $0x0  }
0x19: {  	s7 =	sld [smem:$0x3F99]  }
0x1a: {  	s8 =	sadd.s32 $0xFFFFE003, lr  }
0x1b: {  	s9 =	sadd.s32 $0xFFFFFEF7, lr;
	s5 =	simm.s32 $0xFFFFFFFF;
	p2 =	slt.u32 s8, $0xFFFFF086  }
0x1c: {  	p1 =	slt.u32 s9, $0xF7A;
	s5 =	simm.s32 @!p2 $0x0  }
0x1d: {  	s5 =	simm.s32 @p1 $0x1;
	p0 =	seq.s32 s7, s2  }
0x1e: {  	s7 =	smul.u32 @!p0 $0xF7A, s2;
	p2 =	seq.s32 @!p0 s5, $0x0  }
0x1f: {  	s9 =	smul.u32 $0xF7A, s1;
	s8 =	simm.s32 @!p0 $0x1BF5;
	p2 =	por !p2, p0  }
0x20: {  	[sflag:s8] =	ssyncset.s32 @!p0 $0xFFFFF086;
	s6 =	sadd.s32 @!p0 s3, s7;
	s7 =	simm.s32 @!p0 $0x108  }
0x21: {  	s3 =	sadd.s32 s3, s9;
	s6 =	sadd.s32 @!p0 $0x88, s6;
	s7 =	simm.s32 @p2 $0x1082  }
0x22: {  	[simem:s7], [sflag:s8] =	dma.local @!p0 [hbm:s6], $0xF7A  }
0x23: {  	s9 =	sor.u32 $0xD0000000, s2;
	s6 =	simm.s32 $0x108;
	_ =	swait.ge @!p0 [sflag:s8], $0x0  }
0x24: {  	s3 =	sadd.s32 $0x88, s3;
	s6 =	simm.s32 @!p1 $0x1082;
	[sflag:s4] =	ssyncset.s32 $0xFFFFF086  }
0x25: {  	[simem:s6], [sflag:s4] =	dma.local [hbm:s3], $0xF7A  }
0x26: {  	[smem:$0x3F99] =	sst s1;
	(tag) =	ssettag s2;
	_ =	strace s9  }
0x27: {  	s1 =	sld [smem:$0x3FA9]  }
0x28: {  	s2 =	sld [smem:$0x3FAA]  }
0x29: {  	s4 =	sld [smem:$0x3FAC]  }
0x2a: {  	p0 =	seq.s32 s5, $0x0;
	s5 =	sld [smem:$0x3FAD]  }
0x2b: {  	s6 =	sld [smem:$0x3FAE]  }
0x2c: {  	s7 =	sld [smem:$0x3FAF]  }
0x2d: {  	s3 =	simm.s32 $0x108;
	s8 =	sld [smem:$0x3FB0]  }
0x2e: {  	s3 =	simm.s32 @!p0 $0x1082;
	s9 =	sld [smem:$0x3FB1]  }
0x2f: {  	lr =	sadd.s32 s0, s3;
	s0 =	sld [smem:$0x3FA8]  }
0x30: {  	s3 =	sld [smem:$0x3FAB]  }
0x31: {  	[smem:$0x3FB4] =	sst s10  }
0x32: {  	s10 =	sld [smem:$0x3FB2];
	_ =	sdelay $0x3  }
0x33: {  	p0 =	seq.s32 s10, $0x1;
	s10 =	sld [smem:$0x3FB4];
	_ =	sdelay $0x3  }
0x34: {  	[smem:$0x3FB4] =	sst s10  }
0x35: {  	s10 =	sld [smem:$0x3FB3];
	_ =	sdelay $0x3  }
0x36: {  	p1 =	seq.s32 s10, $0x1;
	s10 =	sld [smem:$0x3FB4];
	_ =	sdelay $0x3  }
0x37: {  	[smem:$0x3FB4] =	sst s10  }
0x38: {  	s10 =	sld [smem:$0x3FB5]  }
0x39: {  	_ = 	snop;
	(pc) =	sbr.ind lr, $3  }
0x3a: {  	_ = 	snop  }
0x3b: {  	_ = 	snop  }
0x3c: {  	p2 =	seq.s32 s10, $0x1;
	s10 =	sld [smem:$0x3FB4]  }
0x3d: {  	_ =	shalt  }
0x3e: {  	_ =	shalt  }
0x3f: {  	_ =	shalt  }
0x40: {  	_ =	shalt  }
0x41: {  	_ =	shalt  }
0x42: {  	_ =	shalt  }
0x43: {  	_ =	shalt  }
0x44: {  	_ =	shalt  }
0x45: {  	_ =	shalt  }
0x46: {  	_ =	shalt  }
0x47: {  	_ =	shalt  }
0x48: {  	_ =	shalt  }
0x49: {  	_ =	shalt  }
0x4a: {  	_ =	shalt  }
0x4b: {  	_ =	shalt  }
0x4c: {  	_ =	shalt  }
0x4d: {  	_ =	shalt  }
0x4e: {  	_ =	shalt  }
0x4f: {  	_ =	shalt  }
0x50: {  	_ =	shalt  }
0x51: {  	_ =	shalt  }
0x52: {  	_ =	shalt  }
0x53: {  	_ =	shalt  }
0x54: {  	_ =	shalt  }
0x55: {  	_ =	shalt  }
0x56: {  	_ =	shalt  }
0x57: {  	_ =	shalt  }
0x58: {  	_ =	shalt  }
0x59: {  	_ =	shalt  }
0x5a: {  	_ =	shalt  }
0x5b: {  	_ =	shalt  }
0x5c: {  	_ =	shalt  }
0x5d: {  	_ =	shalt  }
0x5e: {  	_ =	shalt  }
0x5f: {  	_ =	shalt  }
0x60: {  	_ =	shalt  }
0x61: {  	_ =	shalt  }
0x62: {  	_ =	shalt  }
0x63: {  	_ =	shalt  }
0x64: {  	_ =	shalt  }
0x65: {  	_ =	shalt  }
0x66: {  	_ =	shalt  }
0x67: {  	_ =	shalt  }
0x68: {  	_ =	shalt  }
0x69: {  	_ =	shalt  }
0x6a: {  	_ =	shalt  }
0x6b: {  	_ =	shalt  }
0x6c: {  	_ =	shalt  }
0x6d: {  	_ =	shalt  }
0x6e: {  	_ =	shalt  }
0x6f: {  	_ =	shalt  }
0x70: {  	_ =	shalt  }
0x71: {  	_ =	shalt  }
0x72: {  	_ =	shalt  }
0x73: {  	_ =	shalt  }
0x74: {  	_ =	shalt  }
0x75: {  	_ =	shalt  }
0x76: {  	_ =	shalt  }
0x77: {  	_ =	shalt  }
0x78: {  	_ =	shalt  }
0x79: {  	_ =	shalt  }
0x7a: {  	_ =	shalt  }
0x7b: {  	_ =	shalt  }
0x7c: {  	_ =	shalt  }
0x7d: {  	_ =	shalt  }
0x7e: {  	_ =	shalt  }
0x7f: {  	_ =	shalt  }
0x80: {  	_ =	shalt  }
0x81: {  	_ =	shalt  }
0x82: {  	_ =	shalt  }
0x83: {  	_ =	shalt  }
0x84: {  	_ =	shalt  }
0x85: {  	_ =	shalt  }
0x86: {  	_ =	shalt  }
0x87: {  	_ =	shalt  }
.Lfunc_end0:
.L_simem_size_0:
called_computation_lowered:
.L_overlay_start_0:
0x88: {  	s2 =	sld [smem:$0x3FD9]  }
0x89: {  	s3 =	sld [smem:$0x3FFE];
	_ =	sdelay $0x1  }
0x8a: {  	s1 =	srdreg.scid  }
0x8b: {  	s0 =	sand.u32 $0x1, s1  }
0x8c: {  	s17 =	sshll.u32 s0, $0xA;
	s2 =	sadd.s32 s3, s2  }
0x8d: {  	s2 =	sadd.s32 s2, s17  }
0x8e: {  	[smem:$0x3FC0] =	sst s2  }
0x8f: {  	_ = 	snop  }
0x90: {  	s2 =	sld [smem:$0x3FC9]  }
0x91: {  	s18 =	sld [smem:$0x3FC8]  }
0x92: {  	s4 =	sld [smem:$0x3FD0];
	(tm) =	ssettm $0x1  }
0x93: {  	s5 =	sld [smem:$0x3FFB];
	_ =	sdelay $0x3  }
0x94: {  	_ =	strace s5  }
0x95: {  	s5 =	sld [smem:$0x3FFC];
	_ =	sdelay $0x3  }
0x96: {  	_ =	strace s5  }
0x97: {  	s5 =	sld [smem:$0x3FFD];
	_ =	sdelay $0x3  }
0x98: {  	_ =	strace s5  }
0x99: {  	_ =	strace $0x8FFFFFFF  }
0x9a: {  	s19 =	sld [smem:$0x3FDB];
	_ =	sdelay $0x1  }
0x9b: {  	s6 =	simm.s32 $_scs_section_size  }
0x9c: {  	s7 =	simm.s32 $_size__tile_overlayer_lowered;
	s8 =	simm.s32 $_tile_overlayer_lowered  }
0x9d: {  	s22 =	simm.s32 $0x1BFF;
	s21 =	sshll.u32 s8, $0x1;
	s5 =	sadd.s32 s6, s19  }
0x9e: {  	s9 =	simm.s32 $0x0;
	s20 =	sshll.u32 s7, $0x1;
	s7 =	sadd.s32 s21, s5  }
0x9f: {  	[timem:s9], [sflag:s22] =	dma.local [hbm:s7], s20  }
0xa0: {  	_ =	swait.ge [sflag:s22], s20  }
0xa1: {  	s6 =	ssub.s32 $0x0, s20;
	[sflag:s22] =	ssyncset.done $0x0  }
0xa2: {  	[sflag:s22] =	ssyncadd.s32 s6;
	_ =	sdelay $0x1  }
0xa3: {  	s23 =	simm.s32 $0x1B8B  }
0xa4: {  	_ =	swait.ge [sflag:s23], $0x1  }
0xa5: {  	[sflag:s23] =	ssyncset.done $0x0  }
0xa6: {  	s25 =	simm.s32 $0x1B8E;
	s24 =	sld [smem:$0x3FFE];
	[sflag:s23] =	ssyncadd.s32 $0xFFFFFFFF  }
0xa7: {  	s26 =	simm.s32 $execute0_lowered;
	[smem:$0x3FD2] =	sst s25  }
0xa8: {  	s7 =	sshll.u32 s26, $0x1;
	_ =	strace $0x80000046;
	[dreg:$0x1] =	wrdreg $0xFFFFFFFF  }
0xa9: {  	s28 =	simm.s32 $_size_execute0_lowered;
	s5 =	sadd.s32 s5, s7;
	[dreg:$0x0] =	wrdreg $0x0  }
0xaa: {  	s7 =	sshll.u32 s28, $0x1;
	[dreg:$0x2] =	wrdreg s5  }
0xab: {  	[dreg:$0x3] =	wrdreg s7  }
0xac: {  	[dreg:$0x4] =	wrdreg $0xC0  }
0xad: {  	_ =	task [dreg:s9], $0x5FFFF  }
0xae: {  	[dreg:$0x1] =	wrdreg $0xFFFFFFFF  }
0xaf: {  	[dreg:$0x0] =	wrdreg $0x60  }
0xb0: {  	[dreg:$0x2] =	wrdreg s18  }
0xb1: {  	[dreg:$0x3] =	wrdreg s2  }
0xb2: {  	[dreg:$0x4] =	wrdreg s24  }
0xb3: {  	[dreg:$0x5] =	wrdreg s4  }
0xb4: {  	[dreg:$0x6] =	wrdreg $0x0  }
0xb5: {  	[dreg:$0x7] =	wrdreg $0x18800  }
0xb6: {  	[dreg:$0x8] =	wrdreg $0x31000  }
0xb7: {  	[dreg:$0x9] =	wrdreg $0x49800  }
0xb8: {  	[dreg:$0xa] =	wrdreg $0x9  }
0xb9: {  	_ =	task.clear_ibuf [dreg:s9], $0xBFFFF;
	_ =	strace $0x90000046  }
0xba: {  	s29 =	simm.s32 $0x9;
	_ =	strace $0x80000048  }
0xbb: {  	_ =	swait.ge [sflag:s29], $0x1  }
0xbc: {  	[sflag:s29] =	ssyncadd.s32 $0xFFFFFFFF  }
0xbd: {  	_ =	strace $0x90000048  }
0xbe: {  	_ =	sfence  }
0xbf: {  	s30 =	sld [smem:$0x0];
	_ =	sdelay $0x2  }
0xc0: {  	s31 =	sshll.u32 s1, $0xD;
	s1 =	sshrl.u32 s1, $0x2  }
0xc1: {  	s3 =	sand.u32 $0x4000, s31;
	s1 =	sadd.s32 s1, s30  }
0xc2: {  	s0 =	sor.u32 s3, s0;
	s1 =	sshll.u32 s1, $0x11  }
0xc3: {  	s0 =	sor.u32 s1, s0  }
0xc4: {  	s0 =	sadd.s32 $0x8F2B, s0  }
0xc5: {  	[sflag:s0] =	ssyncadd.remote.s32 $0x1  }
0xc6: {  	_ =	sfence.sel $0xFFFF  }
0xc7: {  	[dreg:$0x0] =	wrdreg $0xFFFFFFFF;
	(pc) =	sbr.abs _section_cstart, $3  }
0xc8: {  	[dreg:$0x1] =	wrdreg $0xFFFFFFFF  }
0xc9: {  	_ =	task.clear_ibuf [dreg:s9], $0x2FFFF;
	_ =	strace $0x9FFFFFFF  }
0xca: {  	(tm) =	ssettm $0x7FFFFFFF  }
0xcb: {  	_ =	shalt  }
tec
execute0_lowered:
.L_overlay_start_1:
0x0: {  	(tag) =	ssettag $0x1  }
0x1: {  	s0 =	rddreg [dreg:$0x0]  }
0x2: {  	s1 =	rddreg [dreg:$0x1]  }
0x3: {  	s2 =	rddreg [dreg:$0x2]  }
0x4: {  	s5 =	rddreg [dreg:$0x3]  }
0x5: {  	s3 =	rddreg [dreg:$0x4]  }
0x6: {  	s4 =	rddreg [dreg:$0x5]  }
0x7: {  	s6 =	rddreg [dreg:$0x6]  }
0x8: {  	s7 =	rddreg [dreg:$0x7];
	s9 =	srdreg.scid  }
0x9: {  	s15 =	stileid.u32;
	s8 =	simm.s32 $0x0;
	s28 =	simm.s32 $0x6  }
0xa: {  	s31 =	simm.s32 $0x80;
	s9 =	sand.u32 $0x1, s9;
	s10 =	smul.u32 $0x1880, s15  }
0xb: {  	[smem:$0x7FF] =	sst s8;
	s12 =	sadd.s32 $0xA00, s2;
	s14 =	sshll.u32 s15, $0x1  }
0xc: {  	s18 =	sshll.u32 s15, $0x6;
	p0 =	slt.u32 s15, $0x8;
	s25 =	smul.u32 $0xC34, s15  }
0xd: {  	s15 =	simm.s32 $0x2;
	s11 =	smul.u32 $0x62000, s9;
	_ =	strace $0x80000047  }
0xe: {  	[dreg:$0x9] =	wrdreg s12;
	s29 =	ssub.s32 $0x2, s9;
	s30 =	sor.u32 s9, s14  }
0xf: {  	s20 =	sor.u32 $0x1C06, s18;
	s9 =	smul.u32 $0x61A, s9;
	s13 =	sshrl.u32 s29, $0x1  }
0x10: {  	s16 =	sadd.s32 s10, s3;
	s17 =	sshrl.u32 s10, $0x3;
	[dreg:$0xc] =	wrdreg s20  }
0x11: {  	s14 =	smul.u32 $0x61A, s30;
	s19 =	sadd.s32 s10, s4;
	[dreg:$0xa] =	wrdreg s16  }
0x12: {  	s12 =	smin.u32 s30, $0x10;
	s22 =	sadd.s32 s10, s6;
	[dreg:$0xd] =	wrdreg s19  }
0x13: {  	s11 =	sadd.s32 s10, s11;
	s5 =	sadd.s32 s5, s17;
	[dreg:$0xe] =	wrdreg s22  }
0x14: {  	s10 =	sadd.s32 s10, s7;
	s11 =	sshrl.u32 s11, $0x3;
	[dreg:$0xb] =	wrdreg s5  }
0x15: {  	s21 =	sadd.s32 s12, s14;
	[dreg:$0xf] =	wrdreg s10;
	s12 =	sadd.s32 s25, s12  }
0x16: {  	s14 =	simm.s32 $0x9200;
	s2 =	sadd.s32 s11, s2;
	s11 =	ssub.s32 s29, s13  }
0x17: {  	s23 =	sshll.u32 s21, $0x4;
	s9 =	sadd.s32 s9, s12;
	s30 =	sadd.s32 $0x20, s21  }
0x18: {  	s21 =	sadd.s32 $0x30, s21;
	s16 =	sadd.s32 s1, s23;
	[dreg:$0x14] =	wrdreg s30  }
0x19: {  	s24 =	sadd.s32 $0x100, s23;
	s17 =	sadd.s32 $0x3D00, s2;
	[dreg:$0x11] =	wrdreg s16  }
0x1a: {  	s26 =	sadd.s32 s0, s23;
	s18 =	sadd.s32 $0x6E00, s2;
	[dreg:$0x19] =	wrdreg s17  }
0x1b: {  	s10 =	sadd.s32 $0x6000, s23;
	s19 =	smax.u32 s11, $0x1;
	[dreg:$0x1a] =	wrdreg s18  }
0x1c: {  	s22 =	sadd.s32 $0x610, s9;
	s9 =	simm.s32 $0xA200;
	[dreg:$0x1c] =	wrdreg s19  }
0x1d: {  	s11 =	simm.s32 $0xF200;
	s13 =	sand.u32 $0x1FFFFFF0, s24;
	[dreg:$0x1d] =	wrdreg s22  }
0x1e: {  	s16 =	sadd.s32 $0xC00, s2;
	s2 =	sadd.s32 $0x9F00, s2;
	[dreg:$0x10] =	wrdreg s26  }
0x1f: {  	s23 =	sadd.s32 $0xC3500, s26;
	s24 =	sadd.s32 $0x186A00, s26;
	[dreg:$0x18] =	wrdreg s16  }
0x20: {  	s17 =	simm.s32 $0x6200;
	s19 =	simm.s32 $0x6A00;
	[dreg:$0x1b] =	wrdreg s2  }
0x21: {  	s18 =	simm.s32 $0x5;
	s22 =	simm.s32 $0xEA00;
	[dreg:$0x1e] =	wrdreg s23  }
0x22: {  	s29 =	sadd.s32 s0, s13;
	s13 =	sadd.s32 s1, s13;
	[dreg:$0x1f] =	wrdreg s24  }
0x23: {  	s23 =	simm.s32 $0x7200;
	s2 =	simm.s32 $0x4;
	[dreg:$0x13] =	wrdreg s13  }
0x24: {  	s13 =	sand.u32 $0x1FFFFFF0, s10;
	s25 =	sadd.s32 $0xC3500, s29;
	[dreg:$0x12] =	wrdreg s29  }
0x25: {  	s16 =	simm.s32 $0x9A00;
	s26 =	sadd.s32 $0x186A00, s29;
	[smem:$0x7FA] =	sst s25  }
0x26: {  	s24 =	simm.s32 $0x1;
	s5 =	sadd.s32 s1, s13;
	[smem:$0x7FB] =	sst s26  }
0x27: {  	s10 =	sadd.s32 s0, s13;
	s25 =	simm.s32 $0x7A00;
	[dreg:$0x16] =	wrdreg s5  }
0x28: {  	s13 =	simm.s32 $0x8A00;
	s29 =	sadd.s32 $0xC3500, s10;
	[dreg:$0x15] =	wrdreg s10  }
0x29: {  	s5 =	simm.s32 $0xB;
	s30 =	sadd.s32 $0x186A00, s10;
	[smem:$0x7FC] =	sst s29  }
0x2a: {  	s26 =	simm.s32 $0x0;
	s5 =	simm.s32 @!p0 $0xA;
	[smem:$0x7FD] =	sst s30  }
0x2b: {  	s10 =	simm.s32 $0x8200;
	[dreg:$0x17] =	wrdreg s5;
	s5 =	simm.s32 $0x800  }
.LBB2_1:
0x2c: {  	[smem:$0x7F5] =	sst s26  }
0x2d: {  	s12 =	rddreg [dreg:$0xa]  }
0x2e: {  	s29 =	sshrl.u32 s12, $0x3;
	s12 =	rddreg [dreg:$0xb]  }
0x2f: {  	[smem:$0x7F6] =	sst s29  }
0x30: {  	[spmem:s29], [sflag:s20] =	dma.local [hbm:s12], $0x310  }
0x31: {  	_ =	swait.ge [sflag:s28], $0x310  }
0x32: {  	s30 =	rddreg [dreg:$0xd]  }
0x33: {  	[sflag:s28] =	ssyncset.done $0x0;
	s26 =	sshrl.u32 s30, $0x3  }
0x34: {  	[sflag:s28] =	ssyncadd.s32 $0xFFFFFCF0;
	[smem:$0x7F7] =	sst s26  }
0x35: {  	[spmem:s26], [sflag:s20] =	dma.local [hbm:s12], $0x310  }
0x36: {  	_ =	swait.ge [sflag:s28], $0x310  }
0x37: {  	s29 =	rddreg [dreg:$0xe]  }
0x38: {  	[sflag:s28] =	ssyncset.done $0x0;
	s26 =	sshrl.u32 s29, $0x3  }
0x39: {  	[sflag:s28] =	ssyncadd.s32 $0xFFFFFCF0;
	[smem:$0x7F8] =	sst s26  }
0x3a: {  	[spmem:s26], [sflag:s20] =	dma.local [hbm:s12], $0x310  }
0x3b: {  	_ =	swait.ge [sflag:s28], $0x310  }
0x3c: {  	s30 =	rddreg [dreg:$0xf]  }
0x3d: {  	[sflag:s28] =	ssyncset.done $0x0;
	s26 =	sshrl.u32 s30, $0x3  }
0x3e: {  	[sflag:s28] =	ssyncadd.s32 $0xFFFFFCF0;
	[smem:$0x7F9] =	sst s26  }
0x3f: {  	[spmem:s26], [sflag:s20] =	dma.local [hbm:s12], $0x310  }
0x40: {  	_ =	swait.ge [sflag:s28], $0x310  }
0x41: {  	[sflag:s28] =	ssyncset.done $0x0  }
0x42: {  	s30 =	simm.s32 $0xF280;
	s29 =	rddreg [dreg:$0x9];
	[sflag:s28] =	ssyncadd.s32 $0xFFFFFCF0  }
0x43: {  	[tilespmem:s30], [sflag:$0x6] =	stream.linear.gather [hbm4b:s29+s8], $0x600, $0x38;
	[tilespmem:$0xFA80] =	vst v63  }
0x44: {  	_ =	swait.ge [sflag:s28], $0x600  }
0x45: {  	[sflag:s28] =	ssyncset.done $0x0  }
0x46: {  	[sflag:s28] =	ssyncadd.s32 $0xFFFFFA00  }
0x47: {  	[bflag:$0x0] =	sbarrier.arrive $0xFFFF  }
0x48: {  	v10 =	vld [tilespmem:$0xF280]  }
0x49: {  	v11 =	vld [tilespmem:$0xF300]  }
0x4a: {  	v9 =	vld [tilespmem:$0xF380]  }
0x4b: {  	v7 =	vld [tilespmem:$0xF400]  }
0x4c: {  	v8 =	vld [tilespmem:$0xF480]  }
0x4d: {  	v3 =	vld [tilespmem:$0xF500]  }
0x4e: {  	v2 =	vld [tilespmem:$0xF680]  }
0x4f: {  	v4 =	vld [tilespmem:$0xF700]  }
0x50: {  	v0 =	vld [tilespmem:$0xF800];
	v12 =	vmul.f32 $0.0e+00, v10  }
0x51: {  	v5 =	vld [tilespmem:$0xF580]  }
0x52: {  	v6 =	vld [tilespmem:$0xF600];
	v12 =	vadd.f32 $1.000000000e+00, v12  }
0x53: {  	s12 =	simm.s32 $0x40;
	s26 =	simm.s32 $0x0;
	v1 =	vld [tilespmem:$0xF780]  }
.LBB2_2:
0x54: {  	p0 =	sne.s32 s12, $0x1FC0;
	[tilespmem:s26+$0x9A00] =	vst v12;
	s28 =	smov.u32 s12;
	s12 =	sadd.s32 $0x40, s12  }
.Ltmp0:
0x55: {  	[tilespmem:s26+$0xE200] =	vst v12;
	(pc) =	sbr.rel @p0 .LBB2_2-.Ltmp0, $2  }
0x56: {  	_ =	sdelay $0x2  }
0x57: {  	s26 =	sshra.s32 s28, $0x2  }
0x58: {  	[tilespmem:s26+$0x9A00] =	vst v12;
	s20 =	rddreg [dreg:$0x10]  }
0x59: {  	[tilespmem:s26+$0xE200] =	vst v12;
	s12 =	simm.s32 $0x0;
	s28 =	rddreg [dreg:$0x1e]  }
0x5a: {  	[tilespmem:s17], [sflag:$0x4] =	stream.linear.gather [hbm4b:s20+s12], $0x800, $0x38;
	[tilespmem:$0xFA80] =	vst v63  }
0x5b: {  	s29 =	rddreg [dreg:$0x1f]  }
0x5c: {  	[tilespmem:s19], [sflag:$0x4] =	stream.linear.gather [hbm4b:s28+s12], $0x800, $0x38;
	[tilespmem:$0xFA80] =	vst v63  }
0x5d: {  	s30 =	rddreg [dreg:$0x11]  }
0x5e: {  	[tilespmem:s23], [sflag:$0x4] =	stream.linear.gather [hbm4b:s29+s12], $0x800, $0x38;
	[tilespmem:$0xFA80] =	vst v63  }
0x5f: {  	s26 =	rddreg [dreg:$0x12]  }
0x60: {  	[tilespmem:s25], [sflag:$0x4] =	stream.linear.gather [hbm4b:s30+s12], $0x800, $0x38;
	[tilespmem:$0xFA80] =	vst v63  }
0x61: {  	s28 =	simm.s32 $0xAA00;
	s29 =	sld [smem:$0x7FA]  }
0x62: {  	[tilespmem:s28], [sflag:$0x5] =	stream.linear.gather [hbm4b:s26+s12], $0x800, $0x38;
	[tilespmem:$0xFA80] =	vst v63  }
0x63: {  	s30 =	simm.s32 $0xB200;
	s26 =	sld [smem:$0x7FB]  }
0x64: {  	[tilespmem:s30], [sflag:$0x5] =	stream.linear.gather [hbm4b:s29+s12], $0x800, $0x38;
	[tilespmem:$0xFA80] =	vst v63  }
0x65: {  	s28 =	simm.s32 $0xBA00  }
0x66: {  	[tilespmem:s28], [sflag:$0x5] =	stream.linear.gather [hbm4b:s26+s12], $0x800, $0x38;
	[tilespmem:$0xFA80] =	vst v63  }
0x67: {  	s29 =	rddreg [dreg:$0x13];
	s30 =	simm.s32 $0xC200  }
0x68: {  	[tilespmem:s30], [sflag:$0x5] =	stream.linear.gather [hbm4b:s29+s12], $0x800, $0x38;
	[tilespmem:$0xFA80] =	vst v63  }
.LBB2_4:
0x69: {  	p0 =	seq.s32 s12, $0x0  }
0x6a: {  	s26 =	simm.s32 @!p0 $0x2  }
0x6b: {  	_ =	swait.ge @!p0 [sflag:s26], $0x800  }
0x6c: {  	[sflag:s26] =	ssyncset.done @!p0 $0x0  }
0x6d: {  	[sflag:s26] =	ssyncadd.s32 @!p0 $0xFFFFF800  }
0x6e: {  	_ =	swait.ge @!p0 [sflag:s26], $0x800  }
0x6f: {  	[sflag:s26] =	ssyncset.done @!p0 $0x0  }
0x70: {  	[sflag:s26] =	ssyncadd.s32 @!p0 $0xFFFFF800  }
0x71: {  	_ =	swait.ge @!p0 [sflag:s26], $0x800  }
0x72: {  	[sflag:s26] =	ssyncset.done @!p0 $0x0  }
0x73: {  	[sflag:s26] =	ssyncadd.s32 @!p0 $0xFFFFF800  }
0x74: {  	_ =	swait.ge @!p0 [sflag:s26], $0x800  }
0x75: {  	[sflag:s26] =	ssyncset.done @!p0 $0x0  }
0x76: {  	[sflag:s26] =	ssyncadd.s32 @!p0 $0xFFFFF800  }
0x77: {  	_ =	swait.ge [sflag:s2], $0x800  }
0x78: {  	[sflag:s2] =	ssyncset.done $0x0  }
0x79: {  	[sflag:s2] =	ssyncadd.s32 $0xFFFFF800  }
0x7a: {  	_ =	swait.ge [sflag:s2], $0x800  }
0x7b: {  	[sflag:s2] =	ssyncset.done $0x0  }
0x7c: {  	[sflag:s2] =	ssyncadd.s32 $0xFFFFF800  }
0x7d: {  	_ =	swait.ge [sflag:s2], $0x800  }
0x7e: {  	[sflag:s2] =	ssyncset.done $0x0  }
0x7f: {  	[sflag:s2] =	ssyncadd.s32 $0xFFFFF800  }
0x80: {  	_ =	swait.ge [sflag:s2], $0x800  }
0x81: {  	[sflag:s2] =	ssyncset.done $0x0  }
0x82: {  	s28 =	simm.s32 $0x0;
	[sflag:s2] =	ssyncadd.s32 $0xFFFFF800  }
0x83: {  	v12 =	vld [tilespmem:s28+$0x7230]  }
0x84: {  	v13 =	vld [tilespmem:s28+$0x6220]  }
0x85: {  	v14 =	vld [tilespmem:s28+$0x7200]  }
0x86: {  	v15 =	vld [tilespmem:s28+$0x6A20]  }
0x87: {  	v16 =	vld [tilespmem:s28+$0x6A30]  }
0x88: {  	v19 =	vld [tilespmem:s28+$0x7210]  }
0x89: {  	v17 =	vld [tilespmem:s28+$0x6210]  }
0x8a: {  	v18 =	vld [tilespmem:s28+$0x6230]  }
0x8b: {  	v22 =	vld [tilespmem:s28+$0x7220]  }
0x8c: {  	v23 =	vld [tilespmem:s28+$0x7A00];
	v24 =	vmul.f32 v12, v3;
	v25 =	vmul.f32 v15, v11  }
0x8d: {  	v26 =	vld [tilespmem:s28+$0x7A30];
	v27 =	vmul.f32 v15, v6;
	v28 =	vmul.f32 v14, v3  }
0x8e: {  	v29 =	vld [tilespmem:s28+$0x6A00];
	v30 =	vmul.f32 v16, v11;
	v31 =	vmul.f32 v19, v9  }
0x8f: {  	v15 =	vmul.f32 v15, v8;
	v34 =	vmul.f32 v13, v5  }
0x90: {  	v21 =	vld [tilespmem:s28+$0x6200];
	v35 =	vmul.f32 v17, v10;
	v36 =	vmul.f32 v13, v10  }
0x91: {  	[tilespmem:s28+$0xA200] =	vst v23;
	v23 =	vmul.f32 v18, v10;
	v37 =	vmul.f32 v22, v2  }
0x92: {  	v20 =	vld [tilespmem:s28+$0x6A10];
	[tilespmem:s28+$0xA230] =	vst v26;
	v26 =	vmul.f32 v17, v7;
	v13 =	vmul.f32 v13, v7  }
0x93: {  	v32 =	vld [tilespmem:s28+$0x7A20];
	v46 =	vmul.f32 v12, v9;
	v47 =	vmul.f32 v29, v11  }
0x94: {  	v39 =	vmul.f32 v16, v6;
	v17 =	vmul.f32 v17, v5  }
0x95: {  	v49 =	vmul.f32 v18, v5;
	v51 =	vmul.f32 v21, v10  }
0x96: {  	v18 =	vmul.f32 v18, v7;
	v16 =	vmul.f32 v16, v8;
	v27 =	vadd.f32 v27, v34  }
0x97: {  	s26 =	simm.s32 $0x40;
	v33 =	vld [tilespmem:s28+$0x7A10];
	v23 =	vadd.f32 v30, v23;
	v30 =	vmul.f32 v20, v11;
	v15 =	vadd.f32 v15, v13  }
0x98: {  	v38 =	vld [tilespmem:s26+$0x7230];
	[tilespmem:s28+$0xA220] =	vst v32;
	v13 =	vmul.f32 v20, v6;
	v34 =	vadd.f32 v39, v49;
	v32 =	vadd.f32 v47, v51  }
0x99: {  	v20 =	vmul.f32 v20, v8;
	v16 =	vadd.f32 v16, v18;
	v27 =	vadd.f32 v37, v27  }
0x9a: {  	v40 =	vmul.f32 v14, v2;
	v23 =	vadd.f32 v46, v23;
	v30 =	vadd.f32 v30, v35  }
0x9b: {  	v50 =	vmul.f32 v14, v9;
	v26 =	vadd.f32 v20, v26;
	v27 =	vadd.f32 v27, v0  }
0x9c: {  	v42 =	vmul.f32 v22, v9;
	v48 =	vld [tilespmem:s26+$0x6220];
	[tilespmem:s28+$0xA210] =	vst v33;
	v54 =	vadd.f32 v24, v16;
	v23 =	vadd.f32 v23, v4  }
0x9d: {  	v33 =	vld [tilespmem:s26+$0x7200];
	[tilespmem:s28+$0x9220] =	vst v27;
	v27 =	vmul.f32 v12, v2;
	v12 =	vadd.f32 v13, v17;
	v13 =	vmul.f32 v19, v2  }
0x9e: {  	v45 =	vadd.f32 v50, v32;
	v17 =	vadd.f32 v25, v36;
	v25 =	vmul.f32 v21, v5  }
0x9f: {  	v21 =	vmul.f32 v21, v7;
	v41 =	vld [tilespmem:s26+$0x6A20];
	[tilespmem:s28+$0x8230] =	vst v23;
	v23 =	vmul.f32 v29, v8;
	v13 =	vadd.f32 v13, v12  }
0xa0: {  	v22 =	vmul.f32 v22, v3;
	v62 =	vadd.f32 v54, v1;
	v14 =	vld [tilespmem:s26+$0x6A30];
	v42 =	vadd.f32 v42, v17  }
0xa1: {  	v57 =	vmul.f32 v48, v10;
	v12 =	vld [tilespmem:s26+$0x7210];
	v53 =	vadd.f32 v23, v21;
	v13 =	vadd.f32 v13, v0  }
0xa2: {  	v46 =	vmul.f32 v48, v7;
	v43 =	vld [tilespmem:s26+$0x6210];
	v21 =	vadd.f32 v31, v30;
	v52 =	vadd.f32 v42, v4  }
0xa3: {  	v37 =	vmul.f32 v48, v5;
	v29 =	vmul.f32 v29, v6;
	v17 =	vld [tilespmem:s26+$0x6230];
	v34 =	vadd.f32 v27, v34;
	[tilespmem:s28+$0x9210] =	vst v13  }
0xa4: {  	v30 =	vmul.f32 v19, v3;
	v19 =	vadd.f32 v22, v15;
	v20 =	vadd.f32 v21, v4;
	v18 =	vld [tilespmem:s26+$0x6A10];
	[tilespmem:s28+$0x8220] =	vst v52  }
0xa5: {  	v15 =	vmul.f32 v33, v3;
	v60 =	vadd.f32 v34, v0;
	v34 =	vmul.f32 v38, v9;
	v23 =	vld [tilespmem:s26+$0x6200]  }
0xa6: {  	v31 =	vadd.f32 v19, v1;
	v13 =	vmul.f32 v38, v3;
	v16 =	vmul.f32 v41, v11;
	v21 =	vld [tilespmem:s26+$0x7220];
	[tilespmem:s28+$0x8210] =	vst v20  }
0xa7: {  	v25 =	vadd.f32 v29, v25;
	v55 =	vmul.f32 v41, v6;
	v24 =	vmul.f32 v41, v8;
	v58 =	vld [tilespmem:s26+$0x7A00]  }
0xa8: {  	v28 =	vadd.f32 v28, v53;
	v44 =	vmul.f32 v14, v11;
	v56 =	vmul.f32 v43, v10;
	v19 =	vld [tilespmem:s26+$0x6A00];
	[tilespmem:s28+$0x8A20] =	vst v31  }
0xa9: {  	v40 =	vadd.f32 v40, v25;
	v22 =	vmul.f32 v43, v7;
	v59 =	vmul.f32 v17, v10;
	v27 =	vld [tilespmem:s26+$0x7A10]  }
0xaa: {  	v35 =	vmul.f32 v14, v6;
	v29 =	vadd.f32 v16, v57;
	v16 =	vadd.f32 v30, v26;
	v49 =	vld [tilespmem:s26+$0x7A30]  }
0xab: {  	v36 =	vmul.f32 v17, v5;
	v63 =	vadd.f32 v40, v0;
	v26 =	vadd.f32 v28, v1;
	v31 =	vld [tilespmem:s26+$0x7A20];
	[tilespmem:s28+$0x9230] =	vst v60  }
0xac: {  	v41 =	vmul.f32 v43, v5;
	v20 =	vmul.f32 v12, v9;
	v28 =	vadd.f32 v16, v1;
	[tilespmem:s26+$0xA200] =	vst v58  }
0xad: {  	v24 =	vadd.f32 v24, v46;
	v16 =	vmul.f32 v33, v2;
	v47 =	vmul.f32 v18, v11;
	[tilespmem:s28+$0x8A00] =	vst v26  }
0xae: {  	v61 =	vadd.f32 v55, v37;
	v37 =	vmul.f32 v18, v6;
	v48 =	vmul.f32 v21, v2;
	[tilespmem:s28+$0x8A10] =	vst v28  }
0xaf: {  	v39 =	vadd.f32 v44, v59;
	v25 =	vmul.f32 v23, v5;
	v32 =	vmul.f32 v19, v11;
	[tilespmem:s26+$0xA230] =	vst v49  }
0xb0: {  	v30 =	vadd.f32 v47, v56;
	v26 =	vmul.f32 v38, v2;
	v38 =	vadd.f32 v45, v4;
	[tilespmem:s28+$0x8A30] =	vst v62  }
0xb1: {  	s29 =	simm.s32 $0x200;
	v28 =	vmul.f32 v33, v9;
	v33 =	vmul.f32 v19, v8;
	v40 =	vadd.f32 v48, v61;
	[tilespmem:s28+$0x9200] =	vst v63  }
.LBB2_5:
0xb2: {  	s30 =	sshra.s32 s29, $0x2;
	p1 =	sne.s32 s29, $0x1F00;
	s29 =	sadd.s32 $0x100, s29;
	v42 =	vmul.f32 v23, v7;
	v34 =	vadd.f32 v34, v39;
	v35 =	vadd.f32 v35, v36;
	[tilespmem:s28+$0x8200] =	vst v38  }
0xb3: {  	s28 =	smov.u32 s26;
	v38 =	vld [tilespmem:s30+$0x7230];
	v36 =	vadd.f32 v37, v41;
	v37 =	vmul.f32 v12, v2;
	v39 =	vadd.f32 v40, v0;
	[tilespmem:s26+$0xA220] =	vst v31;
	s26 =	smov.u32 s30  }
0xb4: {  	v23 =	vmul.f32 v23, v10;
	v31 =	vld [tilespmem:s26+$0x6220];
	[tilespmem:s28+$0xA210] =	vst v27;
	v27 =	vmul.f32 v21, v9;
	v34 =	vadd.f32 v34, v4  }
0xb5: {  	v17 =	vmul.f32 v17, v7;
	v40 =	vld [tilespmem:s26+$0x7200];
	v36 =	vadd.f32 v37, v36;
	[tilespmem:s28+$0x9220] =	vst v39;
	v37 =	vmul.f32 v14, v8  }
0xb6: {  	v18 =	vmul.f32 v18, v8;
	v32 =	vadd.f32 v32, v23;
	v39 =	vld [tilespmem:s26+$0x6A20];
	v23 =	vadd.f32 v27, v29;
	[tilespmem:s28+$0x8230] =	vst v34  }
0xb7: {  	v21 =	vmul.f32 v21, v3;
	v14 =	vld [tilespmem:s26+$0x6A30];
	v27 =	vadd.f32 v36, v0;
	v29 =	vadd.f32 v37, v17  }
0xb8: {  	v33 =	vadd.f32 v33, v42;
	v34 =	vadd.f32 v18, v22;
	v36 =	vmul.f32 v12, v3;
	v12 =	vld [tilespmem:s26+$0x7210]  }
0xb9: {  	v20 =	vadd.f32 v20, v30;
	v22 =	vmul.f32 v38, v3;
	v23 =	vadd.f32 v23, v4;
	v41 =	vld [tilespmem:s26+$0x6210]  }
0xba: {  	v30 =	vmul.f32 v19, v6;
	v19 =	vadd.f32 v21, v24;
	v37 =	vadd.f32 v13, v29;
	v17 =	vld [tilespmem:s26+$0x6230];
	[tilespmem:s28+$0x9210] =	vst v27  }
0xbb: {  	v24 =	vadd.f32 v20, v4;
	v18 =	vld [tilespmem:s26+$0x6A10];
	v29 =	vmul.f32 v39, v11;
	v42 =	vmul.f32 v39, v6;
	[tilespmem:s28+$0x8220] =	vst v23  }
0xbc: {  	v45 =	vadd.f32 v28, v32;
	v43 =	vmul.f32 v40, v3;
	v13 =	vmovc v22;
	v23 =	vld [tilespmem:s26+$0x6200];
	v44 =	vmul.f32 v14, v11  }
0xbd: {  	v28 =	vmul.f32 v39, v8;
	v20 =	vmul.f32 v12, v9;
	v21 =	vld [tilespmem:s26+$0x7220];
	[tilespmem:s28+$0x8210] =	vst v24;
	v24 =	vadd.f32 v19, v1  }
0xbe: {  	v26 =	vadd.f32 v26, v35;
	v32 =	vmul.f32 v31, v10;
	v19 =	vld [tilespmem:s26+$0x6A00];
	v39 =	vmul.f32 v41, v10  }
0xbf: {  	v33 =	vadd.f32 v15, v33;
	v46 =	vmul.f32 v31, v7;
	v22 =	vmul.f32 v41, v7;
	v35 =	vld [tilespmem:s26+$0x7A00];
	[tilespmem:s28+$0x8A20] =	vst v24  }
0xc0: {  	v25 =	vadd.f32 v30, v25;
	v47 =	vmul.f32 v31, v5;
	v15 =	vmovc v43;
	v48 =	vmul.f32 v17, v10;
	v27 =	vld [tilespmem:s26+$0x7A10]  }
0xc1: {  	v26 =	vadd.f32 v26, v0;
	v24 =	vadd.f32 v28, v46;
	v30 =	vmul.f32 v18, v11;
	v31 =	vld [tilespmem:s26+$0x7A20]  }
0xc2: {  	v36 =	vadd.f32 v36, v34;
	v29 =	vadd.f32 v29, v32;
	v43 =	vmul.f32 v21, v2;
	v28 =	vld [tilespmem:s26+$0x7A30]  }
0xc3: {  	v33 =	vadd.f32 v33, v1;
	v34 =	vmul.f32 v38, v9;
	v32 =	vmul.f32 v19, v11;
	[tilespmem:s28+$0x9230] =	vst v26  }
0xc4: {  	v42 =	vadd.f32 v42, v47;
	v46 =	vadd.f32 v36, v1;
	[tilespmem:s26+$0xA200] =	vst v35;
	v35 =	vmul.f32 v14, v6  }
.Ltmp1:
0xc5: {  	v30 =	vadd.f32 v30, v39;
	[tilespmem:s28+$0x8A00] =	vst v33;
	v33 =	vadd.f32 v16, v25;
	v16 =	vmul.f32 v40, v2;
	(pc) =	sbr.rel @p1 .LBB2_5-.Ltmp1, $4  }
0xc6: {  	v36 =	vmul.f32 v17, v5;
	v26 =	vmul.f32 v38, v2;
	[tilespmem:s28+$0x8A10] =	vst v46;
	v46 =	vadd.f32 v37, v1  }
0xc7: {  	v25 =	vmul.f32 v23, v5;
	v37 =	vmul.f32 v18, v6;
	[tilespmem:s26+$0xA230] =	vst v28;
	v47 =	vadd.f32 v33, v0  }
0xc8: {  	v39 =	vadd.f32 v44, v48;
	v38 =	vadd.f32 v45, v4;
	v28 =	vmul.f32 v40, v9;
	[tilespmem:s28+$0x8A30] =	vst v46  }
0xc9: {  	v41 =	vmul.f32 v41, v5;
	v33 =	vmul.f32 v19, v8;
	v40 =	vadd.f32 v43, v42;
	[tilespmem:s28+$0x9200] =	vst v47  }
0xca: {  	v42 =	vmul.f32 v23, v7;
	v34 =	vadd.f32 v34, v39;
	v23 =	vmul.f32 v23, v10  }
0xcb: {  	v35 =	vadd.f32 v35, v36;
	v52 =	vmul.f32 v21, v9;
	v17 =	vmul.f32 v17, v7  }
0xcc: {  	v14 =	vmul.f32 v14, v8;
	v20 =	vadd.f32 v20, v30;
	v49 =	vadd.f32 v37, v41  }
0xcd: {  	v18 =	vmul.f32 v18, v8;
	v51 =	vadd.f32 v40, v0;
	v34 =	vadd.f32 v34, v4  }
0xce: {  	[tilespmem:s28+$0x8200] =	vst v38;
	v21 =	vmul.f32 v21, v3;
	v23 =	vadd.f32 v32, v23;
	v29 =	vadd.f32 v52, v29  }
0xcf: {  	[tilespmem:s26+$0xA220] =	vst v31;
	v14 =	vadd.f32 v14, v17;
	v17 =	vadd.f32 v33, v42  }
0xd0: {  	v50 =	vmul.f32 v12, v2;
	[tilespmem:s26+$0xA210] =	vst v27;
	v18 =	vadd.f32 v18, v22;
	v21 =	vadd.f32 v21, v24  }
0xd1: {  	v20 =	vadd.f32 v20, v4;
	v24 =	vadd.f32 v26, v35;
	[tilespmem:s26+$0x9220] =	vst v51  }
0xd2: {  	v19 =	vmul.f32 v19, v6;
	v36 =	vadd.f32 v50, v49;
	[tilespmem:s26+$0x8230] =	vst v34;
	v22 =	vadd.f32 v29, v4  }
0xd3: {  	v12 =	vmul.f32 v12, v3;
	v21 =	vadd.f32 v21, v1;
	v15 =	vadd.f32 v15, v17;
	[tilespmem:s26+$0x8210] =	vst v20  }
0xd4: {  	v17 =	vadd.f32 v19, v25;
	v19 =	vadd.f32 v24, v0;
	[tilespmem:s26+$0x8220] =	vst v22  }
0xd5: {  	v12 =	vadd.f32 v12, v18;
	v31 =	vadd.f32 v36, v0;
	[tilespmem:s26+$0x8A20] =	vst v21  }
0xd6: {  	v13 =	vadd.f32 v13, v14;
	v14 =	vadd.f32 v15, v1;
	[tilespmem:s26+$0x9230] =	vst v19  }
0xd7: {  	v12 =	vadd.f32 v12, v1;
	v15 =	vadd.f32 v16, v17;
	[tilespmem:s26+$0x9210] =	vst v31  }
0xd8: {  	v16 =	vadd.f32 v28, v23;
	v13 =	vadd.f32 v13, v1;
	[tilespmem:s26+$0x8A00] =	vst v14  }
0xd9: {  	[tilespmem:s26+$0x8A10] =	vst v12;
	v12 =	vadd.f32 v15, v0  }
0xda: {  	v14 =	vadd.f32 v16, v4;
	[tilespmem:s26+$0x8A30] =	vst v13  }
0xdb: {  	[tilespmem:s26+$0x9200] =	vst v12  }
0xdc: {  	s20 =	rddreg [dreg:$0x14];
	[tilespmem:s26+$0x8200] =	vst v14;
	s26 =	sshll.u32 s12, $0x5  }
0xdd: {  	[spmem:s3] =	stream.indirect.scatter.add.f32 [tilespmem:s10], [sflag:$0x2], $0x1, s9, s5, $0xb8;
	[tilespmem:$0xFA80] =	vst v63  }
0xde: {  	s28 =	sadd.s32 s26, s20  }
0xdf: {  	[spmem:s4] =	stream.indirect.scatter.add.f32 [tilespmem:s13], [sflag:$0x2], $0x1, s9, s5, $0xb8;
	[tilespmem:$0xFA80] =	vst v63  }
0xe0: {  	s28 =	sshll.u32 s28, $0x4  }
0xe1: {  	[spmem:s6] =	stream.indirect.scatter.add.f32 [tilespmem:s14], [sflag:$0x2], $0x1, s9, s5, $0xb8;
	[tilespmem:$0xFA80] =	vst v63  }
0xe2: {  	s28 =	sand.u32 $0x1FFFFFF0, s28  }
0xe3: {  	[spmem:s7] =	stream.indirect.scatter.add.f32 [tilespmem:s16], [sflag:$0x2], $0x1, s9, s5, $0xb8;
	[tilespmem:$0xFA80] =	vst v63  }
0xe4: {  	s29 =	sadd.s32 s0, s28  }
0xe5: {  	[tilespmem:s17], [sflag:$0x4] =	stream.linear.gather [hbm4b:s29+s8], $0x800, $0x38;
	[tilespmem:$0xFA80] =	vst v63  }
0xe6: {  	s30 =	sadd.s32 $0xC3500, s29  }
0xe7: {  	[tilespmem:s19], [sflag:$0x4] =	stream.linear.gather [hbm4b:s30+s8], $0x800, $0x38;
	[tilespmem:$0xFA80] =	vst v63  }
0xe8: {  	s29 =	sadd.s32 $0x186A00, s29  }
0xe9: {  	[tilespmem:s23], [sflag:$0x4] =	stream.linear.gather [hbm4b:s29+s8], $0x800, $0x38;
	[tilespmem:$0xFA80] =	vst v63  }
0xea: {  	s28 =	sadd.s32 s1, s28  }
0xeb: {  	[tilespmem:s25], [sflag:$0x4] =	stream.linear.gather [hbm4b:s28+s8], $0x800, $0x38;
	[tilespmem:$0xFA80] =	vst v63  }
0xec: {  	s28 =	simm.s32 @!p0 $0x3  }
0xed: {  	_ =	swait.ge @!p0 [sflag:s28], $0x800  }
0xee: {  	[sflag:s28] =	ssyncset.done @!p0 $0x0  }
0xef: {  	[sflag:s28] =	ssyncadd.s32 @!p0 $0xFFFFF800  }
0xf0: {  	_ =	swait.ge @!p0 [sflag:s28], $0x800  }
0xf1: {  	[sflag:s28] =	ssyncset.done @!p0 $0x0  }
0xf2: {  	[sflag:s28] =	ssyncadd.s32 @!p0 $0xFFFFF800  }
0xf3: {  	_ =	swait.ge @!p0 [sflag:s28], $0x800  }
0xf4: {  	[sflag:s28] =	ssyncset.done @!p0 $0x0  }
0xf5: {  	[sflag:s28] =	ssyncadd.s32 @!p0 $0xFFFFF800  }
0xf6: {  	_ =	swait.ge @!p0 [sflag:s28], $0x800  }
0xf7: {  	[sflag:s28] =	ssyncset.done @!p0 $0x0  }
0xf8: {  	[sflag:s28] =	ssyncadd.s32 @!p0 $0xFFFFF800  }
0xf9: {  	_ =	swait.ge [sflag:s18], $0x800  }
0xfa: {  	[sflag:s18] =	ssyncset.done $0x0  }
0xfb: {  	[sflag:s18] =	ssyncadd.s32 $0xFFFFF800  }
0xfc: {  	_ =	swait.ge [sflag:s18], $0x800  }
0xfd: {  	[sflag:s18] =	ssyncset.done $0x0  }
0xfe: {  	[sflag:s18] =	ssyncadd.s32 $0xFFFFF800  }
0xff: {  	_ =	swait.ge [sflag:s18], $0x800  }
0x100: {  	[sflag:s18] =	ssyncset.done $0x0  }
0x101: {  	[sflag:s18] =	ssyncadd.s32 $0xFFFFF800  }
0x102: {  	_ =	swait.ge [sflag:s18], $0x800  }
0x103: {  	[sflag:s18] =	ssyncset.done $0x0  }
0x104: {  	s29 =	simm.s32 $0x0;
	[sflag:s18] =	ssyncadd.s32 $0xFFFFF800  }
0x105: {  	v12 =	vld [tilespmem:s29+$0xBA30]  }
0x106: {  	v13 =	vld [tilespmem:s29+$0xAA20]  }
0x107: {  	v14 =	vld [tilespmem:s29+$0xBA00]  }
0x108: {  	v15 =	vld [tilespmem:s29+$0xB220]  }
0x109: {  	v16 =	vld [tilespmem:s29+$0xB230]  }
0x10a: {  	v19 =	vld [tilespmem:s29+$0xBA10]  }
0x10b: {  	v17 =	vld [tilespmem:s29+$0xAA10]  }
0x10c: {  	v18 =	vld [tilespmem:s29+$0xAA30]  }
0x10d: {  	v22 =	vld [tilespmem:s29+$0xBA20]  }
0x10e: {  	v23 =	vld [tilespmem:s29+$0xC200];
	v24 =	vmul.f32 v12, v3;
	v25 =	vmul.f32 v15, v11  }
0x10f: {  	v26 =	vld [tilespmem:s29+$0xC230];
	v27 =	vmul.f32 v15, v6;
	v28 =	vmul.f32 v14, v3  }
0x110: {  	v29 =	vld [tilespmem:s29+$0xB200];
	v30 =	vmul.f32 v16, v11;
	v31 =	vmul.f32 v19, v9  }
0x111: {  	v15 =	vmul.f32 v15, v8;
	v55 =	vmul.f32 v13, v5  }
0x112: {  	v21 =	vld [tilespmem:s29+$0xAA00];
	v56 =	vmul.f32 v17, v10;
	v57 =	vmul.f32 v13, v10  }
0x113: {  	[tilespmem:s29+$0xEA00] =	vst v23;
	v23 =	vmul.f32 v18, v10;
	v58 =	vmul.f32 v22, v2  }
0x114: {  	v20 =	vld [tilespmem:s29+$0xB210];
	[tilespmem:s29+$0xEA30] =	vst v26;
	v26 =	vmul.f32 v17, v7;
	v13 =	vmul.f32 v13, v7  }
0x115: {  	v59 =	vmul.f32 v12, v9;
	v60 =	vmul.f32 v29, v11  }
0x116: {  	v62 =	vmul.f32 v16, v6;
	v17 =	vmul.f32 v17, v5  }
0x117: {  	v47 =	vmul.f32 v18, v5;
	v51 =	vmul.f32 v21, v10  }
0x118: {  	v53 =	vld [tilespmem:s29+$0xC220];
	v18 =	vmul.f32 v18, v7;
	v16 =	vmul.f32 v16, v8;
	v27 =	vadd.f32 v27, v55  }
0x119: {  	v54 =	vld [tilespmem:s29+$0xC210];
	v23 =	vadd.f32 v30, v23;
	v30 =	vmul.f32 v20, v11;
	v15 =	vadd.f32 v15, v13  }
0x11a: {  	v13 =	vmul.f32 v20, v6;
	v34 =	vadd.f32 v62, v47;
	v32 =	vadd.f32 v60, v51  }
0x11b: {  	v20 =	vmul.f32 v20, v8;
	v16 =	vadd.f32 v16, v18;
	v27 =	vadd.f32 v58, v27  }
0x11c: {  	s28 =	simm.s32 $0x40;
	v63 =	vmul.f32 v14, v2;
	v23 =	vadd.f32 v59, v23;
	v30 =	vadd.f32 v30, v56  }
0x11d: {  	v49 =	vmul.f32 v14, v9;
	v38 =	vld [tilespmem:s28+$0xBA30];
	[tilespmem:s29+$0xEA20] =	vst v53;
	v26 =	vadd.f32 v20, v26;
	v27 =	vadd.f32 v27, v0  }
0x11e: {  	v50 =	vmul.f32 v22, v9;
	v61 =	vld [tilespmem:s28+$0xAA20];
	[tilespmem:s29+$0xEA10] =	vst v54;
	v54 =	vadd.f32 v24, v16;
	v23 =	vadd.f32 v23, v4  }
0x11f: {  	v33 =	vld [tilespmem:s28+$0xBA00];
	[tilespmem:s29+$0xDA20] =	vst v27;
	v27 =	vmul.f32 v12, v2;
	v12 =	vadd.f32 v13, v17;
	v13 =	vmul.f32 v19, v2  }
0x120: {  	v45 =	vadd.f32 v49, v32;
	v17 =	vadd.f32 v25, v57;
	v25 =	vmul.f32 v21, v5  }
0x121: {  	v21 =	vmul.f32 v21, v7;
	v48 =	vld [tilespmem:s28+$0xB220];
	[tilespmem:s29+$0xCA30] =	vst v23;
	v23 =	vmul.f32 v29, v8;
	v13 =	vadd.f32 v13, v12  }
0x122: {  	v22 =	vmul.f32 v22, v3;
	v62 =	vadd.f32 v54, v1;
	v14 =	vld [tilespmem:s28+$0xB230];
	v42 =	vadd.f32 v50, v17  }
0x123: {  	v46 =	vmul.f32 v61, v7;
	v12 =	vld [tilespmem:s28+$0xBA10];
	v53 =	vadd.f32 v23, v21;
	v13 =	vadd.f32 v13, v0  }
0x124: {  	v37 =	vmul.f32 v61, v5;
	v43 =	vld [tilespmem:s28+$0xAA10];
	v21 =	vadd.f32 v31, v30;
	v52 =	vadd.f32 v42, v4  }
0x125: {  	v57 =	vmul.f32 v61, v10;
	v29 =	vmul.f32 v29, v6;
	v17 =	vld [tilespmem:s28+$0xAA30];
	v34 =	vadd.f32 v27, v34;
	[tilespmem:s29+$0xDA10] =	vst v13  }
0x126: {  	v30 =	vmul.f32 v19, v3;
	v19 =	vadd.f32 v22, v15;
	v20 =	vadd.f32 v21, v4;
	v18 =	vld [tilespmem:s28+$0xB210];
	[tilespmem:s29+$0xCA20] =	vst v52  }
0x127: {  	v15 =	vmul.f32 v33, v3;
	v60 =	vadd.f32 v34, v0;
	v34 =	vmul.f32 v38, v9;
	v23 =	vld [tilespmem:s28+$0xAA00]  }
0x128: {  	v31 =	vadd.f32 v19, v1;
	v13 =	vmul.f32 v38, v3;
	v16 =	vmul.f32 v48, v11;
	v21 =	vld [tilespmem:s28+$0xBA20];
	[tilespmem:s29+$0xCA10] =	vst v20  }
0x129: {  	v25 =	vadd.f32 v29, v25;
	v55 =	vmul.f32 v48, v6;
	v24 =	vmul.f32 v48, v8;
	v58 =	vld [tilespmem:s28+$0xC200]  }
0x12a: {  	v28 =	vadd.f32 v28, v53;
	v44 =	vmul.f32 v14, v11;
	v56 =	vmul.f32 v43, v10;
	v19 =	vld [tilespmem:s28+$0xB200];
	[tilespmem:s29+$0xD220] =	vst v31  }
0x12b: {  	v40 =	vadd.f32 v63, v25;
	v22 =	vmul.f32 v43, v7;
	v59 =	vmul.f32 v17, v10;
	v27 =	vld [tilespmem:s28+$0xC210]  }
0x12c: {  	v35 =	vmul.f32 v14, v6;
	v29 =	vadd.f32 v16, v57;
	v16 =	vadd.f32 v30, v26;
	v49 =	vld [tilespmem:s28+$0xC230]  }
0x12d: {  	v36 =	vmul.f32 v17, v5;
	v63 =	vadd.f32 v40, v0;
	v26 =	vadd.f32 v28, v1;
	v31 =	vld [tilespmem:s28+$0xC220];
	[tilespmem:s29+$0xDA30] =	vst v60  }
0x12e: {  	v41 =	vmul.f32 v43, v5;
	v20 =	vmul.f32 v12, v9;
	v28 =	vadd.f32 v16, v1;
	[tilespmem:s28+$0xEA00] =	vst v58  }
0x12f: {  	v24 =	vadd.f32 v24, v46;
	v16 =	vmul.f32 v33, v2;
	v47 =	vmul.f32 v18, v11;
	[tilespmem:s29+$0xD200] =	vst v26  }
0x130: {  	v61 =	vadd.f32 v55, v37;
	v37 =	vmul.f32 v18, v6;
	v48 =	vmul.f32 v21, v2;
	[tilespmem:s29+$0xD210] =	vst v28  }
0x131: {  	v39 =	vadd.f32 v44, v59;
	v25 =	vmul.f32 v23, v5;
	v32 =	vmul.f32 v19, v11;
	[tilespmem:s28+$0xEA30] =	vst v49  }
0x132: {  	v30 =	vadd.f32 v47, v56;
	v26 =	vmul.f32 v38, v2;
	v38 =	vadd.f32 v45, v4;
	[tilespmem:s29+$0xD230] =	vst v62  }
0x133: {  	s30 =	simm.s32 $0x200;
	v28 =	vmul.f32 v33, v9;
	v33 =	vmul.f32 v19, v8;
	v40 =	vadd.f32 v48, v61;
	[tilespmem:s29+$0xDA00] =	vst v63  }
.LBB2_7:
0x134: {  	s20 =	sshra.s32 s30, $0x2;
	p0 =	sne.s32 s30, $0x1F00;
	s30 =	sadd.s32 $0x100, s30;
	v42 =	vmul.f32 v23, v7;
	v34 =	vadd.f32 v34, v39;
	v35 =	vadd.f32 v35, v36;
	[tilespmem:s29+$0xCA00] =	vst v38  }
0x135: {  	s29 =	smov.u32 s28;
	v38 =	vld [tilespmem:s20+$0xBA30];
	v36 =	vadd.f32 v37, v41;
	v37 =	vmul.f32 v12, v2;
	v39 =	vadd.f32 v40, v0;
	[tilespmem:s28+$0xEA20] =	vst v31;
	s28 =	smov.u32 s20  }
0x136: {  	v23 =	vmul.f32 v23, v10;
	v31 =	vld [tilespmem:s28+$0xAA20];
	[tilespmem:s29+$0xEA10] =	vst v27;
	v27 =	vmul.f32 v21, v9;
	v34 =	vadd.f32 v34, v4  }
0x137: {  	v17 =	vmul.f32 v17, v7;
	v40 =	vld [tilespmem:s28+$0xBA00];
	v36 =	vadd.f32 v37, v36;
	[tilespmem:s29+$0xDA20] =	vst v39;
	v37 =	vmul.f32 v14, v8  }
0x138: {  	v18 =	vmul.f32 v18, v8;
	v32 =	vadd.f32 v32, v23;
	v39 =	vld [tilespmem:s28+$0xB220];
	v23 =	vadd.f32 v27, v29;
	[tilespmem:s29+$0xCA30] =	vst v34  }
0x139: {  	v21 =	vmul.f32 v21, v3;
	v14 =	vld [tilespmem:s28+$0xB230];
	v27 =	vadd.f32 v36, v0;
	v29 =	vadd.f32 v37, v17  }
0x13a: {  	v33 =	vadd.f32 v33, v42;
	v34 =	vadd.f32 v18, v22;
	v36 =	vmul.f32 v12, v3;
	v12 =	vld [tilespmem:s28+$0xBA10]  }
0x13b: {  	v20 =	vadd.f32 v20, v30;
	v22 =	vmul.f32 v38, v3;
	v23 =	vadd.f32 v23, v4;
	v41 =	vld [tilespmem:s28+$0xAA10]  }
0x13c: {  	v30 =	vmul.f32 v19, v6;
	v19 =	vadd.f32 v21, v24;
	v37 =	vadd.f32 v13, v29;
	v17 =	vld [tilespmem:s28+$0xAA30];
	[tilespmem:s29+$0xDA10] =	vst v27  }
0x13d: {  	v24 =	vadd.f32 v20, v4;
	v18 =	vld [tilespmem:s28+$0xB210];
	v29 =	vmul.f32 v39, v11;
	v42 =	vmul.f32 v39, v6;
	[tilespmem:s29+$0xCA20] =	vst v23  }
0x13e: {  	v45 =	vadd.f32 v28, v32;
	v43 =	vmul.f32 v40, v3;
	v13 =	vmovc v22;
	v23 =	vld [tilespmem:s28+$0xAA00];
	v44 =	vmul.f32 v14, v11  }
0x13f: {  	v28 =	vmul.f32 v39, v8;
	v20 =	vmul.f32 v12, v9;
	v21 =	vld [tilespmem:s28+$0xBA20];
	[tilespmem:s29+$0xCA10] =	vst v24;
	v24 =	vadd.f32 v19, v1  }
0x140: {  	v26 =	vadd.f32 v26, v35;
	v32 =	vmul.f32 v31, v10;
	v19 =	vld [tilespmem:s28+$0xB200];
	v39 =	vmul.f32 v41, v10  }
0x141: {  	v33 =	vadd.f32 v15, v33;
	v46 =	vmul.f32 v31, v7;
	v22 =	vmul.f32 v41, v7;
	v35 =	vld [tilespmem:s28+$0xC200];
	[tilespmem:s29+$0xD220] =	vst v24  }
0x142: {  	v25 =	vadd.f32 v30, v25;
	v47 =	vmul.f32 v31, v5;
	v15 =	vmovc v43;
	v48 =	vmul.f32 v17, v10;
	v27 =	vld [tilespmem:s28+$0xC210]  }
0x143: {  	v26 =	vadd.f32 v26, v0;
	v24 =	vadd.f32 v28, v46;
	v30 =	vmul.f32 v18, v11;
	v31 =	vld [tilespmem:s28+$0xC220]  }
0x144: {  	v36 =	vadd.f32 v36, v34;
	v29 =	vadd.f32 v29, v32;
	v43 =	vmul.f32 v21, v2;
	v28 =	vld [tilespmem:s28+$0xC230]  }
0x145: {  	v33 =	vadd.f32 v33, v1;
	v34 =	vmul.f32 v38, v9;
	v32 =	vmul.f32 v19, v11;
	[tilespmem:s29+$0xDA30] =	vst v26  }
0x146: {  	v42 =	vadd.f32 v42, v47;
	v46 =	vadd.f32 v36, v1;
	[tilespmem:s28+$0xEA00] =	vst v35;
	v35 =	vmul.f32 v14, v6  }
.Ltmp2:
0x147: {  	v30 =	vadd.f32 v30, v39;
	[tilespmem:s29+$0xD200] =	vst v33;
	v33 =	vadd.f32 v16, v25;
	v16 =	vmul.f32 v40, v2;
	(pc) =	sbr.rel @p0 .LBB2_7-.Ltmp2, $4  }
0x148: {  	v36 =	vmul.f32 v17, v5;
	v26 =	vmul.f32 v38, v2;
	[tilespmem:s29+$0xD210] =	vst v46;
	v46 =	vadd.f32 v37, v1  }
0x149: {  	v25 =	vmul.f32 v23, v5;
	v37 =	vmul.f32 v18, v6;
	[tilespmem:s28+$0xEA30] =	vst v28;
	v47 =	vadd.f32 v33, v0  }
0x14a: {  	v39 =	vadd.f32 v44, v48;
	v38 =	vadd.f32 v45, v4;
	v28 =	vmul.f32 v40, v9;
	[tilespmem:s29+$0xD230] =	vst v46  }
0x14b: {  	v41 =	vmul.f32 v41, v5;
	v33 =	vmul.f32 v19, v8;
	v40 =	vadd.f32 v43, v42;
	[tilespmem:s29+$0xDA00] =	vst v47  }
0x14c: {  	v42 =	vmul.f32 v23, v7;
	v34 =	vadd.f32 v34, v39;
	v49 =	vmul.f32 v23, v10  }
0x14d: {  	v35 =	vadd.f32 v35, v36;
	v50 =	vmul.f32 v21, v9;
	v17 =	vmul.f32 v17, v7  }
0x14e: {  	v14 =	vmul.f32 v14, v8;
	v20 =	vadd.f32 v20, v30;
	v46 =	vadd.f32 v37, v41  }
0x14f: {  	v18 =	vmul.f32 v18, v8;
	v48 =	vadd.f32 v40, v0;
	v34 =	vadd.f32 v34, v4  }
0x150: {  	[tilespmem:s29+$0xCA00] =	vst v38;
	v52 =	vmul.f32 v21, v3;
	v23 =	vadd.f32 v32, v49;
	v29 =	vadd.f32 v50, v29  }
0x151: {  	[tilespmem:s28+$0xEA20] =	vst v31;
	v14 =	vadd.f32 v14, v17;
	v53 =	vadd.f32 v33, v42  }
0x152: {  	v19 =	vmul.f32 v19, v6;
	[tilespmem:s28+$0xEA10] =	vst v27;
	v18 =	vadd.f32 v18, v22;
	v21 =	vadd.f32 v52, v24  }
0x153: {  	v47 =	vmul.f32 v12, v2;
	v20 =	vadd.f32 v20, v4;
	v56 =	vadd.f32 v26, v35;
	[tilespmem:s28+$0xDA20] =	vst v48  }
0x154: {  	v57 =	vadd.f32 v19, v25;
	[tilespmem:s28+$0xCA30] =	vst v34;
	v54 =	vadd.f32 v29, v4  }
0x155: {  	v55 =	vmul.f32 v12, v3;
	v36 =	vadd.f32 v47, v46;
	v21 =	vadd.f32 v21, v1;
	[tilespmem:s28+$0xCA10] =	vst v20  }
0x156: {  	v15 =	vadd.f32 v15, v53;
	v58 =	vadd.f32 v56, v0;
	[tilespmem:s28+$0xCA20] =	vst v54  }
0x157: {  	v12 =	vadd.f32 v55, v18;
	v51 =	vadd.f32 v36, v0;
	[tilespmem:s28+$0xD220] =	vst v21  }
0x158: {  	v13 =	vadd.f32 v13, v14;
	v59 =	vadd.f32 v15, v1;
	[tilespmem:s28+$0xDA30] =	vst v58  }
0x159: {  	v60 =	vadd.f32 v16, v57;
	v12 =	vadd.f32 v12, v1;
	[tilespmem:s28+$0xDA10] =	vst v51  }
0x15a: {  	v61 =	vadd.f32 v28, v23;
	v13 =	vadd.f32 v13, v1;
	[tilespmem:s28+$0xD200] =	vst v59  }
0x15b: {  	v62 =	vadd.f32 v60, v0;
	[tilespmem:s28+$0xD210] =	vst v12  }
0x15c: {  	v63 =	vadd.f32 v61, v4;
	[tilespmem:s28+$0xD230] =	vst v13  }
0x15d: {  	[tilespmem:s28+$0xDA00] =	vst v62  }
0x15e: {  	s20 =	simm.s32 $0xCA00;
	[tilespmem:s28+$0xCA00] =	vst v63  }
0x15f: {  	[spmem:s3] =	stream.indirect.scatter.add.f32 [tilespmem:s20], [sflag:$0x3], $0x1, s22, s5, $0xb8;
	[tilespmem:$0xFA80] =	vst v63  }
0x160: {  	s28 =	simm.s32 $0xD200  }
0x161: {  	[spmem:s4] =	stream.indirect.scatter.add.f32 [tilespmem:s28], [sflag:$0x3], $0x1, s22, s5, $0xb8;
	[tilespmem:$0xFA80] =	vst v63  }
0x162: {  	s28 =	sadd.s32 s26, s21  }
0x163: {  	s29 =	simm.s32 $0xDA00;
	s20 =	smin.u32 s28, $0xC340  }
0x164: {  	[spmem:s6] =	stream.indirect.scatter.add.f32 [tilespmem:s29], [sflag:$0x3], $0x1, s22, s5, $0xb8;
	[tilespmem:$0xFA80] =	vst v63  }
0x165: {  	s30 =	simm.s32 $0xE200;
	s20 =	sshll.u32 s20, $0x4  }
0x166: {  	[spmem:s7] =	stream.indirect.scatter.add.f32 [tilespmem:s30], [sflag:$0x3], $0x1, s22, s5, $0xb8;
	[tilespmem:$0xFA80] =	vst v63  }
0x167: {  	s12 =	sadd.s32 $0x1, s12;
	s29 =	simm.s32 $0xAA00;
	s26 =	sadd.s32 s0, s20  }
0x168: {  	[tilespmem:s29], [sflag:$0x5] =	stream.linear.gather [hbm4b:s26+s8], $0x800, $0x38;
	[tilespmem:$0xFA80] =	vst v63  }
0x169: {  	p0 =	sne.s32 s12, $0x30;
	s28 =	sadd.s32 $0xC3500, s26;
	s30 =	simm.s32 $0xB200  }
0x16a: {  	[tilespmem:s30], [sflag:$0x5] =	stream.linear.gather [hbm4b:s28+s8], $0x800, $0x38;
	[tilespmem:$0xFA80] =	vst v63  }
.Ltmp3:
0x16b: {  	_ = 	snop;
	(pc) =	sbr.rel @p0 .LBB2_4-.Ltmp3, $4  }
0x16c: {  	s26 =	sadd.s32 $0x186A00, s26;
	s29 =	simm.s32 $0xBA00  }
0x16d: {  	[tilespmem:s29], [sflag:$0x5] =	stream.linear.gather [hbm4b:s26+s8], $0x800, $0x38;
	[tilespmem:$0xFA80] =	vst v63  }
0x16e: {  	s20 =	sadd.s32 s1, s20;
	s30 =	simm.s32 $0xC200  }
0x16f: {  	[tilespmem:s30], [sflag:$0x5] =	stream.linear.gather [hbm4b:s20+s8], $0x800, $0x38;
	[tilespmem:$0xFA80] =	vst v63  }
0x170: {  	_ =	swait.ge [sflag:s2], $0x800  }
0x171: {  	[sflag:s2] =	ssyncset.done $0x0  }
0x172: {  	[sflag:s2] =	ssyncadd.s32 $0xFFFFF800  }
0x173: {  	_ =	swait.ge [sflag:s2], $0x800  }
0x174: {  	[sflag:s2] =	ssyncset.done $0x0  }
0x175: {  	[sflag:s2] =	ssyncadd.s32 $0xFFFFF800  }
0x176: {  	_ =	swait.ge [sflag:s2], $0x800  }
0x177: {  	[sflag:s2] =	ssyncset.done $0x0  }
0x178: {  	[sflag:s2] =	ssyncadd.s32 $0xFFFFF800  }
0x179: {  	_ =	swait.ge [sflag:s2], $0x800  }
0x17a: {  	[sflag:s2] =	ssyncset.done $0x0  }
0x17b: {  	[sflag:s2] =	ssyncadd.s32 $0xFFFFF800  }
0x17c: {  	_ =	swait.ge [sflag:s18], $0x800  }
0x17d: {  	[sflag:s18] =	ssyncset.done $0x0  }
0x17e: {  	[sflag:s18] =	ssyncadd.s32 $0xFFFFF800  }
0x17f: {  	_ =	swait.ge [sflag:s18], $0x800  }
0x180: {  	[sflag:s18] =	ssyncset.done $0x0  }
0x181: {  	[sflag:s18] =	ssyncadd.s32 $0xFFFFF800  }
0x182: {  	_ =	swait.ge [sflag:s18], $0x800  }
0x183: {  	[sflag:s18] =	ssyncset.done $0x0  }
0x184: {  	[sflag:s18] =	ssyncadd.s32 $0xFFFFF800  }
0x185: {  	_ =	swait.ge [sflag:s18], $0x800  }
0x186: {  	[sflag:s18] =	ssyncset.done $0x0  }
0x187: {  	[sflag:s18] =	ssyncadd.s32 $0xFFFFF800  }
0x188: {  	_ =	swait.ge [sflag:s15], $0x800  }
0x189: {  	[sflag:s15] =	ssyncset.done $0x0  }
0x18a: {  	[sflag:s15] =	ssyncadd.s32 $0xFFFFF800  }
0x18b: {  	_ =	swait.ge [sflag:s15], $0x800  }
0x18c: {  	[sflag:s15] =	ssyncset.done $0x0  }
0x18d: {  	[sflag:s15] =	ssyncadd.s32 $0xFFFFF800  }
0x18e: {  	_ =	swait.ge [sflag:s15], $0x800  }
0x18f: {  	[sflag:s15] =	ssyncset.done $0x0  }
0x190: {  	[sflag:s15] =	ssyncadd.s32 $0xFFFFF800  }
0x191: {  	_ =	swait.ge [sflag:s15], $0x800  }
0x192: {  	[sflag:s15] =	ssyncset.done $0x0  }
0x193: {  	s12 =	simm.s32 $0x3;
	[sflag:s15] =	ssyncadd.s32 $0xFFFFF800  }
0x194: {  	_ =	swait.ge [sflag:s12], $0x800  }
0x195: {  	[sflag:s12] =	ssyncset.done $0x0  }
0x196: {  	[sflag:s12] =	ssyncadd.s32 $0xFFFFF800  }
0x197: {  	_ =	swait.ge [sflag:s12], $0x800  }
0x198: {  	[sflag:s12] =	ssyncset.done $0x0  }
0x199: {  	[sflag:s12] =	ssyncadd.s32 $0xFFFFF800  }
0x19a: {  	_ =	swait.ge [sflag:s12], $0x800  }
0x19b: {  	[sflag:s12] =	ssyncset.done $0x0  }
0x19c: {  	[sflag:s12] =	ssyncadd.s32 $0xFFFFF800  }
0x19d: {  	_ =	swait.ge [sflag:s12], $0x800  }
0x19e: {  	[sflag:s12] =	ssyncset.done $0x0;
	s20 =	rddreg [dreg:$0x15]  }
0x19f: {  	s26 =	sld [smem:$0x7FC];
	[sflag:s12] =	ssyncadd.s32 $0xFFFFF800;
	s12 =	simm.s32 $0x0  }
0x1a0: {  	[tilespmem:s17], [sflag:$0x1] =	stream.linear.gather [hbm4b:s20+s12], $0x800, $0x38;
	[tilespmem:$0xFA80] =	vst v63  }
0x1a1: {  	s29 =	sld [smem:$0x7FD]  }
0x1a2: {  	[tilespmem:s19], [sflag:$0x1] =	stream.linear.gather [hbm4b:s26+s12], $0x800, $0x38;
	[tilespmem:$0xFA80] =	vst v63  }
0x1a3: {  	_ = 	snop  }
0x1a4: {  	[tilespmem:s23], [sflag:$0x1] =	stream.linear.gather [hbm4b:s29+s12], $0x800, $0x38;
	[tilespmem:$0xFA80] =	vst v63  }
0x1a5: {  	s30 =	rddreg [dreg:$0x16]  }
0x1a6: {  	[tilespmem:s25], [sflag:$0x1] =	stream.linear.gather [hbm4b:s30+s12], $0x800, $0x38;
	[tilespmem:$0xFA80] =	vst v63  }
0x1a7: {  	_ =	swait.ge [sflag:s24], $0x800  }
0x1a8: {  	[sflag:s24] =	ssyncset.done $0x0  }
0x1a9: {  	[sflag:s24] =	ssyncadd.s32 $0xFFFFF800  }
0x1aa: {  	_ =	swait.ge [sflag:s24], $0x800  }
0x1ab: {  	[sflag:s24] =	ssyncset.done $0x0  }
0x1ac: {  	[sflag:s24] =	ssyncadd.s32 $0xFFFFF800  }
0x1ad: {  	_ =	swait.ge [sflag:s24], $0x800  }
0x1ae: {  	[sflag:s24] =	ssyncset.done $0x0  }
0x1af: {  	[sflag:s24] =	ssyncadd.s32 $0xFFFFF800  }
0x1b0: {  	_ =	swait.ge [sflag:s24], $0x800  }
0x1b1: {  	[sflag:s24] =	ssyncset.done $0x0  }
0x1b2: {  	s26 =	simm.s32 $0x0;
	[sflag:s24] =	ssyncadd.s32 $0xFFFFF800  }
0x1b3: {  	v12 =	vld [tilespmem:s26+$0x7230]  }
0x1b4: {  	v13 =	vld [tilespmem:s26+$0x6220]  }
0x1b5: {  	v14 =	vld [tilespmem:s26+$0x7200]  }
0x1b6: {  	v15 =	vld [tilespmem:s26+$0x6A20]  }
0x1b7: {  	v16 =	vld [tilespmem:s26+$0x6A30]  }
0x1b8: {  	v19 =	vld [tilespmem:s26+$0x7210]  }
0x1b9: {  	v17 =	vld [tilespmem:s26+$0x6210]  }
0x1ba: {  	v18 =	vld [tilespmem:s26+$0x6230]  }
0x1bb: {  	v22 =	vld [tilespmem:s26+$0x7220]  }
0x1bc: {  	v23 =	vld [tilespmem:s26+$0x7A00];
	v24 =	vmul.f32 v12, v3;
	v25 =	vmul.f32 v15, v11  }
0x1bd: {  	v26 =	vld [tilespmem:s26+$0x7A30];
	v27 =	vmul.f32 v15, v6;
	v28 =	vmul.f32 v14, v3  }
0x1be: {  	v29 =	vld [tilespmem:s26+$0x6A00];
	v30 =	vmul.f32 v16, v11;
	v31 =	vmul.f32 v19, v9  }
0x1bf: {  	v15 =	vmul.f32 v15, v8;
	v34 =	vmul.f32 v13, v5  }
0x1c0: {  	v21 =	vld [tilespmem:s26+$0x6200];
	v35 =	vmul.f32 v17, v10;
	v36 =	vmul.f32 v13, v10  }
0x1c1: {  	[tilespmem:s26+$0xA200] =	vst v23;
	v23 =	vmul.f32 v18, v10;
	v37 =	vmul.f32 v22, v2  }
0x1c2: {  	v20 =	vld [tilespmem:s26+$0x6A10];
	[tilespmem:s26+$0xA230] =	vst v26;
	v26 =	vmul.f32 v17, v7;
	v13 =	vmul.f32 v13, v7  }
0x1c3: {  	v32 =	vld [tilespmem:s26+$0x7A20];
	v46 =	vmul.f32 v12, v9;
	v47 =	vmul.f32 v29, v11  }
0x1c4: {  	v39 =	vmul.f32 v16, v6;
	v17 =	vmul.f32 v17, v5  }
0x1c5: {  	v49 =	vmul.f32 v18, v5;
	v51 =	vmul.f32 v21, v10  }
0x1c6: {  	v18 =	vmul.f32 v18, v7;
	v16 =	vmul.f32 v16, v8;
	v27 =	vadd.f32 v27, v34  }
0x1c7: {  	s12 =	simm.s32 $0x40;
	v33 =	vld [tilespmem:s26+$0x7A10];
	v23 =	vadd.f32 v30, v23;
	v30 =	vmul.f32 v20, v11;
	v15 =	vadd.f32 v15, v13  }
0x1c8: {  	v38 =	vld [tilespmem:s12+$0x7230];
	[tilespmem:s26+$0xA220] =	vst v32;
	v13 =	vmul.f32 v20, v6;
	v34 =	vadd.f32 v39, v49;
	v32 =	vadd.f32 v47, v51  }
0x1c9: {  	v20 =	vmul.f32 v20, v8;
	v16 =	vadd.f32 v16, v18;
	v27 =	vadd.f32 v37, v27  }
0x1ca: {  	v40 =	vmul.f32 v14, v2;
	v23 =	vadd.f32 v46, v23;
	v30 =	vadd.f32 v30, v35  }
0x1cb: {  	v50 =	vmul.f32 v14, v9;
	v26 =	vadd.f32 v20, v26;
	v27 =	vadd.f32 v27, v0  }
0x1cc: {  	v42 =	vmul.f32 v22, v9;
	v48 =	vld [tilespmem:s12+$0x6220];
	[tilespmem:s26+$0xA210] =	vst v33;
	v54 =	vadd.f32 v24, v16;
	v23 =	vadd.f32 v23, v4  }
0x1cd: {  	v33 =	vld [tilespmem:s12+$0x7200];
	[tilespmem:s26+$0x9220] =	vst v27;
	v27 =	vmul.f32 v12, v2;
	v12 =	vadd.f32 v13, v17;
	v13 =	vmul.f32 v19, v2  }
0x1ce: {  	v45 =	vadd.f32 v50, v32;
	v17 =	vadd.f32 v25, v36;
	v25 =	vmul.f32 v21, v5  }
0x1cf: {  	v21 =	vmul.f32 v21, v7;
	v41 =	vld [tilespmem:s12+$0x6A20];
	[tilespmem:s26+$0x8230] =	vst v23;
	v23 =	vmul.f32 v29, v8;
	v13 =	vadd.f32 v13, v12  }
0x1d0: {  	v22 =	vmul.f32 v22, v3;
	v62 =	vadd.f32 v54, v1;
	v14 =	vld [tilespmem:s12+$0x6A30];
	v42 =	vadd.f32 v42, v17  }
0x1d1: {  	v57 =	vmul.f32 v48, v10;
	v12 =	vld [tilespmem:s12+$0x7210];
	v53 =	vadd.f32 v23, v21;
	v13 =	vadd.f32 v13, v0  }
0x1d2: {  	v46 =	vmul.f32 v48, v7;
	v43 =	vld [tilespmem:s12+$0x6210];
	v21 =	vadd.f32 v31, v30;
	v52 =	vadd.f32 v42, v4  }
0x1d3: {  	v37 =	vmul.f32 v48, v5;
	v29 =	vmul.f32 v29, v6;
	v17 =	vld [tilespmem:s12+$0x6230];
	v34 =	vadd.f32 v27, v34;
	[tilespmem:s26+$0x9210] =	vst v13  }
0x1d4: {  	v30 =	vmul.f32 v19, v3;
	v19 =	vadd.f32 v22, v15;
	v20 =	vadd.f32 v21, v4;
	v18 =	vld [tilespmem:s12+$0x6A10];
	[tilespmem:s26+$0x8220] =	vst v52  }
0x1d5: {  	v15 =	vmul.f32 v33, v3;
	v60 =	vadd.f32 v34, v0;
	v34 =	vmul.f32 v38, v9;
	v23 =	vld [tilespmem:s12+$0x6200]  }
0x1d6: {  	v31 =	vadd.f32 v19, v1;
	v13 =	vmul.f32 v38, v3;
	v16 =	vmul.f32 v41, v11;
	v21 =	vld [tilespmem:s12+$0x7220];
	[tilespmem:s26+$0x8210] =	vst v20  }
0x1d7: {  	v25 =	vadd.f32 v29, v25;
	v55 =	vmul.f32 v41, v6;
	v24 =	vmul.f32 v41, v8;
	v58 =	vld [tilespmem:s12+$0x7A00]  }
0x1d8: {  	v28 =	vadd.f32 v28, v53;
	v44 =	vmul.f32 v14, v11;
	v56 =	vmul.f32 v43, v10;
	v19 =	vld [tilespmem:s12+$0x6A00];
	[tilespmem:s26+$0x8A20] =	vst v31  }
0x1d9: {  	v40 =	vadd.f32 v40, v25;
	v22 =	vmul.f32 v43, v7;
	v59 =	vmul.f32 v17, v10;
	v27 =	vld [tilespmem:s12+$0x7A10]  }
0x1da: {  	v35 =	vmul.f32 v14, v6;
	v29 =	vadd.f32 v16, v57;
	v16 =	vadd.f32 v30, v26;
	v49 =	vld [tilespmem:s12+$0x7A30]  }
0x1db: {  	v36 =	vmul.f32 v17, v5;
	v63 =	vadd.f32 v40, v0;
	v26 =	vadd.f32 v28, v1;
	v31 =	vld [tilespmem:s12+$0x7A20];
	[tilespmem:s26+$0x9230] =	vst v60  }
0x1dc: {  	v41 =	vmul.f32 v43, v5;
	v20 =	vmul.f32 v12, v9;
	v28 =	vadd.f32 v16, v1;
	[tilespmem:s12+$0xA200] =	vst v58  }
0x1dd: {  	v24 =	vadd.f32 v24, v46;
	v16 =	vmul.f32 v33, v2;
	v47 =	vmul.f32 v18, v11;
	[tilespmem:s26+$0x8A00] =	vst v26  }
0x1de: {  	v61 =	vadd.f32 v55, v37;
	v37 =	vmul.f32 v18, v6;
	v48 =	vmul.f32 v21, v2;
	[tilespmem:s26+$0x8A10] =	vst v28  }
0x1df: {  	v39 =	vadd.f32 v44, v59;
	v25 =	vmul.f32 v23, v5;
	v32 =	vmul.f32 v19, v11;
	[tilespmem:s12+$0xA230] =	vst v49  }
0x1e0: {  	v30 =	vadd.f32 v47, v56;
	v26 =	vmul.f32 v38, v2;
	v38 =	vadd.f32 v45, v4;
	[tilespmem:s26+$0x8A30] =	vst v62  }
0x1e1: {  	s28 =	simm.s32 $0x200;
	v28 =	vmul.f32 v33, v9;
	v33 =	vmul.f32 v19, v8;
	v40 =	vadd.f32 v48, v61;
	[tilespmem:s26+$0x9200] =	vst v63  }
.LBB2_10:
0x1e2: {  	s20 =	sshra.s32 s28, $0x2;
	p0 =	sne.s32 s28, $0x1F00;
	s28 =	sadd.s32 $0x100, s28;
	v42 =	vmul.f32 v23, v7;
	v34 =	vadd.f32 v34, v39;
	v35 =	vadd.f32 v35, v36;
	[tilespmem:s26+$0x8200] =	vst v38  }
0x1e3: {  	s26 =	smov.u32 s12;
	v38 =	vld [tilespmem:s20+$0x7230];
	v36 =	vadd.f32 v37, v41;
	v37 =	vmul.f32 v12, v2;
	v39 =	vadd.f32 v40, v0;
	[tilespmem:s12+$0xA220] =	vst v31;
	s12 =	smov.u32 s20  }
0x1e4: {  	v23 =	vmul.f32 v23, v10;
	v31 =	vld [tilespmem:s12+$0x6220];
	[tilespmem:s26+$0xA210] =	vst v27;
	v27 =	vmul.f32 v21, v9;
	v34 =	vadd.f32 v34, v4  }
0x1e5: {  	v17 =	vmul.f32 v17, v7;
	v40 =	vld [tilespmem:s12+$0x7200];
	v36 =	vadd.f32 v37, v36;
	[tilespmem:s26+$0x9220] =	vst v39;
	v37 =	vmul.f32 v14, v8  }
0x1e6: {  	v18 =	vmul.f32 v18, v8;
	v32 =	vadd.f32 v32, v23;
	v39 =	vld [tilespmem:s12+$0x6A20];
	v23 =	vadd.f32 v27, v29;
	[tilespmem:s26+$0x8230] =	vst v34  }
0x1e7: {  	v21 =	vmul.f32 v21, v3;
	v14 =	vld [tilespmem:s12+$0x6A30];
	v27 =	vadd.f32 v36, v0;
	v29 =	vadd.f32 v37, v17  }
0x1e8: {  	v33 =	vadd.f32 v33, v42;
	v34 =	vadd.f32 v18, v22;
	v36 =	vmul.f32 v12, v3;
	v12 =	vld [tilespmem:s12+$0x7210]  }
0x1e9: {  	v20 =	vadd.f32 v20, v30;
	v22 =	vmul.f32 v38, v3;
	v23 =	vadd.f32 v23, v4;
	v41 =	vld [tilespmem:s12+$0x6210]  }
0x1ea: {  	v30 =	vmul.f32 v19, v6;
	v19 =	vadd.f32 v21, v24;
	v37 =	vadd.f32 v13, v29;
	v17 =	vld [tilespmem:s12+$0x6230];
	[tilespmem:s26+$0x9210] =	vst v27  }
0x1eb: {  	v24 =	vadd.f32 v20, v4;
	v18 =	vld [tilespmem:s12+$0x6A10];
	v29 =	vmul.f32 v39, v11;
	v42 =	vmul.f32 v39, v6;
	[tilespmem:s26+$0x8220] =	vst v23  }
0x1ec: {  	v45 =	vadd.f32 v28, v32;
	v43 =	vmul.f32 v40, v3;
	v13 =	vmovc v22;
	v23 =	vld [tilespmem:s12+$0x6200];
	v44 =	vmul.f32 v14, v11  }
0x1ed: {  	v28 =	vmul.f32 v39, v8;
	v20 =	vmul.f32 v12, v9;
	v21 =	vld [tilespmem:s12+$0x7220];
	[tilespmem:s26+$0x8210] =	vst v24;
	v24 =	vadd.f32 v19, v1  }
0x1ee: {  	v26 =	vadd.f32 v26, v35;
	v32 =	vmul.f32 v31, v10;
	v19 =	vld [tilespmem:s12+$0x6A00];
	v39 =	vmul.f32 v41, v10  }
0x1ef: {  	v33 =	vadd.f32 v15, v33;
	v46 =	vmul.f32 v31, v7;
	v22 =	vmul.f32 v41, v7;
	v35 =	vld [tilespmem:s12+$0x7A00];
	[tilespmem:s26+$0x8A20] =	vst v24  }
0x1f0: {  	v25 =	vadd.f32 v30, v25;
	v47 =	vmul.f32 v31, v5;
	v15 =	vmovc v43;
	v48 =	vmul.f32 v17, v10;
	v27 =	vld [tilespmem:s12+$0x7A10]  }
0x1f1: {  	v26 =	vadd.f32 v26, v0;
	v24 =	vadd.f32 v28, v46;
	v30 =	vmul.f32 v18, v11;
	v31 =	vld [tilespmem:s12+$0x7A20]  }
0x1f2: {  	v36 =	vadd.f32 v36, v34;
	v29 =	vadd.f32 v29, v32;
	v43 =	vmul.f32 v21, v2;
	v28 =	vld [tilespmem:s12+$0x7A30]  }
0x1f3: {  	v33 =	vadd.f32 v33, v1;
	v34 =	vmul.f32 v38, v9;
	v32 =	vmul.f32 v19, v11;
	[tilespmem:s26+$0x9230] =	vst v26  }
0x1f4: {  	v42 =	vadd.f32 v42, v47;
	v46 =	vadd.f32 v36, v1;
	[tilespmem:s12+$0xA200] =	vst v35;
	v35 =	vmul.f32 v14, v6  }
.Ltmp4:
0x1f5: {  	v30 =	vadd.f32 v30, v39;
	[tilespmem:s26+$0x8A00] =	vst v33;
	v33 =	vadd.f32 v16, v25;
	v16 =	vmul.f32 v40, v2;
	(pc) =	sbr.rel @p0 .LBB2_10-.Ltmp4, $4  }
0x1f6: {  	v36 =	vmul.f32 v17, v5;
	v26 =	vmul.f32 v38, v2;
	[tilespmem:s26+$0x8A10] =	vst v46;
	v46 =	vadd.f32 v37, v1  }
0x1f7: {  	v25 =	vmul.f32 v23, v5;
	v37 =	vmul.f32 v18, v6;
	[tilespmem:s12+$0xA230] =	vst v28;
	v47 =	vadd.f32 v33, v0  }
0x1f8: {  	v39 =	vadd.f32 v44, v48;
	v38 =	vadd.f32 v45, v4;
	v28 =	vmul.f32 v40, v9;
	[tilespmem:s26+$0x8A30] =	vst v46  }
0x1f9: {  	v41 =	vmul.f32 v41, v5;
	v33 =	vmul.f32 v19, v8;
	v40 =	vadd.f32 v43, v42;
	[tilespmem:s26+$0x9200] =	vst v47  }
0x1fa: {  	v42 =	vmul.f32 v23, v7;
	v34 =	vadd.f32 v34, v39;
	v23 =	vmul.f32 v23, v10  }
0x1fb: {  	v35 =	vadd.f32 v35, v36;
	v56 =	vmul.f32 v21, v9;
	v17 =	vmul.f32 v17, v7  }
0x1fc: {  	v14 =	vmul.f32 v14, v8;
	v20 =	vadd.f32 v20, v30;
	v53 =	vadd.f32 v37, v41  }
0x1fd: {  	v18 =	vmul.f32 v18, v8;
	v55 =	vadd.f32 v40, v0;
	v34 =	vadd.f32 v34, v4  }
0x1fe: {  	[tilespmem:s26+$0x8200] =	vst v38;
	v21 =	vmul.f32 v21, v3;
	v23 =	vadd.f32 v32, v23;
	v29 =	vadd.f32 v56, v29  }
0x1ff: {  	[tilespmem:s12+$0xA220] =	vst v31;
	v14 =	vadd.f32 v14, v17;
	v17 =	vadd.f32 v33, v42  }
0x200: {  	v54 =	vmul.f32 v12, v2;
	[tilespmem:s12+$0xA210] =	vst v27;
	v18 =	vadd.f32 v18, v22;
	v21 =	vadd.f32 v21, v24  }
0x201: {  	v20 =	vadd.f32 v20, v4;
	v24 =	vadd.f32 v26, v35;
	[tilespmem:s12+$0x9220] =	vst v55  }
0x202: {  	v19 =	vmul.f32 v19, v6;
	v36 =	vadd.f32 v54, v53;
	[tilespmem:s12+$0x8230] =	vst v34;
	v22 =	vadd.f32 v29, v4  }
0x203: {  	v12 =	vmul.f32 v12, v3;
	v21 =	vadd.f32 v21, v1;
	v15 =	vadd.f32 v15, v17;
	[tilespmem:s12+$0x8210] =	vst v20  }
0x204: {  	v17 =	vadd.f32 v19, v25;
	v19 =	vadd.f32 v24, v0;
	[tilespmem:s12+$0x8220] =	vst v22  }
0x205: {  	v12 =	vadd.f32 v12, v18;
	v31 =	vadd.f32 v36, v0;
	[tilespmem:s12+$0x8A20] =	vst v21  }
0x206: {  	v13 =	vadd.f32 v13, v14;
	v14 =	vadd.f32 v15, v1;
	[tilespmem:s12+$0x9230] =	vst v19  }
0x207: {  	v12 =	vadd.f32 v12, v1;
	v15 =	vadd.f32 v16, v17;
	[tilespmem:s12+$0x9210] =	vst v31  }
0x208: {  	v16 =	vadd.f32 v28, v23;
	v13 =	vadd.f32 v13, v1;
	[tilespmem:s12+$0x8A00] =	vst v14  }
0x209: {  	[tilespmem:s12+$0x8A10] =	vst v12;
	v12 =	vadd.f32 v15, v0  }
0x20a: {  	v14 =	vadd.f32 v16, v4;
	[tilespmem:s12+$0x8A30] =	vst v13  }
0x20b: {  	[tilespmem:s12+$0x9200] =	vst v12  }
0x20c: {  	[tilespmem:s12+$0x8200] =	vst v14  }
0x20d: {  	[spmem:s3] =	stream.indirect.scatter.add.f32 [tilespmem:s10], [sflag:$0x2], $0x1, s9, s5, $0xb8;
	[tilespmem:$0xFA80] =	vst v63  }
0x20e: {  	_ = 	snop  }
0x20f: {  	[spmem:s4] =	stream.indirect.scatter.add.f32 [tilespmem:s13], [sflag:$0x2], $0x1, s9, s5, $0xb8;
	[tilespmem:$0xFA80] =	vst v63  }
0x210: {  	_ = 	snop  }
0x211: {  	[spmem:s6] =	stream.indirect.scatter.add.f32 [tilespmem:s14], [sflag:$0x2], $0x1, s9, s5, $0xb8;
	[tilespmem:$0xFA80] =	vst v63  }
0x212: {  	_ = 	snop  }
0x213: {  	[spmem:s7] =	stream.indirect.scatter.add.f32 [tilespmem:s16], [sflag:$0x2], $0x1, s9, s5, $0xb8;
	[tilespmem:$0xFA80] =	vst v63  }
0x214: {  	_ =	swait.ge [sflag:s15], $0x800  }
0x215: {  	[sflag:s15] =	ssyncset.done $0x0  }
0x216: {  	[sflag:s15] =	ssyncadd.s32 $0xFFFFF800  }
0x217: {  	_ =	swait.ge [sflag:s15], $0x800  }
0x218: {  	[sflag:s15] =	ssyncset.done $0x0  }
0x219: {  	[sflag:s15] =	ssyncadd.s32 $0xFFFFF800  }
0x21a: {  	_ =	swait.ge [sflag:s15], $0x800  }
0x21b: {  	s28 =	rddreg [dreg:$0x1d]  }
0x21c: {  	[sflag:s15] =	ssyncset.done $0x0;
	p0 =	slt.s32 s28, $0xC34F;
	s12 =	smov.u32 s28  }
0x21d: {  	[sflag:s15] =	ssyncadd.s32 $0xFFFFF800;
	s12 =	simm.s32 @!p0 $0xC34F  }
0x21e: {  	_ =	swait.ge [sflag:s15], $0x800;
	s12 =	sshll.u32 s12, $0x4  }
0x21f: {  	[sflag:s15] =	ssyncset.done $0x0;
	s12 =	sand.u32 $0x1FFFFFF0, s12  }
0x220: {  	[sflag:s15] =	ssyncadd.s32 $0xFFFFF800;
	s20 =	sadd.s32 s0, s12  }
0x221: {  	[tilespmem:s17], [sflag:$0x1] =	stream.linear.gather [hbm4b:s20+s8], $0x80, $0x38;
	[tilespmem:$0xFA80] =	vst v63  }
0x222: {  	s29 =	sadd.s32 $0xC3500, s20  }
0x223: {  	[tilespmem:s19], [sflag:$0x1] =	stream.linear.gather [hbm4b:s29+s8], $0x80, $0x38;
	[tilespmem:$0xFA80] =	vst v63  }
0x224: {  	s20 =	sadd.s32 $0x186A00, s20  }
0x225: {  	[tilespmem:s23], [sflag:$0x1] =	stream.linear.gather [hbm4b:s20+s8], $0x80, $0x38;
	[tilespmem:$0xFA80] =	vst v63  }
0x226: {  	s12 =	sadd.s32 s1, s12  }
0x227: {  	[tilespmem:s25], [sflag:$0x1] =	stream.linear.gather [hbm4b:s12+s8], $0x80, $0x38;
	[tilespmem:$0xFA80] =	vst v63  }
0x228: {  	_ =	swait.ge [sflag:s24], $0x80  }
0x229: {  	[sflag:s24] =	ssyncset.done $0x0  }
0x22a: {  	[sflag:s24] =	ssyncadd.s32 $0xFFFFFF80  }
0x22b: {  	_ =	swait.ge [sflag:s24], $0x80  }
0x22c: {  	[sflag:s24] =	ssyncset.done $0x0  }
0x22d: {  	[sflag:s24] =	ssyncadd.s32 $0xFFFFFF80  }
0x22e: {  	_ =	swait.ge [sflag:s24], $0x80  }
0x22f: {  	[sflag:s24] =	ssyncset.done $0x0  }
0x230: {  	[sflag:s24] =	ssyncadd.s32 $0xFFFFFF80  }
0x231: {  	_ =	swait.ge [sflag:s24], $0x80  }
0x232: {  	[sflag:s24] =	ssyncset.done $0x0  }
0x233: {  	[sflag:s24] =	ssyncadd.s32 $0xFFFFFF80  }
0x234: {  	v12 =	vld [tilespmem:$0x7270]  }
0x235: {  	v13 =	vld [tilespmem:$0x6A70]  }
0x236: {  	v14 =	vld [tilespmem:$0x6270]  }
0x237: {  	v15 =	vld [tilespmem:$0x6200]  }
0x238: {  	v16 =	vld [tilespmem:$0x6A00]  }
0x239: {  	v17 =	vld [tilespmem:$0x6A20];
	v18 =	vmul.f32 v12, v9;
	v19 =	vmul.f32 v12, v2  }
0x23a: {  	v20 =	vmul.f32 v13, v11;
	v21 =	vmul.f32 v12, v3  }
0x23b: {  	v12 =	vmul.f32 v14, v10;
	v23 =	vmul.f32 v13, v6  }
0x23c: {  	v22 =	vld [tilespmem:$0x7200];
	v24 =	vmul.f32 v15, v5;
	v25 =	vmul.f32 v14, v7  }
0x23d: {  	v26 =	vmul.f32 v16, v11;
	v27 =	vmul.f32 v15, v7  }
0x23e: {  	v28 =	vmul.f32 v16, v8;
	v29 =	vmul.f32 v17, v6  }
0x23f: {  	v31 =	vmul.f32 v17, v8;
	v14 =	vmul.f32 v14, v5  }
0x240: {  	v30 =	vld [tilespmem:$0x6220];
	v16 =	vmul.f32 v16, v6;
	v13 =	vmul.f32 v13, v8  }
0x241: {  	v57 =	vmul.f32 v22, v2;
	v12 =	vadd.f32 v20, v12;
	v14 =	vadd.f32 v23, v14  }
0x242: {  	v17 =	vmul.f32 v17, v11;
	v20 =	vld [tilespmem:$0x6210];
	v58 =	vadd.f32 v16, v24;
	v13 =	vadd.f32 v13, v25  }
0x243: {  	v23 =	vld [tilespmem:$0x6A10];
	v12 =	vadd.f32 v18, v12;
	v18 =	vadd.f32 v28, v27;
	v27 =	vmul.f32 v22, v3  }
0x244: {  	v15 =	vmul.f32 v15, v10;
	v14 =	vadd.f32 v19, v14;
	v13 =	vadd.f32 v21, v13  }
0x245: {  	v28 =	vmul.f32 v30, v10;
	v33 =	vadd.f32 v57, v58;
	v18 =	vadd.f32 v27, v18  }
0x246: {  	v19 =	vmul.f32 v22, v9;
	v59 =	vadd.f32 v14, v0;
	v14 =	vadd.f32 v26, v15  }
0x247: {  	v27 =	vld [tilespmem:$0x7220];
	v17 =	vadd.f32 v17, v28;
	v16 =	vmul.f32 v20, v10;
	v22 =	vmul.f32 v20, v7  }
0x248: {  	v15 =	vld [tilespmem:$0x7210];
	v62 =	vadd.f32 v13, v1;
	v20 =	vmul.f32 v20, v5;
	v26 =	vmul.f32 v23, v8  }
0x249: {  	v25 =	vmul.f32 v23, v6;
	v21 =	vmul.f32 v23, v11;
	v24 =	vadd.f32 v18, v1  }
0x24a: {  	v61 =	vld [tilespmem:$0x6230];
	v18 =	vmul.f32 v30, v5;
	v19 =	vadd.f32 v19, v14;
	v26 =	vadd.f32 v26, v22  }
0x24b: {  	v14 =	vld [tilespmem:$0x6240];
	v20 =	vadd.f32 v25, v20;
	v25 =	vmul.f32 v30, v7;
	v16 =	vadd.f32 v21, v16  }
0x24c: {  	v22 =	vld [tilespmem:$0x6A30];
	v18 =	vadd.f32 v29, v18;
	v28 =	vmul.f32 v27, v2;
	v23 =	vmul.f32 v27, v9  }
0x24d: {  	v29 =	vld [tilespmem:$0x6A40];
	v30 =	vadd.f32 v19, v4;
	v60 =	vmul.f32 v15, v2;
	v19 =	vmul.f32 v15, v3  }
0x24e: {  	s30 =	rddreg [dreg:$0x17];
	v31 =	vadd.f32 v31, v25;
	v27 =	vmul.f32 v27, v3;
	v63 =	vmul.f32 v15, v9  }
0x24f: {  	p0 =	sne.s32 s30, $0x1;
	v15 =	vmul.f32 v61, v7;
	v28 =	vadd.f32 v28, v18;
	v17 =	vadd.f32 v23, v17;
	v18 =	vld [tilespmem:$0x7240]  }
.Ltmp5:
0x250: {  	v23 =	vmul.f32 v14, v10;
	v27 =	vadd.f32 v27, v31;
	v19 =	vadd.f32 v19, v26;
	(pc) =	sbr.rel @!p0 .LBB2_13-.Ltmp5, $4  }
0x251: {  	[tilespmem:$0x9270] =	vst v59;
	v32 =	vadd.f32 v60, v20;
	v20 =	vld [tilespmem:$0x7230];
	v13 =	vmul.f32 v22, v8;
	v31 =	vmul.f32 v22, v6  }
0x252: {  	[tilespmem:$0x8A70] =	vst v62;
	v16 =	vadd.f32 v63, v16;
	v25 =	vmul.f32 v29, v8;
	v21 =	vmul.f32 v29, v6  }
0x253: {  	[tilespmem:$0x8A00] =	vst v24;
	v26 =	vmul.f32 v29, v11;
	v24 =	vadd.f32 v27, v1;
	v29 =	vmul.f32 v61, v5  }
0x254: {  	s26 =	smov.u32 s28;
	s12 =	sadd.s32 $0xFFFFFFFF, s30;
	[tilespmem:$0x8200] =	vst v30;
	v28 =	vadd.f32 v28, v0;
	v27 =	vmul.f32 v61, v10;
	v30 =	vmul.f32 v18, v3  }
.LBB2_12:
0x255: {  	p0 =	sne.s32 s12, $0x1;
	s12 =	sadd.s32 $0xFFFFFFFF, s12;
	v17 =	vadd.f32 v17, v4;
	v34 =	vmul.f32 v14, v7;
	v12 =	vadd.f32 v12, v4;
	s26 =	sadd.s32 $0x1, s26  }
0x256: {  	v32 =	vadd.f32 v32, v0;
	v33 =	vadd.f32 v33, v0;
	v35 =	vmul.f32 v20, v3  }
0x257: {  	v22 =	vmul.f32 v22, v11;
	v36 =	vmul.f32 v20, v9;
	v25 =	vadd.f32 v25, v34;
	v34 =	vld [tilespmem:$0x6A50];
	[tilespmem:$0x8270] =	vst v12  }
0x258: {  	v23 =	vadd.f32 v26, v23;
	v20 =	vmul.f32 v20, v2;
	v12 =	vadd.f32 v31, v29;
	[tilespmem:$0x9220] =	vst v28;
	v26 =	vld [tilespmem:$0x6250]  }
0x259: {  	v13 =	vadd.f32 v13, v15;
	v14 =	vmul.f32 v14, v5;
	[tilespmem:$0x9200] =	vst v33;
	v15 =	vadd.f32 v30, v25  }
0x25a: {  	v22 =	vadd.f32 v22, v27;
	v12 =	vadd.f32 v20, v12;
	v20 =	vmul.f32 v18, v9  }
0x25b: {  	v14 =	vadd.f32 v21, v14;
	v18 =	vmul.f32 v18, v2;
	[tilespmem:$0x8A20] =	vst v24;
	v15 =	vadd.f32 v15, v1;
	v21 =	vld [tilespmem:$0x7250]  }
0x25c: {  	v22 =	vadd.f32 v36, v22;
	v12 =	vadd.f32 v12, v0;
	v24 =	vmul.f32 v34, v8  }
0x25d: {  	v20 =	vadd.f32 v20, v23;
	v14 =	vadd.f32 v18, v14;
	[tilespmem:$0x8A40] =	vst v15;
	v15 =	vmul.f32 v34, v6;
	v18 =	vld [tilespmem:$0x6260]  }
0x25e: {  	v19 =	vadd.f32 v19, v1;
	v22 =	vadd.f32 v22, v4;
	v23 =	vmul.f32 v34, v11;
	v25 =	vld [tilespmem:$0x6A60]  }
0x25f: {  	v14 =	vadd.f32 v14, v0;
	v27 =	vmul.f32 v26, v10;
	v28 =	vmul.f32 v26, v7  }
0x260: {  	v16 =	vadd.f32 v16, v4;
	v26 =	vmul.f32 v26, v5;
	[tilespmem:$0x8A10] =	vst v19;
	v19 =	vmul.f32 v21, v9  }
0x261: {  	v20 =	vadd.f32 v20, v4;
	v24 =	vadd.f32 v24, v28;
	v28 =	vmul.f32 v21, v3;
	[tilespmem:$0x9210] =	vst v32  }
0x262: {  	v15 =	vadd.f32 v15, v26;
	v21 =	vmul.f32 v21, v2;
	[tilespmem:$0x9230] =	vst v12;
	v12 =	vadd.f32 v23, v27;
	v23 =	vld [tilespmem:$0x7260]  }
0x263: {  	v26 =	vmul.f32 v18, v5;
	[tilespmem:$0x8240] =	vst v20;
	v20 =	vadd.f32 v28, v24;
	v24 =	vmul.f32 v25, v8;
	v27 =	vld [tilespmem:$0x7A30]  }
0x264: {  	v15 =	vadd.f32 v21, v15;
	[tilespmem:$0x8210] =	vst v16;
	v12 =	vadd.f32 v19, v12;
	v16 =	vmul.f32 v25, v6;
	v19 =	vld [tilespmem:$0x7A20]  }
0x265: {  	[tilespmem:$0x8230] =	vst v22;
	v20 =	vadd.f32 v20, v1;
	v21 =	vld [tilespmem:$0x7A50];
	v22 =	vmul.f32 v18, v10;
	v18 =	vmul.f32 v18, v7  }
0x266: {  	v15 =	vadd.f32 v15, v0;
	v25 =	vmul.f32 v25, v11;
	[tilespmem:$0x9240] =	vst v14;
	v14 =	vld [tilespmem:$0x7A40];
	v12 =	vadd.f32 v12, v4  }
0x267: {  	v16 =	vadd.f32 v16, v26;
	[tilespmem:$0x8220] =	vst v17;
	v17 =	vld [tilespmem:$0x7A30];
	v28 =	vmul.f32 v23, v9;
	v18 =	vadd.f32 v24, v18  }
0x268: {  	v13 =	vadd.f32 v35, v13;
	v22 =	vadd.f32 v25, v22;
	v25 =	vmul.f32 v23, v2;
	v24 =	vld [tilespmem:$0x7A20];
	[tilespmem:$0xF230] =	vst v27  }
0x269: {  	v26 =	vld [tilespmem:$0x7A10];
	[tilespmem:$0x8250] =	vst v12;
	v12 =	vmul.f32 v23, v3  }
0x26a: {  	v13 =	vadd.f32 v13, v1;
	v23 =	vld [tilespmem:$0x7A00];
	[tilespmem:$0x9250] =	vst v15;
	v15 =	vadd.f32 v28, v22  }
0x26b: {  	v16 =	vadd.f32 v25, v16;
	[tilespmem:$0xA250] =	vst v21;
	v12 =	vadd.f32 v12, v18;
	v18 =	vld [tilespmem:$0x7A10]  }
0x26c: {  	[tilespmem:$0x8A50] =	vst v20;
	v15 =	vadd.f32 v15, v4;
	v20 =	vld [tilespmem:$0x7A00]  }
0x26d: {  	v16 =	vadd.f32 v16, v0;
	v12 =	vadd.f32 v12, v1;
	v21 =	vld [tilespmem:$0x7A70];
	[tilespmem:$0xF220] =	vst v19  }
0x26e: {  	[tilespmem:$0xA240] =	vst v14;
	v14 =	vld [tilespmem:$0x7A60]  }
0x26f: {  	[tilespmem:$0x8A30] =	vst v13  }
0x270: {  	[tilespmem:$0xA220] =	vst v24  }
0x271: {  	[tilespmem:$0xA230] =	vst v17  }
0x272: {  	[tilespmem:$0xF210] =	vst v18;
	v13 =	vld [tilespmem:$0x7A60]  }
0x273: {  	[tilespmem:$0xA210] =	vst v26;
	v17 =	vld [tilespmem:$0x7A50]  }
0x274: {  	[tilespmem:$0x8260] =	vst v15;
	v15 =	vld [tilespmem:$0x7A40]  }
0x275: {  	[tilespmem:$0xF200] =	vst v20  }
0x276: {  	[tilespmem:$0xA200] =	vst v23  }
0x277: {  	[tilespmem:$0xF260] =	vst v13;
	v13 =	vld [tilespmem:$0x7A70]  }
0x278: {  	[tilespmem:$0x8A60] =	vst v12  }
0x279: {  	[tilespmem:$0x9260] =	vst v16  }
0x27a: {  	[tilespmem:$0xF250] =	vst v17  }
0x27b: {  	[tilespmem:$0xF240] =	vst v15  }
0x27c: {  	[tilespmem:$0xF270] =	vst v13  }
0x27d: {  	[tilespmem:$0xA270] =	vst v21  }
0x27e: {  	[tilespmem:$0xA260] =	vst v14  }
0x27f: {  	[spmem:s3] =	stream.indirect.scatter.add.f32 [tilespmem:s10], [sflag:$0x2], $0x1, s11, s31, $0xb8;
	[tilespmem:$0xFA80] =	vst v63  }
0x280: {  	_ = 	snop  }
0x281: {  	[spmem:s4] =	stream.indirect.scatter.add.f32 [tilespmem:s13], [sflag:$0x2], $0x1, s11, s31, $0xb8;
	[tilespmem:$0xFA80] =	vst v63  }
0x282: {  	_ = 	snop  }
0x283: {  	[spmem:s6] =	stream.indirect.scatter.add.f32 [tilespmem:s14], [sflag:$0x2], $0x1, s11, s31, $0xb8;
	[tilespmem:$0xFA80] =	vst v63  }
0x284: {  	_ = 	snop  }
0x285: {  	[spmem:s7] =	stream.indirect.scatter.add.f32 [tilespmem:s16], [sflag:$0x2], $0x1, s11, s31, $0xb8;
	[tilespmem:$0xFA80] =	vst v63  }
0x286: {  	_ =	swait.ge [sflag:s15], $0x80  }
0x287: {  	[sflag:s15] =	ssyncset.done $0x0  }
0x288: {  	[sflag:s15] =	ssyncadd.s32 $0xFFFFFF80  }
0x289: {  	_ =	swait.ge [sflag:s15], $0x80  }
0x28a: {  	[sflag:s15] =	ssyncset.done $0x0  }
0x28b: {  	[sflag:s15] =	ssyncadd.s32 $0xFFFFFF80  }
0x28c: {  	_ =	swait.ge [sflag:s15], $0x80  }
0x28d: {  	p1 =	slt.s32 s26, $0xC34F;
	s20 =	smov.u32 s26;
	[sflag:s15] =	ssyncset.done $0x0  }
0x28e: {  	s20 =	simm.s32 @!p1 $0xC34F;
	[sflag:s15] =	ssyncadd.s32 $0xFFFFFF80  }
0x28f: {  	s20 =	sshll.u32 s20, $0x4;
	_ =	swait.ge [sflag:s15], $0x80  }
0x290: {  	s20 =	sand.u32 $0x1FFFFFF0, s20;
	[sflag:s15] =	ssyncset.done $0x0  }
0x291: {  	s28 =	sadd.s32 s0, s20;
	[sflag:s15] =	ssyncadd.s32 $0xFFFFFF80  }
0x292: {  	[tilespmem:s17], [sflag:$0x1] =	stream.linear.gather [hbm4b:s28+s8], $0x80, $0x38;
	[tilespmem:$0xFA80] =	vst v63  }
0x293: {  	s29 =	sadd.s32 $0xC3500, s28  }
0x294: {  	[tilespmem:s19], [sflag:$0x1] =	stream.linear.gather [hbm4b:s29+s8], $0x80, $0x38;
	[tilespmem:$0xFA80] =	vst v63  }
0x295: {  	s28 =	sadd.s32 $0x186A00, s28  }
0x296: {  	[tilespmem:s23], [sflag:$0x1] =	stream.linear.gather [hbm4b:s28+s8], $0x80, $0x38;
	[tilespmem:$0xFA80] =	vst v63  }
0x297: {  	s20 =	sadd.s32 s1, s20  }
0x298: {  	[tilespmem:s25], [sflag:$0x1] =	stream.linear.gather [hbm4b:s20+s8], $0x80, $0x38;
	[tilespmem:$0xFA80] =	vst v63  }
0x299: {  	_ =	swait.ge [sflag:s24], $0x80  }
0x29a: {  	[sflag:s24] =	ssyncset.done $0x0  }
0x29b: {  	[sflag:s24] =	ssyncadd.s32 $0xFFFFFF80  }
0x29c: {  	_ =	swait.ge [sflag:s24], $0x80  }
0x29d: {  	[sflag:s24] =	ssyncset.done $0x0  }
0x29e: {  	[sflag:s24] =	ssyncadd.s32 $0xFFFFFF80  }
0x29f: {  	_ =	swait.ge [sflag:s24], $0x80  }
0x2a0: {  	[sflag:s24] =	ssyncset.done $0x0  }
0x2a1: {  	[sflag:s24] =	ssyncadd.s32 $0xFFFFFF80  }
0x2a2: {  	_ =	swait.ge [sflag:s24], $0x80  }
0x2a3: {  	[sflag:s24] =	ssyncset.done $0x0  }
0x2a4: {  	[sflag:s24] =	ssyncadd.s32 $0xFFFFFF80  }
0x2a5: {  	v12 =	vld [tilespmem:$0x7270]  }
0x2a6: {  	v13 =	vld [tilespmem:$0x6A70]  }
0x2a7: {  	v14 =	vld [tilespmem:$0x6270]  }
0x2a8: {  	v15 =	vld [tilespmem:$0x6200]  }
0x2a9: {  	v16 =	vld [tilespmem:$0x6A00]  }
0x2aa: {  	v17 =	vld [tilespmem:$0x6A20];
	v18 =	vmul.f32 v12, v9;
	v19 =	vmul.f32 v12, v2  }
0x2ab: {  	v22 =	vmul.f32 v12, v3;
	v20 =	vld [tilespmem:$0x6220];
	v21 =	vmul.f32 v13, v11  }
0x2ac: {  	v24 =	vmul.f32 v13, v6;
	v23 =	vld [tilespmem:$0x7200];
	v12 =	vmul.f32 v14, v10  }
0x2ad: {  	v27 =	vmul.f32 v14, v7;
	v25 =	vmul.f32 v15, v5;
	v26 =	vld [tilespmem:$0x6A10]  }
0x2ae: {  	v29 =	vmul.f32 v15, v7;
	v28 =	vmul.f32 v16, v11;
	v30 =	vld [tilespmem:$0x6210];
	v12 =	vadd.f32 v21, v12  }
0x2af: {  	v21 =	vmul.f32 v16, v8;
	v31 =	vld [tilespmem:$0x7220];
	v32 =	vmul.f32 v17, v6  }
0x2b0: {  	v14 =	vmul.f32 v14, v5;
	v33 =	vmul.f32 v17, v8;
	v12 =	vadd.f32 v18, v12  }
0x2b1: {  	v16 =	vmul.f32 v16, v6;
	v18 =	vadd.f32 v21, v29;
	v21 =	vmul.f32 v23, v3  }
0x2b2: {  	v14 =	vadd.f32 v24, v14;
	v17 =	vmul.f32 v17, v11;
	v34 =	vmul.f32 v23, v2  }
0x2b3: {  	v13 =	vmul.f32 v13, v8;
	v15 =	vmul.f32 v15, v10;
	v18 =	vadd.f32 v21, v18  }
0x2b4: {  	v35 =	vadd.f32 v16, v25;
	v14 =	vadd.f32 v19, v14;
	v16 =	vmul.f32 v30, v10  }
0x2b5: {  	v19 =	vmul.f32 v23, v9;
	v21 =	vmul.f32 v20, v5;
	v18 =	vadd.f32 v18, v1  }
0x2b6: {  	v24 =	vmul.f32 v20, v10;
	v14 =	vadd.f32 v14, v0;
	v23 =	vmul.f32 v30, v7  }
0x2b7: {  	v13 =	vadd.f32 v13, v27;
	v15 =	vadd.f32 v28, v15;
	[tilespmem:$0x8A00] =	vst v18;
	v28 =	vld [tilespmem:$0x7210];
	v18 =	vmul.f32 v30, v5  }
0x2b8: {  	v25 =	vmul.f32 v26, v6;
	v17 =	vadd.f32 v17, v24;
	v21 =	vadd.f32 v32, v21;
	[tilespmem:$0x9270] =	vst v14  }
0x2b9: {  	v13 =	vadd.f32 v22, v13;
	v24 =	vmul.f32 v26, v8;
	v27 =	vmul.f32 v31, v2;
	v29 =	vld [tilespmem:$0x6A40]  }
0x2ba: {  	v15 =	vadd.f32 v19, v15;
	v19 =	vmul.f32 v26, v11;
	v26 =	vmul.f32 v31, v9;
	v14 =	vld [tilespmem:$0x6240]  }
0x2bb: {  	v24 =	vadd.f32 v24, v23;
	v30 =	vadd.f32 v25, v18;
	v18 =	vmul.f32 v20, v7;
	v22 =	vld [tilespmem:$0x6A30]  }
0x2bc: {  	v15 =	vadd.f32 v15, v4;
	v27 =	vadd.f32 v27, v21;
	v32 =	vmul.f32 v28, v2;
	v36 =	vld [tilespmem:$0x6230]  }
0x2bd: {  	v16 =	vadd.f32 v19, v16;
	v20 =	vadd.f32 v33, v18;
	v19 =	vmul.f32 v28, v3  }
0x2be: {  	v17 =	vadd.f32 v26, v17;
	[tilespmem:$0x8200] =	vst v15;
	v15 =	vmul.f32 v31, v3;
	v18 =	vld [tilespmem:$0x7240];
	v25 =	vmul.f32 v29, v8  }
0x2bf: {  	v21 =	vmul.f32 v29, v6;
	v31 =	vadd.f32 v13, v1;
	v23 =	vmul.f32 v14, v10  }
.Ltmp6:
0x2c0: {  	v28 =	vmul.f32 v28, v9;
	v33 =	vadd.f32 v15, v20;
	v13 =	vmul.f32 v22, v8;
	(pc) =	sbr.rel @p0 .LBB2_12-.Ltmp6, $4  }
0x2c1: {  	v19 =	vadd.f32 v19, v24;
	v26 =	vmul.f32 v29, v11;
	v20 =	vld [tilespmem:$0x7230];
	v15 =	vmul.f32 v36, v7;
	[tilespmem:$0x8A70] =	vst v31  }
0x2c2: {  	v16 =	vadd.f32 v28, v16;
	v29 =	vmul.f32 v36, v5;
	v24 =	vadd.f32 v33, v1  }
0x2c3: {  	v32 =	vadd.f32 v32, v30;
	v28 =	vadd.f32 v27, v0;
	v27 =	vmul.f32 v36, v10  }
0x2c4: {  	v31 =	vmul.f32 v22, v6;
	v33 =	vadd.f32 v34, v35;
	v30 =	vmul.f32 v18, v3  }
.LBB2_13:
0x2c5: {  	v12 =	vadd.f32 v12, v4;
	[tilespmem:$0x8A20] =	vst v24  }
0x2c6: {  	v19 =	vadd.f32 v19, v1;
	[tilespmem:$0x9220] =	vst v28  }
0x2c7: {  	v32 =	vadd.f32 v32, v0;
	[tilespmem:$0x8270] =	vst v12  }
0x2c8: {  	v16 =	vadd.f32 v16, v4;
	v62 =	vld [tilespmem:$0x7A30];
	[tilespmem:$0x8A10] =	vst v19  }
0x2c9: {  	v37 =	vld [tilespmem:$0x7A20];
	v33 =	vadd.f32 v33, v0;
	[tilespmem:$0x9210] =	vst v32  }
0x2ca: {  	v39 =	vld [tilespmem:$0x7A40];
	v29 =	vadd.f32 v31, v29;
	v31 =	vadd.f32 v17, v4;
	[tilespmem:$0x8210] =	vst v16  }
0x2cb: {  	v40 =	vld [tilespmem:$0x7A20];
	[tilespmem:$0x9200] =	vst v33  }
0x2cc: {  	v46 =	vadd.f32 v26, v23;
	v52 =	vmul.f32 v18, v9;
	v43 =	vld [tilespmem:$0x7A30];
	[tilespmem:$0x8220] =	vst v31  }
0x2cd: {  	v34 =	vmul.f32 v14, v7;
	v45 =	vld [tilespmem:$0x6A50];
	v44 =	vmul.f32 v20, v2;
	[tilespmem:$0xF230] =	vst v62  }
0x2ce: {  	v50 =	vld [tilespmem:$0x6250];
	v12 =	vadd.f32 v52, v46;
	[tilespmem:$0xF220] =	vst v37  }
0x2cf: {  	v25 =	vadd.f32 v25, v34;
	v34 =	vld [tilespmem:$0x7A50];
	v51 =	vadd.f32 v44, v29;
	[tilespmem:$0xA240] =	vst v39  }
0x2d0: {  	v22 =	vmul.f32 v22, v11;
	v46 =	vld [tilespmem:$0x7A10];
	v12 =	vadd.f32 v12, v4;
	[tilespmem:$0xA220] =	vst v40  }
0x2d1: {  	v48 =	vmul.f32 v14, v5;
	v52 =	vld [tilespmem:$0x7A00];
	v55 =	vadd.f32 v51, v0;
	[tilespmem:$0xA230] =	vst v43  }
0x2d2: {  	v54 =	vld [tilespmem:$0x7250];
	v49 =	vmul.f32 v20, v9;
	v22 =	vadd.f32 v22, v27;
	[tilespmem:$0x8240] =	vst v12  }
0x2d3: {  	v53 =	vmul.f32 v18, v2;
	v63 =	vld [tilespmem:$0x6260];
	v14 =	vadd.f32 v21, v48;
	v47 =	vadd.f32 v30, v25;
	[tilespmem:$0x9230] =	vst v55  }
0x2d4: {  	v35 =	vld [tilespmem:$0x7260];
	v13 =	vadd.f32 v13, v15;
	v22 =	vadd.f32 v49, v22;
	[tilespmem:$0xA250] =	vst v34  }
0x2d5: {  	v44 =	vld [tilespmem:$0x7A10];
	v14 =	vadd.f32 v53, v14;
	v23 =	vadd.f32 v47, v1;
	[tilespmem:$0xA210] =	vst v46  }
0x2d6: {  	v38 =	vmul.f32 v20, v3;
	v49 =	vld [tilespmem:$0x7A00];
	v57 =	vmul.f32 v45, v6;
	v22 =	vadd.f32 v22, v4;
	[tilespmem:$0xA200] =	vst v52  }
0x2d7: {  	v32 =	vld [tilespmem:$0x6A60];
	v59 =	vmul.f32 v50, v10;
	v60 =	vmul.f32 v50, v5;
	v14 =	vadd.f32 v14, v0;
	[tilespmem:$0x8A40] =	vst v23  }
0x2d8: {  	v26 =	vmul.f32 v50, v7;
	v41 =	vmul.f32 v63, v10;
	v62 =	vld [tilespmem:$0x7A70];
	v12 =	vadd.f32 v38, v13;
	[tilespmem:$0x8230] =	vst v22  }
0x2d9: {  	v48 =	vmul.f32 v63, v7;
	v50 =	vmul.f32 v63, v5;
	v63 =	vld [tilespmem:$0x7A60];
	[tilespmem:$0x9240] =	vst v14  }
0x2da: {  	v58 =	vmul.f32 v45, v11;
	v55 =	vld [tilespmem:$0x7A60];
	v12 =	vadd.f32 v12, v1;
	[tilespmem:$0xF210] =	vst v44  }
0x2db: {  	v56 =	vmul.f32 v45, v8;
	v18 =	vadd.f32 v57, v60;
	v57 =	vld [tilespmem:$0x7A50];
	[tilespmem:$0xF200] =	vst v49  }
0x2dc: {  	v61 =	vmul.f32 v54, v9;
	v30 =	vmul.f32 v54, v2;
	v19 =	vadd.f32 v58, v59;
	v59 =	vld [tilespmem:$0x7A40];
	[tilespmem:$0x8A30] =	vst v12  }
0x2dd: {  	v21 =	vmul.f32 v54, v3;
	v33 =	vadd.f32 v56, v26;
	v42 =	vmul.f32 v32, v11;
	[tilespmem:$0xA270] =	vst v62  }
0x2de: {  	v47 =	vmul.f32 v32, v8;
	v19 =	vadd.f32 v61, v19;
	v18 =	vadd.f32 v30, v18;
	[tilespmem:$0xA260] =	vst v63  }
0x2df: {  	v51 =	vmul.f32 v32, v6;
	v36 =	vadd.f32 v21, v33;
	v10 =	vadd.f32 v42, v41;
	[tilespmem:$0xF260] =	vst v55  }
0x2e0: {  	v45 =	vmul.f32 v35, v9;
	v7 =	vadd.f32 v47, v48;
	v61 =	vld [tilespmem:$0x7A70];
	v19 =	vadd.f32 v19, v4;
	[tilespmem:$0xF250] =	vst v57  }
0x2e1: {  	v53 =	vmul.f32 v35, v3;
	v5 =	vadd.f32 v51, v50;
	v18 =	vadd.f32 v18, v0;
	[tilespmem:$0xF240] =	vst v59  }
0x2e2: {  	v56 =	vmul.f32 v35, v2;
	v16 =	vadd.f32 v36, v1;
	v9 =	vadd.f32 v45, v10;
	[tilespmem:$0x8250] =	vst v19  }
0x2e3: {  	v3 =	vadd.f32 v53, v7;
	[tilespmem:$0x9250] =	vst v18  }
0x2e4: {  	v2 =	vadd.f32 v56, v5;
	[tilespmem:$0x8A50] =	vst v16;
	v54 =	vadd.f32 v9, v4  }
0x2e5: {  	v58 =	vadd.f32 v3, v1;
	[tilespmem:$0xF270] =	vst v61  }
0x2e6: {  	v60 =	vadd.f32 v2, v0;
	[tilespmem:$0x8260] =	vst v54  }
0x2e7: {  	[tilespmem:$0x8A60] =	vst v58  }
0x2e8: {  	[tilespmem:$0x9260] =	vst v60  }
0x2e9: {  	[spmem:s3] =	stream.indirect.scatter.add.f32 [tilespmem:s10], [sflag:$0x2], $0x1, s11, s31, $0xb8;
	[tilespmem:$0xFA80] =	vst v63  }
0x2ea: {  	_ = 	snop  }
0x2eb: {  	[spmem:s4] =	stream.indirect.scatter.add.f32 [tilespmem:s13], [sflag:$0x2], $0x1, s11, s31, $0xb8;
	[tilespmem:$0xFA80] =	vst v63  }
0x2ec: {  	_ = 	snop  }
0x2ed: {  	[spmem:s6] =	stream.indirect.scatter.add.f32 [tilespmem:s14], [sflag:$0x2], $0x1, s11, s31, $0xb8;
	[tilespmem:$0xFA80] =	vst v63  }
0x2ee: {  	_ = 	snop  }
0x2ef: {  	[spmem:s7] =	stream.indirect.scatter.add.f32 [tilespmem:s16], [sflag:$0x2], $0x1, s11, s31, $0xb8;
	[tilespmem:$0xFA80] =	vst v63  }
0x2f0: {  	_ =	swait.ge [sflag:s15], $0x80  }
0x2f1: {  	[sflag:s15] =	ssyncset.done $0x0  }
0x2f2: {  	[sflag:s15] =	ssyncadd.s32 $0xFFFFFF80  }
0x2f3: {  	_ =	swait.ge [sflag:s15], $0x80  }
0x2f4: {  	[sflag:s15] =	ssyncset.done $0x0  }
0x2f5: {  	[sflag:s15] =	ssyncadd.s32 $0xFFFFFF80  }
0x2f6: {  	_ =	swait.ge [sflag:s15], $0x80  }
0x2f7: {  	[sflag:s15] =	ssyncset.done $0x0  }
0x2f8: {  	[sflag:s15] =	ssyncadd.s32 $0xFFFFFF80  }
0x2f9: {  	_ =	swait.ge [sflag:s15], $0x80  }
0x2fa: {  	[sflag:s15] =	ssyncset.done $0x0  }
0x2fb: {  	[sflag:s15] =	ssyncadd.s32 $0xFFFFFF80  }
0x2fc: {  	[bflag:$0x0] =	sbarrier.arrive $0xFFFF  }
0x2fd: {  	s26 =	sld [smem:$0x7F6]  }
0x2fe: {  	s20 =	rddreg [dreg:$0xc]  }
0x2ff: {  	s28 =	simm.s32 $0x6;
	s12 =	rddreg [dreg:$0x18]  }
0x300: {  	[hbm:s12], [sflag:s20] =	dma.local [spmem:s26], $0x310  }
0x301: {  	_ =	swait.ge [sflag:s28], $0x310  }
0x302: {  	s30 =	sld [smem:$0x7F7]  }
0x303: {  	[sflag:s28] =	ssyncset.done $0x0  }
0x304: {  	s29 =	rddreg [dreg:$0x19];
	[sflag:s28] =	ssyncadd.s32 $0xFFFFFCF0  }
0x305: {  	[hbm:s29], [sflag:s20] =	dma.local [spmem:s30], $0x310  }
0x306: {  	_ =	swait.ge [sflag:s28], $0x310  }
0x307: {  	s30 =	sld [smem:$0x7F8]  }
0x308: {  	[sflag:s28] =	ssyncset.done $0x0  }
0x309: {  	s29 =	rddreg [dreg:$0x1a];
	[sflag:s28] =	ssyncadd.s32 $0xFFFFFCF0  }
0x30a: {  	[hbm:s29], [sflag:s20] =	dma.local [spmem:s30], $0x310  }
0x30b: {  	_ =	swait.ge [sflag:s28], $0x310  }
0x30c: {  	s30 =	sld [smem:$0x7F9]  }
0x30d: {  	[sflag:s28] =	ssyncset.done $0x0  }
0x30e: {  	s29 =	rddreg [dreg:$0x1b];
	[sflag:s28] =	ssyncadd.s32 $0xFFFFFCF0  }
0x30f: {  	[hbm:s29], [sflag:s20] =	dma.local [spmem:s30], $0x310  }
0x310: {  	_ =	swait.ge [sflag:s28], $0x310  }
0x311: {  	s29 =	sld [smem:$0x7F5];
	_ =	sdelay $0x2  }
0x312: {  	s30 =	rddreg [dreg:$0x1c];
	s26 =	sadd.s32 $0x1, s29  }
0x313: {  	p0 =	sne.s32 s26, s30  }
.Ltmp7:
0x314: {  	_ = 	snop;
	(pc) =	sbr.rel @p0 .LBB2_1-.Ltmp7, $3  }
0x315: {  	_ =	sdelay $0x1  }
0x316: {  	[sflag:s28] =	ssyncset.done $0x0  }
0x317: {  	[sflag:s28] =	ssyncadd.s32 $0xFFFFFCF0  }
0x318: {  	_ =	sfence.sel $0x180000  }
0x319: {  	[bflag:$0x0] =	sbarrier.arrive $0xFFFF  }
0x31a: {  	_ =	strace $0x90000047  }
0x31b: {  	s0 =	stileid.u32;
	[bflag:$0x2] =	sbarrier.arrive $0xFFFF  }
0x31c: {  	p0 =	sne.s32 s0, $0x0;
	s0 =	rddreg [dreg:$0x8]  }
0x31d: {  	s0 =	sadd.s32 @!p0 $0x100000, s0  }
0x31e: {  	[sflag:s0] =	ssyncadd.tile.s32 @!p0 $0x1;
	_ =	shalt  }
.Lfunc_end2:
_tile_overlayer_lowered:
.L_overlay_start_2:
0x31f: {  	(tag) =	ssettag $0x2  }
0x320: {  	s0 =	rddreg [dreg:$0x0];
	s2 =	stileid.u32  }
0x321: {  	s1 =	rddreg [dreg:$0x1];
	p0 =	sne.s32 s2, $0x0  }
0x322: {  	s3 =	rddreg [dreg:$0x2];
	[bflag:$0x3] =	sbarrier.arrive $0xFFFF;
	s2 =	simm.s32 @!p0 $0x1C06  }
0x323: {  	[timem:s3], [sflag:s2] =	dma.local @!p0 [hbm:s0], s1  }
0x324: {  	s0 =	simm.s32 @!p0 $0x6  }
0x325: {  	_ =	swait.ge @!p0 [sflag:s0], s1  }
0x326: {  	s1 =	ssub.s32 @!p0 $0x0, s1;
	[sflag:s0] =	ssyncset.done @!p0 $0x0  }
0x327: {  	[sflag:s0] =	ssyncadd.s32 @!p0 s1  }
0x328: {  	[bflag:$0x3] =	sbarrier.arrive $0xFFFF  }
0x329: {  	_ =	shalt  }

// kernel: kernel.7.cloned.1.call-start
scs
__scs_entry_jumppad:
0x0: {  	(pc) =	sbr.rel $0x88, $3  }
0x1: {  	(tag) =	ssettag $0x0;
	lr =	simm.s32 $0x1  }
0x2: {  	[smem:$0x3F99] =	sst lr;
	_ =	strace $0xD0000000  }
0x3: {  	_ = 	snop  }
0x4: {  	_ = 	snop  }
0x5: {  	_ = 	snop  }
0x6: {  	_ = 	snop  }
0x7: {  	_ = 	snop  }
__scs_overlays_trampoline_lowered:
0x8: {  	[smem:$0x3FA8] =	sst s0  }
0x9: {  	[smem:$0x3FA9] =	sst s1  }
0xa: {  	[smem:$0x3FAA] =	sst s2  }
0xb: {  	[smem:$0x3FAB] =	sst s3  }
0xc: {  	[smem:$0x3FAC] =	sst s4  }
0xd: {  	[smem:$0x3FAD] =	sst s5  }
0xe: {  	[smem:$0x3FAE] =	sst s6  }
0xf: {  	[smem:$0x3FAF] =	sst s7  }
0x10: {  	[smem:$0x3FB0] =	sst s8  }
0x11: {  	[smem:$0x3FB1] =	sst s9;
	s0 =	simm.s32 @!p0 $0x0  }
0x12: {  	s1 =	sld [smem:$0x3F97];
	s0 =	simm.s32 @p0 $0x1  }
0x13: {  	[smem:$0x3FB2] =	sst s0;
	s0 =	simm.s32 @!p1 $0x0  }
0x14: {  	s2 =	sld [smem:$0x3F96];
	s0 =	simm.s32 @p1 $0x1  }
0x15: {  	[smem:$0x3FB3] =	sst s0;
	s0 =	simm.s32 @!p2 $0x0  }
0x16: {  	s3 =	sld [smem:$0x3FDB];
	s0 =	simm.s32 @p2 $0x1  }
0x17: {  	s4 =	simm.s32 $0x1BF5;
	[smem:$0x3FB5] =	sst s0  }
0x18: {  	s0 =	sld [smem:$0x3F98];
	_ =	swait.ge [sflag:s4], $0x0  }
0x19: {  	s7 =	sld [smem:$0x3F99]  }
0x1a: {  	s8 =	sadd.s32 $0xFFFFE003, lr  }
0x1b: {  	s9 =	sadd.s32 $0xFFFFFEF7, lr;
	s5 =	simm.s32 $0xFFFFFFFF;
	p2 =	slt.u32 s8, $0xFFFFF086  }
0x1c: {  	p1 =	slt.u32 s9, $0xF7A;
	s5 =	simm.s32 @!p2 $0x0  }
0x1d: {  	s5 =	simm.s32 @p1 $0x1;
	p0 =	seq.s32 s7, s2  }
0x1e: {  	s7 =	smul.u32 @!p0 $0xF7A, s2;
	p2 =	seq.s32 @!p0 s5, $0x0  }
0x1f: {  	s9 =	smul.u32 $0xF7A, s1;
	s8 =	simm.s32 @!p0 $0x1BF5;
	p2 =	por !p2, p0  }
0x20: {  	[sflag:s8] =	ssyncset.s32 @!p0 $0xFFFFF086;
	s6 =	sadd.s32 @!p0 s3, s7;
	s7 =	simm.s32 @!p0 $0x108  }
0x21: {  	s3 =	sadd.s32 s3, s9;
	s6 =	sadd.s32 @!p0 $0x88, s6;
	s7 =	simm.s32 @p2 $0x1082  }
0x22: {  	[simem:s7], [sflag:s8] =	dma.local @!p0 [hbm:s6], $0xF7A  }
0x23: {  	s9 =	sor.u32 $0xD0000000, s2;
	s6 =	simm.s32 $0x108;
	_ =	swait.ge @!p0 [sflag:s8], $0x0  }
0x24: {  	s3 =	sadd.s32 $0x88, s3;
	s6 =	simm.s32 @!p1 $0x1082;
	[sflag:s4] =	ssyncset.s32 $0xFFFFF086  }
0x25: {  	[simem:s6], [sflag:s4] =	dma.local [hbm:s3], $0xF7A  }
0x26: {  	[smem:$0x3F99] =	sst s1;
	(tag) =	ssettag s2;
	_ =	strace s9  }
0x27: {  	s1 =	sld [smem:$0x3FA9]  }
0x28: {  	s2 =	sld [smem:$0x3FAA]  }
0x29: {  	s4 =	sld [smem:$0x3FAC]  }
0x2a: {  	p0 =	seq.s32 s5, $0x0;
	s5 =	sld [smem:$0x3FAD]  }
0x2b: {  	s6 =	sld [smem:$0x3FAE]  }
0x2c: {  	s7 =	sld [smem:$0x3FAF]  }
0x2d: {  	s3 =	simm.s32 $0x108;
	s8 =	sld [smem:$0x3FB0]  }
0x2e: {  	s3 =	simm.s32 @!p0 $0x1082;
	s9 =	sld [smem:$0x3FB1]  }
0x2f: {  	lr =	sadd.s32 s0, s3;
	s0 =	sld [smem:$0x3FA8]  }
0x30: {  	s3 =	sld [smem:$0x3FAB]  }
0x31: {  	[smem:$0x3FB4] =	sst s10  }
0x32: {  	s10 =	sld [smem:$0x3FB2];
	_ =	sdelay $0x3  }
0x33: {  	p0 =	seq.s32 s10, $0x1;
	s10 =	sld [smem:$0x3FB4];
	_ =	sdelay $0x3  }
0x34: {  	[smem:$0x3FB4] =	sst s10  }
0x35: {  	s10 =	sld [smem:$0x3FB3];
	_ =	sdelay $0x3  }
0x36: {  	p1 =	seq.s32 s10, $0x1;
	s10 =	sld [smem:$0x3FB4];
	_ =	sdelay $0x3  }
0x37: {  	[smem:$0x3FB4] =	sst s10  }
0x38: {  	s10 =	sld [smem:$0x3FB5]  }
0x39: {  	_ = 	snop;
	(pc) =	sbr.ind lr, $3  }
0x3a: {  	_ = 	snop  }
0x3b: {  	_ = 	snop  }
0x3c: {  	p2 =	seq.s32 s10, $0x1;
	s10 =	sld [smem:$0x3FB4]  }
0x3d: {  	_ =	shalt  }
0x3e: {  	_ =	shalt  }
0x3f: {  	_ =	shalt  }
0x40: {  	_ =	shalt  }
0x41: {  	_ =	shalt  }
0x42: {  	_ =	shalt  }
0x43: {  	_ =	shalt  }
0x44: {  	_ =	shalt  }
0x45: {  	_ =	shalt  }
0x46: {  	_ =	shalt  }
0x47: {  	_ =	shalt  }
0x48: {  	_ =	shalt  }
0x49: {  	_ =	shalt  }
0x4a: {  	_ =	shalt  }
0x4b: {  	_ =	shalt  }
0x4c: {  	_ =	shalt  }
0x4d: {  	_ =	shalt  }
0x4e: {  	_ =	shalt  }
0x4f: {  	_ =	shalt  }
0x50: {  	_ =	shalt  }
0x51: {  	_ =	shalt  }
0x52: {  	_ =	shalt  }
0x53: {  	_ =	shalt  }
0x54: {  	_ =	shalt  }
0x55: {  	_ =	shalt  }
0x56: {  	_ =	shalt  }
0x57: {  	_ =	shalt  }
0x58: {  	_ =	shalt  }
0x59: {  	_ =	shalt  }
0x5a: {  	_ =	shalt  }
0x5b: {  	_ =	shalt  }
0x5c: {  	_ =	shalt  }
0x5d: {  	_ =	shalt  }
0x5e: {  	_ =	shalt  }
0x5f: {  	_ =	shalt  }
0x60: {  	_ =	shalt  }
0x61: {  	_ =	shalt  }
0x62: {  	_ =	shalt  }
0x63: {  	_ =	shalt  }
0x64: {  	_ =	shalt  }
0x65: {  	_ =	shalt  }
0x66: {  	_ =	shalt  }
0x67: {  	_ =	shalt  }
0x68: {  	_ =	shalt  }
0x69: {  	_ =	shalt  }
0x6a: {  	_ =	shalt  }
0x6b: {  	_ =	shalt  }
0x6c: {  	_ =	shalt  }
0x6d: {  	_ =	shalt  }
0x6e: {  	_ =	shalt  }
0x6f: {  	_ =	shalt  }
0x70: {  	_ =	shalt  }
0x71: {  	_ =	shalt  }
0x72: {  	_ =	shalt  }
0x73: {  	_ =	shalt  }
0x74: {  	_ =	shalt  }
0x75: {  	_ =	shalt  }
0x76: {  	_ =	shalt  }
0x77: {  	_ =	shalt  }
0x78: {  	_ =	shalt  }
0x79: {  	_ =	shalt  }
0x7a: {  	_ =	shalt  }
0x7b: {  	_ =	shalt  }
0x7c: {  	_ =	shalt  }
0x7d: {  	_ =	shalt  }
0x7e: {  	_ =	shalt  }
0x7f: {  	_ =	shalt  }
0x80: {  	_ =	shalt  }
0x81: {  	_ =	shalt  }
0x82: {  	_ =	shalt  }
0x83: {  	_ =	shalt  }
0x84: {  	_ =	shalt  }
0x85: {  	_ =	shalt  }
0x86: {  	_ =	shalt  }
0x87: {  	_ =	shalt  }
.Lfunc_end0:
.L_simem_size_0:
called_computation.1_lowered:
.L_overlay_start_0:
0x88: {  	s2 =	sld [smem:$0x3FD9]  }
0x89: {  	s3 =	sld [smem:$0x3FFE];
	_ =	sdelay $0x1  }
0x8a: {  	s1 =	srdreg.scid  }
0x8b: {  	s0 =	sand.u32 $0x1, s1  }
0x8c: {  	s17 =	sshll.u32 s0, $0xA;
	s2 =	sadd.s32 s3, s2  }
0x8d: {  	s2 =	sadd.s32 s2, s17  }
0x8e: {  	[smem:$0x3FC0] =	sst s2  }
0x8f: {  	_ = 	snop  }
0x90: {  	s2 =	sld [smem:$0x3FD0];
	(tm) =	ssettm $0x1  }
0x91: {  	s18 =	sld [smem:$0x3FFB];
	_ =	sdelay $0x3  }
0x92: {  	_ =	strace s18  }
0x93: {  	s3 =	sld [smem:$0x3FFC];
	_ =	sdelay $0x3  }
0x94: {  	_ =	strace s3  }
0x95: {  	s3 =	sld [smem:$0x3FFD];
	_ =	sdelay $0x3  }
0x96: {  	_ =	strace s3  }
0x97: {  	_ =	strace $0x8FFFFFFF  }
0x98: {  	s19 =	sld [smem:$0x3FDB];
	_ =	sdelay $0x1  }
0x99: {  	s4 =	simm.s32 $_scs_section_size  }
0x9a: {  	s5 =	simm.s32 $_size__tile_overlayer_lowered;
	s6 =	simm.s32 $_tile_overlayer_lowered  }
0x9b: {  	s22 =	simm.s32 $0x1BFF;
	s21 =	sshll.u32 s6, $0x1;
	s3 =	sadd.s32 s4, s19  }
0x9c: {  	s7 =	simm.s32 $0x0;
	s20 =	sshll.u32 s5, $0x1;
	s5 =	sadd.s32 s21, s3  }
0x9d: {  	[timem:s7], [sflag:s22] =	dma.local [hbm:s5], s20  }
0x9e: {  	_ =	swait.ge [sflag:s22], s20  }
0x9f: {  	s4 =	ssub.s32 $0x0, s20;
	[sflag:s22] =	ssyncset.done $0x0  }
0xa0: {  	[sflag:s22] =	ssyncadd.s32 s4;
	_ =	sdelay $0x1  }
0xa1: {  	s23 =	simm.s32 $0x1B8B  }
0xa2: {  	_ =	swait.ge [sflag:s23], $0x1  }
0xa3: {  	[sflag:s23] =	ssyncset.done $0x0  }
0xa4: {  	s25 =	simm.s32 $0x1B8E;
	s24 =	sld [smem:$0x3FFE];
	[sflag:s23] =	ssyncadd.s32 $0xFFFFFFFF  }
0xa5: {  	s26 =	simm.s32 $execute0_lowered;
	[smem:$0x3FD2] =	sst s25  }
0xa6: {  	s5 =	sshll.u32 s26, $0x1;
	_ =	strace $0x80000049;
	[dreg:$0x1] =	wrdreg $0xFFFFFFFF  }
0xa7: {  	s28 =	simm.s32 $_size_execute0_lowered;
	s3 =	sadd.s32 s3, s5;
	[dreg:$0x0] =	wrdreg $0x0  }
0xa8: {  	s5 =	sshll.u32 s28, $0x1;
	[dreg:$0x2] =	wrdreg s3  }
0xa9: {  	[dreg:$0x3] =	wrdreg s5  }
0xaa: {  	[dreg:$0x4] =	wrdreg $0xC0  }
0xab: {  	_ =	task [dreg:s7], $0x5FFFF  }
0xac: {  	[dreg:$0x1] =	wrdreg $0xFFFFFFFF  }
0xad: {  	[dreg:$0x0] =	wrdreg $0x60  }
0xae: {  	[dreg:$0x2] =	wrdreg s24  }
0xaf: {  	[dreg:$0x3] =	wrdreg s2  }
0xb0: {  	[dreg:$0x4] =	wrdreg $0x9  }
0xb1: {  	_ =	task.clear_ibuf [dreg:s7], $0x5FFFF;
	_ =	strace $0x90000049  }
0xb2: {  	s29 =	simm.s32 $0x9;
	_ =	strace $0x8000004B  }
0xb3: {  	_ =	swait.ge [sflag:s29], $0x1  }
0xb4: {  	[sflag:s29] =	ssyncadd.s32 $0xFFFFFFFF  }
0xb5: {  	_ =	strace $0x9000004B  }
0xb6: {  	_ =	sfence  }
0xb7: {  	s30 =	sld [smem:$0x0];
	_ =	sdelay $0x2  }
0xb8: {  	s31 =	sshll.u32 s1, $0xD;
	s1 =	sshrl.u32 s1, $0x2  }
0xb9: {  	s3 =	sand.u32 $0x4000, s31;
	s1 =	sadd.s32 s1, s30  }
0xba: {  	s0 =	sor.u32 s3, s0;
	s1 =	sshll.u32 s1, $0x11  }
0xbb: {  	s0 =	sor.u32 s1, s0  }
0xbc: {  	s0 =	sadd.s32 $0x8F2B, s0  }
0xbd: {  	[sflag:s0] =	ssyncadd.remote.s32 $0x1  }
0xbe: {  	_ =	sfence.sel $0xFFFF  }
0xbf: {  	[dreg:$0x0] =	wrdreg $0xFFFFFFFF;
	(pc) =	sbr.abs _section_cstart, $3  }
0xc0: {  	[dreg:$0x1] =	wrdreg $0xFFFFFFFF  }
0xc1: {  	_ =	task.clear_ibuf [dreg:s7], $0x2FFFF;
	_ =	strace $0x9FFFFFFF  }
0xc2: {  	(tm) =	ssettm $0x7FFFFFFF  }
0xc3: {  	_ =	shalt  }
tec
execute0_lowered:
.L_overlay_start_1:
0x0: {  	(tag) =	ssettag $0x1  }
0x1: {  	s0 =	srdreg.scid;
	s1 =	stileid.u32  }
0x2: {  	s3 =	rddreg [dreg:$0x0];
	s0 =	sand.u32 $0x1, s0;
	s1 =	sshll.u32 s1, $0x1  }
0x3: {  	s4 =	rddreg [dreg:$0x1];
	s1 =	sor.u32 s0, s1  }
0x4: {  	s2 =	simm.s32 $0x0;
	s28 =	simm.s32 $0x1880;
	s5 =	smul.u32 $0xC40, s1  }
0x5: {  	s29 =	simm.s32 $0x24C0;
	s30 =	simm.s32 $0x3100;
	s31 =	simm.s32 $0x3D40  }
0x6: {  	[smem:$0x7FF] =	sst s2;
	s26 =	sadd.s32 $0x3B78, s3;
	s5 =	sshrl.u32 s5, $0x3  }
0x7: {  	s15 =	sadd.s32 $0x6C78, s3;
	s16 =	sadd.s32 $0x9D78, s3;
	s7 =	sadd.s32 s5, s3  }
0x8: {  	_ =	strace $0x8000004A;
	[dreg:$0xd] =	wrdreg s26;
	s17 =	sadd.s32 $0xC00, s7  }
0x9: {  	s0 =	ssub.s32 $0x2, s0;
	s18 =	sadd.s32 $0x3D00, s7;
	[dreg:$0x3] =	wrdreg s17  }
0xa: {  	s26 =	simm.s32 $0xC40;
	s19 =	sadd.s32 $0x6E00, s7;
	[dreg:$0x4] =	wrdreg s18  }
0xb: {  	s6 =	sshrl.u32 s0, $0x1;
	s20 =	sadd.s32 $0x9F00, s7;
	[dreg:$0x5] =	wrdreg s19  }
0xc: {  	p0 =	seq.s32 s1, $0x1F;
	s21 =	sadd.s32 $0xD000, s7;
	[dreg:$0x6] =	wrdreg s20  }
0xd: {  	s1 =	simm.s32 $0x4980;
	s22 =	sadd.s32 $0x10100, s7;
	[dreg:$0x7] =	wrdreg s21  }
0xe: {  	s0 =	ssub.s32 s0, s6;
	s23 =	sadd.s32 $0x13200, s7;
	[dreg:$0x8] =	wrdreg s22  }
0xf: {  	s11 =	sadd.s32 s4, s5;
	s24 =	sadd.s32 $0x16300, s7;
	[dreg:$0x9] =	wrdreg s23  }
0x10: {  	s6 =	simm.s32 $0x7A80;
	s5 =	sadd.s32 $0x30D4, s11;
	[dreg:$0xa] =	wrdreg s24  }
0x11: {  	s25 =	sadd.s32 $0x61A8, s11;
	s7 =	simm.s32 $0x0;
	[dreg:$0xb] =	wrdreg s5  }
.Ltmp0:
0x12: {  	[dreg:$0xc] =	wrdreg s25;
	s17 =	sadd.s32 $0xCE78, s3;
	(pc) =	sbr.rel .LBB2_1-.Ltmp0, $4  }
0x13: {  	s18 =	sadd.s32 $0xFF78, s3;
	s19 =	sadd.s32 $0x13078, s3;
	s20 =	sadd.s32 $0x16178, s3  }
0x14: {  	s21 =	sadd.s32 $0x19278, s3;
	s22 =	sadd.s32 $0x2F78, s4;
	s23 =	sadd.s32 $0x604C, s4  }
0x15: {  	s24 =	sadd.s32 $0x9120, s4;
	s25 =	smax.u32 s0, $0x1;
	s0 =	simm.s32 $0x1  }
0x16: {  	s3 =	simm.s32 $0x6200;
	s4 =	simm.s32 $0x2;
	s5 =	simm.s32 $0x6E40  }
.LBB2_7:
0x17: {  	[tilespmem:s9+$0xC40] =	vst v1  }
0x18: {  	[tilespmem:s9+$0x0] =	vst v2  }
0x19: {  	[tilespmem:s13+$0x7A80] =	vst v0  }
0x1a: {  	[hbm4b:s22+s2] =	stream.linear.scatter [tilespmem:s3], [sflag:$0x2], $0xAE0, $0x38;
	[tilespmem:$0x8700] =	vst v63  }
0x1b: {  	_ =	swait.ge [sflag:s4], $0xAE0  }
0x1c: {  	[sflag:s4] =	ssyncset.done $0x0  }
0x1d: {  	[sflag:s4] =	ssyncadd.s32 $0xFFFFF520  }
0x1e: {  	[hbm4b:s23+s2] =	stream.linear.scatter [tilespmem:s5], [sflag:$0x2], $0xAE0, $0x38;
	[tilespmem:$0x8700] =	vst v63  }
0x1f: {  	_ =	swait.ge [sflag:s4], $0xAE0  }
0x20: {  	[sflag:s4] =	ssyncset.done $0x0  }
0x21: {  	[sflag:s4] =	ssyncadd.s32 $0xFFFFF520  }
0x22: {  	[hbm4b:s24+s2] =	stream.linear.scatter [tilespmem:s6], [sflag:$0x2], $0xAE0, $0x38;
	[tilespmem:$0x8700] =	vst v63  }
0x23: {  	_ =	swait.ge [sflag:s4], $0xAE0  }
0x24: {  	[sflag:s4] =	ssyncset.done $0x0  }
0x25: {  	[sflag:s4] =	ssyncadd.s32 $0xFFFFF520  }
.LBB2_8:
0x26: {  	s7 =	sadd.s32 $0x1, s7  }
0x27: {  	p1 =	sne.s32 s7, s25  }
.Ltmp1:
0x28: {  	_ = 	snop;
	(pc) =	sbr.rel @!p1 .LBB2_9-.Ltmp1, $1  }
0x29: {  	_ =	sdelay $0x3  }
.LBB2_1:
.Ltmp2:
0x2a: {  	(pc) =	sbr.rel @!p0 .LBB2_2-.Ltmp2, $2  }
0x2b: {  	_ =	sdelay $0x2  }
0x2c: {  	s9 =	simm.s32 $0x0  }
0x2d: {  	s8 =	rddreg [dreg:$0xd]  }
0x2e: {  	[tilespmem:s9], [sflag:$0x1] =	stream.linear.gather [hbm4b:s8+s9], $0xAE0, $0x38;
	[tilespmem:$0x8700] =	vst v63  }
0x2f: {  	_ = 	snop  }
0x30: {  	[tilespmem:s26], [sflag:$0x1] =	stream.linear.gather [hbm4b:s15+s9], $0xAE0, $0x38;
	[tilespmem:$0x8700] =	vst v63  }
0x31: {  	_ = 	snop  }
0x32: {  	[tilespmem:s28], [sflag:$0x1] =	stream.linear.gather [hbm4b:s16+s9], $0xAE0, $0x38;
	[tilespmem:$0x8700] =	vst v63  }
0x33: {  	_ = 	snop  }
0x34: {  	[tilespmem:s29], [sflag:$0x1] =	stream.linear.gather [hbm4b:s17+s9], $0xAE0, $0x38;
	[tilespmem:$0x8700] =	vst v63  }
0x35: {  	_ = 	snop  }
0x36: {  	[tilespmem:s30], [sflag:$0x1] =	stream.linear.gather [hbm4b:s18+s9], $0xAE0, $0x38;
	[tilespmem:$0x8700] =	vst v63  }
0x37: {  	_ = 	snop  }
0x38: {  	[tilespmem:s31], [sflag:$0x1] =	stream.linear.gather [hbm4b:s19+s9], $0xAE0, $0x38;
	[tilespmem:$0x8700] =	vst v63  }
0x39: {  	_ = 	snop  }
0x3a: {  	[tilespmem:s1], [sflag:$0x1] =	stream.linear.gather [hbm4b:s20+s9], $0xAE0, $0x38;
	[tilespmem:$0x8700] =	vst v63  }
0x3b: {  	s8 =	simm.s32 $0x55C0  }
0x3c: {  	[tilespmem:s8], [sflag:$0x1] =	stream.linear.gather [hbm4b:s21+s9], $0xAE0, $0x38;
	[tilespmem:$0x8700] =	vst v63  }
0x3d: {  	_ =	swait.ge [sflag:s0], $0xAE0  }
0x3e: {  	[sflag:s0] =	ssyncset.done $0x0  }
0x3f: {  	[sflag:s0] =	ssyncadd.s32 $0xFFFFF520  }
0x40: {  	_ =	swait.ge [sflag:s0], $0xAE0  }
0x41: {  	[sflag:s0] =	ssyncset.done $0x0  }
0x42: {  	[sflag:s0] =	ssyncadd.s32 $0xFFFFF520  }
0x43: {  	_ =	swait.ge [sflag:s0], $0xAE0  }
0x44: {  	[sflag:s0] =	ssyncset.done $0x0  }
0x45: {  	[sflag:s0] =	ssyncadd.s32 $0xFFFFF520  }
0x46: {  	_ =	swait.ge [sflag:s0], $0xAE0  }
0x47: {  	[sflag:s0] =	ssyncset.done $0x0  }
0x48: {  	[sflag:s0] =	ssyncadd.s32 $0xFFFFF520  }
0x49: {  	_ =	swait.ge [sflag:s0], $0xAE0  }
0x4a: {  	[sflag:s0] =	ssyncset.done $0x0  }
0x4b: {  	[sflag:s0] =	ssyncadd.s32 $0xFFFFF520  }
0x4c: {  	_ =	swait.ge [sflag:s0], $0xAE0  }
0x4d: {  	[sflag:s0] =	ssyncset.done $0x0  }
0x4e: {  	[sflag:s0] =	ssyncadd.s32 $0xFFFFF520  }
0x4f: {  	_ =	swait.ge [sflag:s0], $0xAE0  }
0x50: {  	[sflag:s0] =	ssyncset.done $0x0  }
0x51: {  	[sflag:s0] =	ssyncadd.s32 $0xFFFFF520  }
0x52: {  	_ =	swait.ge [sflag:s0], $0xAE0  }
0x53: {  	[sflag:s0] =	ssyncset.done $0x0  }
0x54: {  	[sflag:s0] =	ssyncadd.s32 $0xFFFFF520  }
0x55: {  	v0 =	vld [tilespmem:s8+$0xFFFFCF00]  }
0x56: {  	v1 =	vld [tilespmem:s8+$0x0];
	_ =	sdelay $0x4  }
0x57: {  	v0 =	vadd.f32 v1, v0;
	_ =	sdelay $0x1  }
0x58: {  	s13 =	sand.u32 $0xFF0, s9;
	v2 =	vld [tilespmem:s8+$0xFFFFAA40];
	v0 =	vmax.f32 v0, $1.000000000e+00  }
0x59: {  	v3 =	vld [tilespmem:s13+$0x1880];
	(erf) = vrcp.f32 v0  }
0x5a: {  	v4 =	vld [tilespmem:s13+$0x4980]  }
0x5b: {  	v1 =	vld [tilespmem:s8+$0xFFFFB680]  }
0x5c: {  	v0 =	vld [tilespmem:s8+$0xFFFFE780]  }
0x5d: {  	v5 =	vld [tilespmem:s13+$0x3100];
	_ =	sdelay $0x3  }
0x5e: {  	v0 =	vadd.f32 v0, v1  }
0x5f: {  	v3 =	vadd.f32 v4, v3;
	v2 =	vadd.f32 v5, v2;
	v63 =	vpop (erf)  }
0x60: {  	v1 =	vmul.f32 v63, v0  }
0x61: {  	s10 =	simm.s32 $0x10;
	s12 =	simm.s32 $0x6200;
	s9 =	simm.s32 $0x6200;
	v2 =	vmul.f32 v63, v2;
	v0 =	vmul.f32 v63, v3  }
.LBB2_6:
0x62: {  	p1 =	sne.s32 s10, $0xAD0;
	[tilespmem:s9+$0xC40] =	vst v1;
	s8 =	sadd.s32 $0x10, s8;
	s12 =	sadd.s32 $0x10, s12  }
0x63: {  	s14 =	smov.u32 s10;
	s10 =	sadd.s32 $0x10, s10;
	[tilespmem:s9+$0x0] =	vst v2;
	s9 =	smov.u32 s12  }
0x64: {  	[tilespmem:s13+$0x7A80] =	vst v0  }
0x65: {  	v0 =	vld [tilespmem:s8+$0xFFFFCF00]  }
0x66: {  	v1 =	vld [tilespmem:s8+$0x0];
	_ =	sdelay $0x4  }
0x67: {  	v0 =	vadd.f32 v1, v0;
	_ =	sdelay $0x1  }
0x68: {  	v1 =	vld [tilespmem:s8+$0xFFFFB680];
	v0 =	vmax.f32 v0, $1.000000000e+00  }
0x69: {  	v2 =	vld [tilespmem:s8+$0xFFFFAA40];
	(erf) = vrcp.f32 v0  }
0x6a: {  	s13 =	sand.u32 $0xFF0, s14;
	v0 =	vld [tilespmem:s8+$0xFFFFE780]  }
0x6b: {  	v3 =	vld [tilespmem:s13+$0x1880]  }
0x6c: {  	v4 =	vld [tilespmem:s13+$0x4980]  }
0x6d: {  	v5 =	vld [tilespmem:s13+$0x3100];
	_ =	sdelay $0x2  }
.Ltmp3:
0x6e: {  	(pc) =	sbr.rel @p1 .LBB2_6-.Ltmp3, $4  }
0x6f: {  	v0 =	vadd.f32 v0, v1;
	v3 =	vadd.f32 v4, v3  }
0x70: {  	v2 =	vadd.f32 v5, v2;
	v4 =	vpop (erf)  }
0x71: {  	v1 =	vmul.f32 v4, v0  }
0x72: {  	v0 =	vmul.f32 v4, v3;
	v2 =	vmul.f32 v4, v2  }
.Ltmp4:
0x73: {  	_ = 	snop;
	(pc) =	sbr.rel .LBB2_7-.Ltmp4, $1  }
0x74: {  	_ =	sdelay $0x3  }
.LBB2_2:
0x75: {  	s8 =	rddreg [dreg:$0x3]  }
0x76: {  	[tilespmem:s9], [sflag:$0x1] =	stream.linear.gather [hbm4b:s8+s9], $0xC40, $0x38;
	[tilespmem:$0x8700] =	vst v63  }
0x77: {  	s13 =	rddreg [dreg:$0x4]  }
0x78: {  	[tilespmem:s26], [sflag:$0x1] =	stream.linear.gather [hbm4b:s13+s9], $0xC40, $0x38;
	[tilespmem:$0x8700] =	vst v63  }
0x79: {  	s14 =	rddreg [dreg:$0x5]  }
0x7a: {  	[tilespmem:s28], [sflag:$0x1] =	stream.linear.gather [hbm4b:s14+s9], $0xC40, $0x38;
	[tilespmem:$0x8700] =	vst v63  }
0x7b: {  	s10 =	rddreg [dreg:$0x6]  }
0x7c: {  	[tilespmem:s29], [sflag:$0x1] =	stream.linear.gather [hbm4b:s10+s9], $0xC40, $0x38;
	[tilespmem:$0x8700] =	vst v63  }
0x7d: {  	s12 =	rddreg [dreg:$0x7]  }
0x7e: {  	[tilespmem:s30], [sflag:$0x1] =	stream.linear.gather [hbm4b:s12+s9], $0xC40, $0x38;
	[tilespmem:$0x8700] =	vst v63  }
0x7f: {  	s13 =	rddreg [dreg:$0x8]  }
0x80: {  	[tilespmem:s31], [sflag:$0x1] =	stream.linear.gather [hbm4b:s13+s9], $0xC40, $0x38;
	[tilespmem:$0x8700] =	vst v63  }
0x81: {  	s14 =	rddreg [dreg:$0x9]  }
0x82: {  	[tilespmem:s1], [sflag:$0x1] =	stream.linear.gather [hbm4b:s14+s9], $0xC40, $0x38;
	[tilespmem:$0x8700] =	vst v63  }
0x83: {  	s8 =	simm.s32 $0x55C0;
	s10 =	rddreg [dreg:$0xa]  }
0x84: {  	[tilespmem:s8], [sflag:$0x1] =	stream.linear.gather [hbm4b:s10+s9], $0xC40, $0x38;
	[tilespmem:$0x8700] =	vst v63  }
0x85: {  	_ =	swait.ge [sflag:s0], $0xC40  }
0x86: {  	[sflag:s0] =	ssyncset.done $0x0  }
0x87: {  	[sflag:s0] =	ssyncadd.s32 $0xFFFFF3C0  }
0x88: {  	_ =	swait.ge [sflag:s0], $0xC40  }
0x89: {  	[sflag:s0] =	ssyncset.done $0x0  }
0x8a: {  	[sflag:s0] =	ssyncadd.s32 $0xFFFFF3C0  }
0x8b: {  	_ =	swait.ge [sflag:s0], $0xC40  }
0x8c: {  	[sflag:s0] =	ssyncset.done $0x0  }
0x8d: {  	[sflag:s0] =	ssyncadd.s32 $0xFFFFF3C0  }
0x8e: {  	_ =	swait.ge [sflag:s0], $0xC40  }
0x8f: {  	[sflag:s0] =	ssyncset.done $0x0  }
0x90: {  	[sflag:s0] =	ssyncadd.s32 $0xFFFFF3C0  }
0x91: {  	_ =	swait.ge [sflag:s0], $0xC40  }
0x92: {  	[sflag:s0] =	ssyncset.done $0x0  }
0x93: {  	[sflag:s0] =	ssyncadd.s32 $0xFFFFF3C0  }
0x94: {  	_ =	swait.ge [sflag:s0], $0xC40  }
0x95: {  	[sflag:s0] =	ssyncset.done $0x0  }
0x96: {  	[sflag:s0] =	ssyncadd.s32 $0xFFFFF3C0  }
0x97: {  	_ =	swait.ge [sflag:s0], $0xC40  }
0x98: {  	[sflag:s0] =	ssyncset.done $0x0  }
0x99: {  	[sflag:s0] =	ssyncadd.s32 $0xFFFFF3C0  }
0x9a: {  	_ =	swait.ge [sflag:s0], $0xC40  }
0x9b: {  	[sflag:s0] =	ssyncset.done $0x0  }
0x9c: {  	[sflag:s0] =	ssyncadd.s32 $0xFFFFF3C0  }
0x9d: {  	v0 =	vld [tilespmem:s8+$0xFFFFCF00]  }
0x9e: {  	v1 =	vld [tilespmem:s8+$0x0];
	_ =	sdelay $0x4  }
0x9f: {  	v0 =	vadd.f32 v1, v0;
	_ =	sdelay $0x1  }
0xa0: {  	s13 =	sand.u32 $0xFF0, s9;
	v2 =	vld [tilespmem:s8+$0xFFFFAA40];
	v0 =	vmax.f32 v0, $1.000000000e+00  }
0xa1: {  	v3 =	vld [tilespmem:s13+$0x1880];
	(erf) = vrcp.f32 v0  }
0xa2: {  	v4 =	vld [tilespmem:s13+$0x4980]  }
0xa3: {  	v1 =	vld [tilespmem:s8+$0xFFFFB680]  }
0xa4: {  	v0 =	vld [tilespmem:s8+$0xFFFFE780]  }
0xa5: {  	v5 =	vld [tilespmem:s13+$0x3100];
	_ =	sdelay $0x3  }
0xa6: {  	v0 =	vadd.f32 v0, v1  }
0xa7: {  	v3 =	vadd.f32 v4, v3;
	v2 =	vadd.f32 v5, v2;
	v63 =	vpop (erf)  }
0xa8: {  	v1 =	vmul.f32 v63, v0  }
0xa9: {  	s12 =	simm.s32 $0x6200;
	s9 =	simm.s32 $0x6200;
	s10 =	simm.s32 $0x10;
	v2 =	vmul.f32 v63, v2;
	v0 =	vmul.f32 v63, v3  }
.LBB2_3:
0xaa: {  	p1 =	sne.s32 s10, $0xC30;
	[tilespmem:s9+$0xC40] =	vst v1;
	s8 =	sadd.s32 $0x10, s8;
	s12 =	sadd.s32 $0x10, s12  }
0xab: {  	s14 =	smov.u32 s10;
	s10 =	sadd.s32 $0x10, s10;
	[tilespmem:s9+$0x0] =	vst v2;
	s9 =	smov.u32 s12  }
0xac: {  	[tilespmem:s13+$0x7A80] =	vst v0  }
0xad: {  	v0 =	vld [tilespmem:s8+$0xFFFFCF00]  }
0xae: {  	v1 =	vld [tilespmem:s8+$0x0];
	_ =	sdelay $0x4  }
0xaf: {  	v0 =	vadd.f32 v1, v0;
	_ =	sdelay $0x1  }
0xb0: {  	v1 =	vld [tilespmem:s8+$0xFFFFB680];
	v0 =	vmax.f32 v0, $1.000000000e+00  }
0xb1: {  	v2 =	vld [tilespmem:s8+$0xFFFFAA40];
	(erf) = vrcp.f32 v0  }
0xb2: {  	s13 =	sand.u32 $0xFF0, s14;
	v0 =	vld [tilespmem:s8+$0xFFFFE780]  }
0xb3: {  	v3 =	vld [tilespmem:s13+$0x1880]  }
0xb4: {  	v4 =	vld [tilespmem:s13+$0x4980]  }
0xb5: {  	v5 =	vld [tilespmem:s13+$0x3100];
	_ =	sdelay $0x2  }
.Ltmp5:
0xb6: {  	(pc) =	sbr.rel @p1 .LBB2_3-.Ltmp5, $4  }
0xb7: {  	v0 =	vadd.f32 v0, v1;
	v3 =	vadd.f32 v4, v3  }
0xb8: {  	v2 =	vadd.f32 v5, v2;
	v4 =	vpop (erf)  }
0xb9: {  	v1 =	vmul.f32 v4, v0  }
0xba: {  	v0 =	vmul.f32 v4, v3;
	v2 =	vmul.f32 v4, v2  }
0xbb: {  	[tilespmem:s9+$0xC40] =	vst v1  }
0xbc: {  	[tilespmem:s9+$0x0] =	vst v2  }
0xbd: {  	[tilespmem:s13+$0x7A80] =	vst v0  }
0xbe: {  	[hbm4b:s11+s2] =	stream.linear.scatter [tilespmem:s3], [sflag:$0x2], $0xC40, $0x38;
	[tilespmem:$0x8700] =	vst v63  }
0xbf: {  	_ =	swait.ge [sflag:s4], $0xC40  }
0xc0: {  	[sflag:s4] =	ssyncset.done $0x0  }
0xc1: {  	s8 =	rddreg [dreg:$0xb];
	[sflag:s4] =	ssyncadd.s32 $0xFFFFF3C0  }
0xc2: {  	[hbm4b:s8+s2] =	stream.linear.scatter [tilespmem:s5], [sflag:$0x2], $0xC40, $0x38;
	[tilespmem:$0x8700] =	vst v63  }
0xc3: {  	_ =	swait.ge [sflag:s4], $0xC40  }
0xc4: {  	[sflag:s4] =	ssyncset.done $0x0  }
.Ltmp6:
0xc5: {  	s14 =	rddreg [dreg:$0xc];
	[sflag:s4] =	ssyncadd.s32 $0xFFFFF3C0;
	(pc) =	sbr.rel .LBB2_8-.Ltmp6, $4  }
0xc6: {  	[hbm4b:s14+s2] =	stream.linear.scatter [tilespmem:s6], [sflag:$0x2], $0xC40, $0x38;
	[tilespmem:$0x8700] =	vst v63  }
0xc7: {  	_ =	swait.ge [sflag:s4], $0xC40  }
0xc8: {  	[sflag:s4] =	ssyncset.done $0x0  }
0xc9: {  	[sflag:s4] =	ssyncadd.s32 $0xFFFFF3C0  }
.LBB2_9:
0xca: {  	_ =	sfence.sel $0x180000  }
0xcb: {  	[bflag:$0x0] =	sbarrier.arrive $0xFFFF  }
0xcc: {  	_ =	strace $0x9000004A  }
0xcd: {  	s0 =	stileid.u32;
	[bflag:$0x2] =	sbarrier.arrive $0xFFFF  }
0xce: {  	p0 =	sne.s32 s0, $0x0;
	s0 =	rddreg [dreg:$0x2]  }
0xcf: {  	s0 =	sadd.s32 @!p0 $0x100000, s0  }
0xd0: {  	[sflag:s0] =	ssyncadd.tile.s32 @!p0 $0x1;
	_ =	shalt  }
.Lfunc_end2:
_tile_overlayer_lowered:
.L_overlay_start_2:
0xd1: {  	(tag) =	ssettag $0x2  }
0xd2: {  	s0 =	rddreg [dreg:$0x0];
	s2 =	stileid.u32  }
0xd3: {  	s1 =	rddreg [dreg:$0x1];
	p0 =	sne.s32 s2, $0x0  }
0xd4: {  	s3 =	rddreg [dreg:$0x2];
	[bflag:$0x3] =	sbarrier.arrive $0xFFFF;
	s2 =	simm.s32 @!p0 $0x1C02  }
0xd5: {  	[timem:s3], [sflag:s2] =	dma.local @!p0 [hbm:s0], s1  }
0xd6: {  	s0 =	simm.s32 @!p0 $0x2  }
0xd7: {  	_ =	swait.ge @!p0 [sflag:s0], s1  }
0xd8: {  	s1 =	ssub.s32 @!p0 $0x0, s1;
	[sflag:s0] =	ssyncset.done @!p0 $0x0  }
0xd9: {  	[sflag:s0] =	ssyncadd.s32 @!p0 s1  }
0xda: {  	[bflag:$0x3] =	sbarrier.arrive $0xFFFF  }
0xdb: {  	_ =	shalt  }

</sc_bundles>
